<compile_context>
chip_gen: v7x
topology: tpu7x:2x2x1
jax: 0.10.2.dev20260603
libtpu: 0.0.44.dev20260713+nightly
codegen_flags: <defaults>
</compile_context>

<pallas_src>
import jax
import jax.numpy as jnp
from jax import lax
from jax.experimental import pallas as pl
from jax.experimental.pallas import tpu as pltpu
from jax.experimental.pallas import tpu_sc as plsc

N = 320000
C = 128
CQ = 32
NSEG = 10000
S_PAD = 10112
EPS_BN = 1e-3
NC = 2
NS = 16
K1B = 2000
K2K = 80
K4K = 96
K3B = 1264


def _k1_body(x_ref, xyz_ref, w1t_ref, b1_ref, wpt_ref, bp_ref,
             y_ref, pw_ref, stats_ref, acc_ref):
    i = pl.program_id(0)
    y = jnp.dot(x_ref[...], w1t_ref[...],
                preferred_element_type=jnp.float32) + b1_ref[...]
    p = jnp.floor(xyz_ref[...])
    wpt = wpt_ref[...]
    pw = (p[:, 0:1] * wpt[0:1, :] + p[:, 1:2] * wpt[1:2, :]
          + p[:, 2:3] * wpt[2:3, :] + bp_ref[...])
    for q in range(4):
        y_ref[q] = y[:, q * CQ:(q + 1) * CQ]
        pw_ref[q] = pw[:, q * CQ:(q + 1) * CQ]

    @pl.when(i == 0)
    def _():
        acc_ref[...] = jnp.zeros_like(acc_ref)

    acc_ref[0:1, :] = acc_ref[0:1, :] + jnp.sum(y, axis=0, keepdims=True)
    acc_ref[1:2, :] = acc_ref[1:2, :] + jnp.sum(y * y, axis=0, keepdims=True)

    @pl.when(i == pl.num_programs(0) - 1)
    def _():
        stats_ref[...] = acc_ref[...]


def _k1(feat_all, xyz, w1t, b1r, wpt, bpr):
    nb = N // K1B
    return pl.pallas_call(
        _k1_body,
        grid=(nb,),
        in_specs=[
            pl.BlockSpec((K1B, C), lambda i: (i, 0)),
            pl.BlockSpec((K1B, 3), lambda i: (i, 0)),
            pl.BlockSpec((C, C), lambda i: (0, 0)),
            pl.BlockSpec((1, C), lambda i: (0, 0)),
            pl.BlockSpec((3, C), lambda i: (0, 0)),
            pl.BlockSpec((1, C), lambda i: (0, 0)),
        ],
        out_specs=[
            pl.BlockSpec((4, K1B, CQ), lambda i: (0, i, 0)),
            pl.BlockSpec((4, K1B, CQ), lambda i: (0, i, 0)),
            pl.BlockSpec((2, C), lambda i: (0, 0)),
        ],
        out_shape=[
            jax.ShapeDtypeStruct((4, N, CQ), jnp.float32),
            jax.ShapeDtypeStruct((4, N, CQ), jnp.float32),
            jax.ShapeDtypeStruct((2, C), jnp.float32),
        ],
        scratch_shapes=[pltpu.VMEM((2, C), jnp.float32)],
    )(feat_all, xyz, w1t, b1r, wpt, bpr)


def _k2_body(pw_hbm, y_hbm, ids_hbm, z_hbm, out_hbm,
             idv, pwv, yv, comb, tab, sem):
    c = lax.axis_index("c")
    s = lax.axis_index("s")
    nr = S_PAD // NS
    rows0 = s * nr
    base0 = s * (N // NS)

    for qi in range(2):
        q = c * 2 + qi
        pltpu.sync_copy(z_hbm, tab.at[pl.ds(rows0, nr)])
        plsc.subcore_barrier()

        def chunk(j, carry):
            base = base0 + j * K2K
            d = [
                pltpu.async_copy(ids_hbm.at[pl.ds(base, K2K)],
                                 idv.at[0, pl.ds(0, K2K)], sem),
                pltpu.async_copy(pw_hbm.at[q, pl.ds(base, K2K), :],
                                 pwv.at[0, pl.ds(0, K2K), :], sem),
                pltpu.async_copy(y_hbm.at[q, pl.ds(base, K2K), :],
                                 yv.at[0, pl.ds(0, K2K), :], sem),
            ]
            for dd in d:
                dd.wait()

            def row(i, carry2):
                for g in range(CQ // 16):
                    sl = pl.ds(g * 16, 16)
                    pwr = pwv[0, i, sl]
                    yr = yv[0, i, sl]
                    comb[i, pl.ds(g * 16, 16)] = pwr
                    comb[i, pl.ds(CQ + g * 16, 16)] = pwr * yr
                    comb[i, pl.ds(2 * CQ + g * 16, 16)] = pwr * pwr
                return carry2

            lax.fori_loop(0, K2K, row, 0)
            pltpu.sync_copy(comb.at[pl.ds(0, K2K)],
                            tab.at[idv.at[0, pl.ds(0, K2K)]], add=True)
            return carry

        lax.fori_loop(0, (N // NS) // K2K, chunk, 0)
        plsc.subcore_barrier()
        pltpu.sync_copy(tab.at[pl.ds(rows0, nr)],
                        out_hbm.at[q, pl.ds(rows0, nr), :])
        plsc.subcore_barrier()


def _k2(pw_split, y_split, unq_inv, zeros):
    mesh = plsc.VectorSubcoreMesh(core_axis_name="c", subcore_axis_name="s",
                                  num_cores=NC, num_subcores=NS)
    return pl.kernel(
        _k2_body,
        out_type=jax.ShapeDtypeStruct((4, S_PAD, 3 * CQ), jnp.float32),
        mesh=mesh,
        scratch_types=[
            pltpu.VMEM((1, K2K), jnp.int32),
            pltpu.VMEM((1, K2K, CQ), jnp.float32),
            pltpu.VMEM((1, K2K, CQ), jnp.float32),
            pltpu.VMEM((K2K, 3 * CQ), jnp.float32),
            pltpu.VMEM_SHARED((S_PAD, 3 * CQ), jnp.float32),
            pltpu.SemaphoreType.DMA,
        ],
    )(pw_split, y_split, unq_inv, zeros)


def _k3_body(tabs_ref, stats_ref, gs_ref, r_ref, consts_ref, acc_ref):
    j = pl.program_id(0)
    mu1 = stats_ref[0:1, :] * (1.0 / N)
    var1 = stats_ref[1:2, :] * (1.0 / N) - mu1 * mu1
    a1 = gs_ref[0:1, :] * lax.rsqrt(var1 + EPS_BN)
    c1 = gs_ref[1:2, :] - a1 * mu1
    spw = jnp.concatenate([tabs_ref[q][:, 0:CQ] for q in range(4)], axis=1)
    spwy = jnp.concatenate([tabs_ref[q][:, CQ:2 * CQ] for q in range(4)],
                           axis=1)
    spw2 = jnp.concatenate([tabs_ref[q][:, 2 * CQ:3 * CQ] for q in range(4)],
                           axis=1)
    feat_add = a1 * spwy + c1 * spw
    r = -feat_add / (spw + 1e-4)
    r_ref[...] = r

    @pl.when(j == 0)
    def _():
        acc_ref[...] = jnp.zeros_like(acc_ref)

    acc_ref[0:1, :] = acc_ref[0:1, :] + jnp.sum(r * spw, axis=0, keepdims=True)
    acc_ref[1:2, :] = acc_ref[1:2, :] + jnp.sum(r * r * spw2, axis=0,
                                                keepdims=True)

    @pl.when(j == pl.num_programs(0) - 1)
    def _():
        mu2 = acc_ref[0:1, :] * (1.0 / N)
        var2 = acc_ref[1:2, :] * (1.0 / N) - mu2 * mu2
        a2 = gs_ref[2:3, :] * lax.rsqrt(var2 + EPS_BN)
        c2 = gs_ref[3:4, :] - a2 * mu2
        consts_ref[...] = jnp.concatenate([a1, c1, a2, c2], axis=0)


def _k3(tabs, stats, gs):
    nb = S_PAD // K3B
    return pl.pallas_call(
        _k3_body,
        grid=(nb,),
        in_specs=[
            pl.BlockSpec((4, K3B, 3 * CQ), lambda j: (0, j, 0)),
            pl.BlockSpec((2, C), lambda j: (0, 0)),
            pl.BlockSpec((4, C), lambda j: (0, 0)),
        ],
        out_specs=[
            pl.BlockSpec((K3B, C), lambda j: (j, 0)),
            pl.BlockSpec((4, C), lambda j: (0, 0)),
        ],
        out_shape=[
            jax.ShapeDtypeStruct((S_PAD, C), jnp.float32),
            jax.ShapeDtypeStruct((4, C), jnp.float32),
        ],
        scratch_shapes=[pltpu.VMEM((2, C), jnp.float32)],
    )(tabs, stats, gs)


def _k4_body(pw_hbm, y_hbm, ids_hbm, r_hbm, consts_hbm, out_hbm,
             idv, rgv, pv, yv, ov, cv, sem, semg, semi):
    c = lax.axis_index("c")
    s = lax.axis_index("s")
    w = s * NC + c
    rows_w = N // (NC * NS)
    base0 = w * rows_w
    nch = rows_w // K4K
    pltpu.sync_copy(consts_hbm, cv)
    a1 = [cv[0, pl.ds(g * 16, 16)] for g in range(C // 16)]
    c1 = [cv[1, pl.ds(g * 16, 16)] for g in range(C // 16)]
    a2 = [cv[2, pl.ds(g * 16, 16)] for g in range(C // 16)]
    c2 = [cv[3, pl.ds(g * 16, 16)] for g in range(C // 16)]

    pltpu.async_copy(ids_hbm.at[pl.ds(base0, K4K)], idv.at[0], semi)

    def chunk(j, b):
        base = base0 + j * K4K
        nxt = base0 + jnp.minimum(j + 1, nch - 1) * K4K
        pltpu.make_async_copy(ids_hbm.at[pl.ds(base, K4K)], idv.at[b],
                              semi).wait()
        pltpu.async_copy(ids_hbm.at[pl.ds(nxt, K4K)], idv.at[1 - b], semi)
        d = [pltpu.async_copy(r_hbm.at[idv.at[b]], rgv, semg)]
        for q in range(4):
            d.append(pltpu.async_copy(pw_hbm.at[q, pl.ds(base, K4K), :],
                                      pv.at[q], sem))
            d.append(pltpu.async_copy(y_hbm.at[q, pl.ds(base, K4K), :],
                                      yv.at[q], sem))
        for dd in d:
            dd.wait()

        @plsc.parallel_loop(0, K4K, unroll=2)
        def row(i):
            for g in range(C // 16):
                q, gq = divmod(g, 2)
                slq = pl.ds(gq * 16, 16)
                sl = pl.ds(g * 16, 16)
                t = a2[g] * (pv[q, i, slq] * rgv[i, sl]) + c2[g]
                t = jnp.maximum(t, 0.0)
                ov[i, sl] = t + a1[g] * yv[q, i, slq] + c1[g]

        pltpu.sync_copy(ov, out_hbm.at[pl.ds(base, K4K), :])

    def pair(pj, carry):
        chunk(2 * pj, 0)
        chunk(2 * pj + 1, 1)
        return carry

    lax.fori_loop(0, nch // 2, pair, 0)
    pltpu.make_async_copy(ids_hbm.at[pl.ds(base0 + (nch - 1) * K4K, K4K)],
                          idv.at[0], semi).wait()
    tb = base0 + nch * K4K
    tn = rows_w - nch * K4K
    pltpu.sync_copy(ids_hbm.at[pl.ds(tb, tn)], idv.at[0, pl.ds(0, tn)])
    d = [pltpu.async_copy(r_hbm.at[idv.at[0, pl.ds(0, tn)]],
                          rgv.at[pl.ds(0, tn), :], semg)]
    for q in range(4):
        d.append(pltpu.async_copy(pw_hbm.at[q, pl.ds(tb, tn), :],
                                  pv.at[q, pl.ds(0, tn), :], sem))
        d.append(pltpu.async_copy(y_hbm.at[q, pl.ds(tb, tn), :],
                                  yv.at[q, pl.ds(0, tn), :], sem))
    for dd in d:
        dd.wait()

    @plsc.parallel_loop(0, tn, unroll=2)
    def trow(i):
        for g in range(C // 16):
            q, gq = divmod(g, 2)
            slq = pl.ds(gq * 16, 16)
            sl = pl.ds(g * 16, 16)
            t = a2[g] * (pv[q, i, slq] * rgv[i, sl]) + c2[g]
            t = jnp.maximum(t, 0.0)
            ov[i, sl] = t + a1[g] * yv[q, i, slq] + c1[g]

    pltpu.sync_copy(ov.at[pl.ds(0, tn), :], out_hbm.at[pl.ds(tb, tn), :])


def _k4(pw_split, y_split, unq_inv, r, consts):
    mesh = plsc.VectorSubcoreMesh(core_axis_name="c", subcore_axis_name="s",
                                  num_cores=NC, num_subcores=NS)
    return pl.kernel(
        _k4_body,
        out_type=jax.ShapeDtypeStruct((N, C), jnp.float32),
        mesh=mesh,
        scratch_types=[
            pltpu.VMEM((2, K4K), jnp.int32),
            pltpu.VMEM((K4K, C), jnp.float32),
            pltpu.VMEM((4, K4K, CQ), jnp.float32),
            pltpu.VMEM((4, K4K, CQ), jnp.float32),
            pltpu.VMEM((K4K, C), jnp.float32),
            pltpu.VMEM((4, C), jnp.float32),
            pltpu.SemaphoreType.DMA,
            pltpu.SemaphoreType.DMA,
            pltpu.SemaphoreType.DMA,
        ],
    )(pw_split, y_split, unq_inv, r, consts)


def kernel(points_xyz, feat_all, unq_inv, W1, b1, g1, be1, Wp, bp, g2, be2):
    w1t = W1.T
    wpt = Wp.T
    b1r = b1.reshape(1, C)
    bpr = bp.reshape(1, C)
    gs = jnp.stack([g1, be1, g2, be2], axis=0)
    y_split, pw_split, stats = _k1(feat_all, points_xyz, w1t, b1r, wpt, bpr)
    zeros = jnp.zeros((S_PAD // NS, 3 * CQ), jnp.float32)
    tabs = _k2(pw_split, y_split, unq_inv, zeros)
    r, consts = _k3(tabs, stats, gs)
    return _k4(pw_split, y_split, unq_inv, r, consts)

# --- scband reference (transcript-rebuilt; emitter-appended) ---
"""Pipeline reference for scband-link-conv-in-pillar2-44092134261327 (READ-ONLY COPY).

The authoritative reference and input builder live on the scoring server;
editing this copy changes nothing except your own understanding.
"""

import jax, jax.numpy as jnp
import numpy as np

NUM_SEGMENTS = 10000
EPS_BN = 1e-3

def _bn(x, gamma, beta):
    mu = jnp.mean(x, axis=0, keepdims=True)
    var = jnp.var(x, axis=0, keepdims=True)
    return gamma * (x - mu) / jnp.sqrt(var + EPS_BN) + beta

def setup_inputs(seed: int = 0):
    key = jax.random.key(seed)
    ks = jax.random.split(key, 8)
    N = 320000
    IN = 128
    OUT = 128
    points_xyz = jax.random.normal(ks[0], (N, 3), dtype=jnp.float32) * 3.0
    feat_all = jax.random.normal(ks[1], (N, IN), dtype=jnp.float32)
    unq_inv = jnp.sort(jax.random.randint(ks[2], (N,), 0, NUM_SEGMENTS, dtype=jnp.int32))
    W1 = jax.random.normal(ks[3], (OUT, IN), dtype=jnp.float32) * 0.05
    b1 = jnp.zeros((OUT,), dtype=jnp.float32)
    g1 = jnp.ones((OUT,), dtype=jnp.float32)
    be1 = jnp.zeros((OUT,), dtype=jnp.float32)
    Wp = jax.random.normal(ks[4], (OUT, 3), dtype=jnp.float32) * 0.1
    bp = jnp.zeros((OUT,), dtype=jnp.float32)
    g2 = jnp.ones((OUT,), dtype=jnp.float32)
    be2 = jnp.zeros((OUT,), dtype=jnp.float32)
    return {"points_xyz": points_xyz, "feat_all": feat_all, "unq_inv": unq_inv,
            "W1": W1, "b1": b1, "g1": g1, "be1": be1,
            "Wp": Wp, "bp": bp, "g2": g2, "be2": be2}

def reference(points_xyz, feat_all, unq_inv, W1, b1, g1, be1, Wp, bp, g2, be2):
    p = jnp.floor(points_xyz)
    # pre_mix: Linear + BatchNorm1d (training-mode batch stats)
    feat = _bn(feat_all @ W1.T + b1, g1, be1)
    # pos_weight2: Linear(3, out); group=1 so repeat is identity
    pw = p @ Wp.T + bp
    tmp_feat = pw * feat
    feat_add = jax.ops.segment_sum(tmp_feat, unq_inv, num_segments=NUM_SEGMENTS)
    tmp_weight = jax.ops.segment_sum(pw, unq_inv, num_segments=NUM_SEGMENTS)
    out = pw * -feat_add[unq_inv] / (tmp_weight[unq_inv] + 0.0001)
    out = jax.nn.relu(_bn(out, g2, be2))
    out = out + feat
    return out

if __name__ == "__main__":
    import jax
    _d = setup_inputs()
    print(jax.jit(kernel)(*tuple(_d.values())))

</pallas_src>

<mosaic_0001>
#map = affine_map<(d0, d1) -> (0, 0, 0)>
#map1 = affine_map<(d0, d1) -> (0)>
#map2 = affine_map<(d0, d1) -> (0, 0)>
module attributes {stable_mosaic.version = 14 : i64} {
  func.func @_k4_body(%arg0: i32, %arg1: i32, %arg2: memref<4x320000x32xf32, #tpu.memory_space<hbm>>, %arg3: memref<4x320000x32xf32, #tpu.memory_space<hbm>>, %arg4: memref<320000xi32, #tpu.memory_space<hbm>>, %arg5: memref<10112x128xf32, #tpu.memory_space<hbm>>, %arg6: memref<4x128xf32, #tpu.memory_space<hbm>>, %arg7: memref<320000x128xf32, #tpu.memory_space<hbm>>, %arg8: memref<2x96xi32, #tpu.memory_space<vmem>>, %arg9: memref<96x128xf32, #tpu.memory_space<vmem>>, %arg10: memref<4x96x32xf32, #tpu.memory_space<vmem>>, %arg11: memref<4x96x32xf32, #tpu.memory_space<vmem>>, %arg12: memref<96x128xf32, #tpu.memory_space<vmem>>, %arg13: memref<4x128xf32, #tpu.memory_space<vmem>>, %arg14: memref<!tpu.dma_semaphore, #tpu.memory_space<semaphore_mem>>, %arg15: memref<!tpu.dma_semaphore, #tpu.memory_space<semaphore_mem>>, %arg16: memref<!tpu.dma_semaphore, #tpu.memory_space<semaphore_mem>>) attributes {dimension_semantics = [#tpu.dimension_semantics<core_parallel>, #tpu.dimension_semantics<subcore_parallel>], iteration_bounds = array<i64: 2, 16>, scalar_prefetch = 0 : i64, scratch_operands = 9 : i64, tpu.core_type = #tpu.core_type<sc_vector_subcore>, window_params = [{transform_indices = #map}, {transform_indices = #map}, {transform_indices = #map1}, {transform_indices = #map2}, {transform_indices = #map2}, {transform_indices = #map2}]} {
    %mul3A = arith.constant 2 : i32
    %mul3A_0 = arith.muli %arg1, %mul3A : i32
    %add3A = arith.addi %mul3A_0, %arg0 : i32
    %mul3A_1 = arith.constant 10000 : i32
    %mul3A_2 = arith.muli %add3A, %mul3A_1 : i32
    "tpu.region"() ({
      %run_scoped3A_465 = tpu.sem_alloc : memref<!tpu.dma_semaphore, #tpu.memory_space<semaphore_mem>>
      tpu.enqueue_dma source(%arg6 : memref<4x128xf32, #tpu.memory_space<hbm>>) target(%arg13 : memref<4x128xf32, #tpu.memory_space<vmem>>) target_semaphore(%run_scoped3A_465 : memref<!tpu.dma_semaphore, #tpu.memory_space<semaphore_mem>>)
      tpu.wait_dma2 semaphore(%run_scoped3A_465 : memref<!tpu.dma_semaphore, #tpu.memory_space<semaphore_mem>>) src(%arg6 : memref<4x128xf32, #tpu.memory_space<hbm>>) dst(%arg13 : memref<4x128xf32, #tpu.memory_space<vmem>>)
      tpu.yield
    }) : () -> ()
    %get3A = arith.constant 0 : i32
    %get3A_3 = arith.index_cast %get3A : i32 to index
    %get3A_4 = arith.constant 0 : index
    %get3A_5 = tpu.vector_load %arg13[%get3A_3, %get3A_4] {strides = array<i32>} : memref<4x128xf32, #tpu.memory_space<vmem>>, vector<1x16xf32>,
    %get3A_6 = vector.shape_cast %get3A_5 : vector<1x16xf32> to vector<16xf32>
    %get3A_7 = arith.constant 0 : i32
    %get3A_8 = arith.index_cast %get3A_7 : i32 to index
    %get3A_9 = arith.constant 16 : index
    %get3A_10 = tpu.vector_load %arg13[%get3A_8, %get3A_9] {strides = array<i32>} : memref<4x128xf32, #tpu.memory_space<vmem>>, vector<1x16xf32>,
    %get3A_11 = vector.shape_cast %get3A_10 : vector<1x16xf32> to vector<16xf32>
    %get3A_12 = arith.constant 0 : i32
    %get3A_13 = arith.index_cast %get3A_12 : i32 to index
    %get3A_14 = arith.constant 32 : index
    %get3A_15 = tpu.vector_load %arg13[%get3A_13, %get3A_14] {strides = array<i32>} : memref<4x128xf32, #tpu.memory_space<vmem>>, vector<1x16xf32>,
    %get3A_16 = vector.shape_cast %get3A_15 : vector<1x16xf32> to vector<16xf32>
    %get3A_17 = arith.constant 0 : i32
    %get3A_18 = arith.index_cast %get3A_17 : i32 to index
    %get3A_19 = arith.constant 48 : index
    %get3A_20 = tpu.vector_load %arg13[%get3A_18, %get3A_19] {strides = array<i32>} : memref<4x128xf32, #tpu.memory_space<vmem>>, vector<1x16xf32>,
    %get3A_21 = vector.shape_cast %get3A_20 : vector<1x16xf32> to vector<16xf32>
    %get3A_22 = arith.constant 0 : i32
    %get3A_23 = arith.index_cast %get3A_22 : i32 to index
    %get3A_24 = arith.constant 64 : index
    %get3A_25 = tpu.vector_load %arg13[%get3A_23, %get3A_24] {strides = array<i32>} : memref<4x128xf32, #tpu.memory_space<vmem>>, vector<1x16xf32>,
    %get3A_26 = vector.shape_cast %get3A_25 : vector<1x16xf32> to vector<16xf32>
    %get3A_27 = arith.constant 0 : i32
    %get3A_28 = arith.index_cast %get3A_27 : i32 to index
    %get3A_29 = arith.constant 80 : index
    %get3A_30 = tpu.vector_load %arg13[%get3A_28, %get3A_29] {strides = array<i32>} : memref<4x128xf32, #tpu.memory_space<vmem>>, vector<1x16xf32>,
    %get3A_31 = vector.shape_cast %get3A_30 : vector<1x16xf32> to vector<16xf32>
    %get3A_32 = arith.constant 0 : i32
    %get3A_33 = arith.index_cast %get3A_32 : i32 to index
    %get3A_34 = arith.constant 96 : index
    %get3A_35 = tpu.vector_load %arg13[%get3A_33, %get3A_34] {strides = array<i32>} : memref<4x128xf32, #tpu.memory_space<vmem>>, vector<1x16xf32>,
    %get3A_36 = vector.shape_cast %get3A_35 : vector<1x16xf32> to vector<16xf32>
    %get3A_37 = arith.constant 0 : i32
    %get3A_38 = arith.index_cast %get3A_37 : i32 to index
    %get3A_39 = arith.constant 112 : index
    %get3A_40 = tpu.vector_load %arg13[%get3A_38, %get3A_39] {strides = array<i32>} : memref<4x128xf32, #tpu.memory_space<vmem>>, vector<1x16xf32>,
    %get3A_41 = vector.shape_cast %get3A_40 : vector<1x16xf32> to vector<16xf32>
    %get3A_42 = arith.constant 1 : i32
    %get3A_43 = arith.index_cast %get3A_42 : i32 to index
    %get3A_44 = arith.constant 0 : index
    %get3A_45 = tpu.vector_load %arg13[%get3A_43, %get3A_44] {strides = array<i32>} : memref<4x128xf32, #tpu.memory_space<vmem>>, vector<1x16xf32>,
    %get3A_46 = vector.shape_cast %get3A_45 : vector<1x16xf32> to vector<16xf32>
    %get3A_47 = arith.constant 1 : i32
    %get3A_48 = arith.index_cast %get3A_47 : i32 to index
    %get3A_49 = arith.constant 16 : index
    %get3A_50 = tpu.vector_load %arg13[%get3A_48, %get3A_49] {strides = array<i32>} : memref<4x128xf32, #tpu.memory_space<vmem>>, vector<1x16xf32>,
    %get3A_51 = vector.shape_cast %get3A_50 : vector<1x16xf32> to vector<16xf32>
    %get3A_52 = arith.constant 1 : i32
    %get3A_53 = arith.index_cast %get3A_52 : i32 to index
    %get3A_54 = arith.constant 32 : index
    %get3A_55 = tpu.vector_load %arg13[%get3A_53, %get3A_54] {strides = array<i32>} : memref<4x128xf32, #tpu.memory_space<vmem>>, vector<1x16xf32>,
    %get3A_56 = vector.shape_cast %get3A_55 : vector<1x16xf32> to vector<16xf32>
    %get3A_57 = arith.constant 1 : i32
    %get3A_58 = arith.index_cast %get3A_57 : i32 to index
    %get3A_59 = arith.constant 48 : index
    %get3A_60 = tpu.vector_load %arg13[%get3A_58, %get3A_59] {strides = array<i32>} : memref<4x128xf32, #tpu.memory_space<vmem>>, vector<1x16xf32>,
    %get3A_61 = vector.shape_cast %get3A_60 : vector<1x16xf32> to vector<16xf32>
    %get3A_62 = arith.constant 1 : i32
    %get3A_63 = arith.index_cast %get3A_62 : i32 to index
    %get3A_64 = arith.constant 64 : index
    %get3A_65 = tpu.vector_load %arg13[%get3A_63, %get3A_64] {strides = array<i32>} : memref<4x128xf32, #tpu.memory_space<vmem>>, vector<1x16xf32>,
    %get3A_66 = vector.shape_cast %get3A_65 : vector<1x16xf32> to vector<16xf32>
    %get3A_67 = arith.constant 1 : i32
    %get3A_68 = arith.index_cast %get3A_67 : i32 to index
    %get3A_69 = arith.constant 80 : index
    %get3A_70 = tpu.vector_load %arg13[%get3A_68, %get3A_69] {strides = array<i32>} : memref<4x128xf32, #tpu.memory_space<vmem>>, vector<1x16xf32>,
    %get3A_71 = vector.shape_cast %get3A_70 : vector<1x16xf32> to vector<16xf32>
    %get3A_72 = arith.constant 1 : i32
    %get3A_73 = arith.index_cast %get3A_72 : i32 to index
    %get3A_74 = arith.constant 96 : index
    %get3A_75 = tpu.vector_load %arg13[%get3A_73, %get3A_74] {strides = array<i32>} : memref<4x128xf32, #tpu.memory_space<vmem>>, vector<1x16xf32>,
    %get3A_76 = vector.shape_cast %get3A_75 : vector<1x16xf32> to vector<16xf32>
    %get3A_77 = arith.constant 1 : i32
    %get3A_78 = arith.index_cast %get3A_77 : i32 to index
    %get3A_79 = arith.constant 112 : index
    %get3A_80 = tpu.vector_load %arg13[%get3A_78, %get3A_79] {strides = array<i32>} : memref<4x128xf32, #tpu.memory_space<vmem>>, vector<1x16xf32>,
    %get3A_81 = vector.shape_cast %get3A_80 : vector<1x16xf32> to vector<16xf32>
    %get3A_82 = arith.constant 2 : i32
    %get3A_83 = arith.index_cast %get3A_82 : i32 to index
    %get3A_84 = arith.constant 0 : index
    %get3A_85 = tpu.vector_load %arg13[%get3A_83, %get3A_84] {strides = array<i32>} : memref<4x128xf32, #tpu.memory_space<vmem>>, vector<1x16xf32>,
    %get3A_86 = vector.shape_cast %get3A_85 : vector<1x16xf32> to vector<16xf32>
    %get3A_87 = arith.constant 2 : i32
    %get3A_88 = arith.index_cast %get3A_87 : i32 to index
    %get3A_89 = arith.constant 16 : index
    %get3A_90 = tpu.vector_load %arg13[%get3A_88, %get3A_89] {strides = array<i32>} : memref<4x128xf32, #tpu.memory_space<vmem>>, vector<1x16xf32>,
    %get3A_91 = vector.shape_cast %get3A_90 : vector<1x16xf32> to vector<16xf32>
    %get3A_92 = arith.constant 2 : i32
    %get3A_93 = arith.index_cast %get3A_92 : i32 to index
    %get3A_94 = arith.constant 32 : index
    %get3A_95 = tpu.vector_load %arg13[%get3A_93, %get3A_94] {strides = array<i32>} : memref<4x128xf32, #tpu.memory_space<vmem>>, vector<1x16xf32>,
    %get3A_96 = vector.shape_cast %get3A_95 : vector<1x16xf32> to vector<16xf32>
    %get3A_97 = arith.constant 2 : i32
    %get3A_98 = arith.index_cast %get3A_97 : i32 to index
    %get3A_99 = arith.constant 48 : index
    %get3A_100 = tpu.vector_load %arg13[%get3A_98, %get3A_99] {strides = array<i32>} : memref<4x128xf32, #tpu.memory_space<vmem>>, vector<1x16xf32>,
    %get3A_101 = vector.shape_cast %get3A_100 : vector<1x16xf32> to vector<16xf32>
    %get3A_102 = arith.constant 2 : i32
    %get3A_103 = arith.index_cast %get3A_102 : i32 to index
    %get3A_104 = arith.constant 64 : index
    %get3A_105 = tpu.vector_load %arg13[%get3A_103, %get3A_104] {strides = array<i32>} : memref<4x128xf32, #tpu.memory_space<vmem>>, vector<1x16xf32>,
    %get3A_106 = vector.shape_cast %get3A_105 : vector<1x16xf32> to vector<16xf32>
    %get3A_107 = arith.constant 2 : i32
    %get3A_108 = arith.index_cast %get3A_107 : i32 to index
    %get3A_109 = arith.constant 80 : index
    %get3A_110 = tpu.vector_load %arg13[%get3A_108, %get3A_109] {strides = array<i32>} : memref<4x128xf32, #tpu.memory_space<vmem>>, vector<1x16xf32>,
    %get3A_111 = vector.shape_cast %get3A_110 : vector<1x16xf32> to vector<16xf32>
    %get3A_112 = arith.constant 2 : i32
    %get3A_113 = arith.index_cast %get3A_112 : i32 to index
    %get3A_114 = arith.constant 96 : index
    %get3A_115 = tpu.vector_load %arg13[%get3A_113, %get3A_114] {strides = array<i32>} : memref<4x128xf32, #tpu.memory_space<vmem>>, vector<1x16xf32>,
    %get3A_116 = vector.shape_cast %get3A_115 : vector<1x16xf32> to vector<16xf32>
    %get3A_117 = arith.constant 2 : i32
    %get3A_118 = arith.index_cast %get3A_117 : i32 to index
    %get3A_119 = arith.constant 112 : index
    %get3A_120 = tpu.vector_load %arg13[%get3A_118, %get3A_119] {strides = array<i32>} : memref<4x128xf32, #tpu.memory_space<vmem>>, vector<1x16xf32>,
    %get3A_121 = vector.shape_cast %get3A_120 : vector<1x16xf32> to vector<16xf32>
    %get3A_122 = arith.constant 3 : i32
    %get3A_123 = arith.index_cast %get3A_122 : i32 to index
    %get3A_124 = arith.constant 0 : index
    %get3A_125 = tpu.vector_load %arg13[%get3A_123, %get3A_124] {strides = array<i32>} : memref<4x128xf32, #tpu.memory_space<vmem>>, vector<1x16xf32>,
    %get3A_126 = vector.shape_cast %get3A_125 : vector<1x16xf32> to vector<16xf32>
    %get3A_127 = arith.constant 3 : i32
    %get3A_128 = arith.index_cast %get3A_127 : i32 to index
    %get3A_129 = arith.constant 16 : index
    %get3A_130 = tpu.vector_load %arg13[%get3A_128, %get3A_129] {strides = array<i32>} : memref<4x128xf32, #tpu.memory_space<vmem>>, vector<1x16xf32>,
    %get3A_131 = vector.shape_cast %get3A_130 : vector<1x16xf32> to vector<16xf32>
    %get3A_132 = arith.constant 3 : i32
    %get3A_133 = arith.index_cast %get3A_132 : i32 to index
    %get3A_134 = arith.constant 32 : index
    %get3A_135 = tpu.vector_load %arg13[%get3A_133, %get3A_134] {strides = array<i32>} : memref<4x128xf32, #tpu.memory_space<vmem>>, vector<1x16xf32>,
    %get3A_136 = vector.shape_cast %get3A_135 : vector<1x16xf32> to vector<16xf32>
    %get3A_137 = arith.constant 3 : i32
    %get3A_138 = arith.index_cast %get3A_137 : i32 to index
    %get3A_139 = arith.constant 48 : index
    %get3A_140 = tpu.vector_load %arg13[%get3A_138, %get3A_139] {strides = array<i32>} : memref<4x128xf32, #tpu.memory_space<vmem>>, vector<1x16xf32>,
    %get3A_141 = vector.shape_cast %get3A_140 : vector<1x16xf32> to vector<16xf32>
    %get3A_142 = arith.constant 3 : i32
    %get3A_143 = arith.index_cast %get3A_142 : i32 to index
    %get3A_144 = arith.constant 64 : index
    %get3A_145 = tpu.vector_load %arg13[%get3A_143, %get3A_144] {strides = array<i32>} : memref<4x128xf32, #tpu.memory_space<vmem>>, vector<1x16xf32>,
    %get3A_146 = vector.shape_cast %get3A_145 : vector<1x16xf32> to vector<16xf32>
    %get3A_147 = arith.constant 3 : i32
    %get3A_148 = arith.index_cast %get3A_147 : i32 to index
    %get3A_149 = arith.constant 80 : index
    %get3A_150 = tpu.vector_load %arg13[%get3A_148, %get3A_149] {strides = array<i32>} : memref<4x128xf32, #tpu.memory_space<vmem>>, vector<1x16xf32>,
    %get3A_151 = vector.shape_cast %get3A_150 : vector<1x16xf32> to vector<16xf32>
    %get3A_152 = arith.constant 3 : i32
    %get3A_153 = arith.index_cast %get3A_152 : i32 to index
    %get3A_154 = arith.constant 96 : index
    %get3A_155 = tpu.vector_load %arg13[%get3A_153, %get3A_154] {strides = array<i32>} : memref<4x128xf32, #tpu.memory_space<vmem>>, vector<1x16xf32>,
    %get3A_156 = vector.shape_cast %get3A_155 : vector<1x16xf32> to vector<16xf32>
    %get3A_157 = arith.constant 3 : i32
    %get3A_158 = arith.index_cast %get3A_157 : i32 to index
    %get3A_159 = arith.constant 112 : index
    %get3A_160 = tpu.vector_load %arg13[%get3A_158, %get3A_159] {strides = array<i32>} : memref<4x128xf32, #tpu.memory_space<vmem>>, vector<1x16xf32>,
    %get3A_161 = vector.shape_cast %get3A_160 : vector<1x16xf32> to vector<16xf32>
    %dma_start3A = arith.constant 0 : i32
    %dma_start3A_162 = arith.constant 0 : i32
    %dma_start3A_163 = tpu.memref_slice %arg8[%dma_start3A, %dma_start3A_162] : memref<2x96xi32, #tpu.memory_space<vmem>> -> memref<1x96xi32, #tpu.memory_space<vmem>>
    %dma_start3A_164 = tpu.memref_squeeze %dma_start3A_163 : memref<1x96xi32, #tpu.memory_space<vmem>> -> memref<96xi32, #tpu.memory_space<vmem>>
    %dma_start3A_165 = tpu.memref_slice %arg4[%mul3A_2] : memref<320000xi32, #tpu.memory_space<hbm>> -> memref<96xi32, #tpu.memory_space<hbm>>
    %dma_start3A_166 = arith.constant 0 : i32
    %dma_start3A_167 = tpu.memref_slice %arg8[%dma_start3A, %dma_start3A_166] : memref<2x96xi32, #tpu.memory_space<vmem>> -> memref<1x96xi32, #tpu.memory_space<vmem>>
    %dma_start3A_168 = tpu.memref_squeeze %dma_start3A_167 : memref<1x96xi32, #tpu.memory_space<vmem>> -> memref<96xi32, #tpu.memory_space<vmem>>
    %dma_start3A_169 = tpu.memref_slice %arg4[%mul3A_2] : memref<320000xi32, #tpu.memory_space<hbm>> -> memref<96xi32, #tpu.memory_space<hbm>>
    tpu.enqueue_dma source(%dma_start3A_169 : memref<96xi32, #tpu.memory_space<hbm>>) target(%dma_start3A_168 : memref<96xi32, #tpu.memory_space<vmem>>) target_semaphore(%arg16 : memref<!tpu.dma_semaphore, #tpu.memory_space<semaphore_mem>>)
    %scan3A = arith.constant 0 : i32
    %scan3A_170 = arith.constant 0 : i32
    %scan3A_171 = arith.constant 52 : i32
    %scan3A_172 = arith.addi %scan3A_170, %scan3A_171 : i32
    %scan3A_173 = arith.constant 1 : i32
    scf.for %scan3A_465 = %scan3A_170 to %scan3A_172 step %scan3A_173  : i32 {
      %mul3A_466 = arith.constant 2 : i32
      %mul3A_467 = arith.muli %mul3A_466, %scan3A_465 : i32
      %mul3A_468 = arith.constant 96 : i32
      %mul3A_469 = arith.muli %mul3A_467, %mul3A_468 : i32
      %add3A_470 = arith.addi %mul3A_2, %mul3A_469 : i32
      %add3A_471 = arith.constant 1 : i32
      %add3A_472 = arith.addi %mul3A_467, %add3A_471 : i32
      %min3A = arith.constant 103 : i32
      %min3A_473 = arith.minsi %add3A_472, %min3A : i32
      %mul3A_474 = arith.constant 96 : i32
      %mul3A_475 = arith.muli %min3A_473, %mul3A_474 : i32
      %add3A_476 = arith.addi %mul3A_2, %mul3A_475 : i32
      %dma_wait3A_477 = arith.constant 0 : i32
      %dma_wait3A_478 = arith.constant 0 : i32
      %dma_wait3A_479 = tpu.memref_slice %arg8[%dma_wait3A_477, %dma_wait3A_478] : memref<2x96xi32, #tpu.memory_space<vmem>> -> memref<1x96xi32, #tpu.memory_space<vmem>>
      %dma_wait3A_480 = tpu.memref_squeeze %dma_wait3A_479 : memref<1x96xi32, #tpu.memory_space<vmem>> -> memref<96xi32, #tpu.memory_space<vmem>>
      %dma_wait3A_481 = tpu.memref_slice %arg4[%add3A_470] : memref<320000xi32, #tpu.memory_space<hbm>> -> memref<96xi32, #tpu.memory_space<hbm>>
      %dma_wait3A_482 = arith.constant 0 : i32
      %dma_wait3A_483 = tpu.memref_slice %arg8[%dma_wait3A_477, %dma_wait3A_482] : memref<2x96xi32, #tpu.memory_space<vmem>> -> memref<1x96xi32, #tpu.memory_space<vmem>>
      %dma_wait3A_484 = tpu.memref_squeeze %dma_wait3A_483 : memref<1x96xi32, #tpu.memory_space<vmem>> -> memref<96xi32, #tpu.memory_space<vmem>>
      %dma_wait3A_485 = tpu.memref_slice %arg4[%add3A_470] : memref<320000xi32, #tpu.memory_space<hbm>> -> memref<96xi32, #tpu.memory_space<hbm>>
      tpu.wait_dma2 semaphore(%arg16 : memref<!tpu.dma_semaphore, #tpu.memory_space<semaphore_mem>>) src(%dma_wait3A_485 : memref<96xi32, #tpu.memory_space<hbm>>) dst(%dma_wait3A_484 : memref<96xi32, #tpu.memory_space<vmem>>)
      %dma_start3A_486 = arith.constant 1 : i32
      %dma_start3A_487 = arith.constant 0 : i32
      %dma_start3A_488 = tpu.memref_slice %arg8[%dma_start3A_486, %dma_start3A_487] : memref<2x96xi32, #tpu.memory_space<vmem>> -> memref<1x96xi32, #tpu.memory_space<vmem>>
      %dma_start3A_489 = tpu.memref_squeeze %dma_start3A_488 : memref<1x96xi32, #tpu.memory_space<vmem>> -> memref<96xi32, #tpu.memory_space<vmem>>
      %dma_start3A_490 = tpu.memref_slice %arg4[%add3A_476] : memref<320000xi32, #tpu.memory_space<hbm>> -> memref<96xi32, #tpu.memory_space<hbm>>
      %dma_start3A_491 = arith.constant 0 : i32
      %dma_start3A_492 = tpu.memref_slice %arg8[%dma_start3A_486, %dma_start3A_491] : memref<2x96xi32, #tpu.memory_space<vmem>> -> memref<1x96xi32, #tpu.memory_space<vmem>>
      %dma_start3A_493 = tpu.memref_squeeze %dma_start3A_492 : memref<1x96xi32, #tpu.memory_space<vmem>> -> memref<96xi32, #tpu.memory_space<vmem>>
      %dma_start3A_494 = tpu.memref_slice %arg4[%add3A_476] : memref<320000xi32, #tpu.memory_space<hbm>> -> memref<96xi32, #tpu.memory_space<hbm>>
      tpu.enqueue_dma source(%dma_start3A_494 : memref<96xi32, #tpu.memory_space<hbm>>) target(%dma_start3A_493 : memref<96xi32, #tpu.memory_space<vmem>>) target_semaphore(%arg16 : memref<!tpu.dma_semaphore, #tpu.memory_space<semaphore_mem>>)
      %dma_start3A_495 = arith.constant 0 : i32
      %dma_start3A_496 = arith.constant 0 : i32
      %dma_start3A_497 = tpu.memref_slice %arg8[%dma_start3A_495, %dma_start3A_496] : memref<2x96xi32, #tpu.memory_space<vmem>> -> memref<1x96xi32, #tpu.memory_space<vmem>>
      %dma_start3A_498 = tpu.memref_squeeze %dma_start3A_497 : memref<1x96xi32, #tpu.memory_space<vmem>> -> memref<96xi32, #tpu.memory_space<vmem>>
      %dma_start3A_499 = arith.constant 0 : i32
      %dma_start3A_500 = arith.constant 0 : i32
      %dma_start3A_501 = tpu.memref_slice %arg5[%dma_start3A_499, %dma_start3A_500] : memref<10112x128xf32, #tpu.memory_space<hbm>> -> memref<10112x128xf32, #tpu.memory_space<hbm>>
      tpu.enqueue_indirect_dma source(%dma_start3A_501 : memref<10112x128xf32, #tpu.memory_space<hbm>>) target(%arg9 : memref<96x128xf32, #tpu.memory_space<vmem>>) offsets(%dma_start3A_498 : memref<96xi32, #tpu.memory_space<vmem>>) semaphore(%arg15 : memref<!tpu.dma_semaphore, #tpu.memory_space<semaphore_mem>>)
      %dma_start3A_502 = arith.constant 0 : i32
      %dma_start3A_503 = arith.constant 0 : i32
      %dma_start3A_504 = arith.constant 0 : i32
      %dma_start3A_505 = arith.constant 0 : i32
      %dma_start3A_506 = tpu.memref_slice %arg10[%dma_start3A_503, %dma_start3A_504, %dma_start3A_505] : memref<4x96x32xf32, #tpu.memory_space<vmem>> -> memref<1x96x32xf32, #tpu.memory_space<vmem>>
      %dma_start3A_507 = tpu.memref_squeeze %dma_start3A_506 : memref<1x96x32xf32, #tpu.memory_space<vmem>> -> memref<96x32xf32, #tpu.memory_space<vmem>>
      %dma_start3A_508 = arith.constant 0 : i32
      %dma_start3A_509 = tpu.memref_slice %arg2[%dma_start3A_502, %add3A_470, %dma_start3A_508] : memref<4x320000x32xf32, #tpu.memory_space<hbm>> -> memref<1x96x32xf32, #tpu.memory_space<hbm>>
      %dma_start3A_510 = tpu.memref_squeeze %dma_start3A_509 : memref<1x96x32xf32, #tpu.memory_space<hbm>> -> memref<96x32xf32, #tpu.memory_space<hbm>>
      %dma_start3A_511 = arith.constant 0 : i32
      %dma_start3A_512 = arith.constant 0 : i32
      %dma_start3A_513 = tpu.memref_slice %arg10[%dma_start3A_503, %dma_start3A_511, %dma_start3A_512] : memref<4x96x32xf32, #tpu.memory_space<vmem>> -> memref<1x96x32xf32, #tpu.memory_space<vmem>>
      %dma_start3A_514 = tpu.memref_squeeze %dma_start3A_513 : memref<1x96x32xf32, #tpu.memory_space<vmem>> -> memref<96x32xf32, #tpu.memory_space<vmem>>
      %dma_start3A_515 = arith.constant 0 : i32
      %dma_start3A_516 = tpu.memref_slice %arg2[%dma_start3A_502, %add3A_470, %dma_start3A_515] : memref<4x320000x32xf32, #tpu.memory_space<hbm>> -> memref<1x96x32xf32, #tpu.memory_space<hbm>>
      %dma_start3A_517 = tpu.memref_squeeze %dma_start3A_516 : memref<1x96x32xf32, #tpu.memory_space<hbm>> -> memref<96x32xf32, #tpu.memory_space<hbm>>
      tpu.enqueue_dma source(%dma_start3A_517 : memref<96x32xf32, #tpu.memory_space<hbm>>) target(%dma_start3A_514 : memref<96x32xf32, #tpu.memory_space<vmem>>) target_semaphore(%arg14 : memref<!tpu.dma_semaphore, #tpu.memory_space<semaphore_mem>>)
      %dma_start3A_518 = arith.constant 0 : i32
      %dma_start3A_519 = arith.constant 0 : i32
      %dma_start3A_520 = arith.constant 0 : i32
      %dma_start3A_521 = arith.constant 0 : i32
      %dma_start3A_522 = tpu.memref_slice %arg11[%dma_start3A_519, %dma_start3A_520, %dma_start3A_521] : memref<4x96x32xf32, #tpu.memory_space<vmem>> -> memref<1x96x32xf32, #tpu.memory_space<vmem>>
      %dma_start3A_523 = tpu.memref_squeeze %dma_start3A_522 : memref<1x96x32xf32, #tpu.memory_space<vmem>> -> memref<96x32xf32, #tpu.memory_space<vmem>>
      %dma_start3A_524 = arith.constant 0 : i32
      %dma_start3A_525 = tpu.memref_slice %arg3[%dma_start3A_518, %add3A_470, %dma_start3A_524] : memref<4x320000x32xf32, #tpu.memory_space<hbm>> -> memref<1x96x32xf32, #tpu.memory_space<hbm>>
      %dma_start3A_526 = tpu.memref_squeeze %dma_start3A_525 : memref<1x96x32xf32, #tpu.memory_space<hbm>> -> memref<96x32xf32, #tpu.memory_space<hbm>>
      %dma_start3A_527 = arith.constant 0 : i32
      %dma_start3A_528 = arith.constant 0 : i32
      %dma_start3A_529 = tpu.memref_slice %arg11[%dma_start3A_519, %dma_start3A_527, %dma_start3A_528] : memref<4x96x32xf32, #tpu.memory_space<vmem>> -> memref<1x96x32xf32, #tpu.memory_space<vmem>>
      %dma_start3A_530 = tpu.memref_squeeze %dma_start3A_529 : memref<1x96x32xf32, #tpu.memory_space<vmem>> -> memref<96x32xf32, #tpu.memory_space<vmem>>
      %dma_start3A_531 = arith.constant 0 : i32
      %dma_start3A_532 = tpu.memref_slice %arg3[%dma_start3A_518, %add3A_470, %dma_start3A_531] : memref<4x320000x32xf32, #tpu.memory_space<hbm>> -> memref<1x96x32xf32, #tpu.memory_space<hbm>>
      %dma_start3A_533 = tpu.memref_squeeze %dma_start3A_532 : memref<1x96x32xf32, #tpu.memory_space<hbm>> -> memref<96x32xf32, #tpu.memory_space<hbm>>
      tpu.enqueue_dma source(%dma_start3A_533 : memref<96x32xf32, #tpu.memory_space<hbm>>) target(%dma_start3A_530 : memref<96x32xf32, #tpu.memory_space<vmem>>) target_semaphore(%arg14 : memref<!tpu.dma_semaphore, #tpu.memory_space<semaphore_mem>>)
      %dma_start3A_534 = arith.constant 1 : i32
      %dma_start3A_535 = arith.constant 1 : i32
      %dma_start3A_536 = arith.constant 0 : i32
      %dma_start3A_537 = arith.constant 0 : i32
      %dma_start3A_538 = tpu.memref_slice %arg10[%dma_start3A_535, %dma_start3A_536, %dma_start3A_537] : memref<4x96x32xf32, #tpu.memory_space<vmem>> -> memref<1x96x32xf32, #tpu.memory_space<vmem>>
      %dma_start3A_539 = tpu.memref_squeeze %dma_start3A_538 : memref<1x96x32xf32, #tpu.memory_space<vmem>> -> memref<96x32xf32, #tpu.memory_space<vmem>>
      %dma_start3A_540 = arith.constant 0 : i32
      %dma_start3A_541 = tpu.memref_slice %arg2[%dma_start3A_534, %add3A_470, %dma_start3A_540] : memref<4x320000x32xf32, #tpu.memory_space<hbm>> -> memref<1x96x32xf32, #tpu.memory_space<hbm>>
      %dma_start3A_542 = tpu.memref_squeeze %dma_start3A_541 : memref<1x96x32xf32, #tpu.memory_space<hbm>> -> memref<96x32xf32, #tpu.memory_space<hbm>>
      %dma_start3A_543 = arith.constant 0 : i32
      %dma_start3A_544 = arith.constant 0 : i32
      %dma_start3A_545 = tpu.memref_slice %arg10[%dma_start3A_535, %dma_start3A_543, %dma_start3A_544] : memref<4x96x32xf32, #tpu.memory_space<vmem>> -> memref<1x96x32xf32, #tpu.memory_space<vmem>>
      %dma_start3A_546 = tpu.memref_squeeze %dma_start3A_545 : memref<1x96x32xf32, #tpu.memory_space<vmem>> -> memref<96x32xf32, #tpu.memory_space<vmem>>
      %dma_start3A_547 = arith.constant 0 : i32
      %dma_start3A_548 = tpu.memref_slice %arg2[%dma_start3A_534, %add3A_470, %dma_start3A_547] : memref<4x320000x32xf32, #tpu.memory_space<hbm>> -> memref<1x96x32xf32, #tpu.memory_space<hbm>>
      %dma_start3A_549 = tpu.memref_squeeze %dma_start3A_548 : memref<1x96x32xf32, #tpu.memory_space<hbm>> -> memref<96x32xf32, #tpu.memory_space<hbm>>
      tpu.enqueue_dma source(%dma_start3A_549 : memref<96x32xf32, #tpu.memory_space<hbm>>) target(%dma_start3A_546 : memref<96x32xf32, #tpu.memory_space<vmem>>) target_semaphore(%arg14 : memref<!tpu.dma_semaphore, #tpu.memory_space<semaphore_mem>>)
      %dma_start3A_550 = arith.constant 1 : i32
      %dma_start3A_551 = arith.constant 1 : i32
      %dma_start3A_552 = arith.constant 0 : i32
      %dma_start3A_553 = arith.constant 0 : i32
      %dma_start3A_554 = tpu.memref_slice %arg11[%dma_start3A_551, %dma_start3A_552, %dma_start3A_553] : memref<4x96x32xf32, #tpu.memory_space<vmem>> -> memref<1x96x32xf32, #tpu.memory_space<vmem>>
      %dma_start3A_555 = tpu.memref_squeeze %dma_start3A_554 : memref<1x96x32xf32, #tpu.memory_space<vmem>> -> memref<96x32xf32, #tpu.memory_space<vmem>>
      %dma_start3A_556 = arith.constant 0 : i32
      %dma_start3A_557 = tpu.memref_slice %arg3[%dma_start3A_550, %add3A_470, %dma_start3A_556] : memref<4x320000x32xf32, #tpu.memory_space<hbm>> -> memref<1x96x32xf32, #tpu.memory_space<hbm>>
      %dma_start3A_558 = tpu.memref_squeeze %dma_start3A_557 : memref<1x96x32xf32, #tpu.memory_space<hbm>> -> memref<96x32xf32, #tpu.memory_space<hbm>>
      %dma_start3A_559 = arith.constant 0 : i32
      %dma_start3A_560 = arith.constant 0 : i32
      %dma_start3A_561 = tpu.memref_slice %arg11[%dma_start3A_551, %dma_start3A_559, %dma_start3A_560] : memref<4x96x32xf32, #tpu.memory_space<vmem>> -> memref<1x96x32xf32, #tpu.memory_space<vmem>>
      %dma_start3A_562 = tpu.memref_squeeze %dma_start3A_561 : memref<1x96x32xf32, #tpu.memory_space<vmem>> -> memref<96x32xf32, #tpu.memory_space<vmem>>
      %dma_start3A_563 = arith.constant 0 : i32
      %dma_start3A_564 = tpu.memref_slice %arg3[%dma_start3A_550, %add3A_470, %dma_start3A_563] : memref<4x320000x32xf32, #tpu.memory_space<hbm>> -> memref<1x96x32xf32, #tpu.memory_space<hbm>>
      %dma_start3A_565 = tpu.memref_squeeze %dma_start3A_564 : memref<1x96x32xf32, #tpu.memory_space<hbm>> -> memref<96x32xf32, #tpu.memory_space<hbm>>
      tpu.enqueue_dma source(%dma_start3A_565 : memref<96x32xf32, #tpu.memory_space<hbm>>) target(%dma_start3A_562 : memref<96x32xf32, #tpu.memory_space<vmem>>) target_semaphore(%arg14 : memref<!tpu.dma_semaphore, #tpu.memory_space<semaphore_mem>>)
      %dma_start3A_566 = arith.constant 2 : i32
      %dma_start3A_567 = arith.constant 2 : i32
      %dma_start3A_568 = arith.constant 0 : i32
      %dma_start3A_569 = arith.constant 0 : i32
      %dma_start3A_570 = tpu.memref_slice %arg10[%dma_start3A_567, %dma_start3A_568, %dma_start3A_569] : memref<4x96x32xf32, #tpu.memory_space<vmem>> -> memref<1x96x32xf32, #tpu.memory_space<vmem>>
      %dma_start3A_571 = tpu.memref_squeeze %dma_start3A_570 : memref<1x96x32xf32, #tpu.memory_space<vmem>> -> memref<96x32xf32, #tpu.memory_space<vmem>>
      %dma_start3A_572 = arith.constant 0 : i32
      %dma_start3A_573 = tpu.memref_slice %arg2[%dma_start3A_566, %add3A_470, %dma_start3A_572] : memref<4x320000x32xf32, #tpu.memory_space<hbm>> -> memref<1x96x32xf32, #tpu.memory_space<hbm>>
      %dma_start3A_574 = tpu.memref_squeeze %dma_start3A_573 : memref<1x96x32xf32, #tpu.memory_space<hbm>> -> memref<96x32xf32, #tpu.memory_space<hbm>>
      %dma_start3A_575 = arith.constant 0 : i32
      %dma_start3A_576 = arith.constant 0 : i32
      %dma_start3A_577 = tpu.memref_slice %arg10[%dma_start3A_567, %dma_start3A_575, %dma_start3A_576] : memref<4x96x32xf32, #tpu.memory_space<vmem>> -> memref<1x96x32xf32, #tpu.memory_space<vmem>>
      %dma_start3A_578 = tpu.memref_squeeze %dma_start3A_577 : memref<1x96x32xf32, #tpu.memory_space<vmem>> -> memref<96x32xf32, #tpu.memory_space<vmem>>
      %dma_start3A_579 = arith.constant 0 : i32
      %dma_start3A_580 = tpu.memref_slice %arg2[%dma_start3A_566, %add3A_470, %dma_start3A_579] : memref<4x320000x32xf32, #tpu.memory_space<hbm>> -> memref<1x96x32xf32, #tpu.memory_space<hbm>>
      %dma_start3A_581 = tpu.memref_squeeze %dma_start3A_580 : memref<1x96x32xf32, #tpu.memory_space<hbm>> -> memref<96x32xf32, #tpu.memory_space<hbm>>
      tpu.enqueue_dma source(%dma_start3A_581 : memref<96x32xf32, #tpu.memory_space<hbm>>) target(%dma_start3A_578 : memref<96x32xf32, #tpu.memory_space<vmem>>) target_semaphore(%arg14 : memref<!tpu.dma_semaphore, #tpu.memory_space<semaphore_mem>>)
      %dma_start3A_582 = arith.constant 2 : i32
      %dma_start3A_583 = arith.constant 2 : i32
      %dma_start3A_584 = arith.constant 0 : i32
      %dma_start3A_585 = arith.constant 0 : i32
      %dma_start3A_586 = tpu.memref_slice %arg11[%dma_start3A_583, %dma_start3A_584, %dma_start3A_585] : memref<4x96x32xf32, #tpu.memory_space<vmem>> -> memref<1x96x32xf32, #tpu.memory_space<vmem>>
      %dma_start3A_587 = tpu.memref_squeeze %dma_start3A_586 : memref<1x96x32xf32, #tpu.memory_space<vmem>> -> memref<96x32xf32, #tpu.memory_space<vmem>>
      %dma_start3A_588 = arith.constant 0 : i32
      %dma_start3A_589 = tpu.memref_slice %arg3[%dma_start3A_582, %add3A_470, %dma_start3A_588] : memref<4x320000x32xf32, #tpu.memory_space<hbm>> -> memref<1x96x32xf32, #tpu.memory_space<hbm>>
      %dma_start3A_590 = tpu.memref_squeeze %dma_start3A_589 : memref<1x96x32xf32, #tpu.memory_space<hbm>> -> memref<96x32xf32, #tpu.memory_space<hbm>>
      %dma_start3A_591 = arith.constant 0 : i32
      %dma_start3A_592 = arith.constant 0 : i32
      %dma_start3A_593 = tpu.memref_slice %arg11[%dma_start3A_583, %dma_start3A_591, %dma_start3A_592] : memref<4x96x32xf32, #tpu.memory_space<vmem>> -> memref<1x96x32xf32, #tpu.memory_space<vmem>>
      %dma_start3A_594 = tpu.memref_squeeze %dma_start3A_593 : memref<1x96x32xf32, #tpu.memory_space<vmem>> -> memref<96x32xf32, #tpu.memory_space<vmem>>
      %dma_start3A_595 = arith.constant 0 : i32
      %dma_start3A_596 = tpu.memref_slice %arg3[%dma_start3A_582, %add3A_470, %dma_start3A_595] : memref<4x320000x32xf32, #tpu.memory_space<hbm>> -> memref<1x96x32xf32, #tpu.memory_space<hbm>>
      %dma_start3A_597 = tpu.memref_squeeze %dma_start3A_596 : memref<1x96x32xf32, #tpu.memory_space<hbm>> -> memref<96x32xf32, #tpu.memory_space<hbm>>
      tpu.enqueue_dma source(%dma_start3A_597 : memref<96x32xf32, #tpu.memory_space<hbm>>) target(%dma_start3A_594 : memref<96x32xf32, #tpu.memory_space<vmem>>) target_semaphore(%arg14 : memref<!tpu.dma_semaphore, #tpu.memory_space<semaphore_mem>>)
      %dma_start3A_598 = arith.constant 3 : i32
      %dma_start3A_599 = arith.constant 3 : i32
      %dma_start3A_600 = arith.constant 0 : i32
      %dma_start3A_601 = arith.constant 0 : i32
      %dma_start3A_602 = tpu.memref_slice %arg10[%dma_start3A_599, %dma_start3A_600, %dma_start3A_601] : memref<4x96x32xf32, #tpu.memory_space<vmem>> -> memref<1x96x32xf32, #tpu.memory_space<vmem>>
      %dma_start3A_603 = tpu.memref_squeeze %dma_start3A_602 : memref<1x96x32xf32, #tpu.memory_space<vmem>> -> memref<96x32xf32, #tpu.memory_space<vmem>>
      %dma_start3A_604 = arith.constant 0 : i32
      %dma_start3A_605 = tpu.memref_slice %arg2[%dma_start3A_598, %add3A_470, %dma_start3A_604] : memref<4x320000x32xf32, #tpu.memory_space<hbm>> -> memref<1x96x32xf32, #tpu.memory_space<hbm>>
      %dma_start3A_606 = tpu.memref_squeeze %dma_start3A_605 : memref<1x96x32xf32, #tpu.memory_space<hbm>> -> memref<96x32xf32, #tpu.memory_space<hbm>>
      %dma_start3A_607 = arith.constant 0 : i32
      %dma_start3A_608 = arith.constant 0 : i32
      %dma_start3A_609 = tpu.memref_slice %arg10[%dma_start3A_599, %dma_start3A_607, %dma_start3A_608] : memref<4x96x32xf32, #tpu.memory_space<vmem>> -> memref<1x96x32xf32, #tpu.memory_space<vmem>>
      %dma_start3A_610 = tpu.memref_squeeze %dma_start3A_609 : memref<1x96x32xf32, #tpu.memory_space<vmem>> -> memref<96x32xf32, #tpu.memory_space<vmem>>
      %dma_start3A_611 = arith.constant 0 : i32
      %dma_start3A_612 = tpu.memref_slice %arg2[%dma_start3A_598, %add3A_470, %dma_start3A_611] : memref<4x320000x32xf32, #tpu.memory_space<hbm>> -> memref<1x96x32xf32, #tpu.memory_space<hbm>>
      %dma_start3A_613 = tpu.memref_squeeze %dma_start3A_612 : memref<1x96x32xf32, #tpu.memory_space<hbm>> -> memref<96x32xf32, #tpu.memory_space<hbm>>
      tpu.enqueue_dma source(%dma_start3A_613 : memref<96x32xf32, #tpu.memory_space<hbm>>) target(%dma_start3A_610 : memref<96x32xf32, #tpu.memory_space<vmem>>) target_semaphore(%arg14 : memref<!tpu.dma_semaphore, #tpu.memory_space<semaphore_mem>>)
      %dma_start3A_614 = arith.constant 3 : i32
      %dma_start3A_615 = arith.constant 3 : i32
      %dma_start3A_616 = arith.constant 0 : i32
      %dma_start3A_617 = arith.constant 0 : i32
      %dma_start3A_618 = tpu.memref_slice %arg11[%dma_start3A_615, %dma_start3A_616, %dma_start3A_617] : memref<4x96x32xf32, #tpu.memory_space<vmem>> -> memref<1x96x32xf32, #tpu.memory_space<vmem>>
      %dma_start3A_619 = tpu.memref_squeeze %dma_start3A_618 : memref<1x96x32xf32, #tpu.memory_space<vmem>> -> memref<96x32xf32, #tpu.memory_space<vmem>>
      %dma_start3A_620 = arith.constant 0 : i32
      %dma_start3A_621 = tpu.memref_slice %arg3[%dma_start3A_614, %add3A_470, %dma_start3A_620] : memref<4x320000x32xf32, #tpu.memory_space<hbm>> -> memref<1x96x32xf32, #tpu.memory_space<hbm>>
      %dma_start3A_622 = tpu.memref_squeeze %dma_start3A_621 : memref<1x96x32xf32, #tpu.memory_space<hbm>> -> memref<96x32xf32, #tpu.memory_space<hbm>>
      %dma_start3A_623 = arith.constant 0 : i32
      %dma_start3A_624 = arith.constant 0 : i32
      %dma_start3A_625 = tpu.memref_slice %arg11[%dma_start3A_615, %dma_start3A_623, %dma_start3A_624] : memref<4x96x32xf32, #tpu.memory_space<vmem>> -> memref<1x96x32xf32, #tpu.memory_space<vmem>>
      %dma_start3A_626 = tpu.memref_squeeze %dma_start3A_625 : memref<1x96x32xf32, #tpu.memory_space<vmem>> -> memref<96x32xf32, #tpu.memory_space<vmem>>
      %dma_start3A_627 = arith.constant 0 : i32
      %dma_start3A_628 = tpu.memref_slice %arg3[%dma_start3A_614, %add3A_470, %dma_start3A_627] : memref<4x320000x32xf32, #tpu.memory_space<hbm>> -> memref<1x96x32xf32, #tpu.memory_space<hbm>>
      %dma_start3A_629 = tpu.memref_squeeze %dma_start3A_628 : memref<1x96x32xf32, #tpu.memory_space<hbm>> -> memref<96x32xf32, #tpu.memory_space<hbm>>
      tpu.enqueue_dma source(%dma_start3A_629 : memref<96x32xf32, #tpu.memory_space<hbm>>) target(%dma_start3A_626 : memref<96x32xf32, #tpu.memory_space<vmem>>) target_semaphore(%arg14 : memref<!tpu.dma_semaphore, #tpu.memory_space<semaphore_mem>>)
      %dma_wait3A_630 = arith.constant 0 : i32
      %dma_wait3A_631 = arith.constant 0 : i32
      %dma_wait3A_632 = tpu.memref_slice %arg8[%dma_wait3A_630, %dma_wait3A_631] : memref<2x96xi32, #tpu.memory_space<vmem>> -> memref<1x96xi32, #tpu.memory_space<vmem>>
      %dma_wait3A_633 = tpu.memref_squeeze %dma_wait3A_632 : memref<1x96xi32, #tpu.memory_space<vmem>> -> memref<96xi32, #tpu.memory_space<vmem>>
      %dma_wait3A_634 = arith.constant 0 : i32
      %dma_wait3A_635 = arith.constant 0 : i32
      %dma_wait3A_636 = tpu.memref_slice %arg5[%dma_wait3A_634, %dma_wait3A_635] : memref<10112x128xf32, #tpu.memory_space<hbm>> -> memref<10112x128xf32, #tpu.memory_space<hbm>>
      tpu.wait_indirect_dma semaphore(%arg15 : memref<!tpu.dma_semaphore, #tpu.memory_space<semaphore_mem>>) src(%dma_wait3A_636 : memref<10112x128xf32, #tpu.memory_space<hbm>>) dst(%arg9 : memref<96x128xf32, #tpu.memory_space<vmem>>)
      %dma_wait3A_637 = arith.constant 0 : i32
      %dma_wait3A_638 = arith.constant 0 : i32
      %dma_wait3A_639 = arith.constant 0 : i32
      %dma_wait3A_640 = arith.constant 0 : i32
      %dma_wait3A_641 = tpu.memref_slice %arg10[%dma_wait3A_638, %dma_wait3A_639, %dma_wait3A_640] : memref<4x96x32xf32, #tpu.memory_space<vmem>> -> memref<1x96x32xf32, #tpu.memory_space<vmem>>
      %dma_wait3A_642 = tpu.memref_squeeze %dma_wait3A_641 : memref<1x96x32xf32, #tpu.memory_space<vmem>> -> memref<96x32xf32, #tpu.memory_space<vmem>>
      %dma_wait3A_643 = arith.constant 0 : i32
      %dma_wait3A_644 = tpu.memref_slice %arg2[%dma_wait3A_637, %add3A_470, %dma_wait3A_643] : memref<4x320000x32xf32, #tpu.memory_space<hbm>> -> memref<1x96x32xf32, #tpu.memory_space<hbm>>
      %dma_wait3A_645 = tpu.memref_squeeze %dma_wait3A_644 : memref<1x96x32xf32, #tpu.memory_space<hbm>> -> memref<96x32xf32, #tpu.memory_space<hbm>>
      %dma_wait3A_646 = arith.constant 0 : i32
      %dma_wait3A_647 = arith.constant 0 : i32
      %dma_wait3A_648 = tpu.memref_slice %arg10[%dma_wait3A_638, %dma_wait3A_646, %dma_wait3A_647] : memref<4x96x32xf32, #tpu.memory_space<vmem>> -> memref<1x96x32xf32, #tpu.memory_space<vmem>>
      %dma_wait3A_649 = tpu.memref_squeeze %dma_wait3A_648 : memref<1x96x32xf32, #tpu.memory_space<vmem>> -> memref<96x32xf32, #tpu.memory_space<vmem>>
      %dma_wait3A_650 = arith.constant 0 : i32
      %dma_wait3A_651 = tpu.memref_slice %arg2[%dma_wait3A_637, %add3A_470, %dma_wait3A_650] : memref<4x320000x32xf32, #tpu.memory_space<hbm>> -> memref<1x96x32xf32, #tpu.memory_space<hbm>>
      %dma_wait3A_652 = tpu.memref_squeeze %dma_wait3A_651 : memref<1x96x32xf32, #tpu.memory_space<hbm>> -> memref<96x32xf32, #tpu.memory_space<hbm>>
      tpu.wait_dma2 semaphore(%arg14 : memref<!tpu.dma_semaphore, #tpu.memory_space<semaphore_mem>>) src(%dma_wait3A_652 : memref<96x32xf32, #tpu.memory_space<hbm>>) dst(%dma_wait3A_649 : memref<96x32xf32, #tpu.memory_space<vmem>>)
      %dma_wait3A_653 = arith.constant 0 : i32
      %dma_wait3A_654 = arith.constant 0 : i32
      %dma_wait3A_655 = arith.constant 0 : i32
      %dma_wait3A_656 = arith.constant 0 : i32
      %dma_wait3A_657 = tpu.memref_slice %arg11[%dma_wait3A_654, %dma_wait3A_655, %dma_wait3A_656] : memref<4x96x32xf32, #tpu.memory_space<vmem>> -> memref<1x96x32xf32, #tpu.memory_space<vmem>>
      %dma_wait3A_658 = tpu.memref_squeeze %dma_wait3A_657 : memref<1x96x32xf32, #tpu.memory_space<vmem>> -> memref<96x32xf32, #tpu.memory_space<vmem>>
      %dma_wait3A_659 = arith.constant 0 : i32
      %dma_wait3A_660 = tpu.memref_slice %arg3[%dma_wait3A_653, %add3A_470, %dma_wait3A_659] : memref<4x320000x32xf32, #tpu.memory_space<hbm>> -> memref<1x96x32xf32, #tpu.memory_space<hbm>>
      %dma_wait3A_661 = tpu.memref_squeeze %dma_wait3A_660 : memref<1x96x32xf32, #tpu.memory_space<hbm>> -> memref<96x32xf32, #tpu.memory_space<hbm>>
      %dma_wait3A_662 = arith.constant 0 : i32
      %dma_wait3A_663 = arith.constant 0 : i32
      %dma_wait3A_664 = tpu.memref_slice %arg11[%dma_wait3A_654, %dma_wait3A_662, %dma_wait3A_663] : memref<4x96x32xf32, #tpu.memory_space<vmem>> -> memref<1x96x32xf32, #tpu.memory_space<vmem>>
      %dma_wait3A_665 = tpu.memref_squeeze %dma_wait3A_664 : memref<1x96x32xf32, #tpu.memory_space<vmem>> -> memref<96x32xf32, #tpu.memory_space<vmem>>
      %dma_wait3A_666 = arith.constant 0 : i32
      %dma_wait3A_667 = tpu.memref_slice %arg3[%dma_wait3A_653, %add3A_470, %dma_wait3A_666] : memref<4x320000x32xf32, #tpu.memory_space<hbm>> -> memref<1x96x32xf32, #tpu.memory_space<hbm>>
      %dma_wait3A_668 = tpu.memref_squeeze %dma_wait3A_667 : memref<1x96x32xf32, #tpu.memory_space<hbm>> -> memref<96x32xf32, #tpu.memory_space<hbm>>
      tpu.wait_dma2 semaphore(%arg14 : memref<!tpu.dma_semaphore, #tpu.memory_space<semaphore_mem>>) src(%dma_wait3A_668 : memref<96x32xf32, #tpu.memory_space<hbm>>) dst(%dma_wait3A_665 : memref<96x32xf32, #tpu.memory_space<vmem>>)
      %dma_wait3A_669 = arith.constant 1 : i32
      %dma_wait3A_670 = arith.constant 1 : i32
      %dma_wait3A_671 = arith.constant 0 : i32
      %dma_wait3A_672 = arith.constant 0 : i32
      %dma_wait3A_673 = tpu.memref_slice %arg10[%dma_wait3A_670, %dma_wait3A_671, %dma_wait3A_672] : memref<4x96x32xf32, #tpu.memory_space<vmem>> -> memref<1x96x32xf32, #tpu.memory_space<vmem>>
      %dma_wait3A_674 = tpu.memref_squeeze %dma_wait3A_673 : memref<1x96x32xf32, #tpu.memory_space<vmem>> -> memref<96x32xf32, #tpu.memory_space<vmem>>
      %dma_wait3A_675 = arith.constant 0 : i32
      %dma_wait3A_676 = tpu.memref_slice %arg2[%dma_wait3A_669, %add3A_470, %dma_wait3A_675] : memref<4x320000x32xf32, #tpu.memory_space<hbm>> -> memref<1x96x32xf32, #tpu.memory_space<hbm>>
      %dma_wait3A_677 = tpu.memref_squeeze %dma_wait3A_676 : memref<1x96x32xf32, #tpu.memory_space<hbm>> -> memref<96x32xf32, #tpu.memory_space<hbm>>
      %dma_wait3A_678 = arith.constant 0 : i32
      %dma_wait3A_679 = arith.constant 0 : i32
      %dma_wait3A_680 = tpu.memref_slice %arg10[%dma_wait3A_670, %dma_wait3A_678, %dma_wait3A_679] : memref<4x96x32xf32, #tpu.memory_space<vmem>> -> memref<1x96x32xf32, #tpu.memory_space<vmem>>
      %dma_wait3A_681 = tpu.memref_squeeze %dma_wait3A_680 : memref<1x96x32xf32, #tpu.memory_space<vmem>> -> memref<96x32xf32, #tpu.memory_space<vmem>>
      %dma_wait3A_682 = arith.constant 0 : i32
      %dma_wait3A_683 = tpu.memref_slice %arg2[%dma_wait3A_669, %add3A_470, %dma_wait3A_682] : memref<4x320000x32xf32, #tpu.memory_space<hbm>> -> memref<1x96x32xf32, #tpu.memory_space<hbm>>
      %dma_wait3A_684 = tpu.memref_squeeze %dma_wait3A_683 : memref<1x96x32xf32, #tpu.memory_space<hbm>> -> memref<96x32xf32, #tpu.memory_space<hbm>>
      tpu.wait_dma2 semaphore(%arg14 : memref<!tpu.dma_semaphore, #tpu.memory_space<semaphore_mem>>) src(%dma_wait3A_684 : memref<96x32xf32, #tpu.memory_space<hbm>>) dst(%dma_wait3A_681 : memref<96x32xf32, #tpu.memory_space<vmem>>)
      %dma_wait3A_685 = arith.constant 1 : i32
      %dma_wait3A_686 = arith.constant 1 : i32
      %dma_wait3A_687 = arith.constant 0 : i32
      %dma_wait3A_688 = arith.constant 0 : i32
      %dma_wait3A_689 = tpu.memref_slice %arg11[%dma_wait3A_686, %dma_wait3A_687, %dma_wait3A_688] : memref<4x96x32xf32, #tpu.memory_space<vmem>> -> memref<1x96x32xf32, #tpu.memory_space<vmem>>
      %dma_wait3A_690 = tpu.memref_squeeze %dma_wait3A_689 : memref<1x96x32xf32, #tpu.memory_space<vmem>> -> memref<96x32xf32, #tpu.memory_space<vmem>>
      %dma_wait3A_691 = arith.constant 0 : i32
      %dma_wait3A_692 = tpu.memref_slice %arg3[%dma_wait3A_685, %add3A_470, %dma_wait3A_691] : memref<4x320000x32xf32, #tpu.memory_space<hbm>> -> memref<1x96x32xf32, #tpu.memory_space<hbm>>
      %dma_wait3A_693 = tpu.memref_squeeze %dma_wait3A_692 : memref<1x96x32xf32, #tpu.memory_space<hbm>> -> memref<96x32xf32, #tpu.memory_space<hbm>>
      %dma_wait3A_694 = arith.constant 0 : i32
      %dma_wait3A_695 = arith.constant 0 : i32
      %dma_wait3A_696 = tpu.memref_slice %arg11[%dma_wait3A_686, %dma_wait3A_694, %dma_wait3A_695] : memref<4x96x32xf32, #tpu.memory_space<vmem>> -> memref<1x96x32xf32, #tpu.memory_space<vmem>>
      %dma_wait3A_697 = tpu.memref_squeeze %dma_wait3A_696 : memref<1x96x32xf32, #tpu.memory_space<vmem>> -> memref<96x32xf32, #tpu.memory_space<vmem>>
      %dma_wait3A_698 = arith.constant 0 : i32
      %dma_wait3A_699 = tpu.memref_slice %arg3[%dma_wait3A_685, %add3A_470, %dma_wait3A_698] : memref<4x320000x32xf32, #tpu.memory_space<hbm>> -> memref<1x96x32xf32, #tpu.memory_space<hbm>>
      %dma_wait3A_700 = tpu.memref_squeeze %dma_wait3A_699 : memref<1x96x32xf32, #tpu.memory_space<hbm>> -> memref<96x32xf32, #tpu.memory_space<hbm>>
      tpu.wait_dma2 semaphore(%arg14 : memref<!tpu.dma_semaphore, #tpu.memory_space<semaphore_mem>>) src(%dma_wait3A_700 : memref<96x32xf32, #tpu.memory_space<hbm>>) dst(%dma_wait3A_697 : memref<96x32xf32, #tpu.memory_space<vmem>>)
      %dma_wait3A_701 = arith.constant 2 : i32
      %dma_wait3A_702 = arith.constant 2 : i32
      %dma_wait3A_703 = arith.constant 0 : i32
      %dma_wait3A_704 = arith.constant 0 : i32
      %dma_wait3A_705 = tpu.memref_slice %arg10[%dma_wait3A_702, %dma_wait3A_703, %dma_wait3A_704] : memref<4x96x32xf32, #tpu.memory_space<vmem>> -> memref<1x96x32xf32, #tpu.memory_space<vmem>>
      %dma_wait3A_706 = tpu.memref_squeeze %dma_wait3A_705 : memref<1x96x32xf32, #tpu.memory_space<vmem>> -> memref<96x32xf32, #tpu.memory_space<vmem>>
      %dma_wait3A_707 = arith.constant 0 : i32
      %dma_wait3A_708 = tpu.memref_slice %arg2[%dma_wait3A_701, %add3A_470, %dma_wait3A_707] : memref<4x320000x32xf32, #tpu.memory_space<hbm>> -> memref<1x96x32xf32, #tpu.memory_space<hbm>>
      %dma_wait3A_709 = tpu.memref_squeeze %dma_wait3A_708 : memref<1x96x32xf32, #tpu.memory_space<hbm>> -> memref<96x32xf32, #tpu.memory_space<hbm>>
      %dma_wait3A_710 = arith.constant 0 : i32
      %dma_wait3A_711 = arith.constant 0 : i32
      %dma_wait3A_712 = tpu.memref_slice %arg10[%dma_wait3A_702, %dma_wait3A_710, %dma_wait3A_711] : memref<4x96x32xf32, #tpu.memory_space<vmem>> -> memref<1x96x32xf32, #tpu.memory_space<vmem>>
      %dma_wait3A_713 = tpu.memref_squeeze %dma_wait3A_712 : memref<1x96x32xf32, #tpu.memory_space<vmem>> -> memref<96x32xf32, #tpu.memory_space<vmem>>
      %dma_wait3A_714 = arith.constant 0 : i32
      %dma_wait3A_715 = tpu.memref_slice %arg2[%dma_wait3A_701, %add3A_470, %dma_wait3A_714] : memref<4x320000x32xf32, #tpu.memory_space<hbm>> -> memref<1x96x32xf32, #tpu.memory_space<hbm>>
      %dma_wait3A_716 = tpu.memref_squeeze %dma_wait3A_715 : memref<1x96x32xf32, #tpu.memory_space<hbm>> -> memref<96x32xf32, #tpu.memory_space<hbm>>
      tpu.wait_dma2 semaphore(%arg14 : memref<!tpu.dma_semaphore, #tpu.memory_space<semaphore_mem>>) src(%dma_wait3A_716 : memref<96x32xf32, #tpu.memory_space<hbm>>) dst(%dma_wait3A_713 : memref<96x32xf32, #tpu.memory_space<vmem>>)
      %dma_wait3A_717 = arith.constant 2 : i32
      %dma_wait3A_718 = arith.constant 2 : i32
      %dma_wait3A_719 = arith.constant 0 : i32
      %dma_wait3A_720 = arith.constant 0 : i32
      %dma_wait3A_721 = tpu.memref_slice %arg11[%dma_wait3A_718, %dma_wait3A_719, %dma_wait3A_720] : memref<4x96x32xf32, #tpu.memory_space<vmem>> -> memref<1x96x32xf32, #tpu.memory_space<vmem>>
      %dma_wait3A_722 = tpu.memref_squeeze %dma_wait3A_721 : memref<1x96x32xf32, #tpu.memory_space<vmem>> -> memref<96x32xf32, #tpu.memory_space<vmem>>
      %dma_wait3A_723 = arith.constant 0 : i32
      %dma_wait3A_724 = tpu.memref_slice %arg3[%dma_wait3A_717, %add3A_470, %dma_wait3A_723] : memref<4x320000x32xf32, #tpu.memory_space<hbm>> -> memref<1x96x32xf32, #tpu.memory_space<hbm>>
      %dma_wait3A_725 = tpu.memref_squeeze %dma_wait3A_724 : memref<1x96x32xf32, #tpu.memory_space<hbm>> -> memref<96x32xf32, #tpu.memory_space<hbm>>
      %dma_wait3A_726 = arith.constant 0 : i32
      %dma_wait3A_727 = arith.constant 0 : i32
      %dma_wait3A_728 = tpu.memref_slice %arg11[%dma_wait3A_718, %dma_wait3A_726, %dma_wait3A_727] : memref<4x96x32xf32, #tpu.memory_space<vmem>> -> memref<1x96x32xf32, #tpu.memory_space<vmem>>
      %dma_wait3A_729 = tpu.memref_squeeze %dma_wait3A_728 : memref<1x96x32xf32, #tpu.memory_space<vmem>> -> memref<96x32xf32, #tpu.memory_space<vmem>>
      %dma_wait3A_730 = arith.constant 0 : i32
      %dma_wait3A_731 = tpu.memref_slice %arg3[%dma_wait3A_717, %add3A_470, %dma_wait3A_730] : memref<4x320000x32xf32, #tpu.memory_space<hbm>> -> memref<1x96x32xf32, #tpu.memory_space<hbm>>
      %dma_wait3A_732 = tpu.memref_squeeze %dma_wait3A_731 : memref<1x96x32xf32, #tpu.memory_space<hbm>> -> memref<96x32xf32, #tpu.memory_space<hbm>>
      tpu.wait_dma2 semaphore(%arg14 : memref<!tpu.dma_semaphore, #tpu.memory_space<semaphore_mem>>) src(%dma_wait3A_732 : memref<96x32xf32, #tpu.memory_space<hbm>>) dst(%dma_wait3A_729 : memref<96x32xf32, #tpu.memory_space<vmem>>)
      %dma_wait3A_733 = arith.constant 3 : i32
      %dma_wait3A_734 = arith.constant 3 : i32
      %dma_wait3A_735 = arith.constant 0 : i32
      %dma_wait3A_736 = arith.constant 0 : i32
      %dma_wait3A_737 = tpu.memref_slice %arg10[%dma_wait3A_734, %dma_wait3A_735, %dma_wait3A_736] : memref<4x96x32xf32, #tpu.memory_space<vmem>> -> memref<1x96x32xf32, #tpu.memory_space<vmem>>
      %dma_wait3A_738 = tpu.memref_squeeze %dma_wait3A_737 : memref<1x96x32xf32, #tpu.memory_space<vmem>> -> memref<96x32xf32, #tpu.memory_space<vmem>>
      %dma_wait3A_739 = arith.constant 0 : i32
      %dma_wait3A_740 = tpu.memref_slice %arg2[%dma_wait3A_733, %add3A_470, %dma_wait3A_739] : memref<4x320000x32xf32, #tpu.memory_space<hbm>> -> memref<1x96x32xf32, #tpu.memory_space<hbm>>
      %dma_wait3A_741 = tpu.memref_squeeze %dma_wait3A_740 : memref<1x96x32xf32, #tpu.memory_space<hbm>> -> memref<96x32xf32, #tpu.memory_space<hbm>>
      %dma_wait3A_742 = arith.constant 0 : i32
      %dma_wait3A_743 = arith.constant 0 : i32
      %dma_wait3A_744 = tpu.memref_slice %arg10[%dma_wait3A_734, %dma_wait3A_742, %dma_wait3A_743] : memref<4x96x32xf32, #tpu.memory_space<vmem>> -> memref<1x96x32xf32, #tpu.memory_space<vmem>>
      %dma_wait3A_745 = tpu.memref_squeeze %dma_wait3A_744 : memref<1x96x32xf32, #tpu.memory_space<vmem>> -> memref<96x32xf32, #tpu.memory_space<vmem>>
      %dma_wait3A_746 = arith.constant 0 : i32
      %dma_wait3A_747 = tpu.memref_slice %arg2[%dma_wait3A_733, %add3A_470, %dma_wait3A_746] : memref<4x320000x32xf32, #tpu.memory_space<hbm>> -> memref<1x96x32xf32, #tpu.memory_space<hbm>>
      %dma_wait3A_748 = tpu.memref_squeeze %dma_wait3A_747 : memref<1x96x32xf32, #tpu.memory_space<hbm>> -> memref<96x32xf32, #tpu.memory_space<hbm>>
      tpu.wait_dma2 semaphore(%arg14 : memref<!tpu.dma_semaphore, #tpu.memory_space<semaphore_mem>>) src(%dma_wait3A_748 : memref<96x32xf32, #tpu.memory_space<hbm>>) dst(%dma_wait3A_745 : memref<96x32xf32, #tpu.memory_space<vmem>>)
      %dma_wait3A_749 = arith.constant 3 : i32
      %dma_wait3A_750 = arith.constant 3 : i32
      %dma_wait3A_751 = arith.constant 0 : i32
      %dma_wait3A_752 = arith.constant 0 : i32
      %dma_wait3A_753 = tpu.memref_slice %arg11[%dma_wait3A_750, %dma_wait3A_751, %dma_wait3A_752] : memref<4x96x32xf32, #tpu.memory_space<vmem>> -> memref<1x96x32xf32, #tpu.memory_space<vmem>>
      %dma_wait3A_754 = tpu.memref_squeeze %dma_wait3A_753 : memref<1x96x32xf32, #tpu.memory_space<vmem>> -> memref<96x32xf32, #tpu.memory_space<vmem>>
      %dma_wait3A_755 = arith.constant 0 : i32
      %dma_wait3A_756 = tpu.memref_slice %arg3[%dma_wait3A_749, %add3A_470, %dma_wait3A_755] : memref<4x320000x32xf32, #tpu.memory_space<hbm>> -> memref<1x96x32xf32, #tpu.memory_space<hbm>>
      %dma_wait3A_757 = tpu.memref_squeeze %dma_wait3A_756 : memref<1x96x32xf32, #tpu.memory_space<hbm>> -> memref<96x32xf32, #tpu.memory_space<hbm>>
      %dma_wait3A_758 = arith.constant 0 : i32
      %dma_wait3A_759 = arith.constant 0 : i32
      %dma_wait3A_760 = tpu.memref_slice %arg11[%dma_wait3A_750, %dma_wait3A_758, %dma_wait3A_759] : memref<4x96x32xf32, #tpu.memory_space<vmem>> -> memref<1x96x32xf32, #tpu.memory_space<vmem>>
      %dma_wait3A_761 = tpu.memref_squeeze %dma_wait3A_760 : memref<1x96x32xf32, #tpu.memory_space<vmem>> -> memref<96x32xf32, #tpu.memory_space<vmem>>
      %dma_wait3A_762 = arith.constant 0 : i32
      %dma_wait3A_763 = tpu.memref_slice %arg3[%dma_wait3A_749, %add3A_470, %dma_wait3A_762] : memref<4x320000x32xf32, #tpu.memory_space<hbm>> -> memref<1x96x32xf32, #tpu.memory_space<hbm>>
      %dma_wait3A_764 = tpu.memref_squeeze %dma_wait3A_763 : memref<1x96x32xf32, #tpu.memory_space<hbm>> -> memref<96x32xf32, #tpu.memory_space<hbm>>
      tpu.wait_dma2 semaphore(%arg14 : memref<!tpu.dma_semaphore, #tpu.memory_space<semaphore_mem>>) src(%dma_wait3A_764 : memref<96x32xf32, #tpu.memory_space<hbm>>) dst(%dma_wait3A_761 : memref<96x32xf32, #tpu.memory_space<vmem>>)
      %parallel_loop3A_765 = arith.constant 0 : i32
      %parallel_loop3A_766 = arith.constant 96 : i32
      %parallel_loop3A_767 = arith.constant 1 : i32
      scf.for %parallel_loop3A_1073 = %parallel_loop3A_765 to %parallel_loop3A_766 step %parallel_loop3A_767  : i32 {
        %parallel_loop3A_1074 = arith.constant 0 : i32
        %parallel_loop3A_1075 = arith.index_cast %parallel_loop3A_1074 : i32 to index
        %parallel_loop3A_1076 = arith.index_cast %parallel_loop3A_1073 : i32 to index
        %parallel_loop3A_1077 = arith.constant 0 : index
        %parallel_loop3A_1078 = tpu.vector_load %arg10[%parallel_loop3A_1075, %parallel_loop3A_1076, %parallel_loop3A_1077] {strides = array<i32>} : memref<4x96x32xf32, #tpu.memory_space<vmem>>, vector<1x1x16xf32>,
        %parallel_loop3A_1079 = vector.shape_cast %parallel_loop3A_1078 : vector<1x1x16xf32> to vector<16xf32>
        %parallel_loop3A_1080 = arith.index_cast %parallel_loop3A_1073 : i32 to index
        %parallel_loop3A_1081 = arith.constant 0 : index
        %parallel_loop3A_1082 = tpu.vector_load %arg9[%parallel_loop3A_1080, %parallel_loop3A_1081] {strides = array<i32>} : memref<96x128xf32, #tpu.memory_space<vmem>>, vector<1x16xf32>,
        %parallel_loop3A_1083 = vector.shape_cast %parallel_loop3A_1082 : vector<1x16xf32> to vector<16xf32>
        %parallel_loop3A_1084 = arith.mulf %parallel_loop3A_1079, %parallel_loop3A_1083 : vector<16xf32>
        %parallel_loop3A_1085 = arith.mulf %get3A_86, %parallel_loop3A_1084 : vector<16xf32>
        %parallel_loop3A_1086 = arith.addf %parallel_loop3A_1085, %get3A_126 : vector<16xf32>
        %parallel_loop3A_1087 = arith.constant 0.000000e+00 : f32
        %parallel_loop3A_1088 = vector.broadcast %parallel_loop3A_1087 : f32 to vector<16xf32>
        %parallel_loop3A_1089 = arith.maximumf %parallel_loop3A_1086, %parallel_loop3A_1088 : vector<16xf32>
        %parallel_loop3A_1090 = arith.constant 0 : i32
        %parallel_loop3A_1091 = arith.index_cast %parallel_loop3A_1090 : i32 to index
        %parallel_loop3A_1092 = arith.index_cast %parallel_loop3A_1073 : i32 to index
        %parallel_loop3A_1093 = arith.constant 0 : index
        %parallel_loop3A_1094 = tpu.vector_load %arg11[%parallel_loop3A_1091, %parallel_loop3A_1092, %parallel_loop3A_1093] {strides = array<i32>} : memref<4x96x32xf32, #tpu.memory_space<vmem>>, vector<1x1x16xf32>,
        %parallel_loop3A_1095 = vector.shape_cast %parallel_loop3A_1094 : vector<1x1x16xf32> to vector<16xf32>
        %parallel_loop3A_1096 = arith.mulf %get3A_6, %parallel_loop3A_1095 : vector<16xf32>
        %parallel_loop3A_1097 = arith.addf %parallel_loop3A_1089, %parallel_loop3A_1096 : vector<16xf32>
        %parallel_loop3A_1098 = arith.addf %parallel_loop3A_1097, %get3A_46 : vector<16xf32>
        %parallel_loop3A_1099 = arith.index_cast %parallel_loop3A_1073 : i32 to index
        %parallel_loop3A_1100 = arith.constant 0 : index
        %parallel_loop3A_1101 = tpu.vector_load %arg12[%parallel_loop3A_1099, %parallel_loop3A_1100] {strides = array<i32>} : memref<96x128xf32, #tpu.memory_space<vmem>>, vector<1x16xf32>,
        %parallel_loop3A_1102 = vector.shape_cast %parallel_loop3A_1101 : vector<1x16xf32> to vector<16xf32>
        %parallel_loop3A_1103 = vector.shape_cast %parallel_loop3A_1098 : vector<16xf32> to vector<1x16xf32>
        tpu.vector_store %arg12[%parallel_loop3A_1099, %parallel_loop3A_1100], %parallel_loop3A_1103 {strides = array<i32>} : memref<96x128xf32, #tpu.memory_space<vmem>>, vector<1x16xf32>,
        %parallel_loop3A_1104 = arith.constant 0 : i32
        %parallel_loop3A_1105 = arith.index_cast %parallel_loop3A_1104 : i32 to index
        %parallel_loop3A_1106 = arith.index_cast %parallel_loop3A_1073 : i32 to index
        %parallel_loop3A_1107 = arith.constant 16 : index
        %parallel_loop3A_1108 = tpu.vector_load %arg10[%parallel_loop3A_1105, %parallel_loop3A_1106, %parallel_loop3A_1107] {strides = array<i32>} : memref<4x96x32xf32, #tpu.memory_space<vmem>>, vector<1x1x16xf32>,
        %parallel_loop3A_1109 = vector.shape_cast %parallel_loop3A_1108 : vector<1x1x16xf32> to vector<16xf32>
        %parallel_loop3A_1110 = arith.index_cast %parallel_loop3A_1073 : i32 to index
        %parallel_loop3A_1111 = arith.constant 16 : index
        %parallel_loop3A_1112 = tpu.vector_load %arg9[%parallel_loop3A_1110, %parallel_loop3A_1111] {strides = array<i32>} : memref<96x128xf32, #tpu.memory_space<vmem>>, vector<1x16xf32>,
        %parallel_loop3A_1113 = vector.shape_cast %parallel_loop3A_1112 : vector<1x16xf32> to vector<16xf32>
        %parallel_loop3A_1114 = arith.mulf %parallel_loop3A_1109, %parallel_loop3A_1113 : vector<16xf32>
        %parallel_loop3A_1115 = arith.mulf %get3A_91, %parallel_loop3A_1114 : vector<16xf32>
        %parallel_loop3A_1116 = arith.addf %parallel_loop3A_1115, %get3A_131 : vector<16xf32>
        %parallel_loop3A_1117 = arith.constant 0.000000e+00 : f32
        %parallel_loop3A_1118 = vector.broadcast %parallel_loop3A_1117 : f32 to vector<16xf32>
        %parallel_loop3A_1119 = arith.maximumf %parallel_loop3A_1116, %parallel_loop3A_1118 : vector<16xf32>
        %parallel_loop3A_1120 = arith.constant 0 : i32
        %parallel_loop3A_1121 = arith.index_cast %parallel_loop3A_1120 : i32 to index
        %parallel_loop3A_1122 = arith.index_cast %parallel_loop3A_1073 : i32 to index
        %parallel_loop3A_1123 = arith.constant 16 : index
        %parallel_loop3A_1124 = tpu.vector_load %arg11[%parallel_loop3A_1121, %parallel_loop3A_1122, %parallel_loop3A_1123] {strides = array<i32>} : memref<4x96x32xf32, #tpu.memory_space<vmem>>, vector<1x1x16xf32>,
        %parallel_loop3A_1125 = vector.shape_cast %parallel_loop3A_1124 : vector<1x1x16xf32> to vector<16xf32>
        %parallel_loop3A_1126 = arith.mulf %get3A_11, %parallel_loop3A_1125 : vector<16xf32>
        %parallel_loop3A_1127 = arith.addf %parallel_loop3A_1119, %parallel_loop3A_1126 : vector<16xf32>
        %parallel_loop3A_1128 = arith.addf %parallel_loop3A_1127, %get3A_51 : vector<16xf32>
        %parallel_loop3A_1129 = arith.index_cast %parallel_loop3A_1073 : i32 to index
        %parallel_loop3A_1130 = arith.constant 16 : index
        %parallel_loop3A_1131 = tpu.vector_load %arg12[%parallel_loop3A_1129, %parallel_loop3A_1130] {strides = array<i32>} : memref<96x128xf32, #tpu.memory_space<vmem>>, vector<1x16xf32>,
        %parallel_loop3A_1132 = vector.shape_cast %parallel_loop3A_1131 : vector<1x16xf32> to vector<16xf32>
        %parallel_loop3A_1133 = vector.shape_cast %parallel_loop3A_1128 : vector<16xf32> to vector<1x16xf32>
        tpu.vector_store %arg12[%parallel_loop3A_1129, %parallel_loop3A_1130], %parallel_loop3A_1133 {strides = array<i32>} : memref<96x128xf32, #tpu.memory_space<vmem>>, vector<1x16xf32>,
        %parallel_loop3A_1134 = arith.constant 1 : i32
        %parallel_loop3A_1135 = arith.index_cast %parallel_loop3A_1134 : i32 to index
        %parallel_loop3A_1136 = arith.index_cast %parallel_loop3A_1073 : i32 to index
        %parallel_loop3A_1137 = arith.constant 0 : index
        %parallel_loop3A_1138 = tpu.vector_load %arg10[%parallel_loop3A_1135, %parallel_loop3A_1136, %parallel_loop3A_1137] {strides = array<i32>} : memref<4x96x32xf32, #tpu.memory_space<vmem>>, vector<1x1x16xf32>,
        %parallel_loop3A_1139 = vector.shape_cast %parallel_loop3A_1138 : vector<1x1x16xf32> to vector<16xf32>
        %parallel_loop3A_1140 = arith.index_cast %parallel_loop3A_1073 : i32 to index
        %parallel_loop3A_1141 = arith.constant 32 : index
        %parallel_loop3A_1142 = tpu.vector_load %arg9[%parallel_loop3A_1140, %parallel_loop3A_1141] {strides = array<i32>} : memref<96x128xf32, #tpu.memory_space<vmem>>, vector<1x16xf32>,
        %parallel_loop3A_1143 = vector.shape_cast %parallel_loop3A_1142 : vector<1x16xf32> to vector<16xf32>
        %parallel_loop3A_1144 = arith.mulf %parallel_loop3A_1139, %parallel_loop3A_1143 : vector<16xf32>
        %parallel_loop3A_1145 = arith.mulf %get3A_96, %parallel_loop3A_1144 : vector<16xf32>
        %parallel_loop3A_1146 = arith.addf %parallel_loop3A_1145, %get3A_136 : vector<16xf32>
        %parallel_loop3A_1147 = arith.constant 0.000000e+00 : f32
        %parallel_loop3A_1148 = vector.broadcast %parallel_loop3A_1147 : f32 to vector<16xf32>
        %parallel_loop3A_1149 = arith.maximumf %parallel_loop3A_1146, %parallel_loop3A_1148 : vector<16xf32>
        %parallel_loop3A_1150 = arith.constant 1 : i32
        %parallel_loop3A_1151 = arith.index_cast %parallel_loop3A_1150 : i32 to index
        %parallel_loop3A_1152 = arith.index_cast %parallel_loop3A_1073 : i32 to index
        %parallel_loop3A_1153 = arith.constant 0 : index
        %parallel_loop3A_1154 = tpu.vector_load %arg11[%parallel_loop3A_1151, %parallel_loop3A_1152, %parallel_loop3A_1153] {strides = array<i32>} : memref<4x96x32xf32, #tpu.memory_space<vmem>>, vector<1x1x16xf32>,
        %parallel_loop3A_1155 = vector.shape_cast %parallel_loop3A_1154 : vector<1x1x16xf32> to vector<16xf32>
        %parallel_loop3A_1156 = arith.mulf %get3A_16, %parallel_loop3A_1155 : vector<16xf32>
        %parallel_loop3A_1157 = arith.addf %parallel_loop3A_1149, %parallel_loop3A_1156 : vector<16xf32>
        %parallel_loop3A_1158 = arith.addf %parallel_loop3A_1157, %get3A_56 : vector<16xf32>
        %parallel_loop3A_1159 = arith.index_cast %parallel_loop3A_1073 : i32 to index
        %parallel_loop3A_1160 = arith.constant 32 : index
        %parallel_loop3A_1161 = tpu.vector_load %arg12[%parallel_loop3A_1159, %parallel_loop3A_1160] {strides = array<i32>} : memref<96x128xf32, #tpu.memory_space<vmem>>, vector<1x16xf32>,
        %parallel_loop3A_1162 = vector.shape_cast %parallel_loop3A_1161 : vector<1x16xf32> to vector<16xf32>
        %parallel_loop3A_1163 = vector.shape_cast %parallel_loop3A_1158 : vector<16xf32> to vector<1x16xf32>
        tpu.vector_store %arg12[%parallel_loop3A_1159, %parallel_loop3A_1160], %parallel_loop3A_1163 {strides = array<i32>} : memref<96x128xf32, #tpu.memory_space<vmem>>, vector<1x16xf32>,
        %parallel_loop3A_1164 = arith.constant 1 : i32
        %parallel_loop3A_1165 = arith.index_cast %parallel_loop3A_1164 : i32 to index
        %parallel_loop3A_1166 = arith.index_cast %parallel_loop3A_1073 : i32 to index
        %parallel_loop3A_1167 = arith.constant 16 : index
        %parallel_loop3A_1168 = tpu.vector_load %arg10[%parallel_loop3A_1165, %parallel_loop3A_1166, %parallel_loop3A_1167] {strides = array<i32>} : memref<4x96x32xf32, #tpu.memory_space<vmem>>, vector<1x1x16xf32>,
        %parallel_loop3A_1169 = vector.shape_cast %parallel_loop3A_1168 : vector<1x1x16xf32> to vector<16xf32>
        %parallel_loop3A_1170 = arith.index_cast %parallel_loop3A_1073 : i32 to index
        %parallel_loop3A_1171 = arith.constant 48 : index
        %parallel_loop3A_1172 = tpu.vector_load %arg9[%parallel_loop3A_1170, %parallel_loop3A_1171] {strides = array<i32>} : memref<96x128xf32, #tpu.memory_space<vmem>>, vector<1x16xf32>,
        %parallel_loop3A_1173 = vector.shape_cast %parallel_loop3A_1172 : vector<1x16xf32> to vector<16xf32>
        %parallel_loop3A_1174 = arith.mulf %parallel_loop3A_1169, %parallel_loop3A_1173 : vector<16xf32>
        %parallel_loop3A_1175 = arith.mulf %get3A_101, %parallel_loop3A_1174 : vector<16xf32>
        %parallel_loop3A_1176 = arith.addf %parallel_loop3A_1175, %get3A_141 : vector<16xf32>
        %parallel_loop3A_1177 = arith.constant 0.000000e+00 : f32
        %parallel_loop3A_1178 = vector.broadcast %parallel_loop3A_1177 : f32 to vector<16xf32>
        %parallel_loop3A_1179 = arith.maximumf %parallel_loop3A_1176, %parallel_loop3A_1178 : vector<16xf32>
        %parallel_loop3A_1180 = arith.constant 1 : i32
        %parallel_loop3A_1181 = arith.index_cast %parallel_loop3A_1180 : i32 to index
        %parallel_loop3A_1182 = arith.index_cast %parallel_loop3A_1073 : i32 to index
        %parallel_loop3A_1183 = arith.constant 16 : index
        %parallel_loop3A_1184 = tpu.vector_load %arg11[%parallel_loop3A_1181, %parallel_loop3A_1182, %parallel_loop3A_1183] {strides = array<i32>} : memref<4x96x32xf32, #tpu.memory_space<vmem>>, vector<1x1x16xf32>,
        %parallel_loop3A_1185 = vector.shape_cast %parallel_loop3A_1184 : vector<1x1x16xf32> to vector<16xf32>
        %parallel_loop3A_1186 = arith.mulf %get3A_21, %parallel_loop3A_1185 : vector<16xf32>
        %parallel_loop3A_1187 = arith.addf %parallel_loop3A_1179, %parallel_loop3A_1186 : vector<16xf32>
        %parallel_loop3A_1188 = arith.addf %parallel_loop3A_1187, %get3A_61 : vector<16xf32>
        %parallel_loop3A_1189 = arith.index_cast %parallel_loop3A_1073 : i32 to index
        %parallel_loop3A_1190 = arith.constant 48 : index
        %parallel_loop3A_1191 = tpu.vector_load %arg12[%parallel_loop3A_1189, %parallel_loop3A_1190] {strides = array<i32>} : memref<96x128xf32, #tpu.memory_space<vmem>>, vector<1x16xf32>,
        %parallel_loop3A_1192 = vector.shape_cast %parallel_loop3A_1191 : vector<1x16xf32> to vector<16xf32>
        %parallel_loop3A_1193 = vector.shape_cast %parallel_loop3A_1188 : vector<16xf32> to vector<1x16xf32>
        tpu.vector_store %arg12[%parallel_loop3A_1189, %parallel_loop3A_1190], %parallel_loop3A_1193 {strides = array<i32>} : memref<96x128xf32, #tpu.memory_space<vmem>>, vector<1x16xf32>,
        %parallel_loop3A_1194 = arith.constant 2 : i32
        %parallel_loop3A_1195 = arith.index_cast %parallel_loop3A_1194 : i32 to index
        %parallel_loop3A_1196 = arith.index_cast %parallel_loop3A_1073 : i32 to index
        %parallel_loop3A_1197 = arith.constant 0 : index
        %parallel_loop3A_1198 = tpu.vector_load %arg10[%parallel_loop3A_1195, %parallel_loop3A_1196, %parallel_loop3A_1197] {strides = array<i32>} : memref<4x96x32xf32, #tpu.memory_space<vmem>>, vector<1x1x16xf32>,
        %parallel_loop3A_1199 = vector.shape_cast %parallel_loop3A_1198 : vector<1x1x16xf32> to vector<16xf32>
        %parallel_loop3A_1200 = arith.index_cast %parallel_loop3A_1073 : i32 to index
        %parallel_loop3A_1201 = arith.constant 64 : index
        %parallel_loop3A_1202 = tpu.vector_load %arg9[%parallel_loop3A_1200, %parallel_loop3A_1201] {strides = array<i32>} : memref<96x128xf32, #tpu.memory_space<vmem>>, vector<1x16xf32>,
        %parallel_loop3A_1203 = vector.shape_cast %parallel_loop3A_1202 : vector<1x16xf32> to vector<16xf32>
        %parallel_loop3A_1204 = arith.mulf %parallel_loop3A_1199, %parallel_loop3A_1203 : vector<16xf32>
        %parallel_loop3A_1205 = arith.mulf %get3A_106, %parallel_loop3A_1204 : vector<16xf32>
        %parallel_loop3A_1206 = arith.addf %parallel_loop3A_1205, %get3A_146 : vector<16xf32>
        %parallel_loop3A_1207 = arith.constant 0.000000e+00 : f32
        %parallel_loop3A_1208 = vector.broadcast %parallel_loop3A_1207 : f32 to vector<16xf32>
        %parallel_loop3A_1209 = arith.maximumf %parallel_loop3A_1206, %parallel_loop3A_1208 : vector<16xf32>
        %parallel_loop3A_1210 = arith.constant 2 : i32
        %parallel_loop3A_1211 = arith.index_cast %parallel_loop3A_1210 : i32 to index
        %parallel_loop3A_1212 = arith.index_cast %parallel_loop3A_1073 : i32 to index
        %parallel_loop3A_1213 = arith.constant 0 : index
        %parallel_loop3A_1214 = tpu.vector_load %arg11[%parallel_loop3A_1211, %parallel_loop3A_1212, %parallel_loop3A_1213] {strides = array<i32>} : memref<4x96x32xf32, #tpu.memory_space<vmem>>, vector<1x1x16xf32>,
        %parallel_loop3A_1215 = vector.shape_cast %parallel_loop3A_1214 : vector<1x1x16xf32> to vector<16xf32>
        %parallel_loop3A_1216 = arith.mulf %get3A_26, %parallel_loop3A_1215 : vector<16xf32>
        %parallel_loop3A_1217 = arith.addf %parallel_loop3A_1209, %parallel_loop3A_1216 : vector<16xf32>
        %parallel_loop3A_1218 = arith.addf %parallel_loop3A_1217, %get3A_66 : vector<16xf32>
        %parallel_loop3A_1219 = arith.index_cast %parallel_loop3A_1073 : i32 to index
        %parallel_loop3A_1220 = arith.constant 64 : index
        %parallel_loop3A_1221 = tpu.vector_load %arg12[%parallel_loop3A_1219, %parallel_loop3A_1220] {strides = array<i32>} : memref<96x128xf32, #tpu.memory_space<vmem>>, vector<1x16xf32>,
        %parallel_loop3A_1222 = vector.shape_cast %parallel_loop3A_1221 : vector<1x16xf32> to vector<16xf32>
        %parallel_loop3A_1223 = vector.shape_cast %parallel_loop3A_1218 : vector<16xf32> to vector<1x16xf32>
        tpu.vector_store %arg12[%parallel_loop3A_1219, %parallel_loop3A_1220], %parallel_loop3A_1223 {strides = array<i32>} : memref<96x128xf32, #tpu.memory_space<vmem>>, vector<1x16xf32>,
        %parallel_loop3A_1224 = arith.constant 2 : i32
        %parallel_loop3A_1225 = arith.index_cast %parallel_loop3A_1224 : i32 to index
        %parallel_loop3A_1226 = arith.index_cast %parallel_loop3A_1073 : i32 to index
        %parallel_loop3A_1227 = arith.constant 16 : index
        %parallel_loop3A_1228 = tpu.vector_load %arg10[%parallel_loop3A_1225, %parallel_loop3A_1226, %parallel_loop3A_1227] {strides = array<i32>} : memref<4x96x32xf32, #tpu.memory_space<vmem>>, vector<1x1x16xf32>,
        %parallel_loop3A_1229 = vector.shape_cast %parallel_loop3A_1228 : vector<1x1x16xf32> to vector<16xf32>
        %parallel_loop3A_1230 = arith.index_cast %parallel_loop3A_1073 : i32 to index
        %parallel_loop3A_1231 = arith.constant 80 : index
        %parallel_loop3A_1232 = tpu.vector_load %arg9[%parallel_loop3A_1230, %parallel_loop3A_1231] {strides = array<i32>} : memref<96x128xf32, #tpu.memory_space<vmem>>, vector<1x16xf32>,
        %parallel_loop3A_1233 = vector.shape_cast %parallel_loop3A_1232 : vector<1x16xf32> to vector<16xf32>
        %parallel_loop3A_1234 = arith.mulf %parallel_loop3A_1229, %parallel_loop3A_1233 : vector<16xf32>
        %parallel_loop3A_1235 = arith.mulf %get3A_111, %parallel_loop3A_1234 : vector<16xf32>
        %parallel_loop3A_1236 = arith.addf %parallel_loop3A_1235, %get3A_151 : vector<16xf32>
        %parallel_loop3A_1237 = arith.constant 0.000000e+00 : f32
        %parallel_loop3A_1238 = vector.broadcast %parallel_loop3A_1237 : f32 to vector<16xf32>
        %parallel_loop3A_1239 = arith.maximumf %parallel_loop3A_1236, %parallel_loop3A_1238 : vector<16xf32>
        %parallel_loop3A_1240 = arith.constant 2 : i32
        %parallel_loop3A_1241 = arith.index_cast %parallel_loop3A_1240 : i32 to index
        %parallel_loop3A_1242 = arith.index_cast %parallel_loop3A_1073 : i32 to index
        %parallel_loop3A_1243 = arith.constant 16 : index
        %parallel_loop3A_1244 = tpu.vector_load %arg11[%parallel_loop3A_1241, %parallel_loop3A_1242, %parallel_loop3A_1243] {strides = array<i32>} : memref<4x96x32xf32, #tpu.memory_space<vmem>>, vector<1x1x16xf32>,
        %parallel_loop3A_1245 = vector.shape_cast %parallel_loop3A_1244 : vector<1x1x16xf32> to vector<16xf32>
        %parallel_loop3A_1246 = arith.mulf %get3A_31, %parallel_loop3A_1245 : vector<16xf32>
        %parallel_loop3A_1247 = arith.addf %parallel_loop3A_1239, %parallel_loop3A_1246 : vector<16xf32>
        %parallel_loop3A_1248 = arith.addf %parallel_loop3A_1247, %get3A_71 : vector<16xf32>
        %parallel_loop3A_1249 = arith.index_cast %parallel_loop3A_1073 : i32 to index
        %parallel_loop3A_1250 = arith.constant 80 : index
        %parallel_loop3A_1251 = tpu.vector_load %arg12[%parallel_loop3A_1249, %parallel_loop3A_1250] {strides = array<i32>} : memref<96x128xf32, #tpu.memory_space<vmem>>, vector<1x16xf32>,
        %parallel_loop3A_1252 = vector.shape_cast %parallel_loop3A_1251 : vector<1x16xf32> to vector<16xf32>
        %parallel_loop3A_1253 = vector.shape_cast %parallel_loop3A_1248 : vector<16xf32> to vector<1x16xf32>
        tpu.vector_store %arg12[%parallel_loop3A_1249, %parallel_loop3A_1250], %parallel_loop3A_1253 {strides = array<i32>} : memref<96x128xf32, #tpu.memory_space<vmem>>, vector<1x16xf32>,
        %parallel_loop3A_1254 = arith.constant 3 : i32
        %parallel_loop3A_1255 = arith.index_cast %parallel_loop3A_1254 : i32 to index
        %parallel_loop3A_1256 = arith.index_cast %parallel_loop3A_1073 : i32 to index
        %parallel_loop3A_1257 = arith.constant 0 : index
        %parallel_loop3A_1258 = tpu.vector_load %arg10[%parallel_loop3A_1255, %parallel_loop3A_1256, %parallel_loop3A_1257] {strides = array<i32>} : memref<4x96x32xf32, #tpu.memory_space<vmem>>, vector<1x1x16xf32>,
        %parallel_loop3A_1259 = vector.shape_cast %parallel_loop3A_1258 : vector<1x1x16xf32> to vector<16xf32>
        %parallel_loop3A_1260 = arith.index_cast %parallel_loop3A_1073 : i32 to index
        %parallel_loop3A_1261 = arith.constant 96 : index
        %parallel_loop3A_1262 = tpu.vector_load %arg9[%parallel_loop3A_1260, %parallel_loop3A_1261] {strides = array<i32>} : memref<96x128xf32, #tpu.memory_space<vmem>>, vector<1x16xf32>,
        %parallel_loop3A_1263 = vector.shape_cast %parallel_loop3A_1262 : vector<1x16xf32> to vector<16xf32>
        %parallel_loop3A_1264 = arith.mulf %parallel_loop3A_1259, %parallel_loop3A_1263 : vector<16xf32>
        %parallel_loop3A_1265 = arith.mulf %get3A_116, %parallel_loop3A_1264 : vector<16xf32>
        %parallel_loop3A_1266 = arith.addf %parallel_loop3A_1265, %get3A_156 : vector<16xf32>
        %parallel_loop3A_1267 = arith.constant 0.000000e+00 : f32
        %parallel_loop3A_1268 = vector.broadcast %parallel_loop3A_1267 : f32 to vector<16xf32>
        %parallel_loop3A_1269 = arith.maximumf %parallel_loop3A_1266, %parallel_loop3A_1268 : vector<16xf32>
        %parallel_loop3A_1270 = arith.constant 3 : i32
        %parallel_loop3A_1271 = arith.index_cast %parallel_loop3A_1270 : i32 to index
        %parallel_loop3A_1272 = arith.index_cast %parallel_loop3A_1073 : i32 to index
        %parallel_loop3A_1273 = arith.constant 0 : index
        %parallel_loop3A_1274 = tpu.vector_load %arg11[%parallel_loop3A_1271, %parallel_loop3A_1272, %parallel_loop3A_1273] {strides = array<i32>} : memref<4x96x32xf32, #tpu.memory_space<vmem>>, vector<1x1x16xf32>,
        %parallel_loop3A_1275 = vector.shape_cast %parallel_loop3A_1274 : vector<1x1x16xf32> to vector<16xf32>
        %parallel_loop3A_1276 = arith.mulf %get3A_36, %parallel_loop3A_1275 : vector<16xf32>
        %parallel_loop3A_1277 = arith.addf %parallel_loop3A_1269, %parallel_loop3A_1276 : vector<16xf32>
        %parallel_loop3A_1278 = arith.addf %parallel_loop3A_1277, %get3A_76 : vector<16xf32>
        %parallel_loop3A_1279 = arith.index_cast %parallel_loop3A_1073 : i32 to index
        %parallel_loop3A_1280 = arith.constant 96 : index
        %parallel_loop3A_1281 = tpu.vector_load %arg12[%parallel_loop3A_1279, %parallel_loop3A_1280] {strides = array<i32>} : memref<96x128xf32, #tpu.memory_space<vmem>>, vector<1x16xf32>,
        %parallel_loop3A_1282 = vector.shape_cast %parallel_loop3A_1281 : vector<1x16xf32> to vector<16xf32>
        %parallel_loop3A_1283 = vector.shape_cast %parallel_loop3A_1278 : vector<16xf32> to vector<1x16xf32>
        tpu.vector_store %arg12[%parallel_loop3A_1279, %parallel_loop3A_1280], %parallel_loop3A_1283 {strides = array<i32>} : memref<96x128xf32, #tpu.memory_space<vmem>>, vector<1x16xf32>,
        %parallel_loop3A_1284 = arith.constant 3 : i32
        %parallel_loop3A_1285 = arith.index_cast %parallel_loop3A_1284 : i32 to index
        %parallel_loop3A_1286 = arith.index_cast %parallel_loop3A_1073 : i32 to index
        %parallel_loop3A_1287 = arith.constant 16 : index
        %parallel_loop3A_1288 = tpu.vector_load %arg10[%parallel_loop3A_1285, %parallel_loop3A_1286, %parallel_loop3A_1287] {strides = array<i32>} : memref<4x96x32xf32, #tpu.memory_space<vmem>>, vector<1x1x16xf32>,
        %parallel_loop3A_1289 = vector.shape_cast %parallel_loop3A_1288 : vector<1x1x16xf32> to vector<16xf32>
        %parallel_loop3A_1290 = arith.index_cast %parallel_loop3A_1073 : i32 to index
        %parallel_loop3A_1291 = arith.constant 112 : index
        %parallel_loop3A_1292 = tpu.vector_load %arg9[%parallel_loop3A_1290, %parallel_loop3A_1291] {strides = array<i32>} : memref<96x128xf32, #tpu.memory_space<vmem>>, vector<1x16xf32>,
        %parallel_loop3A_1293 = vector.shape_cast %parallel_loop3A_1292 : vector<1x16xf32> to vector<16xf32>
        %parallel_loop3A_1294 = arith.mulf %parallel_loop3A_1289, %parallel_loop3A_1293 : vector<16xf32>
        %parallel_loop3A_1295 = arith.mulf %get3A_121, %parallel_loop3A_1294 : vector<16xf32>
        %parallel_loop3A_1296 = arith.addf %parallel_loop3A_1295, %get3A_161 : vector<16xf32>
        %parallel_loop3A_1297 = arith.constant 0.000000e+00 : f32
        %parallel_loop3A_1298 = vector.broadcast %parallel_loop3A_1297 : f32 to vector<16xf32>
        %parallel_loop3A_1299 = arith.maximumf %parallel_loop3A_1296, %parallel_loop3A_1298 : vector<16xf32>
        %parallel_loop3A_1300 = arith.constant 3 : i32
        %parallel_loop3A_1301 = arith.index_cast %parallel_loop3A_1300 : i32 to index
        %parallel_loop3A_1302 = arith.index_cast %parallel_loop3A_1073 : i32 to index
        %parallel_loop3A_1303 = arith.constant 16 : index
        %parallel_loop3A_1304 = tpu.vector_load %arg11[%parallel_loop3A_1301, %parallel_loop3A_1302, %parallel_loop3A_1303] {strides = array<i32>} : memref<4x96x32xf32, #tpu.memory_space<vmem>>, vector<1x1x16xf32>,
        %parallel_loop3A_1305 = vector.shape_cast %parallel_loop3A_1304 : vector<1x1x16xf32> to vector<16xf32>
        %parallel_loop3A_1306 = arith.mulf %get3A_41, %parallel_loop3A_1305 : vector<16xf32>
        %parallel_loop3A_1307 = arith.addf %parallel_loop3A_1299, %parallel_loop3A_1306 : vector<16xf32>
        %parallel_loop3A_1308 = arith.addf %parallel_loop3A_1307, %get3A_81 : vector<16xf32>
        %parallel_loop3A_1309 = arith.index_cast %parallel_loop3A_1073 : i32 to index
        %parallel_loop3A_1310 = arith.constant 112 : index
        %parallel_loop3A_1311 = tpu.vector_load %arg12[%parallel_loop3A_1309, %parallel_loop3A_1310] {strides = array<i32>} : memref<96x128xf32, #tpu.memory_space<vmem>>, vector<1x16xf32>,
        %parallel_loop3A_1312 = vector.shape_cast %parallel_loop3A_1311 : vector<1x16xf32> to vector<16xf32>
        %parallel_loop3A_1313 = vector.shape_cast %parallel_loop3A_1308 : vector<16xf32> to vector<1x16xf32>
        tpu.vector_store %arg12[%parallel_loop3A_1309, %parallel_loop3A_1310], %parallel_loop3A_1313 {strides = array<i32>} : memref<96x128xf32, #tpu.memory_space<vmem>>, vector<1x16xf32>,
      } {sc.loop_unroll_factor = 2 : i64, sc.parallel_access}
      "tpu.region"() ({
        %run_scoped3A_1073 = tpu.sem_alloc : memref<!tpu.dma_semaphore, #tpu.memory_space<semaphore_mem>>
        %dma_start3A_1074 = arith.constant 0 : i32
        %dma_start3A_1075 = tpu.memref_slice %arg7[%add3A_470, %dma_start3A_1074] : memref<320000x128xf32, #tpu.memory_space<hbm>> -> memref<96x128xf32, #tpu.memory_space<hbm>>
        %dma_start3A_1076 = arith.constant 0 : i32
        %dma_start3A_1077 = tpu.memref_slice %arg7[%add3A_470, %dma_start3A_1076] : memref<320000x128xf32, #tpu.memory_space<hbm>> -> memref<96x128xf32, #tpu.memory_space<hbm>>
        tpu.enqueue_dma source(%arg12 : memref<96x128xf32, #tpu.memory_space<vmem>>) target(%dma_start3A_1077 : memref<96x128xf32, #tpu.memory_space<hbm>>) target_semaphore(%run_scoped3A_1073 : memref<!tpu.dma_semaphore, #tpu.memory_space<semaphore_mem>>)
        %dma_wait3A_1078 = arith.constant 0 : i32
        %dma_wait3A_1079 = tpu.memref_slice %arg7[%add3A_470, %dma_wait3A_1078] : memref<320000x128xf32, #tpu.memory_space<hbm>> -> memref<96x128xf32, #tpu.memory_space<hbm>>
        %dma_wait3A_1080 = arith.constant 0 : i32
        %dma_wait3A_1081 = tpu.memref_slice %arg7[%add3A_470, %dma_wait3A_1080] : memref<320000x128xf32, #tpu.memory_space<hbm>> -> memref<96x128xf32, #tpu.memory_space<hbm>>
        tpu.wait_dma2 semaphore(%run_scoped3A_1073 : memref<!tpu.dma_semaphore, #tpu.memory_space<semaphore_mem>>) src(%arg12 : memref<96x128xf32, #tpu.memory_space<vmem>>) dst(%dma_wait3A_1081 : memref<96x128xf32, #tpu.memory_space<hbm>>)
        tpu.yield
      }) : () -> ()
      %mul3A_768 = arith.constant 2 : i32
      %mul3A_769 = arith.muli %mul3A_768, %scan3A_465 : i32
      %add3A_770 = arith.constant 1 : i32
      %add3A_771 = arith.addi %mul3A_769, %add3A_770 : i32
      %mul3A_772 = arith.constant 96 : i32
      %mul3A_773 = arith.muli %add3A_771, %mul3A_772 : i32
      %add3A_774 = arith.addi %mul3A_2, %mul3A_773 : i32
      %add3A_775 = arith.constant 1 : i32
      %add3A_776 = arith.addi %add3A_771, %add3A_775 : i32
      %min3A_777 = arith.constant 103 : i32
      %min3A_778 = arith.minsi %add3A_776, %min3A_777 : i32
      %mul3A_779 = arith.constant 96 : i32
      %mul3A_780 = arith.muli %min3A_778, %mul3A_779 : i32
      %add3A_781 = arith.addi %mul3A_2, %mul3A_780 : i32
      %dma_wait3A_782 = arith.constant 1 : i32
      %dma_wait3A_783 = arith.constant 0 : i32
      %dma_wait3A_784 = tpu.memref_slice %arg8[%dma_wait3A_782, %dma_wait3A_783] : memref<2x96xi32, #tpu.memory_space<vmem>> -> memref<1x96xi32, #tpu.memory_space<vmem>>
      %dma_wait3A_785 = tpu.memref_squeeze %dma_wait3A_784 : memref<1x96xi32, #tpu.memory_space<vmem>> -> memref<96xi32, #tpu.memory_space<vmem>>
      %dma_wait3A_786 = tpu.memref_slice %arg4[%add3A_774] : memref<320000xi32, #tpu.memory_space<hbm>> -> memref<96xi32, #tpu.memory_space<hbm>>
      %dma_wait3A_787 = arith.constant 0 : i32
      %dma_wait3A_788 = tpu.memref_slice %arg8[%dma_wait3A_782, %dma_wait3A_787] : memref<2x96xi32, #tpu.memory_space<vmem>> -> memref<1x96xi32, #tpu.memory_space<vmem>>
      %dma_wait3A_789 = tpu.memref_squeeze %dma_wait3A_788 : memref<1x96xi32, #tpu.memory_space<vmem>> -> memref<96xi32, #tpu.memory_space<vmem>>
      %dma_wait3A_790 = tpu.memref_slice %arg4[%add3A_774] : memref<320000xi32, #tpu.memory_space<hbm>> -> memref<96xi32, #tpu.memory_space<hbm>>
      tpu.wait_dma2 semaphore(%arg16 : memref<!tpu.dma_semaphore, #tpu.memory_space<semaphore_mem>>) src(%dma_wait3A_790 : memref<96xi32, #tpu.memory_space<hbm>>) dst(%dma_wait3A_789 : memref<96xi32, #tpu.memory_space<vmem>>)
      %dma_start3A_791 = arith.constant 0 : i32
      %dma_start3A_792 = arith.constant 0 : i32
      %dma_start3A_793 = tpu.memref_slice %arg8[%dma_start3A_791, %dma_start3A_792] : memref<2x96xi32, #tpu.memory_space<vmem>> -> memref<1x96xi32, #tpu.memory_space<vmem>>
      %dma_start3A_794 = tpu.memref_squeeze %dma_start3A_793 : memref<1x96xi32, #tpu.memory_space<vmem>> -> memref<96xi32, #tpu.memory_space<vmem>>
      %dma_start3A_795 = tpu.memref_slice %arg4[%add3A_781] : memref<320000xi32, #tpu.memory_space<hbm>> -> memref<96xi32, #tpu.memory_space<hbm>>
      %dma_start3A_796 = arith.constant 0 : i32
      %dma_start3A_797 = tpu.memref_slice %arg8[%dma_start3A_791, %dma_start3A_796] : memref<2x96xi32, #tpu.memory_space<vmem>> -> memref<1x96xi32, #tpu.memory_space<vmem>>
      %dma_start3A_798 = tpu.memref_squeeze %dma_start3A_797 : memref<1x96xi32, #tpu.memory_space<vmem>> -> memref<96xi32, #tpu.memory_space<vmem>>
      %dma_start3A_799 = tpu.memref_slice %arg4[%add3A_781] : memref<320000xi32, #tpu.memory_space<hbm>> -> memref<96xi32, #tpu.memory_space<hbm>>
      tpu.enqueue_dma source(%dma_start3A_799 : memref<96xi32, #tpu.memory_space<hbm>>) target(%dma_start3A_798 : memref<96xi32, #tpu.memory_space<vmem>>) target_semaphore(%arg16 : memref<!tpu.dma_semaphore, #tpu.memory_space<semaphore_mem>>)
      %dma_start3A_800 = arith.constant 1 : i32
      %dma_start3A_801 = arith.constant 0 : i32
      %dma_start3A_802 = tpu.memref_slice %arg8[%dma_start3A_800, %dma_start3A_801] : memref<2x96xi32, #tpu.memory_space<vmem>> -> memref<1x96xi32, #tpu.memory_space<vmem>>
      %dma_start3A_803 = tpu.memref_squeeze %dma_start3A_802 : memref<1x96xi32, #tpu.memory_space<vmem>> -> memref<96xi32, #tpu.memory_space<vmem>>
      %dma_start3A_804 = arith.constant 0 : i32
      %dma_start3A_805 = arith.constant 0 : i32
      %dma_start3A_806 = tpu.memref_slice %arg5[%dma_start3A_804, %dma_start3A_805] : memref<10112x128xf32, #tpu.memory_space<hbm>> -> memref<10112x128xf32, #tpu.memory_space<hbm>>
      tpu.enqueue_indirect_dma source(%dma_start3A_806 : memref<10112x128xf32, #tpu.memory_space<hbm>>) target(%arg9 : memref<96x128xf32, #tpu.memory_space<vmem>>) offsets(%dma_start3A_803 : memref<96xi32, #tpu.memory_space<vmem>>) semaphore(%arg15 : memref<!tpu.dma_semaphore, #tpu.memory_space<semaphore_mem>>)
      %dma_start3A_807 = arith.constant 0 : i32
      %dma_start3A_808 = arith.constant 0 : i32
      %dma_start3A_809 = arith.constant 0 : i32
      %dma_start3A_810 = arith.constant 0 : i32
      %dma_start3A_811 = tpu.memref_slice %arg10[%dma_start3A_808, %dma_start3A_809, %dma_start3A_810] : memref<4x96x32xf32, #tpu.memory_space<vmem>> -> memref<1x96x32xf32, #tpu.memory_space<vmem>>
      %dma_start3A_812 = tpu.memref_squeeze %dma_start3A_811 : memref<1x96x32xf32, #tpu.memory_space<vmem>> -> memref<96x32xf32, #tpu.memory_space<vmem>>
      %dma_start3A_813 = arith.constant 0 : i32
      %dma_start3A_814 = tpu.memref_slice %arg2[%dma_start3A_807, %add3A_774, %dma_start3A_813] : memref<4x320000x32xf32, #tpu.memory_space<hbm>> -> memref<1x96x32xf32, #tpu.memory_space<hbm>>
      %dma_start3A_815 = tpu.memref_squeeze %dma_start3A_814 : memref<1x96x32xf32, #tpu.memory_space<hbm>> -> memref<96x32xf32, #tpu.memory_space<hbm>>
      %dma_start3A_816 = arith.constant 0 : i32
      %dma_start3A_817 = arith.constant 0 : i32
      %dma_start3A_818 = tpu.memref_slice %arg10[%dma_start3A_808, %dma_start3A_816, %dma_start3A_817] : memref<4x96x32xf32, #tpu.memory_space<vmem>> -> memref<1x96x32xf32, #tpu.memory_space<vmem>>
      %dma_start3A_819 = tpu.memref_squeeze %dma_start3A_818 : memref<1x96x32xf32, #tpu.memory_space<vmem>> -> memref<96x32xf32, #tpu.memory_space<vmem>>
      %dma_start3A_820 = arith.constant 0 : i32
      %dma_start3A_821 = tpu.memref_slice %arg2[%dma_start3A_807, %add3A_774, %dma_start3A_820] : memref<4x320000x32xf32, #tpu.memory_space<hbm>> -> memref<1x96x32xf32, #tpu.memory_space<hbm>>
      %dma_start3A_822 = tpu.memref_squeeze %dma_start3A_821 : memref<1x96x32xf32, #tpu.memory_space<hbm>> -> memref<96x32xf32, #tpu.memory_space<hbm>>
      tpu.enqueue_dma source(%dma_start3A_822 : memref<96x32xf32, #tpu.memory_space<hbm>>) target(%dma_start3A_819 : memref<96x32xf32, #tpu.memory_space<vmem>>) target_semaphore(%arg14 : memref<!tpu.dma_semaphore, #tpu.memory_space<semaphore_mem>>)
      %dma_start3A_823 = arith.constant 0 : i32
      %dma_start3A_824 = arith.constant 0 : i32
      %dma_start3A_825 = arith.constant 0 : i32
      %dma_start3A_826 = arith.constant 0 : i32
      %dma_start3A_827 = tpu.memref_slice %arg11[%dma_start3A_824, %dma_start3A_825, %dma_start3A_826] : memref<4x96x32xf32, #tpu.memory_space<vmem>> -> memref<1x96x32xf32, #tpu.memory_space<vmem>>
      %dma_start3A_828 = tpu.memref_squeeze %dma_start3A_827 : memref<1x96x32xf32, #tpu.memory_space<vmem>> -> memref<96x32xf32, #tpu.memory_space<vmem>>
      %dma_start3A_829 = arith.constant 0 : i32
      %dma_start3A_830 = tpu.memref_slice %arg3[%dma_start3A_823, %add3A_774, %dma_start3A_829] : memref<4x320000x32xf32, #tpu.memory_space<hbm>> -> memref<1x96x32xf32, #tpu.memory_space<hbm>>
      %dma_start3A_831 = tpu.memref_squeeze %dma_start3A_830 : memref<1x96x32xf32, #tpu.memory_space<hbm>> -> memref<96x32xf32, #tpu.memory_space<hbm>>
      %dma_start3A_832 = arith.constant 0 : i32
      %dma_start3A_833 = arith.constant 0 : i32
      %dma_start3A_834 = tpu.memref_slice %arg11[%dma_start3A_824, %dma_start3A_832, %dma_start3A_833] : memref<4x96x32xf32, #tpu.memory_space<vmem>> -> memref<1x96x32xf32, #tpu.memory_space<vmem>>
      %dma_start3A_835 = tpu.memref_squeeze %dma_start3A_834 : memref<1x96x32xf32, #tpu.memory_space<vmem>> -> memref<96x32xf32, #tpu.memory_space<vmem>>
      %dma_start3A_836 = arith.constant 0 : i32
      %dma_start3A_837 = tpu.memref_slice %arg3[%dma_start3A_823, %add3A_774, %dma_start3A_836] : memref<4x320000x32xf32, #tpu.memory_space<hbm>> -> memref<1x96x32xf32, #tpu.memory_space<hbm>>
      %dma_start3A_838 = tpu.memref_squeeze %dma_start3A_837 : memref<1x96x32xf32, #tpu.memory_space<hbm>> -> memref<96x32xf32, #tpu.memory_space<hbm>>
      tpu.enqueue_dma source(%dma_start3A_838 : memref<96x32xf32, #tpu.memory_space<hbm>>) target(%dma_start3A_835 : memref<96x32xf32, #tpu.memory_space<vmem>>) target_semaphore(%arg14 : memref<!tpu.dma_semaphore, #tpu.memory_space<semaphore_mem>>)
      %dma_start3A_839 = arith.constant 1 : i32
      %dma_start3A_840 = arith.constant 1 : i32
      %dma_start3A_841 = arith.constant 0 : i32
      %dma_start3A_842 = arith.constant 0 : i32
      %dma_start3A_843 = tpu.memref_slice %arg10[%dma_start3A_840, %dma_start3A_841, %dma_start3A_842] : memref<4x96x32xf32, #tpu.memory_space<vmem>> -> memref<1x96x32xf32, #tpu.memory_space<vmem>>
      %dma_start3A_844 = tpu.memref_squeeze %dma_start3A_843 : memref<1x96x32xf32, #tpu.memory_space<vmem>> -> memref<96x32xf32, #tpu.memory_space<vmem>>
      %dma_start3A_845 = arith.constant 0 : i32
      %dma_start3A_846 = tpu.memref_slice %arg2[%dma_start3A_839, %add3A_774, %dma_start3A_845] : memref<4x320000x32xf32, #tpu.memory_space<hbm>> -> memref<1x96x32xf32, #tpu.memory_space<hbm>>
      %dma_start3A_847 = tpu.memref_squeeze %dma_start3A_846 : memref<1x96x32xf32, #tpu.memory_space<hbm>> -> memref<96x32xf32, #tpu.memory_space<hbm>>
      %dma_start3A_848 = arith.constant 0 : i32
      %dma_start3A_849 = arith.constant 0 : i32
      %dma_start3A_850 = tpu.memref_slice %arg10[%dma_start3A_840, %dma_start3A_848, %dma_start3A_849] : memref<4x96x32xf32, #tpu.memory_space<vmem>> -> memref<1x96x32xf32, #tpu.memory_space<vmem>>
      %dma_start3A_851 = tpu.memref_squeeze %dma_start3A_850 : memref<1x96x32xf32, #tpu.memory_space<vmem>> -> memref<96x32xf32, #tpu.memory_space<vmem>>
      %dma_start3A_852 = arith.constant 0 : i32
      %dma_start3A_853 = tpu.memref_slice %arg2[%dma_start3A_839, %add3A_774, %dma_start3A_852] : memref<4x320000x32xf32, #tpu.memory_space<hbm>> -> memref<1x96x32xf32, #tpu.memory_space<hbm>>
      %dma_start3A_854 = tpu.memref_squeeze %dma_start3A_853 : memref<1x96x32xf32, #tpu.memory_space<hbm>> -> memref<96x32xf32, #tpu.memory_space<hbm>>
      tpu.enqueue_dma source(%dma_start3A_854 : memref<96x32xf32, #tpu.memory_space<hbm>>) target(%dma_start3A_851 : memref<96x32xf32, #tpu.memory_space<vmem>>) target_semaphore(%arg14 : memref<!tpu.dma_semaphore, #tpu.memory_space<semaphore_mem>>)
      %dma_start3A_855 = arith.constant 1 : i32
      %dma_start3A_856 = arith.constant 1 : i32
      %dma_start3A_857 = arith.constant 0 : i32
      %dma_start3A_858 = arith.constant 0 : i32
      %dma_start3A_859 = tpu.memref_slice %arg11[%dma_start3A_856, %dma_start3A_857, %dma_start3A_858] : memref<4x96x32xf32, #tpu.memory_space<vmem>> -> memref<1x96x32xf32, #tpu.memory_space<vmem>>
      %dma_start3A_860 = tpu.memref_squeeze %dma_start3A_859 : memref<1x96x32xf32, #tpu.memory_space<vmem>> -> memref<96x32xf32, #tpu.memory_space<vmem>>
      %dma_start3A_861 = arith.constant 0 : i32
      %dma_start3A_862 = tpu.memref_slice %arg3[%dma_start3A_855, %add3A_774, %dma_start3A_861] : memref<4x320000x32xf32, #tpu.memory_space<hbm>> -> memref<1x96x32xf32, #tpu.memory_space<hbm>>
      %dma_start3A_863 = tpu.memref_squeeze %dma_start3A_862 : memref<1x96x32xf32, #tpu.memory_space<hbm>> -> memref<96x32xf32, #tpu.memory_space<hbm>>
      %dma_start3A_864 = arith.constant 0 : i32
      %dma_start3A_865 = arith.constant 0 : i32
      %dma_start3A_866 = tpu.memref_slice %arg11[%dma_start3A_856, %dma_start3A_864, %dma_start3A_865] : memref<4x96x32xf32, #tpu.memory_space<vmem>> -> memref<1x96x32xf32, #tpu.memory_space<vmem>>
      %dma_start3A_867 = tpu.memref_squeeze %dma_start3A_866 : memref<1x96x32xf32, #tpu.memory_space<vmem>> -> memref<96x32xf32, #tpu.memory_space<vmem>>
      %dma_start3A_868 = arith.constant 0 : i32
      %dma_start3A_869 = tpu.memref_slice %arg3[%dma_start3A_855, %add3A_774, %dma_start3A_868] : memref<4x320000x32xf32, #tpu.memory_space<hbm>> -> memref<1x96x32xf32, #tpu.memory_space<hbm>>
      %dma_start3A_870 = tpu.memref_squeeze %dma_start3A_869 : memref<1x96x32xf32, #tpu.memory_space<hbm>> -> memref<96x32xf32, #tpu.memory_space<hbm>>
      tpu.enqueue_dma source(%dma_start3A_870 : memref<96x32xf32, #tpu.memory_space<hbm>>) target(%dma_start3A_867 : memref<96x32xf32, #tpu.memory_space<vmem>>) target_semaphore(%arg14 : memref<!tpu.dma_semaphore, #tpu.memory_space<semaphore_mem>>)
      %dma_start3A_871 = arith.constant 2 : i32
      %dma_start3A_872 = arith.constant 2 : i32
      %dma_start3A_873 = arith.constant 0 : i32
      %dma_start3A_874 = arith.constant 0 : i32
      %dma_start3A_875 = tpu.memref_slice %arg10[%dma_start3A_872, %dma_start3A_873, %dma_start3A_874] : memref<4x96x32xf32, #tpu.memory_space<vmem>> -> memref<1x96x32xf32, #tpu.memory_space<vmem>>
      %dma_start3A_876 = tpu.memref_squeeze %dma_start3A_875 : memref<1x96x32xf32, #tpu.memory_space<vmem>> -> memref<96x32xf32, #tpu.memory_space<vmem>>
      %dma_start3A_877 = arith.constant 0 : i32
      %dma_start3A_878 = tpu.memref_slice %arg2[%dma_start3A_871, %add3A_774, %dma_start3A_877] : memref<4x320000x32xf32, #tpu.memory_space<hbm>> -> memref<1x96x32xf32, #tpu.memory_space<hbm>>
      %dma_start3A_879 = tpu.memref_squeeze %dma_start3A_878 : memref<1x96x32xf32, #tpu.memory_space<hbm>> -> memref<96x32xf32, #tpu.memory_space<hbm>>
      %dma_start3A_880 = arith.constant 0 : i32
      %dma_start3A_881 = arith.constant 0 : i32
      %dma_start3A_882 = tpu.memref_slice %arg10[%dma_start3A_872, %dma_start3A_880, %dma_start3A_881] : memref<4x96x32xf32, #tpu.memory_space<vmem>> -> memref<1x96x32xf32, #tpu.memory_space<vmem>>
      %dma_start3A_883 = tpu.memref_squeeze %dma_start3A_882 : memref<1x96x32xf32, #tpu.memory_space<vmem>> -> memref<96x32xf32, #tpu.memory_space<vmem>>
      %dma_start3A_884 = arith.constant 0 : i32
      %dma_start3A_885 = tpu.memref_slice %arg2[%dma_start3A_871, %add3A_774, %dma_start3A_884] : memref<4x320000x32xf32, #tpu.memory_space<hbm>> -> memref<1x96x32xf32, #tpu.memory_space<hbm>>
      %dma_start3A_886 = tpu.memref_squeeze %dma_start3A_885 : memref<1x96x32xf32, #tpu.memory_space<hbm>> -> memref<96x32xf32, #tpu.memory_space<hbm>>
      tpu.enqueue_dma source(%dma_start3A_886 : memref<96x32xf32, #tpu.memory_space<hbm>>) target(%dma_start3A_883 : memref<96x32xf32, #tpu.memory_space<vmem>>) target_semaphore(%arg14 : memref<!tpu.dma_semaphore, #tpu.memory_space<semaphore_mem>>)
      %dma_start3A_887 = arith.constant 2 : i32
      %dma_start3A_888 = arith.constant 2 : i32
      %dma_start3A_889 = arith.constant 0 : i32
      %dma_start3A_890 = arith.constant 0 : i32
      %dma_start3A_891 = tpu.memref_slice %arg11[%dma_start3A_888, %dma_start3A_889, %dma_start3A_890] : memref<4x96x32xf32, #tpu.memory_space<vmem>> -> memref<1x96x32xf32, #tpu.memory_space<vmem>>
      %dma_start3A_892 = tpu.memref_squeeze %dma_start3A_891 : memref<1x96x32xf32, #tpu.memory_space<vmem>> -> memref<96x32xf32, #tpu.memory_space<vmem>>
      %dma_start3A_893 = arith.constant 0 : i32
      %dma_start3A_894 = tpu.memref_slice %arg3[%dma_start3A_887, %add3A_774, %dma_start3A_893] : memref<4x320000x32xf32, #tpu.memory_space<hbm>> -> memref<1x96x32xf32, #tpu.memory_space<hbm>>
      %dma_start3A_895 = tpu.memref_squeeze %dma_start3A_894 : memref<1x96x32xf32, #tpu.memory_space<hbm>> -> memref<96x32xf32, #tpu.memory_space<hbm>>
      %dma_start3A_896 = arith.constant 0 : i32
      %dma_start3A_897 = arith.constant 0 : i32
      %dma_start3A_898 = tpu.memref_slice %arg11[%dma_start3A_888, %dma_start3A_896, %dma_start3A_897] : memref<4x96x32xf32, #tpu.memory_space<vmem>> -> memref<1x96x32xf32, #tpu.memory_space<vmem>>
      %dma_start3A_899 = tpu.memref_squeeze %dma_start3A_898 : memref<1x96x32xf32, #tpu.memory_space<vmem>> -> memref<96x32xf32, #tpu.memory_space<vmem>>
      %dma_start3A_900 = arith.constant 0 : i32
      %dma_start3A_901 = tpu.memref_slice %arg3[%dma_start3A_887, %add3A_774, %dma_start3A_900] : memref<4x320000x32xf32, #tpu.memory_space<hbm>> -> memref<1x96x32xf32, #tpu.memory_space<hbm>>
      %dma_start3A_902 = tpu.memref_squeeze %dma_start3A_901 : memref<1x96x32xf32, #tpu.memory_space<hbm>> -> memref<96x32xf32, #tpu.memory_space<hbm>>
      tpu.enqueue_dma source(%dma_start3A_902 : memref<96x32xf32, #tpu.memory_space<hbm>>) target(%dma_start3A_899 : memref<96x32xf32, #tpu.memory_space<vmem>>) target_semaphore(%arg14 : memref<!tpu.dma_semaphore, #tpu.memory_space<semaphore_mem>>)
      %dma_start3A_903 = arith.constant 3 : i32
      %dma_start3A_904 = arith.constant 3 : i32
      %dma_start3A_905 = arith.constant 0 : i32
      %dma_start3A_906 = arith.constant 0 : i32
      %dma_start3A_907 = tpu.memref_slice %arg10[%dma_start3A_904, %dma_start3A_905, %dma_start3A_906] : memref<4x96x32xf32, #tpu.memory_space<vmem>> -> memref<1x96x32xf32, #tpu.memory_space<vmem>>
      %dma_start3A_908 = tpu.memref_squeeze %dma_start3A_907 : memref<1x96x32xf32, #tpu.memory_space<vmem>> -> memref<96x32xf32, #tpu.memory_space<vmem>>
      %dma_start3A_909 = arith.constant 0 : i32
      %dma_start3A_910 = tpu.memref_slice %arg2[%dma_start3A_903, %add3A_774, %dma_start3A_909] : memref<4x320000x32xf32, #tpu.memory_space<hbm>> -> memref<1x96x32xf32, #tpu.memory_space<hbm>>
      %dma_start3A_911 = tpu.memref_squeeze %dma_start3A_910 : memref<1x96x32xf32, #tpu.memory_space<hbm>> -> memref<96x32xf32, #tpu.memory_space<hbm>>
      %dma_start3A_912 = arith.constant 0 : i32
      %dma_start3A_913 = arith.constant 0 : i32
      %dma_start3A_914 = tpu.memref_slice %arg10[%dma_start3A_904, %dma_start3A_912, %dma_start3A_913] : memref<4x96x32xf32, #tpu.memory_space<vmem>> -> memref<1x96x32xf32, #tpu.memory_space<vmem>>
      %dma_start3A_915 = tpu.memref_squeeze %dma_start3A_914 : memref<1x96x32xf32, #tpu.memory_space<vmem>> -> memref<96x32xf32, #tpu.memory_space<vmem>>
      %dma_start3A_916 = arith.constant 0 : i32
      %dma_start3A_917 = tpu.memref_slice %arg2[%dma_start3A_903, %add3A_774, %dma_start3A_916] : memref<4x320000x32xf32, #tpu.memory_space<hbm>> -> memref<1x96x32xf32, #tpu.memory_space<hbm>>
      %dma_start3A_918 = tpu.memref_squeeze %dma_start3A_917 : memref<1x96x32xf32, #tpu.memory_space<hbm>> -> memref<96x32xf32, #tpu.memory_space<hbm>>
      tpu.enqueue_dma source(%dma_start3A_918 : memref<96x32xf32, #tpu.memory_space<hbm>>) target(%dma_start3A_915 : memref<96x32xf32, #tpu.memory_space<vmem>>) target_semaphore(%arg14 : memref<!tpu.dma_semaphore, #tpu.memory_space<semaphore_mem>>)
      %dma_start3A_919 = arith.constant 3 : i32
      %dma_start3A_920 = arith.constant 3 : i32
      %dma_start3A_921 = arith.constant 0 : i32
      %dma_start3A_922 = arith.constant 0 : i32
      %dma_start3A_923 = tpu.memref_slice %arg11[%dma_start3A_920, %dma_start3A_921, %dma_start3A_922] : memref<4x96x32xf32, #tpu.memory_space<vmem>> -> memref<1x96x32xf32, #tpu.memory_space<vmem>>
      %dma_start3A_924 = tpu.memref_squeeze %dma_start3A_923 : memref<1x96x32xf32, #tpu.memory_space<vmem>> -> memref<96x32xf32, #tpu.memory_space<vmem>>
      %dma_start3A_925 = arith.constant 0 : i32
      %dma_start3A_926 = tpu.memref_slice %arg3[%dma_start3A_919, %add3A_774, %dma_start3A_925] : memref<4x320000x32xf32, #tpu.memory_space<hbm>> -> memref<1x96x32xf32, #tpu.memory_space<hbm>>
      %dma_start3A_927 = tpu.memref_squeeze %dma_start3A_926 : memref<1x96x32xf32, #tpu.memory_space<hbm>> -> memref<96x32xf32, #tpu.memory_space<hbm>>
      %dma_start3A_928 = arith.constant 0 : i32
      %dma_start3A_929 = arith.constant 0 : i32
      %dma_start3A_930 = tpu.memref_slice %arg11[%dma_start3A_920, %dma_start3A_928, %dma_start3A_929] : memref<4x96x32xf32, #tpu.memory_space<vmem>> -> memref<1x96x32xf32, #tpu.memory_space<vmem>>
      %dma_start3A_931 = tpu.memref_squeeze %dma_start3A_930 : memref<1x96x32xf32, #tpu.memory_space<vmem>> -> memref<96x32xf32, #tpu.memory_space<vmem>>
      %dma_start3A_932 = arith.constant 0 : i32
      %dma_start3A_933 = tpu.memref_slice %arg3[%dma_start3A_919, %add3A_774, %dma_start3A_932] : memref<4x320000x32xf32, #tpu.memory_space<hbm>> -> memref<1x96x32xf32, #tpu.memory_space<hbm>>
      %dma_start3A_934 = tpu.memref_squeeze %dma_start3A_933 : memref<1x96x32xf32, #tpu.memory_space<hbm>> -> memref<96x32xf32, #tpu.memory_space<hbm>>
      tpu.enqueue_dma source(%dma_start3A_934 : memref<96x32xf32, #tpu.memory_space<hbm>>) target(%dma_start3A_931 : memref<96x32xf32, #tpu.memory_space<vmem>>) target_semaphore(%arg14 : memref<!tpu.dma_semaphore, #tpu.memory_space<semaphore_mem>>)
      %dma_wait3A_935 = arith.constant 1 : i32
      %dma_wait3A_936 = arith.constant 0 : i32
      %dma_wait3A_937 = tpu.memref_slice %arg8[%dma_wait3A_935, %dma_wait3A_936] : memref<2x96xi32, #tpu.memory_space<vmem>> -> memref<1x96xi32, #tpu.memory_space<vmem>>
      %dma_wait3A_938 = tpu.memref_squeeze %dma_wait3A_937 : memref<1x96xi32, #tpu.memory_space<vmem>> -> memref<96xi32, #tpu.memory_space<vmem>>
      %dma_wait3A_939 = arith.constant 0 : i32
      %dma_wait3A_940 = arith.constant 0 : i32
      %dma_wait3A_941 = tpu.memref_slice %arg5[%dma_wait3A_939, %dma_wait3A_940] : memref<10112x128xf32, #tpu.memory_space<hbm>> -> memref<10112x128xf32, #tpu.memory_space<hbm>>
      tpu.wait_indirect_dma semaphore(%arg15 : memref<!tpu.dma_semaphore, #tpu.memory_space<semaphore_mem>>) src(%dma_wait3A_941 : memref<10112x128xf32, #tpu.memory_space<hbm>>) dst(%arg9 : memref<96x128xf32, #tpu.memory_space<vmem>>)
      %dma_wait3A_942 = arith.constant 0 : i32
      %dma_wait3A_943 = arith.constant 0 : i32
      %dma_wait3A_944 = arith.constant 0 : i32
      %dma_wait3A_945 = arith.constant 0 : i32
      %dma_wait3A_946 = tpu.memref_slice %arg10[%dma_wait3A_943, %dma_wait3A_944, %dma_wait3A_945] : memref<4x96x32xf32, #tpu.memory_space<vmem>> -> memref<1x96x32xf32, #tpu.memory_space<vmem>>
      %dma_wait3A_947 = tpu.memref_squeeze %dma_wait3A_946 : memref<1x96x32xf32, #tpu.memory_space<vmem>> -> memref<96x32xf32, #tpu.memory_space<vmem>>
      %dma_wait3A_948 = arith.constant 0 : i32
      %dma_wait3A_949 = tpu.memref_slice %arg2[%dma_wait3A_942, %add3A_774, %dma_wait3A_948] : memref<4x320000x32xf32, #tpu.memory_space<hbm>> -> memref<1x96x32xf32, #tpu.memory_space<hbm>>
      %dma_wait3A_950 = tpu.memref_squeeze %dma_wait3A_949 : memref<1x96x32xf32, #tpu.memory_space<hbm>> -> memref<96x32xf32, #tpu.memory_space<hbm>>
      %dma_wait3A_951 = arith.constant 0 : i32
      %dma_wait3A_952 = arith.constant 0 : i32
      %dma_wait3A_953 = tpu.memref_slice %arg10[%dma_wait3A_943, %dma_wait3A_951, %dma_wait3A_952] : memref<4x96x32xf32, #tpu.memory_space<vmem>> -> memref<1x96x32xf32, #tpu.memory_space<vmem>>
      %dma_wait3A_954 = tpu.memref_squeeze %dma_wait3A_953 : memref<1x96x32xf32, #tpu.memory_space<vmem>> -> memref<96x32xf32, #tpu.memory_space<vmem>>
      %dma_wait3A_955 = arith.constant 0 : i32
      %dma_wait3A_956 = tpu.memref_slice %arg2[%dma_wait3A_942, %add3A_774, %dma_wait3A_955] : memref<4x320000x32xf32, #tpu.memory_space<hbm>> -> memref<1x96x32xf32, #tpu.memory_space<hbm>>
      %dma_wait3A_957 = tpu.memref_squeeze %dma_wait3A_956 : memref<1x96x32xf32, #tpu.memory_space<hbm>> -> memref<96x32xf32, #tpu.memory_space<hbm>>
      tpu.wait_dma2 semaphore(%arg14 : memref<!tpu.dma_semaphore, #tpu.memory_space<semaphore_mem>>) src(%dma_wait3A_957 : memref<96x32xf32, #tpu.memory_space<hbm>>) dst(%dma_wait3A_954 : memref<96x32xf32, #tpu.memory_space<vmem>>)
      %dma_wait3A_958 = arith.constant 0 : i32
      %dma_wait3A_959 = arith.constant 0 : i32
      %dma_wait3A_960 = arith.constant 0 : i32
      %dma_wait3A_961 = arith.constant 0 : i32
      %dma_wait3A_962 = tpu.memref_slice %arg11[%dma_wait3A_959, %dma_wait3A_960, %dma_wait3A_961] : memref<4x96x32xf32, #tpu.memory_space<vmem>> -> memref<1x96x32xf32, #tpu.memory_space<vmem>>
      %dma_wait3A_963 = tpu.memref_squeeze %dma_wait3A_962 : memref<1x96x32xf32, #tpu.memory_space<vmem>> -> memref<96x32xf32, #tpu.memory_space<vmem>>
      %dma_wait3A_964 = arith.constant 0 : i32
      %dma_wait3A_965 = tpu.memref_slice %arg3[%dma_wait3A_958, %add3A_774, %dma_wait3A_964] : memref<4x320000x32xf32, #tpu.memory_space<hbm>> -> memref<1x96x32xf32, #tpu.memory_space<hbm>>
      %dma_wait3A_966 = tpu.memref_squeeze %dma_wait3A_965 : memref<1x96x32xf32, #tpu.memory_space<hbm>> -> memref<96x32xf32, #tpu.memory_space<hbm>>
      %dma_wait3A_967 = arith.constant 0 : i32
      %dma_wait3A_968 = arith.constant 0 : i32
      %dma_wait3A_969 = tpu.memref_slice %arg11[%dma_wait3A_959, %dma_wait3A_967, %dma_wait3A_968] : memref<4x96x32xf32, #tpu.memory_space<vmem>> -> memref<1x96x32xf32, #tpu.memory_space<vmem>>
      %dma_wait3A_970 = tpu.memref_squeeze %dma_wait3A_969 : memref<1x96x32xf32, #tpu.memory_space<vmem>> -> memref<96x32xf32, #tpu.memory_space<vmem>>
      %dma_wait3A_971 = arith.constant 0 : i32
      %dma_wait3A_972 = tpu.memref_slice %arg3[%dma_wait3A_958, %add3A_774, %dma_wait3A_971] : memref<4x320000x32xf32, #tpu.memory_space<hbm>> -> memref<1x96x32xf32, #tpu.memory_space<hbm>>
      %dma_wait3A_973 = tpu.memref_squeeze %dma_wait3A_972 : memref<1x96x32xf32, #tpu.memory_space<hbm>> -> memref<96x32xf32, #tpu.memory_space<hbm>>
      tpu.wait_dma2 semaphore(%arg14 : memref<!tpu.dma_semaphore, #tpu.memory_space<semaphore_mem>>) src(%dma_wait3A_973 : memref<96x32xf32, #tpu.memory_space<hbm>>) dst(%dma_wait3A_970 : memref<96x32xf32, #tpu.memory_space<vmem>>)
      %dma_wait3A_974 = arith.constant 1 : i32
      %dma_wait3A_975 = arith.constant 1 : i32
      %dma_wait3A_976 = arith.constant 0 : i32
      %dma_wait3A_977 = arith.constant 0 : i32
      %dma_wait3A_978 = tpu.memref_slice %arg10[%dma_wait3A_975, %dma_wait3A_976, %dma_wait3A_977] : memref<4x96x32xf32, #tpu.memory_space<vmem>> -> memref<1x96x32xf32, #tpu.memory_space<vmem>>
      %dma_wait3A_979 = tpu.memref_squeeze %dma_wait3A_978 : memref<1x96x32xf32, #tpu.memory_space<vmem>> -> memref<96x32xf32, #tpu.memory_space<vmem>>
      %dma_wait3A_980 = arith.constant 0 : i32
      %dma_wait3A_981 = tpu.memref_slice %arg2[%dma_wait3A_974, %add3A_774, %dma_wait3A_980] : memref<4x320000x32xf32, #tpu.memory_space<hbm>> -> memref<1x96x32xf32, #tpu.memory_space<hbm>>
      %dma_wait3A_982 = tpu.memref_squeeze %dma_wait3A_981 : memref<1x96x32xf32, #tpu.memory_space<hbm>> -> memref<96x32xf32, #tpu.memory_space<hbm>>
      %dma_wait3A_983 = arith.constant 0 : i32
      %dma_wait3A_984 = arith.constant 0 : i32
      %dma_wait3A_985 = tpu.memref_slice %arg10[%dma_wait3A_975, %dma_wait3A_983, %dma_wait3A_984] : memref<4x96x32xf32, #tpu.memory_space<vmem>> -> memref<1x96x32xf32, #tpu.memory_space<vmem>>
      %dma_wait3A_986 = tpu.memref_squeeze %dma_wait3A_985 : memref<1x96x32xf32, #tpu.memory_space<vmem>> -> memref<96x32xf32, #tpu.memory_space<vmem>>
      %dma_wait3A_987 = arith.constant 0 : i32
      %dma_wait3A_988 = tpu.memref_slice %arg2[%dma_wait3A_974, %add3A_774, %dma_wait3A_987] : memref<4x320000x32xf32, #tpu.memory_space<hbm>> -> memref<1x96x32xf32, #tpu.memory_space<hbm>>
      %dma_wait3A_989 = tpu.memref_squeeze %dma_wait3A_988 : memref<1x96x32xf32, #tpu.memory_space<hbm>> -> memref<96x32xf32, #tpu.memory_space<hbm>>
      tpu.wait_dma2 semaphore(%arg14 : memref<!tpu.dma_semaphore, #tpu.memory_space<semaphore_mem>>) src(%dma_wait3A_989 : memref<96x32xf32, #tpu.memory_space<hbm>>) dst(%dma_wait3A_986 : memref<96x32xf32, #tpu.memory_space<vmem>>)
      %dma_wait3A_990 = arith.constant 1 : i32
      %dma_wait3A_991 = arith.constant 1 : i32
      %dma_wait3A_992 = arith.constant 0 : i32
      %dma_wait3A_993 = arith.constant 0 : i32
      %dma_wait3A_994 = tpu.memref_slice %arg11[%dma_wait3A_991, %dma_wait3A_992, %dma_wait3A_993] : memref<4x96x32xf32, #tpu.memory_space<vmem>> -> memref<1x96x32xf32, #tpu.memory_space<vmem>>
      %dma_wait3A_995 = tpu.memref_squeeze %dma_wait3A_994 : memref<1x96x32xf32, #tpu.memory_space<vmem>> -> memref<96x32xf32, #tpu.memory_space<vmem>>
      %dma_wait3A_996 = arith.constant 0 : i32
      %dma_wait3A_997 = tpu.memref_slice %arg3[%dma_wait3A_990, %add3A_774, %dma_wait3A_996] : memref<4x320000x32xf32, #tpu.memory_space<hbm>> -> memref<1x96x32xf32, #tpu.memory_space<hbm>>
      %dma_wait3A_998 = tpu.memref_squeeze %dma_wait3A_997 : memref<1x96x32xf32, #tpu.memory_space<hbm>> -> memref<96x32xf32, #tpu.memory_space<hbm>>
      %dma_wait3A_999 = arith.constant 0 : i32
      %dma_wait3A_1000 = arith.constant 0 : i32
      %dma_wait3A_1001 = tpu.memref_slice %arg11[%dma_wait3A_991, %dma_wait3A_999, %dma_wait3A_1000] : memref<4x96x32xf32, #tpu.memory_space<vmem>> -> memref<1x96x32xf32, #tpu.memory_space<vmem>>
      %dma_wait3A_1002 = tpu.memref_squeeze %dma_wait3A_1001 : memref<1x96x32xf32, #tpu.memory_space<vmem>> -> memref<96x32xf32, #tpu.memory_space<vmem>>
      %dma_wait3A_1003 = arith.constant 0 : i32
      %dma_wait3A_1004 = tpu.memref_slice %arg3[%dma_wait3A_990, %add3A_774, %dma_wait3A_1003] : memref<4x320000x32xf32, #tpu.memory_space<hbm>> -> memref<1x96x32xf32, #tpu.memory_space<hbm>>
      %dma_wait3A_1005 = tpu.memref_squeeze %dma_wait3A_1004 : memref<1x96x32xf32, #tpu.memory_space<hbm>> -> memref<96x32xf32, #tpu.memory_space<hbm>>
      tpu.wait_dma2 semaphore(%arg14 : memref<!tpu.dma_semaphore, #tpu.memory_space<semaphore_mem>>) src(%dma_wait3A_1005 : memref<96x32xf32, #tpu.memory_space<hbm>>) dst(%dma_wait3A_1002 : memref<96x32xf32, #tpu.memory_space<vmem>>)
      %dma_wait3A_1006 = arith.constant 2 : i32
      %dma_wait3A_1007 = arith.constant 2 : i32
      %dma_wait3A_1008 = arith.constant 0 : i32
      %dma_wait3A_1009 = arith.constant 0 : i32
      %dma_wait3A_1010 = tpu.memref_slice %arg10[%dma_wait3A_1007, %dma_wait3A_1008, %dma_wait3A_1009] : memref<4x96x32xf32, #tpu.memory_space<vmem>> -> memref<1x96x32xf32, #tpu.memory_space<vmem>>
      %dma_wait3A_1011 = tpu.memref_squeeze %dma_wait3A_1010 : memref<1x96x32xf32, #tpu.memory_space<vmem>> -> memref<96x32xf32, #tpu.memory_space<vmem>>
      %dma_wait3A_1012 = arith.constant 0 : i32
      %dma_wait3A_1013 = tpu.memref_slice %arg2[%dma_wait3A_1006, %add3A_774, %dma_wait3A_1012] : memref<4x320000x32xf32, #tpu.memory_space<hbm>> -> memref<1x96x32xf32, #tpu.memory_space<hbm>>
      %dma_wait3A_1014 = tpu.memref_squeeze %dma_wait3A_1013 : memref<1x96x32xf32, #tpu.memory_space<hbm>> -> memref<96x32xf32, #tpu.memory_space<hbm>>
      %dma_wait3A_1015 = arith.constant 0 : i32
      %dma_wait3A_1016 = arith.constant 0 : i32
      %dma_wait3A_1017 = tpu.memref_slice %arg10[%dma_wait3A_1007, %dma_wait3A_1015, %dma_wait3A_1016] : memref<4x96x32xf32, #tpu.memory_space<vmem>> -> memref<1x96x32xf32, #tpu.memory_space<vmem>>
      %dma_wait3A_1018 = tpu.memref_squeeze %dma_wait3A_1017 : memref<1x96x32xf32, #tpu.memory_space<vmem>> -> memref<96x32xf32, #tpu.memory_space<vmem>>
      %dma_wait3A_1019 = arith.constant 0 : i32
      %dma_wait3A_1020 = tpu.memref_slice %arg2[%dma_wait3A_1006, %add3A_774, %dma_wait3A_1019] : memref<4x320000x32xf32, #tpu.memory_space<hbm>> -> memref<1x96x32xf32, #tpu.memory_space<hbm>>
      %dma_wait3A_1021 = tpu.memref_squeeze %dma_wait3A_1020 : memref<1x96x32xf32, #tpu.memory_space<hbm>> -> memref<96x32xf32, #tpu.memory_space<hbm>>
      tpu.wait_dma2 semaphore(%arg14 : memref<!tpu.dma_semaphore, #tpu.memory_space<semaphore_mem>>) src(%dma_wait3A_1021 : memref<96x32xf32, #tpu.memory_space<hbm>>) dst(%dma_wait3A_1018 : memref<96x32xf32, #tpu.memory_space<vmem>>)
      %dma_wait3A_1022 = arith.constant 2 : i32
      %dma_wait3A_1023 = arith.constant 2 : i32
      %dma_wait3A_1024 = arith.constant 0 : i32
      %dma_wait3A_1025 = arith.constant 0 : i32
      %dma_wait3A_1026 = tpu.memref_slice %arg11[%dma_wait3A_1023, %dma_wait3A_1024, %dma_wait3A_1025] : memref<4x96x32xf32, #tpu.memory_space<vmem>> -> memref<1x96x32xf32, #tpu.memory_space<vmem>>
      %dma_wait3A_1027 = tpu.memref_squeeze %dma_wait3A_1026 : memref<1x96x32xf32, #tpu.memory_space<vmem>> -> memref<96x32xf32, #tpu.memory_space<vmem>>
      %dma_wait3A_1028 = arith.constant 0 : i32
      %dma_wait3A_1029 = tpu.memref_slice %arg3[%dma_wait3A_1022, %add3A_774, %dma_wait3A_1028] : memref<4x320000x32xf32, #tpu.memory_space<hbm>> -> memref<1x96x32xf32, #tpu.memory_space<hbm>>
      %dma_wait3A_1030 = tpu.memref_squeeze %dma_wait3A_1029 : memref<1x96x32xf32, #tpu.memory_space<hbm>> -> memref<96x32xf32, #tpu.memory_space<hbm>>
      %dma_wait3A_1031 = arith.constant 0 : i32
      %dma_wait3A_1032 = arith.constant 0 : i32
      %dma_wait3A_1033 = tpu.memref_slice %arg11[%dma_wait3A_1023, %dma_wait3A_1031, %dma_wait3A_1032] : memref<4x96x32xf32, #tpu.memory_space<vmem>> -> memref<1x96x32xf32, #tpu.memory_space<vmem>>
      %dma_wait3A_1034 = tpu.memref_squeeze %dma_wait3A_1033 : memref<1x96x32xf32, #tpu.memory_space<vmem>> -> memref<96x32xf32, #tpu.memory_space<vmem>>
      %dma_wait3A_1035 = arith.constant 0 : i32
      %dma_wait3A_1036 = tpu.memref_slice %arg3[%dma_wait3A_1022, %add3A_774, %dma_wait3A_1035] : memref<4x320000x32xf32, #tpu.memory_space<hbm>> -> memref<1x96x32xf32, #tpu.memory_space<hbm>>
      %dma_wait3A_1037 = tpu.memref_squeeze %dma_wait3A_1036 : memref<1x96x32xf32, #tpu.memory_space<hbm>> -> memref<96x32xf32, #tpu.memory_space<hbm>>
      tpu.wait_dma2 semaphore(%arg14 : memref<!tpu.dma_semaphore, #tpu.memory_space<semaphore_mem>>) src(%dma_wait3A_1037 : memref<96x32xf32, #tpu.memory_space<hbm>>) dst(%dma_wait3A_1034 : memref<96x32xf32, #tpu.memory_space<vmem>>)
      %dma_wait3A_1038 = arith.constant 3 : i32
      %dma_wait3A_1039 = arith.constant 3 : i32
      %dma_wait3A_1040 = arith.constant 0 : i32
      %dma_wait3A_1041 = arith.constant 0 : i32
      %dma_wait3A_1042 = tpu.memref_slice %arg10[%dma_wait3A_1039, %dma_wait3A_1040, %dma_wait3A_1041] : memref<4x96x32xf32, #tpu.memory_space<vmem>> -> memref<1x96x32xf32, #tpu.memory_space<vmem>>
      %dma_wait3A_1043 = tpu.memref_squeeze %dma_wait3A_1042 : memref<1x96x32xf32, #tpu.memory_space<vmem>> -> memref<96x32xf32, #tpu.memory_space<vmem>>
      %dma_wait3A_1044 = arith.constant 0 : i32
      %dma_wait3A_1045 = tpu.memref_slice %arg2[%dma_wait3A_1038, %add3A_774, %dma_wait3A_1044] : memref<4x320000x32xf32, #tpu.memory_space<hbm>> -> memref<1x96x32xf32, #tpu.memory_space<hbm>>
      %dma_wait3A_1046 = tpu.memref_squeeze %dma_wait3A_1045 : memref<1x96x32xf32, #tpu.memory_space<hbm>> -> memref<96x32xf32, #tpu.memory_space<hbm>>
      %dma_wait3A_1047 = arith.constant 0 : i32
      %dma_wait3A_1048 = arith.constant 0 : i32
      %dma_wait3A_1049 = tpu.memref_slice %arg10[%dma_wait3A_1039, %dma_wait3A_1047, %dma_wait3A_1048] : memref<4x96x32xf32, #tpu.memory_space<vmem>> -> memref<1x96x32xf32, #tpu.memory_space<vmem>>
      %dma_wait3A_1050 = tpu.memref_squeeze %dma_wait3A_1049 : memref<1x96x32xf32, #tpu.memory_space<vmem>> -> memref<96x32xf32, #tpu.memory_space<vmem>>
      %dma_wait3A_1051 = arith.constant 0 : i32
      %dma_wait3A_1052 = tpu.memref_slice %arg2[%dma_wait3A_1038, %add3A_774, %dma_wait3A_1051] : memref<4x320000x32xf32, #tpu.memory_space<hbm>> -> memref<1x96x32xf32, #tpu.memory_space<hbm>>
      %dma_wait3A_1053 = tpu.memref_squeeze %dma_wait3A_1052 : memref<1x96x32xf32, #tpu.memory_space<hbm>> -> memref<96x32xf32, #tpu.memory_space<hbm>>
      tpu.wait_dma2 semaphore(%arg14 : memref<!tpu.dma_semaphore, #tpu.memory_space<semaphore_mem>>) src(%dma_wait3A_1053 : memref<96x32xf32, #tpu.memory_space<hbm>>) dst(%dma_wait3A_1050 : memref<96x32xf32, #tpu.memory_space<vmem>>)
      %dma_wait3A_1054 = arith.constant 3 : i32
      %dma_wait3A_1055 = arith.constant 3 : i32
      %dma_wait3A_1056 = arith.constant 0 : i32
      %dma_wait3A_1057 = arith.constant 0 : i32
      %dma_wait3A_1058 = tpu.memref_slice %arg11[%dma_wait3A_1055, %dma_wait3A_1056, %dma_wait3A_1057] : memref<4x96x32xf32, #tpu.memory_space<vmem>> -> memref<1x96x32xf32, #tpu.memory_space<vmem>>
      %dma_wait3A_1059 = tpu.memref_squeeze %dma_wait3A_1058 : memref<1x96x32xf32, #tpu.memory_space<vmem>> -> memref<96x32xf32, #tpu.memory_space<vmem>>
      %dma_wait3A_1060 = arith.constant 0 : i32
      %dma_wait3A_1061 = tpu.memref_slice %arg3[%dma_wait3A_1054, %add3A_774, %dma_wait3A_1060] : memref<4x320000x32xf32, #tpu.memory_space<hbm>> -> memref<1x96x32xf32, #tpu.memory_space<hbm>>
      %dma_wait3A_1062 = tpu.memref_squeeze %dma_wait3A_1061 : memref<1x96x32xf32, #tpu.memory_space<hbm>> -> memref<96x32xf32, #tpu.memory_space<hbm>>
      %dma_wait3A_1063 = arith.constant 0 : i32
      %dma_wait3A_1064 = arith.constant 0 : i32
      %dma_wait3A_1065 = tpu.memref_slice %arg11[%dma_wait3A_1055, %dma_wait3A_1063, %dma_wait3A_1064] : memref<4x96x32xf32, #tpu.memory_space<vmem>> -> memref<1x96x32xf32, #tpu.memory_space<vmem>>
      %dma_wait3A_1066 = tpu.memref_squeeze %dma_wait3A_1065 : memref<1x96x32xf32, #tpu.memory_space<vmem>> -> memref<96x32xf32, #tpu.memory_space<vmem>>
      %dma_wait3A_1067 = arith.constant 0 : i32
      %dma_wait3A_1068 = tpu.memref_slice %arg3[%dma_wait3A_1054, %add3A_774, %dma_wait3A_1067] : memref<4x320000x32xf32, #tpu.memory_space<hbm>> -> memref<1x96x32xf32, #tpu.memory_space<hbm>>
      %dma_wait3A_1069 = tpu.memref_squeeze %dma_wait3A_1068 : memref<1x96x32xf32, #tpu.memory_space<hbm>> -> memref<96x32xf32, #tpu.memory_space<hbm>>
      tpu.wait_dma2 semaphore(%arg14 : memref<!tpu.dma_semaphore, #tpu.memory_space<semaphore_mem>>) src(%dma_wait3A_1069 : memref<96x32xf32, #tpu.memory_space<hbm>>) dst(%dma_wait3A_1066 : memref<96x32xf32, #tpu.memory_space<vmem>>)
      %parallel_loop3A_1070 = arith.constant 0 : i32
      %parallel_loop3A_1071 = arith.constant 96 : i32
      %parallel_loop3A_1072 = arith.constant 1 : i32
      scf.for %parallel_loop3A_1073 = %parallel_loop3A_1070 to %parallel_loop3A_1071 step %parallel_loop3A_1072  : i32 {
        %parallel_loop3A_1074 = arith.constant 0 : i32
        %parallel_loop3A_1075 = arith.index_cast %parallel_loop3A_1074 : i32 to index
        %parallel_loop3A_1076 = arith.index_cast %parallel_loop3A_1073 : i32 to index
        %parallel_loop3A_1077 = arith.constant 0 : index
        %parallel_loop3A_1078 = tpu.vector_load %arg10[%parallel_loop3A_1075, %parallel_loop3A_1076, %parallel_loop3A_1077] {strides = array<i32>} : memref<4x96x32xf32, #tpu.memory_space<vmem>>, vector<1x1x16xf32>,
        %parallel_loop3A_1079 = vector.shape_cast %parallel_loop3A_1078 : vector<1x1x16xf32> to vector<16xf32>
        %parallel_loop3A_1080 = arith.index_cast %parallel_loop3A_1073 : i32 to index
        %parallel_loop3A_1081 = arith.constant 0 : index
        %parallel_loop3A_1082 = tpu.vector_load %arg9[%parallel_loop3A_1080, %parallel_loop3A_1081] {strides = array<i32>} : memref<96x128xf32, #tpu.memory_space<vmem>>, vector<1x16xf32>,
        %parallel_loop3A_1083 = vector.shape_cast %parallel_loop3A_1082 : vector<1x16xf32> to vector<16xf32>
        %parallel_loop3A_1084 = arith.mulf %parallel_loop3A_1079, %parallel_loop3A_1083 : vector<16xf32>
        %parallel_loop3A_1085 = arith.mulf %get3A_86, %parallel_loop3A_1084 : vector<16xf32>
        %parallel_loop3A_1086 = arith.addf %parallel_loop3A_1085, %get3A_126 : vector<16xf32>
        %parallel_loop3A_1087 = arith.constant 0.000000e+00 : f32
        %parallel_loop3A_1088 = vector.broadcast %parallel_loop3A_1087 : f32 to vector<16xf32>
        %parallel_loop3A_1089 = arith.maximumf %parallel_loop3A_1086, %parallel_loop3A_1088 : vector<16xf32>
        %parallel_loop3A_1090 = arith.constant 0 : i32
        %parallel_loop3A_1091 = arith.index_cast %parallel_loop3A_1090 : i32 to index
        %parallel_loop3A_1092 = arith.index_cast %parallel_loop3A_1073 : i32 to index
        %parallel_loop3A_1093 = arith.constant 0 : index
        %parallel_loop3A_1094 = tpu.vector_load %arg11[%parallel_loop3A_1091, %parallel_loop3A_1092, %parallel_loop3A_1093] {strides = array<i32>} : memref<4x96x32xf32, #tpu.memory_space<vmem>>, vector<1x1x16xf32>,
        %parallel_loop3A_1095 = vector.shape_cast %parallel_loop3A_1094 : vector<1x1x16xf32> to vector<16xf32>
        %parallel_loop3A_1096 = arith.mulf %get3A_6, %parallel_loop3A_1095 : vector<16xf32>
        %parallel_loop3A_1097 = arith.addf %parallel_loop3A_1089, %parallel_loop3A_1096 : vector<16xf32>
        %parallel_loop3A_1098 = arith.addf %parallel_loop3A_1097, %get3A_46 : vector<16xf32>
        %parallel_loop3A_1099 = arith.index_cast %parallel_loop3A_1073 : i32 to index
        %parallel_loop3A_1100 = arith.constant 0 : index
        %parallel_loop3A_1101 = tpu.vector_load %arg12[%parallel_loop3A_1099, %parallel_loop3A_1100] {strides = array<i32>} : memref<96x128xf32, #tpu.memory_space<vmem>>, vector<1x16xf32>,
        %parallel_loop3A_1102 = vector.shape_cast %parallel_loop3A_1101 : vector<1x16xf32> to vector<16xf32>
        %parallel_loop3A_1103 = vector.shape_cast %parallel_loop3A_1098 : vector<16xf32> to vector<1x16xf32>
        tpu.vector_store %arg12[%parallel_loop3A_1099, %parallel_loop3A_1100], %parallel_loop3A_1103 {strides = array<i32>} : memref<96x128xf32, #tpu.memory_space<vmem>>, vector<1x16xf32>,
        %parallel_loop3A_1104 = arith.constant 0 : i32
        %parallel_loop3A_1105 = arith.index_cast %parallel_loop3A_1104 : i32 to index
        %parallel_loop3A_1106 = arith.index_cast %parallel_loop3A_1073 : i32 to index
        %parallel_loop3A_1107 = arith.constant 16 : index
        %parallel_loop3A_1108 = tpu.vector_load %arg10[%parallel_loop3A_1105, %parallel_loop3A_1106, %parallel_loop3A_1107] {strides = array<i32>} : memref<4x96x32xf32, #tpu.memory_space<vmem>>, vector<1x1x16xf32>,
        %parallel_loop3A_1109 = vector.shape_cast %parallel_loop3A_1108 : vector<1x1x16xf32> to vector<16xf32>
        %parallel_loop3A_1110 = arith.index_cast %parallel_loop3A_1073 : i32 to index
        %parallel_loop3A_1111 = arith.constant 16 : index
        %parallel_loop3A_1112 = tpu.vector_load %arg9[%parallel_loop3A_1110, %parallel_loop3A_1111] {strides = array<i32>} : memref<96x128xf32, #tpu.memory_space<vmem>>, vector<1x16xf32>,
        %parallel_loop3A_1113 = vector.shape_cast %parallel_loop3A_1112 : vector<1x16xf32> to vector<16xf32>
        %parallel_loop3A_1114 = arith.mulf %parallel_loop3A_1109, %parallel_loop3A_1113 : vector<16xf32>
        %parallel_loop3A_1115 = arith.mulf %get3A_91, %parallel_loop3A_1114 : vector<16xf32>
        %parallel_loop3A_1116 = arith.addf %parallel_loop3A_1115, %get3A_131 : vector<16xf32>
        %parallel_loop3A_1117 = arith.constant 0.000000e+00 : f32
        %parallel_loop3A_1118 = vector.broadcast %parallel_loop3A_1117 : f32 to vector<16xf32>
        %parallel_loop3A_1119 = arith.maximumf %parallel_loop3A_1116, %parallel_loop3A_1118 : vector<16xf32>
        %parallel_loop3A_1120 = arith.constant 0 : i32
        %parallel_loop3A_1121 = arith.index_cast %parallel_loop3A_1120 : i32 to index
        %parallel_loop3A_1122 = arith.index_cast %parallel_loop3A_1073 : i32 to index
        %parallel_loop3A_1123 = arith.constant 16 : index
        %parallel_loop3A_1124 = tpu.vector_load %arg11[%parallel_loop3A_1121, %parallel_loop3A_1122, %parallel_loop3A_1123] {strides = array<i32>} : memref<4x96x32xf32, #tpu.memory_space<vmem>>, vector<1x1x16xf32>,
        %parallel_loop3A_1125 = vector.shape_cast %parallel_loop3A_1124 : vector<1x1x16xf32> to vector<16xf32>
        %parallel_loop3A_1126 = arith.mulf %get3A_11, %parallel_loop3A_1125 : vector<16xf32>
        %parallel_loop3A_1127 = arith.addf %parallel_loop3A_1119, %parallel_loop3A_1126 : vector<16xf32>
        %parallel_loop3A_1128 = arith.addf %parallel_loop3A_1127, %get3A_51 : vector<16xf32>
        %parallel_loop3A_1129 = arith.index_cast %parallel_loop3A_1073 : i32 to index
        %parallel_loop3A_1130 = arith.constant 16 : index
        %parallel_loop3A_1131 = tpu.vector_load %arg12[%parallel_loop3A_1129, %parallel_loop3A_1130] {strides = array<i32>} : memref<96x128xf32, #tpu.memory_space<vmem>>, vector<1x16xf32>,
        %parallel_loop3A_1132 = vector.shape_cast %parallel_loop3A_1131 : vector<1x16xf32> to vector<16xf32>
        %parallel_loop3A_1133 = vector.shape_cast %parallel_loop3A_1128 : vector<16xf32> to vector<1x16xf32>
        tpu.vector_store %arg12[%parallel_loop3A_1129, %parallel_loop3A_1130], %parallel_loop3A_1133 {strides = array<i32>} : memref<96x128xf32, #tpu.memory_space<vmem>>, vector<1x16xf32>,
        %parallel_loop3A_1134 = arith.constant 1 : i32
        %parallel_loop3A_1135 = arith.index_cast %parallel_loop3A_1134 : i32 to index
        %parallel_loop3A_1136 = arith.index_cast %parallel_loop3A_1073 : i32 to index
        %parallel_loop3A_1137 = arith.constant 0 : index
        %parallel_loop3A_1138 = tpu.vector_load %arg10[%parallel_loop3A_1135, %parallel_loop3A_1136, %parallel_loop3A_1137] {strides = array<i32>} : memref<4x96x32xf32, #tpu.memory_space<vmem>>, vector<1x1x16xf32>,
        %parallel_loop3A_1139 = vector.shape_cast %parallel_loop3A_1138 : vector<1x1x16xf32> to vector<16xf32>
        %parallel_loop3A_1140 = arith.index_cast %parallel_loop3A_1073 : i32 to index
        %parallel_loop3A_1141 = arith.constant 32 : index
        %parallel_loop3A_1142 = tpu.vector_load %arg9[%parallel_loop3A_1140, %parallel_loop3A_1141] {strides = array<i32>} : memref<96x128xf32, #tpu.memory_space<vmem>>, vector<1x16xf32>,
        %parallel_loop3A_1143 = vector.shape_cast %parallel_loop3A_1142 : vector<1x16xf32> to vector<16xf32>
        %parallel_loop3A_1144 = arith.mulf %parallel_loop3A_1139, %parallel_loop3A_1143 : vector<16xf32>
        %parallel_loop3A_1145 = arith.mulf %get3A_96, %parallel_loop3A_1144 : vector<16xf32>
        %parallel_loop3A_1146 = arith.addf %parallel_loop3A_1145, %get3A_136 : vector<16xf32>
        %parallel_loop3A_1147 = arith.constant 0.000000e+00 : f32
        %parallel_loop3A_1148 = vector.broadcast %parallel_loop3A_1147 : f32 to vector<16xf32>
        %parallel_loop3A_1149 = arith.maximumf %parallel_loop3A_1146, %parallel_loop3A_1148 : vector<16xf32>
        %parallel_loop3A_1150 = arith.constant 1 : i32
        %parallel_loop3A_1151 = arith.index_cast %parallel_loop3A_1150 : i32 to index
        %parallel_loop3A_1152 = arith.index_cast %parallel_loop3A_1073 : i32 to index
        %parallel_loop3A_1153 = arith.constant 0 : index
        %parallel_loop3A_1154 = tpu.vector_load %arg11[%parallel_loop3A_1151, %parallel_loop3A_1152, %parallel_loop3A_1153] {strides = array<i32>} : memref<4x96x32xf32, #tpu.memory_space<vmem>>, vector<1x1x16xf32>,
        %parallel_loop3A_1155 = vector.shape_cast %parallel_loop3A_1154 : vector<1x1x16xf32> to vector<16xf32>
        %parallel_loop3A_1156 = arith.mulf %get3A_16, %parallel_loop3A_1155 : vector<16xf32>
        %parallel_loop3A_1157 = arith.addf %parallel_loop3A_1149, %parallel_loop3A_1156 : vector<16xf32>
        %parallel_loop3A_1158 = arith.addf %parallel_loop3A_1157, %get3A_56 : vector<16xf32>
        %parallel_loop3A_1159 = arith.index_cast %parallel_loop3A_1073 : i32 to index
        %parallel_loop3A_1160 = arith.constant 32 : index
        %parallel_loop3A_1161 = tpu.vector_load %arg12[%parallel_loop3A_1159, %parallel_loop3A_1160] {strides = array<i32>} : memref<96x128xf32, #tpu.memory_space<vmem>>, vector<1x16xf32>,
        %parallel_loop3A_1162 = vector.shape_cast %parallel_loop3A_1161 : vector<1x16xf32> to vector<16xf32>
        %parallel_loop3A_1163 = vector.shape_cast %parallel_loop3A_1158 : vector<16xf32> to vector<1x16xf32>
        tpu.vector_store %arg12[%parallel_loop3A_1159, %parallel_loop3A_1160], %parallel_loop3A_1163 {strides = array<i32>} : memref<96x128xf32, #tpu.memory_space<vmem>>, vector<1x16xf32>,
        %parallel_loop3A_1164 = arith.constant 1 : i32
        %parallel_loop3A_1165 = arith.index_cast %parallel_loop3A_1164 : i32 to index
        %parallel_loop3A_1166 = arith.index_cast %parallel_loop3A_1073 : i32 to index
        %parallel_loop3A_1167 = arith.constant 16 : index
        %parallel_loop3A_1168 = tpu.vector_load %arg10[%parallel_loop3A_1165, %parallel_loop3A_1166, %parallel_loop3A_1167] {strides = array<i32>} : memref<4x96x32xf32, #tpu.memory_space<vmem>>, vector<1x1x16xf32>,
        %parallel_loop3A_1169 = vector.shape_cast %parallel_loop3A_1168 : vector<1x1x16xf32> to vector<16xf32>
        %parallel_loop3A_1170 = arith.index_cast %parallel_loop3A_1073 : i32 to index
        %parallel_loop3A_1171 = arith.constant 48 : index
        %parallel_loop3A_1172 = tpu.vector_load %arg9[%parallel_loop3A_1170, %parallel_loop3A_1171] {strides = array<i32>} : memref<96x128xf32, #tpu.memory_space<vmem>>, vector<1x16xf32>,
        %parallel_loop3A_1173 = vector.shape_cast %parallel_loop3A_1172 : vector<1x16xf32> to vector<16xf32>
        %parallel_loop3A_1174 = arith.mulf %parallel_loop3A_1169, %parallel_loop3A_1173 : vector<16xf32>
        %parallel_loop3A_1175 = arith.mulf %get3A_101, %parallel_loop3A_1174 : vector<16xf32>
        %parallel_loop3A_1176 = arith.addf %parallel_loop3A_1175, %get3A_141 : vector<16xf32>
        %parallel_loop3A_1177 = arith.constant 0.000000e+00 : f32
        %parallel_loop3A_1178 = vector.broadcast %parallel_loop3A_1177 : f32 to vector<16xf32>
        %parallel_loop3A_1179 = arith.maximumf %parallel_loop3A_1176, %parallel_loop3A_1178 : vector<16xf32>
        %parallel_loop3A_1180 = arith.constant 1 : i32
        %parallel_loop3A_1181 = arith.index_cast %parallel_loop3A_1180 : i32 to index
        %parallel_loop3A_1182 = arith.index_cast %parallel_loop3A_1073 : i32 to index
        %parallel_loop3A_1183 = arith.constant 16 : index
        %parallel_loop3A_1184 = tpu.vector_load %arg11[%parallel_loop3A_1181, %parallel_loop3A_1182, %parallel_loop3A_1183] {strides = array<i32>} : memref<4x96x32xf32, #tpu.memory_space<vmem>>, vector<1x1x16xf32>,
        %parallel_loop3A_1185 = vector.shape_cast %parallel_loop3A_1184 : vector<1x1x16xf32> to vector<16xf32>
        %parallel_loop3A_1186 = arith.mulf %get3A_21, %parallel_loop3A_1185 : vector<16xf32>
        %parallel_loop3A_1187 = arith.addf %parallel_loop3A_1179, %parallel_loop3A_1186 : vector<16xf32>
        %parallel_loop3A_1188 = arith.addf %parallel_loop3A_1187, %get3A_61 : vector<16xf32>
        %parallel_loop3A_1189 = arith.index_cast %parallel_loop3A_1073 : i32 to index
        %parallel_loop3A_1190 = arith.constant 48 : index
        %parallel_loop3A_1191 = tpu.vector_load %arg12[%parallel_loop3A_1189, %parallel_loop3A_1190] {strides = array<i32>} : memref<96x128xf32, #tpu.memory_space<vmem>>, vector<1x16xf32>,
        %parallel_loop3A_1192 = vector.shape_cast %parallel_loop3A_1191 : vector<1x16xf32> to vector<16xf32>
        %parallel_loop3A_1193 = vector.shape_cast %parallel_loop3A_1188 : vector<16xf32> to vector<1x16xf32>
        tpu.vector_store %arg12[%parallel_loop3A_1189, %parallel_loop3A_1190], %parallel_loop3A_1193 {strides = array<i32>} : memref<96x128xf32, #tpu.memory_space<vmem>>, vector<1x16xf32>,
        %parallel_loop3A_1194 = arith.constant 2 : i32
        %parallel_loop3A_1195 = arith.index_cast %parallel_loop3A_1194 : i32 to index
        %parallel_loop3A_1196 = arith.index_cast %parallel_loop3A_1073 : i32 to index
        %parallel_loop3A_1197 = arith.constant 0 : index
        %parallel_loop3A_1198 = tpu.vector_load %arg10[%parallel_loop3A_1195, %parallel_loop3A_1196, %parallel_loop3A_1197] {strides = array<i32>} : memref<4x96x32xf32, #tpu.memory_space<vmem>>, vector<1x1x16xf32>,
        %parallel_loop3A_1199 = vector.shape_cast %parallel_loop3A_1198 : vector<1x1x16xf32> to vector<16xf32>
        %parallel_loop3A_1200 = arith.index_cast %parallel_loop3A_1073 : i32 to index
        %parallel_loop3A_1201 = arith.constant 64 : index
        %parallel_loop3A_1202 = tpu.vector_load %arg9[%parallel_loop3A_1200, %parallel_loop3A_1201] {strides = array<i32>} : memref<96x128xf32, #tpu.memory_space<vmem>>, vector<1x16xf32>,
        %parallel_loop3A_1203 = vector.shape_cast %parallel_loop3A_1202 : vector<1x16xf32> to vector<16xf32>
        %parallel_loop3A_1204 = arith.mulf %parallel_loop3A_1199, %parallel_loop3A_1203 : vector<16xf32>
        %parallel_loop3A_1205 = arith.mulf %get3A_106, %parallel_loop3A_1204 : vector<16xf32>
        %parallel_loop3A_1206 = arith.addf %parallel_loop3A_1205, %get3A_146 : vector<16xf32>
        %parallel_loop3A_1207 = arith.constant 0.000000e+00 : f32
        %parallel_loop3A_1208 = vector.broadcast %parallel_loop3A_1207 : f32 to vector<16xf32>
        %parallel_loop3A_1209 = arith.maximumf %parallel_loop3A_1206, %parallel_loop3A_1208 : vector<16xf32>
        %parallel_loop3A_1210 = arith.constant 2 : i32
        %parallel_loop3A_1211 = arith.index_cast %parallel_loop3A_1210 : i32 to index
        %parallel_loop3A_1212 = arith.index_cast %parallel_loop3A_1073 : i32 to index
        %parallel_loop3A_1213 = arith.constant 0 : index
        %parallel_loop3A_1214 = tpu.vector_load %arg11[%parallel_loop3A_1211, %parallel_loop3A_1212, %parallel_loop3A_1213] {strides = array<i32>} : memref<4x96x32xf32, #tpu.memory_space<vmem>>, vector<1x1x16xf32>,
        %parallel_loop3A_1215 = vector.shape_cast %parallel_loop3A_1214 : vector<1x1x16xf32> to vector<16xf32>
        %parallel_loop3A_1216 = arith.mulf %get3A_26, %parallel_loop3A_1215 : vector<16xf32>
        %parallel_loop3A_1217 = arith.addf %parallel_loop3A_1209, %parallel_loop3A_1216 : vector<16xf32>
        %parallel_loop3A_1218 = arith.addf %parallel_loop3A_1217, %get3A_66 : vector<16xf32>
        %parallel_loop3A_1219 = arith.index_cast %parallel_loop3A_1073 : i32 to index
        %parallel_loop3A_1220 = arith.constant 64 : index
        %parallel_loop3A_1221 = tpu.vector_load %arg12[%parallel_loop3A_1219, %parallel_loop3A_1220] {strides = array<i32>} : memref<96x128xf32, #tpu.memory_space<vmem>>, vector<1x16xf32>,
        %parallel_loop3A_1222 = vector.shape_cast %parallel_loop3A_1221 : vector<1x16xf32> to vector<16xf32>
        %parallel_loop3A_1223 = vector.shape_cast %parallel_loop3A_1218 : vector<16xf32> to vector<1x16xf32>
        tpu.vector_store %arg12[%parallel_loop3A_1219, %parallel_loop3A_1220], %parallel_loop3A_1223 {strides = array<i32>} : memref<96x128xf32, #tpu.memory_space<vmem>>, vector<1x16xf32>,
        %parallel_loop3A_1224 = arith.constant 2 : i32
        %parallel_loop3A_1225 = arith.index_cast %parallel_loop3A_1224 : i32 to index
        %parallel_loop3A_1226 = arith.index_cast %parallel_loop3A_1073 : i32 to index
        %parallel_loop3A_1227 = arith.constant 16 : index
        %parallel_loop3A_1228 = tpu.vector_load %arg10[%parallel_loop3A_1225, %parallel_loop3A_1226, %parallel_loop3A_1227] {strides = array<i32>} : memref<4x96x32xf32, #tpu.memory_space<vmem>>, vector<1x1x16xf32>,
        %parallel_loop3A_1229 = vector.shape_cast %parallel_loop3A_1228 : vector<1x1x16xf32> to vector<16xf32>
        %parallel_loop3A_1230 = arith.index_cast %parallel_loop3A_1073 : i32 to index
        %parallel_loop3A_1231 = arith.constant 80 : index
        %parallel_loop3A_1232 = tpu.vector_load %arg9[%parallel_loop3A_1230, %parallel_loop3A_1231] {strides = array<i32>} : memref<96x128xf32, #tpu.memory_space<vmem>>, vector<1x16xf32>,
        %parallel_loop3A_1233 = vector.shape_cast %parallel_loop3A_1232 : vector<1x16xf32> to vector<16xf32>
        %parallel_loop3A_1234 = arith.mulf %parallel_loop3A_1229, %parallel_loop3A_1233 : vector<16xf32>
        %parallel_loop3A_1235 = arith.mulf %get3A_111, %parallel_loop3A_1234 : vector<16xf32>
        %parallel_loop3A_1236 = arith.addf %parallel_loop3A_1235, %get3A_151 : vector<16xf32>
        %parallel_loop3A_1237 = arith.constant 0.000000e+00 : f32
        %parallel_loop3A_1238 = vector.broadcast %parallel_loop3A_1237 : f32 to vector<16xf32>
        %parallel_loop3A_1239 = arith.maximumf %parallel_loop3A_1236, %parallel_loop3A_1238 : vector<16xf32>
        %parallel_loop3A_1240 = arith.constant 2 : i32
        %parallel_loop3A_1241 = arith.index_cast %parallel_loop3A_1240 : i32 to index
        %parallel_loop3A_1242 = arith.index_cast %parallel_loop3A_1073 : i32 to index
        %parallel_loop3A_1243 = arith.constant 16 : index
        %parallel_loop3A_1244 = tpu.vector_load %arg11[%parallel_loop3A_1241, %parallel_loop3A_1242, %parallel_loop3A_1243] {strides = array<i32>} : memref<4x96x32xf32, #tpu.memory_space<vmem>>, vector<1x1x16xf32>,
        %parallel_loop3A_1245 = vector.shape_cast %parallel_loop3A_1244 : vector<1x1x16xf32> to vector<16xf32>
        %parallel_loop3A_1246 = arith.mulf %get3A_31, %parallel_loop3A_1245 : vector<16xf32>
        %parallel_loop3A_1247 = arith.addf %parallel_loop3A_1239, %parallel_loop3A_1246 : vector<16xf32>
        %parallel_loop3A_1248 = arith.addf %parallel_loop3A_1247, %get3A_71 : vector<16xf32>
        %parallel_loop3A_1249 = arith.index_cast %parallel_loop3A_1073 : i32 to index
        %parallel_loop3A_1250 = arith.constant 80 : index
        %parallel_loop3A_1251 = tpu.vector_load %arg12[%parallel_loop3A_1249, %parallel_loop3A_1250] {strides = array<i32>} : memref<96x128xf32, #tpu.memory_space<vmem>>, vector<1x16xf32>,
        %parallel_loop3A_1252 = vector.shape_cast %parallel_loop3A_1251 : vector<1x16xf32> to vector<16xf32>
        %parallel_loop3A_1253 = vector.shape_cast %parallel_loop3A_1248 : vector<16xf32> to vector<1x16xf32>
        tpu.vector_store %arg12[%parallel_loop3A_1249, %parallel_loop3A_1250], %parallel_loop3A_1253 {strides = array<i32>} : memref<96x128xf32, #tpu.memory_space<vmem>>, vector<1x16xf32>,
        %parallel_loop3A_1254 = arith.constant 3 : i32
        %parallel_loop3A_1255 = arith.index_cast %parallel_loop3A_1254 : i32 to index
        %parallel_loop3A_1256 = arith.index_cast %parallel_loop3A_1073 : i32 to index
        %parallel_loop3A_1257 = arith.constant 0 : index
        %parallel_loop3A_1258 = tpu.vector_load %arg10[%parallel_loop3A_1255, %parallel_loop3A_1256, %parallel_loop3A_1257] {strides = array<i32>} : memref<4x96x32xf32, #tpu.memory_space<vmem>>, vector<1x1x16xf32>,
        %parallel_loop3A_1259 = vector.shape_cast %parallel_loop3A_1258 : vector<1x1x16xf32> to vector<16xf32>
        %parallel_loop3A_1260 = arith.index_cast %parallel_loop3A_1073 : i32 to index
        %parallel_loop3A_1261 = arith.constant 96 : index
        %parallel_loop3A_1262 = tpu.vector_load %arg9[%parallel_loop3A_1260, %parallel_loop3A_1261] {strides = array<i32>} : memref<96x128xf32, #tpu.memory_space<vmem>>, vector<1x16xf32>,
        %parallel_loop3A_1263 = vector.shape_cast %parallel_loop3A_1262 : vector<1x16xf32> to vector<16xf32>
        %parallel_loop3A_1264 = arith.mulf %parallel_loop3A_1259, %parallel_loop3A_1263 : vector<16xf32>
        %parallel_loop3A_1265 = arith.mulf %get3A_116, %parallel_loop3A_1264 : vector<16xf32>
        %parallel_loop3A_1266 = arith.addf %parallel_loop3A_1265, %get3A_156 : vector<16xf32>
        %parallel_loop3A_1267 = arith.constant 0.000000e+00 : f32
        %parallel_loop3A_1268 = vector.broadcast %parallel_loop3A_1267 : f32 to vector<16xf32>
        %parallel_loop3A_1269 = arith.maximumf %parallel_loop3A_1266, %parallel_loop3A_1268 : vector<16xf32>
        %parallel_loop3A_1270 = arith.constant 3 : i32
        %parallel_loop3A_1271 = arith.index_cast %parallel_loop3A_1270 : i32 to index
        %parallel_loop3A_1272 = arith.index_cast %parallel_loop3A_1073 : i32 to index
        %parallel_loop3A_1273 = arith.constant 0 : index
        %parallel_loop3A_1274 = tpu.vector_load %arg11[%parallel_loop3A_1271, %parallel_loop3A_1272, %parallel_loop3A_1273] {strides = array<i32>} : memref<4x96x32xf32, #tpu.memory_space<vmem>>, vector<1x1x16xf32>,
        %parallel_loop3A_1275 = vector.shape_cast %parallel_loop3A_1274 : vector<1x1x16xf32> to vector<16xf32>
        %parallel_loop3A_1276 = arith.mulf %get3A_36, %parallel_loop3A_1275 : vector<16xf32>
        %parallel_loop3A_1277 = arith.addf %parallel_loop3A_1269, %parallel_loop3A_1276 : vector<16xf32>
        %parallel_loop3A_1278 = arith.addf %parallel_loop3A_1277, %get3A_76 : vector<16xf32>
        %parallel_loop3A_1279 = arith.index_cast %parallel_loop3A_1073 : i32 to index
        %parallel_loop3A_1280 = arith.constant 96 : index
        %parallel_loop3A_1281 = tpu.vector_load %arg12[%parallel_loop3A_1279, %parallel_loop3A_1280] {strides = array<i32>} : memref<96x128xf32, #tpu.memory_space<vmem>>, vector<1x16xf32>,
        %parallel_loop3A_1282 = vector.shape_cast %parallel_loop3A_1281 : vector<1x16xf32> to vector<16xf32>
        %parallel_loop3A_1283 = vector.shape_cast %parallel_loop3A_1278 : vector<16xf32> to vector<1x16xf32>
        tpu.vector_store %arg12[%parallel_loop3A_1279, %parallel_loop3A_1280], %parallel_loop3A_1283 {strides = array<i32>} : memref<96x128xf32, #tpu.memory_space<vmem>>, vector<1x16xf32>,
        %parallel_loop3A_1284 = arith.constant 3 : i32
        %parallel_loop3A_1285 = arith.index_cast %parallel_loop3A_1284 : i32 to index
        %parallel_loop3A_1286 = arith.index_cast %parallel_loop3A_1073 : i32 to index
        %parallel_loop3A_1287 = arith.constant 16 : index
        %parallel_loop3A_1288 = tpu.vector_load %arg10[%parallel_loop3A_1285, %parallel_loop3A_1286, %parallel_loop3A_1287] {strides = array<i32>} : memref<4x96x32xf32, #tpu.memory_space<vmem>>, vector<1x1x16xf32>,
        %parallel_loop3A_1289 = vector.shape_cast %parallel_loop3A_1288 : vector<1x1x16xf32> to vector<16xf32>
        %parallel_loop3A_1290 = arith.index_cast %parallel_loop3A_1073 : i32 to index
        %parallel_loop3A_1291 = arith.constant 112 : index
        %parallel_loop3A_1292 = tpu.vector_load %arg9[%parallel_loop3A_1290, %parallel_loop3A_1291] {strides = array<i32>} : memref<96x128xf32, #tpu.memory_space<vmem>>, vector<1x16xf32>,
        %parallel_loop3A_1293 = vector.shape_cast %parallel_loop3A_1292 : vector<1x16xf32> to vector<16xf32>
        %parallel_loop3A_1294 = arith.mulf %parallel_loop3A_1289, %parallel_loop3A_1293 : vector<16xf32>
        %parallel_loop3A_1295 = arith.mulf %get3A_121, %parallel_loop3A_1294 : vector<16xf32>
        %parallel_loop3A_1296 = arith.addf %parallel_loop3A_1295, %get3A_161 : vector<16xf32>
        %parallel_loop3A_1297 = arith.constant 0.000000e+00 : f32
        %parallel_loop3A_1298 = vector.broadcast %parallel_loop3A_1297 : f32 to vector<16xf32>
        %parallel_loop3A_1299 = arith.maximumf %parallel_loop3A_1296, %parallel_loop3A_1298 : vector<16xf32>
        %parallel_loop3A_1300 = arith.constant 3 : i32
        %parallel_loop3A_1301 = arith.index_cast %parallel_loop3A_1300 : i32 to index
        %parallel_loop3A_1302 = arith.index_cast %parallel_loop3A_1073 : i32 to index
        %parallel_loop3A_1303 = arith.constant 16 : index
        %parallel_loop3A_1304 = tpu.vector_load %arg11[%parallel_loop3A_1301, %parallel_loop3A_1302, %parallel_loop3A_1303] {strides = array<i32>} : memref<4x96x32xf32, #tpu.memory_space<vmem>>, vector<1x1x16xf32>,
        %parallel_loop3A_1305 = vector.shape_cast %parallel_loop3A_1304 : vector<1x1x16xf32> to vector<16xf32>
        %parallel_loop3A_1306 = arith.mulf %get3A_41, %parallel_loop3A_1305 : vector<16xf32>
        %parallel_loop3A_1307 = arith.addf %parallel_loop3A_1299, %parallel_loop3A_1306 : vector<16xf32>
        %parallel_loop3A_1308 = arith.addf %parallel_loop3A_1307, %get3A_81 : vector<16xf32>
        %parallel_loop3A_1309 = arith.index_cast %parallel_loop3A_1073 : i32 to index
        %parallel_loop3A_1310 = arith.constant 112 : index
        %parallel_loop3A_1311 = tpu.vector_load %arg12[%parallel_loop3A_1309, %parallel_loop3A_1310] {strides = array<i32>} : memref<96x128xf32, #tpu.memory_space<vmem>>, vector<1x16xf32>,
        %parallel_loop3A_1312 = vector.shape_cast %parallel_loop3A_1311 : vector<1x16xf32> to vector<16xf32>
        %parallel_loop3A_1313 = vector.shape_cast %parallel_loop3A_1308 : vector<16xf32> to vector<1x16xf32>
        tpu.vector_store %arg12[%parallel_loop3A_1309, %parallel_loop3A_1310], %parallel_loop3A_1313 {strides = array<i32>} : memref<96x128xf32, #tpu.memory_space<vmem>>, vector<1x16xf32>,
      } {sc.loop_unroll_factor = 2 : i64, sc.parallel_access}
      "tpu.region"() ({
        %run_scoped3A_1073 = tpu.sem_alloc : memref<!tpu.dma_semaphore, #tpu.memory_space<semaphore_mem>>
        %dma_start3A_1074 = arith.constant 0 : i32
        %dma_start3A_1075 = tpu.memref_slice %arg7[%add3A_774, %dma_start3A_1074] : memref<320000x128xf32, #tpu.memory_space<hbm>> -> memref<96x128xf32, #tpu.memory_space<hbm>>
        %dma_start3A_1076 = arith.constant 0 : i32
        %dma_start3A_1077 = tpu.memref_slice %arg7[%add3A_774, %dma_start3A_1076] : memref<320000x128xf32, #tpu.memory_space<hbm>> -> memref<96x128xf32, #tpu.memory_space<hbm>>
        tpu.enqueue_dma source(%arg12 : memref<96x128xf32, #tpu.memory_space<vmem>>) target(%dma_start3A_1077 : memref<96x128xf32, #tpu.memory_space<hbm>>) target_semaphore(%run_scoped3A_1073 : memref<!tpu.dma_semaphore, #tpu.memory_space<semaphore_mem>>)
        %dma_wait3A_1078 = arith.constant 0 : i32
        %dma_wait3A_1079 = tpu.memref_slice %arg7[%add3A_774, %dma_wait3A_1078] : memref<320000x128xf32, #tpu.memory_space<hbm>> -> memref<96x128xf32, #tpu.memory_space<hbm>>
        %dma_wait3A_1080 = arith.constant 0 : i32
        %dma_wait3A_1081 = tpu.memref_slice %arg7[%add3A_774, %dma_wait3A_1080] : memref<320000x128xf32, #tpu.memory_space<hbm>> -> memref<96x128xf32, #tpu.memory_space<hbm>>
        tpu.wait_dma2 semaphore(%run_scoped3A_1073 : memref<!tpu.dma_semaphore, #tpu.memory_space<semaphore_mem>>) src(%arg12 : memref<96x128xf32, #tpu.memory_space<vmem>>) dst(%dma_wait3A_1081 : memref<96x128xf32, #tpu.memory_space<hbm>>)
        tpu.yield
      }) : () -> ()
    }
    %scan3A_174 = arith.constant 52 : i32
    %add3A_175 = arith.constant 9888 : i32
    %add3A_176 = arith.addi %mul3A_2, %add3A_175 : i32
    %dma_wait3A = arith.constant 0 : i32
    %dma_wait3A_177 = arith.constant 0 : i32
    %dma_wait3A_178 = tpu.memref_slice %arg8[%dma_wait3A, %dma_wait3A_177] : memref<2x96xi32, #tpu.memory_space<vmem>> -> memref<1x96xi32, #tpu.memory_space<vmem>>
    %dma_wait3A_179 = tpu.memref_squeeze %dma_wait3A_178 : memref<1x96xi32, #tpu.memory_space<vmem>> -> memref<96xi32, #tpu.memory_space<vmem>>
    %dma_wait3A_180 = tpu.memref_slice %arg4[%add3A_176] : memref<320000xi32, #tpu.memory_space<hbm>> -> memref<96xi32, #tpu.memory_space<hbm>>
    %dma_wait3A_181 = arith.constant 0 : i32
    %dma_wait3A_182 = tpu.memref_slice %arg8[%dma_wait3A, %dma_wait3A_181] : memref<2x96xi32, #tpu.memory_space<vmem>> -> memref<1x96xi32, #tpu.memory_space<vmem>>
    %dma_wait3A_183 = tpu.memref_squeeze %dma_wait3A_182 : memref<1x96xi32, #tpu.memory_space<vmem>> -> memref<96xi32, #tpu.memory_space<vmem>>
    %dma_wait3A_184 = tpu.memref_slice %arg4[%add3A_176] : memref<320000xi32, #tpu.memory_space<hbm>> -> memref<96xi32, #tpu.memory_space<hbm>>
    tpu.wait_dma2 semaphore(%arg16 : memref<!tpu.dma_semaphore, #tpu.memory_space<semaphore_mem>>) src(%dma_wait3A_184 : memref<96xi32, #tpu.memory_space<hbm>>) dst(%dma_wait3A_183 : memref<96xi32, #tpu.memory_space<vmem>>)
    %add3A_185 = arith.constant 9984 : i32
    %add3A_186 = arith.addi %mul3A_2, %add3A_185 : i32
    %run_scoped3A = arith.constant 0 : i32
    "tpu.region"() ({
      %run_scoped3A_465 = tpu.sem_alloc : memref<!tpu.dma_semaphore, #tpu.memory_space<semaphore_mem>>
      %dma_start3A_466 = arith.constant 0 : i32
      %dma_start3A_467 = tpu.memref_slice %arg8[%run_scoped3A, %dma_start3A_466] : memref<2x96xi32, #tpu.memory_space<vmem>> -> memref<1x16xi32, #tpu.memory_space<vmem>>
      %dma_start3A_468 = tpu.memref_squeeze %dma_start3A_467 : memref<1x16xi32, #tpu.memory_space<vmem>> -> memref<16xi32, #tpu.memory_space<vmem>>
      %dma_start3A_469 = tpu.memref_slice %arg4[%add3A_186] : memref<320000xi32, #tpu.memory_space<hbm>> -> memref<16xi32, #tpu.memory_space<hbm>>
      %dma_start3A_470 = arith.constant 0 : i32
      %dma_start3A_471 = tpu.memref_slice %arg8[%run_scoped3A, %dma_start3A_470] : memref<2x96xi32, #tpu.memory_space<vmem>> -> memref<1x16xi32, #tpu.memory_space<vmem>>
      %dma_start3A_472 = tpu.memref_squeeze %dma_start3A_471 : memref<1x16xi32, #tpu.memory_space<vmem>> -> memref<16xi32, #tpu.memory_space<vmem>>
      %dma_start3A_473 = tpu.memref_slice %arg4[%add3A_186] : memref<320000xi32, #tpu.memory_space<hbm>> -> memref<16xi32, #tpu.memory_space<hbm>>
      tpu.enqueue_dma source(%dma_start3A_473 : memref<16xi32, #tpu.memory_space<hbm>>) target(%dma_start3A_472 : memref<16xi32, #tpu.memory_space<vmem>>) target_semaphore(%run_scoped3A_465 : memref<!tpu.dma_semaphore, #tpu.memory_space<semaphore_mem>>)
      %dma_wait3A_474 = arith.constant 0 : i32
      %dma_wait3A_475 = tpu.memref_slice %arg8[%run_scoped3A, %dma_wait3A_474] : memref<2x96xi32, #tpu.memory_space<vmem>> -> memref<1x16xi32, #tpu.memory_space<vmem>>
      %dma_wait3A_476 = tpu.memref_squeeze %dma_wait3A_475 : memref<1x16xi32, #tpu.memory_space<vmem>> -> memref<16xi32, #tpu.memory_space<vmem>>
      %dma_wait3A_477 = tpu.memref_slice %arg4[%add3A_186] : memref<320000xi32, #tpu.memory_space<hbm>> -> memref<16xi32, #tpu.memory_space<hbm>>
      %dma_wait3A_478 = arith.constant 0 : i32
      %dma_wait3A_479 = tpu.memref_slice %arg8[%run_scoped3A, %dma_wait3A_478] : memref<2x96xi32, #tpu.memory_space<vmem>> -> memref<1x16xi32, #tpu.memory_space<vmem>>
      %dma_wait3A_480 = tpu.memref_squeeze %dma_wait3A_479 : memref<1x16xi32, #tpu.memory_space<vmem>> -> memref<16xi32, #tpu.memory_space<vmem>>
      %dma_wait3A_481 = tpu.memref_slice %arg4[%add3A_186] : memref<320000xi32, #tpu.memory_space<hbm>> -> memref<16xi32, #tpu.memory_space<hbm>>
      tpu.wait_dma2 semaphore(%run_scoped3A_465 : memref<!tpu.dma_semaphore, #tpu.memory_space<semaphore_mem>>) src(%dma_wait3A_481 : memref<16xi32, #tpu.memory_space<hbm>>) dst(%dma_wait3A_480 : memref<16xi32, #tpu.memory_space<vmem>>)
      tpu.yield
    }) : () -> ()
    %dma_start3A_187 = arith.constant 0 : i32
    %dma_start3A_188 = arith.constant 0 : i32
    %dma_start3A_189 = arith.constant 0 : i32
    %dma_start3A_190 = tpu.memref_slice %arg9[%dma_start3A_188, %dma_start3A_189] : memref<96x128xf32, #tpu.memory_space<vmem>> -> memref<16x128xf32, #tpu.memory_space<vmem>>
    %dma_start3A_191 = arith.constant 0 : i32
    %dma_start3A_192 = tpu.memref_slice %arg8[%dma_start3A_187, %dma_start3A_191] : memref<2x96xi32, #tpu.memory_space<vmem>> -> memref<1x16xi32, #tpu.memory_space<vmem>>
    %dma_start3A_193 = tpu.memref_squeeze %dma_start3A_192 : memref<1x16xi32, #tpu.memory_space<vmem>> -> memref<16xi32, #tpu.memory_space<vmem>>
    %dma_start3A_194 = arith.constant 0 : i32
    %dma_start3A_195 = arith.constant 0 : i32
    %dma_start3A_196 = tpu.memref_slice %arg5[%dma_start3A_194, %dma_start3A_195] : memref<10112x128xf32, #tpu.memory_space<hbm>> -> memref<10112x128xf32, #tpu.memory_space<hbm>>
    tpu.enqueue_indirect_dma source(%dma_start3A_196 : memref<10112x128xf32, #tpu.memory_space<hbm>>) target(%dma_start3A_190 : memref<16x128xf32, #tpu.memory_space<vmem>>) offsets(%dma_start3A_193 : memref<16xi32, #tpu.memory_space<vmem>>) semaphore(%arg15 : memref<!tpu.dma_semaphore, #tpu.memory_space<semaphore_mem>>)
    %dma_start3A_197 = arith.constant 0 : i32
    %dma_start3A_198 = arith.constant 0 : i32
    %dma_start3A_199 = arith.constant 0 : i32
    %dma_start3A_200 = arith.constant 0 : i32
    %dma_start3A_201 = tpu.memref_slice %arg10[%dma_start3A_198, %dma_start3A_199, %dma_start3A_200] : memref<4x96x32xf32, #tpu.memory_space<vmem>> -> memref<1x16x32xf32, #tpu.memory_space<vmem>>
    %dma_start3A_202 = tpu.memref_squeeze %dma_start3A_201 : memref<1x16x32xf32, #tpu.memory_space<vmem>> -> memref<16x32xf32, #tpu.memory_space<vmem>>
    %dma_start3A_203 = arith.constant 0 : i32
    %dma_start3A_204 = tpu.memref_slice %arg2[%dma_start3A_197, %add3A_186, %dma_start3A_203] : memref<4x320000x32xf32, #tpu.memory_space<hbm>> -> memref<1x16x32xf32, #tpu.memory_space<hbm>>
    %dma_start3A_205 = tpu.memref_squeeze %dma_start3A_204 : memref<1x16x32xf32, #tpu.memory_space<hbm>> -> memref<16x32xf32, #tpu.memory_space<hbm>>
    %dma_start3A_206 = arith.constant 0 : i32
    %dma_start3A_207 = arith.constant 0 : i32
    %dma_start3A_208 = tpu.memref_slice %arg10[%dma_start3A_198, %dma_start3A_206, %dma_start3A_207] : memref<4x96x32xf32, #tpu.memory_space<vmem>> -> memref<1x16x32xf32, #tpu.memory_space<vmem>>
    %dma_start3A_209 = tpu.memref_squeeze %dma_start3A_208 : memref<1x16x32xf32, #tpu.memory_space<vmem>> -> memref<16x32xf32, #tpu.memory_space<vmem>>
    %dma_start3A_210 = arith.constant 0 : i32
    %dma_start3A_211 = tpu.memref_slice %arg2[%dma_start3A_197, %add3A_186, %dma_start3A_210] : memref<4x320000x32xf32, #tpu.memory_space<hbm>> -> memref<1x16x32xf32, #tpu.memory_space<hbm>>
    %dma_start3A_212 = tpu.memref_squeeze %dma_start3A_211 : memref<1x16x32xf32, #tpu.memory_space<hbm>> -> memref<16x32xf32, #tpu.memory_space<hbm>>
    tpu.enqueue_dma source(%dma_start3A_212 : memref<16x32xf32, #tpu.memory_space<hbm>>) target(%dma_start3A_209 : memref<16x32xf32, #tpu.memory_space<vmem>>) target_semaphore(%arg14 : memref<!tpu.dma_semaphore, #tpu.memory_space<semaphore_mem>>)
    %dma_start3A_213 = arith.constant 0 : i32
    %dma_start3A_214 = arith.constant 0 : i32
    %dma_start3A_215 = arith.constant 0 : i32
    %dma_start3A_216 = arith.constant 0 : i32
    %dma_start3A_217 = tpu.memref_slice %arg11[%dma_start3A_214, %dma_start3A_215, %dma_start3A_216] : memref<4x96x32xf32, #tpu.memory_space<vmem>> -> memref<1x16x32xf32, #tpu.memory_space<vmem>>
    %dma_start3A_218 = tpu.memref_squeeze %dma_start3A_217 : memref<1x16x32xf32, #tpu.memory_space<vmem>> -> memref<16x32xf32, #tpu.memory_space<vmem>>
    %dma_start3A_219 = arith.constant 0 : i32
    %dma_start3A_220 = tpu.memref_slice %arg3[%dma_start3A_213, %add3A_186, %dma_start3A_219] : memref<4x320000x32xf32, #tpu.memory_space<hbm>> -> memref<1x16x32xf32, #tpu.memory_space<hbm>>
    %dma_start3A_221 = tpu.memref_squeeze %dma_start3A_220 : memref<1x16x32xf32, #tpu.memory_space<hbm>> -> memref<16x32xf32, #tpu.memory_space<hbm>>
    %dma_start3A_222 = arith.constant 0 : i32
    %dma_start3A_223 = arith.constant 0 : i32
    %dma_start3A_224 = tpu.memref_slice %arg11[%dma_start3A_214, %dma_start3A_222, %dma_start3A_223] : memref<4x96x32xf32, #tpu.memory_space<vmem>> -> memref<1x16x32xf32, #tpu.memory_space<vmem>>
    %dma_start3A_225 = tpu.memref_squeeze %dma_start3A_224 : memref<1x16x32xf32, #tpu.memory_space<vmem>> -> memref<16x32xf32, #tpu.memory_space<vmem>>
    %dma_start3A_226 = arith.constant 0 : i32
    %dma_start3A_227 = tpu.memref_slice %arg3[%dma_start3A_213, %add3A_186, %dma_start3A_226] : memref<4x320000x32xf32, #tpu.memory_space<hbm>> -> memref<1x16x32xf32, #tpu.memory_space<hbm>>
    %dma_start3A_228 = tpu.memref_squeeze %dma_start3A_227 : memref<1x16x32xf32, #tpu.memory_space<hbm>> -> memref<16x32xf32, #tpu.memory_space<hbm>>
    tpu.enqueue_dma source(%dma_start3A_228 : memref<16x32xf32, #tpu.memory_space<hbm>>) target(%dma_start3A_225 : memref<16x32xf32, #tpu.memory_space<vmem>>) target_semaphore(%arg14 : memref<!tpu.dma_semaphore, #tpu.memory_space<semaphore_mem>>)
    %dma_start3A_229 = arith.constant 1 : i32
    %dma_start3A_230 = arith.constant 1 : i32
    %dma_start3A_231 = arith.constant 0 : i32
    %dma_start3A_232 = arith.constant 0 : i32
    %dma_start3A_233 = tpu.memref_slice %arg10[%dma_start3A_230, %dma_start3A_231, %dma_start3A_232] : memref<4x96x32xf32, #tpu.memory_space<vmem>> -> memref<1x16x32xf32, #tpu.memory_space<vmem>>
    %dma_start3A_234 = tpu.memref_squeeze %dma_start3A_233 : memref<1x16x32xf32, #tpu.memory_space<vmem>> -> memref<16x32xf32, #tpu.memory_space<vmem>>
    %dma_start3A_235 = arith.constant 0 : i32
    %dma_start3A_236 = tpu.memref_slice %arg2[%dma_start3A_229, %add3A_186, %dma_start3A_235] : memref<4x320000x32xf32, #tpu.memory_space<hbm>> -> memref<1x16x32xf32, #tpu.memory_space<hbm>>
    %dma_start3A_237 = tpu.memref_squeeze %dma_start3A_236 : memref<1x16x32xf32, #tpu.memory_space<hbm>> -> memref<16x32xf32, #tpu.memory_space<hbm>>
    %dma_start3A_238 = arith.constant 0 : i32
    %dma_start3A_239 = arith.constant 0 : i32
    %dma_start3A_240 = tpu.memref_slice %arg10[%dma_start3A_230, %dma_start3A_238, %dma_start3A_239] : memref<4x96x32xf32, #tpu.memory_space<vmem>> -> memref<1x16x32xf32, #tpu.memory_space<vmem>>
    %dma_start3A_241 = tpu.memref_squeeze %dma_start3A_240 : memref<1x16x32xf32, #tpu.memory_space<vmem>> -> memref<16x32xf32, #tpu.memory_space<vmem>>
    %dma_start3A_242 = arith.constant 0 : i32
    %dma_start3A_243 = tpu.memref_slice %arg2[%dma_start3A_229, %add3A_186, %dma_start3A_242] : memref<4x320000x32xf32, #tpu.memory_space<hbm>> -> memref<1x16x32xf32, #tpu.memory_space<hbm>>
    %dma_start3A_244 = tpu.memref_squeeze %dma_start3A_243 : memref<1x16x32xf32, #tpu.memory_space<hbm>> -> memref<16x32xf32, #tpu.memory_space<hbm>>
    tpu.enqueue_dma source(%dma_start3A_244 : memref<16x32xf32, #tpu.memory_space<hbm>>) target(%dma_start3A_241 : memref<16x32xf32, #tpu.memory_space<vmem>>) target_semaphore(%arg14 : memref<!tpu.dma_semaphore, #tpu.memory_space<semaphore_mem>>)
    %dma_start3A_245 = arith.constant 1 : i32
    %dma_start3A_246 = arith.constant 1 : i32
    %dma_start3A_247 = arith.constant 0 : i32
    %dma_start3A_248 = arith.constant 0 : i32
    %dma_start3A_249 = tpu.memref_slice %arg11[%dma_start3A_246, %dma_start3A_247, %dma_start3A_248] : memref<4x96x32xf32, #tpu.memory_space<vmem>> -> memref<1x16x32xf32, #tpu.memory_space<vmem>>
    %dma_start3A_250 = tpu.memref_squeeze %dma_start3A_249 : memref<1x16x32xf32, #tpu.memory_space<vmem>> -> memref<16x32xf32, #tpu.memory_space<vmem>>
    %dma_start3A_251 = arith.constant 0 : i32
    %dma_start3A_252 = tpu.memref_slice %arg3[%dma_start3A_245, %add3A_186, %dma_start3A_251] : memref<4x320000x32xf32, #tpu.memory_space<hbm>> -> memref<1x16x32xf32, #tpu.memory_space<hbm>>
    %dma_start3A_253 = tpu.memref_squeeze %dma_start3A_252 : memref<1x16x32xf32, #tpu.memory_space<hbm>> -> memref<16x32xf32, #tpu.memory_space<hbm>>
    %dma_start3A_254 = arith.constant 0 : i32
    %dma_start3A_255 = arith.constant 0 : i32
    %dma_start3A_256 = tpu.memref_slice %arg11[%dma_start3A_246, %dma_start3A_254, %dma_start3A_255] : memref<4x96x32xf32, #tpu.memory_space<vmem>> -> memref<1x16x32xf32, #tpu.memory_space<vmem>>
    %dma_start3A_257 = tpu.memref_squeeze %dma_start3A_256 : memref<1x16x32xf32, #tpu.memory_space<vmem>> -> memref<16x32xf32, #tpu.memory_space<vmem>>
    %dma_start3A_258 = arith.constant 0 : i32
    %dma_start3A_259 = tpu.memref_slice %arg3[%dma_start3A_245, %add3A_186, %dma_start3A_258] : memref<4x320000x32xf32, #tpu.memory_space<hbm>> -> memref<1x16x32xf32, #tpu.memory_space<hbm>>
    %dma_start3A_260 = tpu.memref_squeeze %dma_start3A_259 : memref<1x16x32xf32, #tpu.memory_space<hbm>> -> memref<16x32xf32, #tpu.memory_space<hbm>>
    tpu.enqueue_dma source(%dma_start3A_260 : memref<16x32xf32, #tpu.memory_space<hbm>>) target(%dma_start3A_257 : memref<16x32xf32, #tpu.memory_space<vmem>>) target_semaphore(%arg14 : memref<!tpu.dma_semaphore, #tpu.memory_space<semaphore_mem>>)
    %dma_start3A_261 = arith.constant 2 : i32
    %dma_start3A_262 = arith.constant 2 : i32
    %dma_start3A_263 = arith.constant 0 : i32
    %dma_start3A_264 = arith.constant 0 : i32
    %dma_start3A_265 = tpu.memref_slice %arg10[%dma_start3A_262, %dma_start3A_263, %dma_start3A_264] : memref<4x96x32xf32, #tpu.memory_space<vmem>> -> memref<1x16x32xf32, #tpu.memory_space<vmem>>
    %dma_start3A_266 = tpu.memref_squeeze %dma_start3A_265 : memref<1x16x32xf32, #tpu.memory_space<vmem>> -> memref<16x32xf32, #tpu.memory_space<vmem>>
    %dma_start3A_267 = arith.constant 0 : i32
    %dma_start3A_268 = tpu.memref_slice %arg2[%dma_start3A_261, %add3A_186, %dma_start3A_267] : memref<4x320000x32xf32, #tpu.memory_space<hbm>> -> memref<1x16x32xf32, #tpu.memory_space<hbm>>
    %dma_start3A_269 = tpu.memref_squeeze %dma_start3A_268 : memref<1x16x32xf32, #tpu.memory_space<hbm>> -> memref<16x32xf32, #tpu.memory_space<hbm>>
    %dma_start3A_270 = arith.constant 0 : i32
    %dma_start3A_271 = arith.constant 0 : i32
    %dma_start3A_272 = tpu.memref_slice %arg10[%dma_start3A_262, %dma_start3A_270, %dma_start3A_271] : memref<4x96x32xf32, #tpu.memory_space<vmem>> -> memref<1x16x32xf32, #tpu.memory_space<vmem>>
    %dma_start3A_273 = tpu.memref_squeeze %dma_start3A_272 : memref<1x16x32xf32, #tpu.memory_space<vmem>> -> memref<16x32xf32, #tpu.memory_space<vmem>>
    %dma_start3A_274 = arith.constant 0 : i32
    %dma_start3A_275 = tpu.memref_slice %arg2[%dma_start3A_261, %add3A_186, %dma_start3A_274] : memref<4x320000x32xf32, #tpu.memory_space<hbm>> -> memref<1x16x32xf32, #tpu.memory_space<hbm>>
    %dma_start3A_276 = tpu.memref_squeeze %dma_start3A_275 : memref<1x16x32xf32, #tpu.memory_space<hbm>> -> memref<16x32xf32, #tpu.memory_space<hbm>>
    tpu.enqueue_dma source(%dma_start3A_276 : memref<16x32xf32, #tpu.memory_space<hbm>>) target(%dma_start3A_273 : memref<16x32xf32, #tpu.memory_space<vmem>>) target_semaphore(%arg14 : memref<!tpu.dma_semaphore, #tpu.memory_space<semaphore_mem>>)
    %dma_start3A_277 = arith.constant 2 : i32
    %dma_start3A_278 = arith.constant 2 : i32
    %dma_start3A_279 = arith.constant 0 : i32
    %dma_start3A_280 = arith.constant 0 : i32
    %dma_start3A_281 = tpu.memref_slice %arg11[%dma_start3A_278, %dma_start3A_279, %dma_start3A_280] : memref<4x96x32xf32, #tpu.memory_space<vmem>> -> memref<1x16x32xf32, #tpu.memory_space<vmem>>
    %dma_start3A_282 = tpu.memref_squeeze %dma_start3A_281 : memref<1x16x32xf32, #tpu.memory_space<vmem>> -> memref<16x32xf32, #tpu.memory_space<vmem>>
    %dma_start3A_283 = arith.constant 0 : i32
    %dma_start3A_284 = tpu.memref_slice %arg3[%dma_start3A_277, %add3A_186, %dma_start3A_283] : memref<4x320000x32xf32, #tpu.memory_space<hbm>> -> memref<1x16x32xf32, #tpu.memory_space<hbm>>
    %dma_start3A_285 = tpu.memref_squeeze %dma_start3A_284 : memref<1x16x32xf32, #tpu.memory_space<hbm>> -> memref<16x32xf32, #tpu.memory_space<hbm>>
    %dma_start3A_286 = arith.constant 0 : i32
    %dma_start3A_287 = arith.constant 0 : i32
    %dma_start3A_288 = tpu.memref_slice %arg11[%dma_start3A_278, %dma_start3A_286, %dma_start3A_287] : memref<4x96x32xf32, #tpu.memory_space<vmem>> -> memref<1x16x32xf32, #tpu.memory_space<vmem>>
    %dma_start3A_289 = tpu.memref_squeeze %dma_start3A_288 : memref<1x16x32xf32, #tpu.memory_space<vmem>> -> memref<16x32xf32, #tpu.memory_space<vmem>>
    %dma_start3A_290 = arith.constant 0 : i32
    %dma_start3A_291 = tpu.memref_slice %arg3[%dma_start3A_277, %add3A_186, %dma_start3A_290] : memref<4x320000x32xf32, #tpu.memory_space<hbm>> -> memref<1x16x32xf32, #tpu.memory_space<hbm>>
    %dma_start3A_292 = tpu.memref_squeeze %dma_start3A_291 : memref<1x16x32xf32, #tpu.memory_space<hbm>> -> memref<16x32xf32, #tpu.memory_space<hbm>>
    tpu.enqueue_dma source(%dma_start3A_292 : memref<16x32xf32, #tpu.memory_space<hbm>>) target(%dma_start3A_289 : memref<16x32xf32, #tpu.memory_space<vmem>>) target_semaphore(%arg14 : memref<!tpu.dma_semaphore, #tpu.memory_space<semaphore_mem>>)
    %dma_start3A_293 = arith.constant 3 : i32
    %dma_start3A_294 = arith.constant 3 : i32
    %dma_start3A_295 = arith.constant 0 : i32
    %dma_start3A_296 = arith.constant 0 : i32
    %dma_start3A_297 = tpu.memref_slice %arg10[%dma_start3A_294, %dma_start3A_295, %dma_start3A_296] : memref<4x96x32xf32, #tpu.memory_space<vmem>> -> memref<1x16x32xf32, #tpu.memory_space<vmem>>
    %dma_start3A_298 = tpu.memref_squeeze %dma_start3A_297 : memref<1x16x32xf32, #tpu.memory_space<vmem>> -> memref<16x32xf32, #tpu.memory_space<vmem>>
    %dma_start3A_299 = arith.constant 0 : i32
    %dma_start3A_300 = tpu.memref_slice %arg2[%dma_start3A_293, %add3A_186, %dma_start3A_299] : memref<4x320000x32xf32, #tpu.memory_space<hbm>> -> memref<1x16x32xf32, #tpu.memory_space<hbm>>
    %dma_start3A_301 = tpu.memref_squeeze %dma_start3A_300 : memref<1x16x32xf32, #tpu.memory_space<hbm>> -> memref<16x32xf32, #tpu.memory_space<hbm>>
    %dma_start3A_302 = arith.constant 0 : i32
    %dma_start3A_303 = arith.constant 0 : i32
    %dma_start3A_304 = tpu.memref_slice %arg10[%dma_start3A_294, %dma_start3A_302, %dma_start3A_303] : memref<4x96x32xf32, #tpu.memory_space<vmem>> -> memref<1x16x32xf32, #tpu.memory_space<vmem>>
    %dma_start3A_305 = tpu.memref_squeeze %dma_start3A_304 : memref<1x16x32xf32, #tpu.memory_space<vmem>> -> memref<16x32xf32, #tpu.memory_space<vmem>>
    %dma_start3A_306 = arith.constant 0 : i32
    %dma_start3A_307 = tpu.memref_slice %arg2[%dma_start3A_293, %add3A_186, %dma_start3A_306] : memref<4x320000x32xf32, #tpu.memory_space<hbm>> -> memref<1x16x32xf32, #tpu.memory_space<hbm>>
    %dma_start3A_308 = tpu.memref_squeeze %dma_start3A_307 : memref<1x16x32xf32, #tpu.memory_space<hbm>> -> memref<16x32xf32, #tpu.memory_space<hbm>>
    tpu.enqueue_dma source(%dma_start3A_308 : memref<16x32xf32, #tpu.memory_space<hbm>>) target(%dma_start3A_305 : memref<16x32xf32, #tpu.memory_space<vmem>>) target_semaphore(%arg14 : memref<!tpu.dma_semaphore, #tpu.memory_space<semaphore_mem>>)
    %dma_start3A_309 = arith.constant 3 : i32
    %dma_start3A_310 = arith.constant 3 : i32
    %dma_start3A_311 = arith.constant 0 : i32
    %dma_start3A_312 = arith.constant 0 : i32
    %dma_start3A_313 = tpu.memref_slice %arg11[%dma_start3A_310, %dma_start3A_311, %dma_start3A_312] : memref<4x96x32xf32, #tpu.memory_space<vmem>> -> memref<1x16x32xf32, #tpu.memory_space<vmem>>
    %dma_start3A_314 = tpu.memref_squeeze %dma_start3A_313 : memref<1x16x32xf32, #tpu.memory_space<vmem>> -> memref<16x32xf32, #tpu.memory_space<vmem>>
    %dma_start3A_315 = arith.constant 0 : i32
    %dma_start3A_316 = tpu.memref_slice %arg3[%dma_start3A_309, %add3A_186, %dma_start3A_315] : memref<4x320000x32xf32, #tpu.memory_space<hbm>> -> memref<1x16x32xf32, #tpu.memory_space<hbm>>
    %dma_start3A_317 = tpu.memref_squeeze %dma_start3A_316 : memref<1x16x32xf32, #tpu.memory_space<hbm>> -> memref<16x32xf32, #tpu.memory_space<hbm>>
    %dma_start3A_318 = arith.constant 0 : i32
    %dma_start3A_319 = arith.constant 0 : i32
    %dma_start3A_320 = tpu.memref_slice %arg11[%dma_start3A_310, %dma_start3A_318, %dma_start3A_319] : memref<4x96x32xf32, #tpu.memory_space<vmem>> -> memref<1x16x32xf32, #tpu.memory_space<vmem>>
    %dma_start3A_321 = tpu.memref_squeeze %dma_start3A_320 : memref<1x16x32xf32, #tpu.memory_space<vmem>> -> memref<16x32xf32, #tpu.memory_space<vmem>>
    %dma_start3A_322 = arith.constant 0 : i32
    %dma_start3A_323 = tpu.memref_slice %arg3[%dma_start3A_309, %add3A_186, %dma_start3A_322] : memref<4x320000x32xf32, #tpu.memory_space<hbm>> -> memref<1x16x32xf32, #tpu.memory_space<hbm>>
    %dma_start3A_324 = tpu.memref_squeeze %dma_start3A_323 : memref<1x16x32xf32, #tpu.memory_space<hbm>> -> memref<16x32xf32, #tpu.memory_space<hbm>>
    tpu.enqueue_dma source(%dma_start3A_324 : memref<16x32xf32, #tpu.memory_space<hbm>>) target(%dma_start3A_321 : memref<16x32xf32, #tpu.memory_space<vmem>>) target_semaphore(%arg14 : memref<!tpu.dma_semaphore, #tpu.memory_space<semaphore_mem>>)
    %dma_wait3A_325 = arith.constant 0 : i32
    %dma_wait3A_326 = arith.constant 0 : i32
    %dma_wait3A_327 = arith.constant 0 : i32
    %dma_wait3A_328 = tpu.memref_slice %arg9[%dma_wait3A_326, %dma_wait3A_327] : memref<96x128xf32, #tpu.memory_space<vmem>> -> memref<16x128xf32, #tpu.memory_space<vmem>>
    %dma_wait3A_329 = arith.constant 0 : i32
    %dma_wait3A_330 = tpu.memref_slice %arg8[%dma_wait3A_325, %dma_wait3A_329] : memref<2x96xi32, #tpu.memory_space<vmem>> -> memref<1x16xi32, #tpu.memory_space<vmem>>
    %dma_wait3A_331 = tpu.memref_squeeze %dma_wait3A_330 : memref<1x16xi32, #tpu.memory_space<vmem>> -> memref<16xi32, #tpu.memory_space<vmem>>
    %dma_wait3A_332 = arith.constant 0 : i32
    %dma_wait3A_333 = arith.constant 0 : i32
    %dma_wait3A_334 = tpu.memref_slice %arg5[%dma_wait3A_332, %dma_wait3A_333] : memref<10112x128xf32, #tpu.memory_space<hbm>> -> memref<10112x128xf32, #tpu.memory_space<hbm>>
    tpu.wait_indirect_dma semaphore(%arg15 : memref<!tpu.dma_semaphore, #tpu.memory_space<semaphore_mem>>) src(%dma_wait3A_334 : memref<10112x128xf32, #tpu.memory_space<hbm>>) dst(%dma_wait3A_328 : memref<16x128xf32, #tpu.memory_space<vmem>>)
    %dma_wait3A_335 = arith.constant 0 : i32
    %dma_wait3A_336 = arith.constant 0 : i32
    %dma_wait3A_337 = arith.constant 0 : i32
    %dma_wait3A_338 = arith.constant 0 : i32
    %dma_wait3A_339 = tpu.memref_slice %arg10[%dma_wait3A_336, %dma_wait3A_337, %dma_wait3A_338] : memref<4x96x32xf32, #tpu.memory_space<vmem>> -> memref<1x16x32xf32, #tpu.memory_space<vmem>>
    %dma_wait3A_340 = tpu.memref_squeeze %dma_wait3A_339 : memref<1x16x32xf32, #tpu.memory_space<vmem>> -> memref<16x32xf32, #tpu.memory_space<vmem>>
    %dma_wait3A_341 = arith.constant 0 : i32
    %dma_wait3A_342 = tpu.memref_slice %arg2[%dma_wait3A_335, %add3A_186, %dma_wait3A_341] : memref<4x320000x32xf32, #tpu.memory_space<hbm>> -> memref<1x16x32xf32, #tpu.memory_space<hbm>>
    %dma_wait3A_343 = tpu.memref_squeeze %dma_wait3A_342 : memref<1x16x32xf32, #tpu.memory_space<hbm>> -> memref<16x32xf32, #tpu.memory_space<hbm>>
    %dma_wait3A_344 = arith.constant 0 : i32
    %dma_wait3A_345 = arith.constant 0 : i32
    %dma_wait3A_346 = tpu.memref_slice %arg10[%dma_wait3A_336, %dma_wait3A_344, %dma_wait3A_345] : memref<4x96x32xf32, #tpu.memory_space<vmem>> -> memref<1x16x32xf32, #tpu.memory_space<vmem>>
    %dma_wait3A_347 = tpu.memref_squeeze %dma_wait3A_346 : memref<1x16x32xf32, #tpu.memory_space<vmem>> -> memref<16x32xf32, #tpu.memory_space<vmem>>
    %dma_wait3A_348 = arith.constant 0 : i32
    %dma_wait3A_349 = tpu.memref_slice %arg2[%dma_wait3A_335, %add3A_186, %dma_wait3A_348] : memref<4x320000x32xf32, #tpu.memory_space<hbm>> -> memref<1x16x32xf32, #tpu.memory_space<hbm>>
    %dma_wait3A_350 = tpu.memref_squeeze %dma_wait3A_349 : memref<1x16x32xf32, #tpu.memory_space<hbm>> -> memref<16x32xf32, #tpu.memory_space<hbm>>
    tpu.wait_dma2 semaphore(%arg14 : memref<!tpu.dma_semaphore, #tpu.memory_space<semaphore_mem>>) src(%dma_wait3A_350 : memref<16x32xf32, #tpu.memory_space<hbm>>) dst(%dma_wait3A_347 : memref<16x32xf32, #tpu.memory_space<vmem>>)
    %dma_wait3A_351 = arith.constant 0 : i32
    %dma_wait3A_352 = arith.constant 0 : i32
    %dma_wait3A_353 = arith.constant 0 : i32
    %dma_wait3A_354 = arith.constant 0 : i32
    %dma_wait3A_355 = tpu.memref_slice %arg11[%dma_wait3A_352, %dma_wait3A_353, %dma_wait3A_354] : memref<4x96x32xf32, #tpu.memory_space<vmem>> -> memref<1x16x32xf32, #tpu.memory_space<vmem>>
    %dma_wait3A_356 = tpu.memref_squeeze %dma_wait3A_355 : memref<1x16x32xf32, #tpu.memory_space<vmem>> -> memref<16x32xf32, #tpu.memory_space<vmem>>
    %dma_wait3A_357 = arith.constant 0 : i32
    %dma_wait3A_358 = tpu.memref_slice %arg3[%dma_wait3A_351, %add3A_186, %dma_wait3A_357] : memref<4x320000x32xf32, #tpu.memory_space<hbm>> -> memref<1x16x32xf32, #tpu.memory_space<hbm>>
    %dma_wait3A_359 = tpu.memref_squeeze %dma_wait3A_358 : memref<1x16x32xf32, #tpu.memory_space<hbm>> -> memref<16x32xf32, #tpu.memory_space<hbm>>
    %dma_wait3A_360 = arith.constant 0 : i32
    %dma_wait3A_361 = arith.constant 0 : i32
    %dma_wait3A_362 = tpu.memref_slice %arg11[%dma_wait3A_352, %dma_wait3A_360, %dma_wait3A_361] : memref<4x96x32xf32, #tpu.memory_space<vmem>> -> memref<1x16x32xf32, #tpu.memory_space<vmem>>
    %dma_wait3A_363 = tpu.memref_squeeze %dma_wait3A_362 : memref<1x16x32xf32, #tpu.memory_space<vmem>> -> memref<16x32xf32, #tpu.memory_space<vmem>>
    %dma_wait3A_364 = arith.constant 0 : i32
    %dma_wait3A_365 = tpu.memref_slice %arg3[%dma_wait3A_351, %add3A_186, %dma_wait3A_364] : memref<4x320000x32xf32, #tpu.memory_space<hbm>> -> memref<1x16x32xf32, #tpu.memory_space<hbm>>
    %dma_wait3A_366 = tpu.memref_squeeze %dma_wait3A_365 : memref<1x16x32xf32, #tpu.memory_space<hbm>> -> memref<16x32xf32, #tpu.memory_space<hbm>>
    tpu.wait_dma2 semaphore(%arg14 : memref<!tpu.dma_semaphore, #tpu.memory_space<semaphore_mem>>) src(%dma_wait3A_366 : memref<16x32xf32, #tpu.memory_space<hbm>>) dst(%dma_wait3A_363 : memref<16x32xf32, #tpu.memory_space<vmem>>)
    %dma_wait3A_367 = arith.constant 1 : i32
    %dma_wait3A_368 = arith.constant 1 : i32
    %dma_wait3A_369 = arith.constant 0 : i32
    %dma_wait3A_370 = arith.constant 0 : i32
    %dma_wait3A_371 = tpu.memref_slice %arg10[%dma_wait3A_368, %dma_wait3A_369, %dma_wait3A_370] : memref<4x96x32xf32, #tpu.memory_space<vmem>> -> memref<1x16x32xf32, #tpu.memory_space<vmem>>
    %dma_wait3A_372 = tpu.memref_squeeze %dma_wait3A_371 : memref<1x16x32xf32, #tpu.memory_space<vmem>> -> memref<16x32xf32, #tpu.memory_space<vmem>>
    %dma_wait3A_373 = arith.constant 0 : i32
    %dma_wait3A_374 = tpu.memref_slice %arg2[%dma_wait3A_367, %add3A_186, %dma_wait3A_373] : memref<4x320000x32xf32, #tpu.memory_space<hbm>> -> memref<1x16x32xf32, #tpu.memory_space<hbm>>
    %dma_wait3A_375 = tpu.memref_squeeze %dma_wait3A_374 : memref<1x16x32xf32, #tpu.memory_space<hbm>> -> memref<16x32xf32, #tpu.memory_space<hbm>>
    %dma_wait3A_376 = arith.constant 0 : i32
    %dma_wait3A_377 = arith.constant 0 : i32
    %dma_wait3A_378 = tpu.memref_slice %arg10[%dma_wait3A_368, %dma_wait3A_376, %dma_wait3A_377] : memref<4x96x32xf32, #tpu.memory_space<vmem>> -> memref<1x16x32xf32, #tpu.memory_space<vmem>>
    %dma_wait3A_379 = tpu.memref_squeeze %dma_wait3A_378 : memref<1x16x32xf32, #tpu.memory_space<vmem>> -> memref<16x32xf32, #tpu.memory_space<vmem>>
    %dma_wait3A_380 = arith.constant 0 : i32
    %dma_wait3A_381 = tpu.memref_slice %arg2[%dma_wait3A_367, %add3A_186, %dma_wait3A_380] : memref<4x320000x32xf32, #tpu.memory_space<hbm>> -> memref<1x16x32xf32, #tpu.memory_space<hbm>>
    %dma_wait3A_382 = tpu.memref_squeeze %dma_wait3A_381 : memref<1x16x32xf32, #tpu.memory_space<hbm>> -> memref<16x32xf32, #tpu.memory_space<hbm>>
    tpu.wait_dma2 semaphore(%arg14 : memref<!tpu.dma_semaphore, #tpu.memory_space<semaphore_mem>>) src(%dma_wait3A_382 : memref<16x32xf32, #tpu.memory_space<hbm>>) dst(%dma_wait3A_379 : memref<16x32xf32, #tpu.memory_space<vmem>>)
    %dma_wait3A_383 = arith.constant 1 : i32
    %dma_wait3A_384 = arith.constant 1 : i32
    %dma_wait3A_385 = arith.constant 0 : i32
    %dma_wait3A_386 = arith.constant 0 : i32
    %dma_wait3A_387 = tpu.memref_slice %arg11[%dma_wait3A_384, %dma_wait3A_385, %dma_wait3A_386] : memref<4x96x32xf32, #tpu.memory_space<vmem>> -> memref<1x16x32xf32, #tpu.memory_space<vmem>>
    %dma_wait3A_388 = tpu.memref_squeeze %dma_wait3A_387 : memref<1x16x32xf32, #tpu.memory_space<vmem>> -> memref<16x32xf32, #tpu.memory_space<vmem>>
    %dma_wait3A_389 = arith.constant 0 : i32
    %dma_wait3A_390 = tpu.memref_slice %arg3[%dma_wait3A_383, %add3A_186, %dma_wait3A_389] : memref<4x320000x32xf32, #tpu.memory_space<hbm>> -> memref<1x16x32xf32, #tpu.memory_space<hbm>>
    %dma_wait3A_391 = tpu.memref_squeeze %dma_wait3A_390 : memref<1x16x32xf32, #tpu.memory_space<hbm>> -> memref<16x32xf32, #tpu.memory_space<hbm>>
    %dma_wait3A_392 = arith.constant 0 : i32
    %dma_wait3A_393 = arith.constant 0 : i32
    %dma_wait3A_394 = tpu.memref_slice %arg11[%dma_wait3A_384, %dma_wait3A_392, %dma_wait3A_393] : memref<4x96x32xf32, #tpu.memory_space<vmem>> -> memref<1x16x32xf32, #tpu.memory_space<vmem>>
    %dma_wait3A_395 = tpu.memref_squeeze %dma_wait3A_394 : memref<1x16x32xf32, #tpu.memory_space<vmem>> -> memref<16x32xf32, #tpu.memory_space<vmem>>
    %dma_wait3A_396 = arith.constant 0 : i32
    %dma_wait3A_397 = tpu.memref_slice %arg3[%dma_wait3A_383, %add3A_186, %dma_wait3A_396] : memref<4x320000x32xf32, #tpu.memory_space<hbm>> -> memref<1x16x32xf32, #tpu.memory_space<hbm>>
    %dma_wait3A_398 = tpu.memref_squeeze %dma_wait3A_397 : memref<1x16x32xf32, #tpu.memory_space<hbm>> -> memref<16x32xf32, #tpu.memory_space<hbm>>
    tpu.wait_dma2 semaphore(%arg14 : memref<!tpu.dma_semaphore, #tpu.memory_space<semaphore_mem>>) src(%dma_wait3A_398 : memref<16x32xf32, #tpu.memory_space<hbm>>) dst(%dma_wait3A_395 : memref<16x32xf32, #tpu.memory_space<vmem>>)
    %dma_wait3A_399 = arith.constant 2 : i32
    %dma_wait3A_400 = arith.constant 2 : i32
    %dma_wait3A_401 = arith.constant 0 : i32
    %dma_wait3A_402 = arith.constant 0 : i32
    %dma_wait3A_403 = tpu.memref_slice %arg10[%dma_wait3A_400, %dma_wait3A_401, %dma_wait3A_402] : memref<4x96x32xf32, #tpu.memory_space<vmem>> -> memref<1x16x32xf32, #tpu.memory_space<vmem>>
    %dma_wait3A_404 = tpu.memref_squeeze %dma_wait3A_403 : memref<1x16x32xf32, #tpu.memory_space<vmem>> -> memref<16x32xf32, #tpu.memory_space<vmem>>
    %dma_wait3A_405 = arith.constant 0 : i32
    %dma_wait3A_406 = tpu.memref_slice %arg2[%dma_wait3A_399, %add3A_186, %dma_wait3A_405] : memref<4x320000x32xf32, #tpu.memory_space<hbm>> -> memref<1x16x32xf32, #tpu.memory_space<hbm>>
    %dma_wait3A_407 = tpu.memref_squeeze %dma_wait3A_406 : memref<1x16x32xf32, #tpu.memory_space<hbm>> -> memref<16x32xf32, #tpu.memory_space<hbm>>
    %dma_wait3A_408 = arith.constant 0 : i32
    %dma_wait3A_409 = arith.constant 0 : i32
    %dma_wait3A_410 = tpu.memref_slice %arg10[%dma_wait3A_400, %dma_wait3A_408, %dma_wait3A_409] : memref<4x96x32xf32, #tpu.memory_space<vmem>> -> memref<1x16x32xf32, #tpu.memory_space<vmem>>
    %dma_wait3A_411 = tpu.memref_squeeze %dma_wait3A_410 : memref<1x16x32xf32, #tpu.memory_space<vmem>> -> memref<16x32xf32, #tpu.memory_space<vmem>>
    %dma_wait3A_412 = arith.constant 0 : i32
    %dma_wait3A_413 = tpu.memref_slice %arg2[%dma_wait3A_399, %add3A_186, %dma_wait3A_412] : memref<4x320000x32xf32, #tpu.memory_space<hbm>> -> memref<1x16x32xf32, #tpu.memory_space<hbm>>
    %dma_wait3A_414 = tpu.memref_squeeze %dma_wait3A_413 : memref<1x16x32xf32, #tpu.memory_space<hbm>> -> memref<16x32xf32, #tpu.memory_space<hbm>>
    tpu.wait_dma2 semaphore(%arg14 : memref<!tpu.dma_semaphore, #tpu.memory_space<semaphore_mem>>) src(%dma_wait3A_414 : memref<16x32xf32, #tpu.memory_space<hbm>>) dst(%dma_wait3A_411 : memref<16x32xf32, #tpu.memory_space<vmem>>)
    %dma_wait3A_415 = arith.constant 2 : i32
    %dma_wait3A_416 = arith.constant 2 : i32
    %dma_wait3A_417 = arith.constant 0 : i32
    %dma_wait3A_418 = arith.constant 0 : i32
    %dma_wait3A_419 = tpu.memref_slice %arg11[%dma_wait3A_416, %dma_wait3A_417, %dma_wait3A_418] : memref<4x96x32xf32, #tpu.memory_space<vmem>> -> memref<1x16x32xf32, #tpu.memory_space<vmem>>
    %dma_wait3A_420 = tpu.memref_squeeze %dma_wait3A_419 : memref<1x16x32xf32, #tpu.memory_space<vmem>> -> memref<16x32xf32, #tpu.memory_space<vmem>>
    %dma_wait3A_421 = arith.constant 0 : i32
    %dma_wait3A_422 = tpu.memref_slice %arg3[%dma_wait3A_415, %add3A_186, %dma_wait3A_421] : memref<4x320000x32xf32, #tpu.memory_space<hbm>> -> memref<1x16x32xf32, #tpu.memory_space<hbm>>
    %dma_wait3A_423 = tpu.memref_squeeze %dma_wait3A_422 : memref<1x16x32xf32, #tpu.memory_space<hbm>> -> memref<16x32xf32, #tpu.memory_space<hbm>>
    %dma_wait3A_424 = arith.constant 0 : i32
    %dma_wait3A_425 = arith.constant 0 : i32
    %dma_wait3A_426 = tpu.memref_slice %arg11[%dma_wait3A_416, %dma_wait3A_424, %dma_wait3A_425] : memref<4x96x32xf32, #tpu.memory_space<vmem>> -> memref<1x16x32xf32, #tpu.memory_space<vmem>>
    %dma_wait3A_427 = tpu.memref_squeeze %dma_wait3A_426 : memref<1x16x32xf32, #tpu.memory_space<vmem>> -> memref<16x32xf32, #tpu.memory_space<vmem>>
    %dma_wait3A_428 = arith.constant 0 : i32
    %dma_wait3A_429 = tpu.memref_slice %arg3[%dma_wait3A_415, %add3A_186, %dma_wait3A_428] : memref<4x320000x32xf32, #tpu.memory_space<hbm>> -> memref<1x16x32xf32, #tpu.memory_space<hbm>>
    %dma_wait3A_430 = tpu.memref_squeeze %dma_wait3A_429 : memref<1x16x32xf32, #tpu.memory_space<hbm>> -> memref<16x32xf32, #tpu.memory_space<hbm>>
    tpu.wait_dma2 semaphore(%arg14 : memref<!tpu.dma_semaphore, #tpu.memory_space<semaphore_mem>>) src(%dma_wait3A_430 : memref<16x32xf32, #tpu.memory_space<hbm>>) dst(%dma_wait3A_427 : memref<16x32xf32, #tpu.memory_space<vmem>>)
    %dma_wait3A_431 = arith.constant 3 : i32
    %dma_wait3A_432 = arith.constant 3 : i32
    %dma_wait3A_433 = arith.constant 0 : i32
    %dma_wait3A_434 = arith.constant 0 : i32
    %dma_wait3A_435 = tpu.memref_slice %arg10[%dma_wait3A_432, %dma_wait3A_433, %dma_wait3A_434] : memref<4x96x32xf32, #tpu.memory_space<vmem>> -> memref<1x16x32xf32, #tpu.memory_space<vmem>>
    %dma_wait3A_436 = tpu.memref_squeeze %dma_wait3A_435 : memref<1x16x32xf32, #tpu.memory_space<vmem>> -> memref<16x32xf32, #tpu.memory_space<vmem>>
    %dma_wait3A_437 = arith.constant 0 : i32
    %dma_wait3A_438 = tpu.memref_slice %arg2[%dma_wait3A_431, %add3A_186, %dma_wait3A_437] : memref<4x320000x32xf32, #tpu.memory_space<hbm>> -> memref<1x16x32xf32, #tpu.memory_space<hbm>>
    %dma_wait3A_439 = tpu.memref_squeeze %dma_wait3A_438 : memref<1x16x32xf32, #tpu.memory_space<hbm>> -> memref<16x32xf32, #tpu.memory_space<hbm>>
    %dma_wait3A_440 = arith.constant 0 : i32
    %dma_wait3A_441 = arith.constant 0 : i32
    %dma_wait3A_442 = tpu.memref_slice %arg10[%dma_wait3A_432, %dma_wait3A_440, %dma_wait3A_441] : memref<4x96x32xf32, #tpu.memory_space<vmem>> -> memref<1x16x32xf32, #tpu.memory_space<vmem>>
    %dma_wait3A_443 = tpu.memref_squeeze %dma_wait3A_442 : memref<1x16x32xf32, #tpu.memory_space<vmem>> -> memref<16x32xf32, #tpu.memory_space<vmem>>
    %dma_wait3A_444 = arith.constant 0 : i32
    %dma_wait3A_445 = tpu.memref_slice %arg2[%dma_wait3A_431, %add3A_186, %dma_wait3A_444] : memref<4x320000x32xf32, #tpu.memory_space<hbm>> -> memref<1x16x32xf32, #tpu.memory_space<hbm>>
    %dma_wait3A_446 = tpu.memref_squeeze %dma_wait3A_445 : memref<1x16x32xf32, #tpu.memory_space<hbm>> -> memref<16x32xf32, #tpu.memory_space<hbm>>
    tpu.wait_dma2 semaphore(%arg14 : memref<!tpu.dma_semaphore, #tpu.memory_space<semaphore_mem>>) src(%dma_wait3A_446 : memref<16x32xf32, #tpu.memory_space<hbm>>) dst(%dma_wait3A_443 : memref<16x32xf32, #tpu.memory_space<vmem>>)
    %dma_wait3A_447 = arith.constant 3 : i32
    %dma_wait3A_448 = arith.constant 3 : i32
    %dma_wait3A_449 = arith.constant 0 : i32
    %dma_wait3A_450 = arith.constant 0 : i32
    %dma_wait3A_451 = tpu.memref_slice %arg11[%dma_wait3A_448, %dma_wait3A_449, %dma_wait3A_450] : memref<4x96x32xf32, #tpu.memory_space<vmem>> -> memref<1x16x32xf32, #tpu.memory_space<vmem>>
    %dma_wait3A_452 = tpu.memref_squeeze %dma_wait3A_451 : memref<1x16x32xf32, #tpu.memory_space<vmem>> -> memref<16x32xf32, #tpu.memory_space<vmem>>
    %dma_wait3A_453 = arith.constant 0 : i32
    %dma_wait3A_454 = tpu.memref_slice %arg3[%dma_wait3A_447, %add3A_186, %dma_wait3A_453] : memref<4x320000x32xf32, #tpu.memory_space<hbm>> -> memref<1x16x32xf32, #tpu.memory_space<hbm>>
    %dma_wait3A_455 = tpu.memref_squeeze %dma_wait3A_454 : memref<1x16x32xf32, #tpu.memory_space<hbm>> -> memref<16x32xf32, #tpu.memory_space<hbm>>
    %dma_wait3A_456 = arith.constant 0 : i32
    %dma_wait3A_457 = arith.constant 0 : i32
    %dma_wait3A_458 = tpu.memref_slice %arg11[%dma_wait3A_448, %dma_wait3A_456, %dma_wait3A_457] : memref<4x96x32xf32, #tpu.memory_space<vmem>> -> memref<1x16x32xf32, #tpu.memory_space<vmem>>
    %dma_wait3A_459 = tpu.memref_squeeze %dma_wait3A_458 : memref<1x16x32xf32, #tpu.memory_space<vmem>> -> memref<16x32xf32, #tpu.memory_space<vmem>>
    %dma_wait3A_460 = arith.constant 0 : i32
    %dma_wait3A_461 = tpu.memref_slice %arg3[%dma_wait3A_447, %add3A_186, %dma_wait3A_460] : memref<4x320000x32xf32, #tpu.memory_space<hbm>> -> memref<1x16x32xf32, #tpu.memory_space<hbm>>
    %dma_wait3A_462 = tpu.memref_squeeze %dma_wait3A_461 : memref<1x16x32xf32, #tpu.memory_space<hbm>> -> memref<16x32xf32, #tpu.memory_space<hbm>>
    tpu.wait_dma2 semaphore(%arg14 : memref<!tpu.dma_semaphore, #tpu.memory_space<semaphore_mem>>) src(%dma_wait3A_462 : memref<16x32xf32, #tpu.memory_space<hbm>>) dst(%dma_wait3A_459 : memref<16x32xf32, #tpu.memory_space<vmem>>)
    %parallel_loop3A = arith.constant 0 : i32
    %parallel_loop3A_463 = arith.constant 16 : i32
    %parallel_loop3A_464 = arith.constant 1 : i32
    scf.for %parallel_loop3A_465 = %parallel_loop3A to %parallel_loop3A_463 step %parallel_loop3A_464  : i32 {
      %parallel_loop3A_466 = arith.constant 0 : i32
      %parallel_loop3A_467 = arith.index_cast %parallel_loop3A_466 : i32 to index
      %parallel_loop3A_468 = arith.index_cast %parallel_loop3A_465 : i32 to index
      %parallel_loop3A_469 = arith.constant 0 : index
      %parallel_loop3A_470 = tpu.vector_load %arg10[%parallel_loop3A_467, %parallel_loop3A_468, %parallel_loop3A_469] {strides = array<i32>} : memref<4x96x32xf32, #tpu.memory_space<vmem>>, vector<1x1x16xf32>,
      %parallel_loop3A_471 = vector.shape_cast %parallel_loop3A_470 : vector<1x1x16xf32> to vector<16xf32>
      %parallel_loop3A_472 = arith.index_cast %parallel_loop3A_465 : i32 to index
      %parallel_loop3A_473 = arith.constant 0 : index
      %parallel_loop3A_474 = tpu.vector_load %arg9[%parallel_loop3A_472, %parallel_loop3A_473] {strides = array<i32>} : memref<96x128xf32, #tpu.memory_space<vmem>>, vector<1x16xf32>,
      %parallel_loop3A_475 = vector.shape_cast %parallel_loop3A_474 : vector<1x16xf32> to vector<16xf32>
      %parallel_loop3A_476 = arith.mulf %parallel_loop3A_471, %parallel_loop3A_475 : vector<16xf32>
      %parallel_loop3A_477 = arith.mulf %get3A_86, %parallel_loop3A_476 : vector<16xf32>
      %parallel_loop3A_478 = arith.addf %parallel_loop3A_477, %get3A_126 : vector<16xf32>
      %parallel_loop3A_479 = arith.constant 0.000000e+00 : f32
      %parallel_loop3A_480 = vector.broadcast %parallel_loop3A_479 : f32 to vector<16xf32>
      %parallel_loop3A_481 = arith.maximumf %parallel_loop3A_478, %parallel_loop3A_480 : vector<16xf32>
      %parallel_loop3A_482 = arith.constant 0 : i32
      %parallel_loop3A_483 = arith.index_cast %parallel_loop3A_482 : i32 to index
      %parallel_loop3A_484 = arith.index_cast %parallel_loop3A_465 : i32 to index
      %parallel_loop3A_485 = arith.constant 0 : index
      %parallel_loop3A_486 = tpu.vector_load %arg11[%parallel_loop3A_483, %parallel_loop3A_484, %parallel_loop3A_485] {strides = array<i32>} : memref<4x96x32xf32, #tpu.memory_space<vmem>>, vector<1x1x16xf32>,
      %parallel_loop3A_487 = vector.shape_cast %parallel_loop3A_486 : vector<1x1x16xf32> to vector<16xf32>
      %parallel_loop3A_488 = arith.mulf %get3A_6, %parallel_loop3A_487 : vector<16xf32>
      %parallel_loop3A_489 = arith.addf %parallel_loop3A_481, %parallel_loop3A_488 : vector<16xf32>
      %parallel_loop3A_490 = arith.addf %parallel_loop3A_489, %get3A_46 : vector<16xf32>
      %parallel_loop3A_491 = arith.index_cast %parallel_loop3A_465 : i32 to index
      %parallel_loop3A_492 = arith.constant 0 : index
      %parallel_loop3A_493 = tpu.vector_load %arg12[%parallel_loop3A_491, %parallel_loop3A_492] {strides = array<i32>} : memref<96x128xf32, #tpu.memory_space<vmem>>, vector<1x16xf32>,
      %parallel_loop3A_494 = vector.shape_cast %parallel_loop3A_493 : vector<1x16xf32> to vector<16xf32>
      %parallel_loop3A_495 = vector.shape_cast %parallel_loop3A_490 : vector<16xf32> to vector<1x16xf32>
      tpu.vector_store %arg12[%parallel_loop3A_491, %parallel_loop3A_492], %parallel_loop3A_495 {strides = array<i32>} : memref<96x128xf32, #tpu.memory_space<vmem>>, vector<1x16xf32>,
      %parallel_loop3A_496 = arith.constant 0 : i32
      %parallel_loop3A_497 = arith.index_cast %parallel_loop3A_496 : i32 to index
      %parallel_loop3A_498 = arith.index_cast %parallel_loop3A_465 : i32 to index
      %parallel_loop3A_499 = arith.constant 16 : index
      %parallel_loop3A_500 = tpu.vector_load %arg10[%parallel_loop3A_497, %parallel_loop3A_498, %parallel_loop3A_499] {strides = array<i32>} : memref<4x96x32xf32, #tpu.memory_space<vmem>>, vector<1x1x16xf32>,
      %parallel_loop3A_501 = vector.shape_cast %parallel_loop3A_500 : vector<1x1x16xf32> to vector<16xf32>
      %parallel_loop3A_502 = arith.index_cast %parallel_loop3A_465 : i32 to index
      %parallel_loop3A_503 = arith.constant 16 : index
      %parallel_loop3A_504 = tpu.vector_load %arg9[%parallel_loop3A_502, %parallel_loop3A_503] {strides = array<i32>} : memref<96x128xf32, #tpu.memory_space<vmem>>, vector<1x16xf32>,
      %parallel_loop3A_505 = vector.shape_cast %parallel_loop3A_504 : vector<1x16xf32> to vector<16xf32>
      %parallel_loop3A_506 = arith.mulf %parallel_loop3A_501, %parallel_loop3A_505 : vector<16xf32>
      %parallel_loop3A_507 = arith.mulf %get3A_91, %parallel_loop3A_506 : vector<16xf32>
      %parallel_loop3A_508 = arith.addf %parallel_loop3A_507, %get3A_131 : vector<16xf32>
      %parallel_loop3A_509 = arith.constant 0.000000e+00 : f32
      %parallel_loop3A_510 = vector.broadcast %parallel_loop3A_509 : f32 to vector<16xf32>
      %parallel_loop3A_511 = arith.maximumf %parallel_loop3A_508, %parallel_loop3A_510 : vector<16xf32>
      %parallel_loop3A_512 = arith.constant 0 : i32
      %parallel_loop3A_513 = arith.index_cast %parallel_loop3A_512 : i32 to index
      %parallel_loop3A_514 = arith.index_cast %parallel_loop3A_465 : i32 to index
      %parallel_loop3A_515 = arith.constant 16 : index
      %parallel_loop3A_516 = tpu.vector_load %arg11[%parallel_loop3A_513, %parallel_loop3A_514, %parallel_loop3A_515] {strides = array<i32>} : memref<4x96x32xf32, #tpu.memory_space<vmem>>, vector<1x1x16xf32>,
      %parallel_loop3A_517 = vector.shape_cast %parallel_loop3A_516 : vector<1x1x16xf32> to vector<16xf32>
      %parallel_loop3A_518 = arith.mulf %get3A_11, %parallel_loop3A_517 : vector<16xf32>
      %parallel_loop3A_519 = arith.addf %parallel_loop3A_511, %parallel_loop3A_518 : vector<16xf32>
      %parallel_loop3A_520 = arith.addf %parallel_loop3A_519, %get3A_51 : vector<16xf32>
      %parallel_loop3A_521 = arith.index_cast %parallel_loop3A_465 : i32 to index
      %parallel_loop3A_522 = arith.constant 16 : index
      %parallel_loop3A_523 = tpu.vector_load %arg12[%parallel_loop3A_521, %parallel_loop3A_522] {strides = array<i32>} : memref<96x128xf32, #tpu.memory_space<vmem>>, vector<1x16xf32>,
      %parallel_loop3A_524 = vector.shape_cast %parallel_loop3A_523 : vector<1x16xf32> to vector<16xf32>
      %parallel_loop3A_525 = vector.shape_cast %parallel_loop3A_520 : vector<16xf32> to vector<1x16xf32>
      tpu.vector_store %arg12[%parallel_loop3A_521, %parallel_loop3A_522], %parallel_loop3A_525 {strides = array<i32>} : memref<96x128xf32, #tpu.memory_space<vmem>>, vector<1x16xf32>,
      %parallel_loop3A_526 = arith.constant 1 : i32
      %parallel_loop3A_527 = arith.index_cast %parallel_loop3A_526 : i32 to index
      %parallel_loop3A_528 = arith.index_cast %parallel_loop3A_465 : i32 to index
      %parallel_loop3A_529 = arith.constant 0 : index
      %parallel_loop3A_530 = tpu.vector_load %arg10[%parallel_loop3A_527, %parallel_loop3A_528, %parallel_loop3A_529] {strides = array<i32>} : memref<4x96x32xf32, #tpu.memory_space<vmem>>, vector<1x1x16xf32>,
      %parallel_loop3A_531 = vector.shape_cast %parallel_loop3A_530 : vector<1x1x16xf32> to vector<16xf32>
      %parallel_loop3A_532 = arith.index_cast %parallel_loop3A_465 : i32 to index
      %parallel_loop3A_533 = arith.constant 32 : index
      %parallel_loop3A_534 = tpu.vector_load %arg9[%parallel_loop3A_532, %parallel_loop3A_533] {strides = array<i32>} : memref<96x128xf32, #tpu.memory_space<vmem>>, vector<1x16xf32>,
      %parallel_loop3A_535 = vector.shape_cast %parallel_loop3A_534 : vector<1x16xf32> to vector<16xf32>
      %parallel_loop3A_536 = arith.mulf %parallel_loop3A_531, %parallel_loop3A_535 : vector<16xf32>
      %parallel_loop3A_537 = arith.mulf %get3A_96, %parallel_loop3A_536 : vector<16xf32>
      %parallel_loop3A_538 = arith.addf %parallel_loop3A_537, %get3A_136 : vector<16xf32>
      %parallel_loop3A_539 = arith.constant 0.000000e+00 : f32
      %parallel_loop3A_540 = vector.broadcast %parallel_loop3A_539 : f32 to vector<16xf32>
      %parallel_loop3A_541 = arith.maximumf %parallel_loop3A_538, %parallel_loop3A_540 : vector<16xf32>
      %parallel_loop3A_542 = arith.constant 1 : i32
      %parallel_loop3A_543 = arith.index_cast %parallel_loop3A_542 : i32 to index
      %parallel_loop3A_544 = arith.index_cast %parallel_loop3A_465 : i32 to index
      %parallel_loop3A_545 = arith.constant 0 : index
      %parallel_loop3A_546 = tpu.vector_load %arg11[%parallel_loop3A_543, %parallel_loop3A_544, %parallel_loop3A_545] {strides = array<i32>} : memref<4x96x32xf32, #tpu.memory_space<vmem>>, vector<1x1x16xf32>,
      %parallel_loop3A_547 = vector.shape_cast %parallel_loop3A_546 : vector<1x1x16xf32> to vector<16xf32>
      %parallel_loop3A_548 = arith.mulf %get3A_16, %parallel_loop3A_547 : vector<16xf32>
      %parallel_loop3A_549 = arith.addf %parallel_loop3A_541, %parallel_loop3A_548 : vector<16xf32>
      %parallel_loop3A_550 = arith.addf %parallel_loop3A_549, %get3A_56 : vector<16xf32>
      %parallel_loop3A_551 = arith.index_cast %parallel_loop3A_465 : i32 to index
      %parallel_loop3A_552 = arith.constant 32 : index
      %parallel_loop3A_553 = tpu.vector_load %arg12[%parallel_loop3A_551, %parallel_loop3A_552] {strides = array<i32>} : memref<96x128xf32, #tpu.memory_space<vmem>>, vector<1x16xf32>,
      %parallel_loop3A_554 = vector.shape_cast %parallel_loop3A_553 : vector<1x16xf32> to vector<16xf32>
      %parallel_loop3A_555 = vector.shape_cast %parallel_loop3A_550 : vector<16xf32> to vector<1x16xf32>
      tpu.vector_store %arg12[%parallel_loop3A_551, %parallel_loop3A_552], %parallel_loop3A_555 {strides = array<i32>} : memref<96x128xf32, #tpu.memory_space<vmem>>, vector<1x16xf32>,
      %parallel_loop3A_556 = arith.constant 1 : i32
      %parallel_loop3A_557 = arith.index_cast %parallel_loop3A_556 : i32 to index
      %parallel_loop3A_558 = arith.index_cast %parallel_loop3A_465 : i32 to index
      %parallel_loop3A_559 = arith.constant 16 : index
      %parallel_loop3A_560 = tpu.vector_load %arg10[%parallel_loop3A_557, %parallel_loop3A_558, %parallel_loop3A_559] {strides = array<i32>} : memref<4x96x32xf32, #tpu.memory_space<vmem>>, vector<1x1x16xf32>,
      %parallel_loop3A_561 = vector.shape_cast %parallel_loop3A_560 : vector<1x1x16xf32> to vector<16xf32>
      %parallel_loop3A_562 = arith.index_cast %parallel_loop3A_465 : i32 to index
      %parallel_loop3A_563 = arith.constant 48 : index
      %parallel_loop3A_564 = tpu.vector_load %arg9[%parallel_loop3A_562, %parallel_loop3A_563] {strides = array<i32>} : memref<96x128xf32, #tpu.memory_space<vmem>>, vector<1x16xf32>,
      %parallel_loop3A_565 = vector.shape_cast %parallel_loop3A_564 : vector<1x16xf32> to vector<16xf32>
      %parallel_loop3A_566 = arith.mulf %parallel_loop3A_561, %parallel_loop3A_565 : vector<16xf32>
      %parallel_loop3A_567 = arith.mulf %get3A_101, %parallel_loop3A_566 : vector<16xf32>
      %parallel_loop3A_568 = arith.addf %parallel_loop3A_567, %get3A_141 : vector<16xf32>
      %parallel_loop3A_569 = arith.constant 0.000000e+00 : f32
      %parallel_loop3A_570 = vector.broadcast %parallel_loop3A_569 : f32 to vector<16xf32>
      %parallel_loop3A_571 = arith.maximumf %parallel_loop3A_568, %parallel_loop3A_570 : vector<16xf32>
      %parallel_loop3A_572 = arith.constant 1 : i32
      %parallel_loop3A_573 = arith.index_cast %parallel_loop3A_572 : i32 to index
      %parallel_loop3A_574 = arith.index_cast %parallel_loop3A_465 : i32 to index
      %parallel_loop3A_575 = arith.constant 16 : index
      %parallel_loop3A_576 = tpu.vector_load %arg11[%parallel_loop3A_573, %parallel_loop3A_574, %parallel_loop3A_575] {strides = array<i32>} : memref<4x96x32xf32, #tpu.memory_space<vmem>>, vector<1x1x16xf32>,
      %parallel_loop3A_577 = vector.shape_cast %parallel_loop3A_576 : vector<1x1x16xf32> to vector<16xf32>
      %parallel_loop3A_578 = arith.mulf %get3A_21, %parallel_loop3A_577 : vector<16xf32>
      %parallel_loop3A_579 = arith.addf %parallel_loop3A_571, %parallel_loop3A_578 : vector<16xf32>
      %parallel_loop3A_580 = arith.addf %parallel_loop3A_579, %get3A_61 : vector<16xf32>
      %parallel_loop3A_581 = arith.index_cast %parallel_loop3A_465 : i32 to index
      %parallel_loop3A_582 = arith.constant 48 : index
      %parallel_loop3A_583 = tpu.vector_load %arg12[%parallel_loop3A_581, %parallel_loop3A_582] {strides = array<i32>} : memref<96x128xf32, #tpu.memory_space<vmem>>, vector<1x16xf32>,
      %parallel_loop3A_584 = vector.shape_cast %parallel_loop3A_583 : vector<1x16xf32> to vector<16xf32>
      %parallel_loop3A_585 = vector.shape_cast %parallel_loop3A_580 : vector<16xf32> to vector<1x16xf32>
      tpu.vector_store %arg12[%parallel_loop3A_581, %parallel_loop3A_582], %parallel_loop3A_585 {strides = array<i32>} : memref<96x128xf32, #tpu.memory_space<vmem>>, vector<1x16xf32>,
      %parallel_loop3A_586 = arith.constant 2 : i32
      %parallel_loop3A_587 = arith.index_cast %parallel_loop3A_586 : i32 to index
      %parallel_loop3A_588 = arith.index_cast %parallel_loop3A_465 : i32 to index
      %parallel_loop3A_589 = arith.constant 0 : index
      %parallel_loop3A_590 = tpu.vector_load %arg10[%parallel_loop3A_587, %parallel_loop3A_588, %parallel_loop3A_589] {strides = array<i32>} : memref<4x96x32xf32, #tpu.memory_space<vmem>>, vector<1x1x16xf32>,
      %parallel_loop3A_591 = vector.shape_cast %parallel_loop3A_590 : vector<1x1x16xf32> to vector<16xf32>
      %parallel_loop3A_592 = arith.index_cast %parallel_loop3A_465 : i32 to index
      %parallel_loop3A_593 = arith.constant 64 : index
      %parallel_loop3A_594 = tpu.vector_load %arg9[%parallel_loop3A_592, %parallel_loop3A_593] {strides = array<i32>} : memref<96x128xf32, #tpu.memory_space<vmem>>, vector<1x16xf32>,
      %parallel_loop3A_595 = vector.shape_cast %parallel_loop3A_594 : vector<1x16xf32> to vector<16xf32>
      %parallel_loop3A_596 = arith.mulf %parallel_loop3A_591, %parallel_loop3A_595 : vector<16xf32>
      %parallel_loop3A_597 = arith.mulf %get3A_106, %parallel_loop3A_596 : vector<16xf32>
      %parallel_loop3A_598 = arith.addf %parallel_loop3A_597, %get3A_146 : vector<16xf32>
      %parallel_loop3A_599 = arith.constant 0.000000e+00 : f32
      %parallel_loop3A_600 = vector.broadcast %parallel_loop3A_599 : f32 to vector<16xf32>
      %parallel_loop3A_601 = arith.maximumf %parallel_loop3A_598, %parallel_loop3A_600 : vector<16xf32>
      %parallel_loop3A_602 = arith.constant 2 : i32
      %parallel_loop3A_603 = arith.index_cast %parallel_loop3A_602 : i32 to index
      %parallel_loop3A_604 = arith.index_cast %parallel_loop3A_465 : i32 to index
      %parallel_loop3A_605 = arith.constant 0 : index
      %parallel_loop3A_606 = tpu.vector_load %arg11[%parallel_loop3A_603, %parallel_loop3A_604, %parallel_loop3A_605] {strides = array<i32>} : memref<4x96x32xf32, #tpu.memory_space<vmem>>, vector<1x1x16xf32>,
      %parallel_loop3A_607 = vector.shape_cast %parallel_loop3A_606 : vector<1x1x16xf32> to vector<16xf32>
      %parallel_loop3A_608 = arith.mulf %get3A_26, %parallel_loop3A_607 : vector<16xf32>
      %parallel_loop3A_609 = arith.addf %parallel_loop3A_601, %parallel_loop3A_608 : vector<16xf32>
      %parallel_loop3A_610 = arith.addf %parallel_loop3A_609, %get3A_66 : vector<16xf32>
      %parallel_loop3A_611 = arith.index_cast %parallel_loop3A_465 : i32 to index
      %parallel_loop3A_612 = arith.constant 64 : index
      %parallel_loop3A_613 = tpu.vector_load %arg12[%parallel_loop3A_611, %parallel_loop3A_612] {strides = array<i32>} : memref<96x128xf32, #tpu.memory_space<vmem>>, vector<1x16xf32>,
      %parallel_loop3A_614 = vector.shape_cast %parallel_loop3A_613 : vector<1x16xf32> to vector<16xf32>
      %parallel_loop3A_615 = vector.shape_cast %parallel_loop3A_610 : vector<16xf32> to vector<1x16xf32>
      tpu.vector_store %arg12[%parallel_loop3A_611, %parallel_loop3A_612], %parallel_loop3A_615 {strides = array<i32>} : memref<96x128xf32, #tpu.memory_space<vmem>>, vector<1x16xf32>,
      %parallel_loop3A_616 = arith.constant 2 : i32
      %parallel_loop3A_617 = arith.index_cast %parallel_loop3A_616 : i32 to index
      %parallel_loop3A_618 = arith.index_cast %parallel_loop3A_465 : i32 to index
      %parallel_loop3A_619 = arith.constant 16 : index
      %parallel_loop3A_620 = tpu.vector_load %arg10[%parallel_loop3A_617, %parallel_loop3A_618, %parallel_loop3A_619] {strides = array<i32>} : memref<4x96x32xf32, #tpu.memory_space<vmem>>, vector<1x1x16xf32>,
      %parallel_loop3A_621 = vector.shape_cast %parallel_loop3A_620 : vector<1x1x16xf32> to vector<16xf32>
      %parallel_loop3A_622 = arith.index_cast %parallel_loop3A_465 : i32 to index
      %parallel_loop3A_623 = arith.constant 80 : index
      %parallel_loop3A_624 = tpu.vector_load %arg9[%parallel_loop3A_622, %parallel_loop3A_623] {strides = array<i32>} : memref<96x128xf32, #tpu.memory_space<vmem>>, vector<1x16xf32>,
      %parallel_loop3A_625 = vector.shape_cast %parallel_loop3A_624 : vector<1x16xf32> to vector<16xf32>
      %parallel_loop3A_626 = arith.mulf %parallel_loop3A_621, %parallel_loop3A_625 : vector<16xf32>
      %parallel_loop3A_627 = arith.mulf %get3A_111, %parallel_loop3A_626 : vector<16xf32>
      %parallel_loop3A_628 = arith.addf %parallel_loop3A_627, %get3A_151 : vector<16xf32>
      %parallel_loop3A_629 = arith.constant 0.000000e+00 : f32
      %parallel_loop3A_630 = vector.broadcast %parallel_loop3A_629 : f32 to vector<16xf32>
      %parallel_loop3A_631 = arith.maximumf %parallel_loop3A_628, %parallel_loop3A_630 : vector<16xf32>
      %parallel_loop3A_632 = arith.constant 2 : i32
      %parallel_loop3A_633 = arith.index_cast %parallel_loop3A_632 : i32 to index
      %parallel_loop3A_634 = arith.index_cast %parallel_loop3A_465 : i32 to index
      %parallel_loop3A_635 = arith.constant 16 : index
      %parallel_loop3A_636 = tpu.vector_load %arg11[%parallel_loop3A_633, %parallel_loop3A_634, %parallel_loop3A_635] {strides = array<i32>} : memref<4x96x32xf32, #tpu.memory_space<vmem>>, vector<1x1x16xf32>,
      %parallel_loop3A_637 = vector.shape_cast %parallel_loop3A_636 : vector<1x1x16xf32> to vector<16xf32>
      %parallel_loop3A_638 = arith.mulf %get3A_31, %parallel_loop3A_637 : vector<16xf32>
      %parallel_loop3A_639 = arith.addf %parallel_loop3A_631, %parallel_loop3A_638 : vector<16xf32>
      %parallel_loop3A_640 = arith.addf %parallel_loop3A_639, %get3A_71 : vector<16xf32>
      %parallel_loop3A_641 = arith.index_cast %parallel_loop3A_465 : i32 to index
      %parallel_loop3A_642 = arith.constant 80 : index
      %parallel_loop3A_643 = tpu.vector_load %arg12[%parallel_loop3A_641, %parallel_loop3A_642] {strides = array<i32>} : memref<96x128xf32, #tpu.memory_space<vmem>>, vector<1x16xf32>,
      %parallel_loop3A_644 = vector.shape_cast %parallel_loop3A_643 : vector<1x16xf32> to vector<16xf32>
      %parallel_loop3A_645 = vector.shape_cast %parallel_loop3A_640 : vector<16xf32> to vector<1x16xf32>
      tpu.vector_store %arg12[%parallel_loop3A_641, %parallel_loop3A_642], %parallel_loop3A_645 {strides = array<i32>} : memref<96x128xf32, #tpu.memory_space<vmem>>, vector<1x16xf32>,
      %parallel_loop3A_646 = arith.constant 3 : i32
      %parallel_loop3A_647 = arith.index_cast %parallel_loop3A_646 : i32 to index
      %parallel_loop3A_648 = arith.index_cast %parallel_loop3A_465 : i32 to index
      %parallel_loop3A_649 = arith.constant 0 : index
      %parallel_loop3A_650 = tpu.vector_load %arg10[%parallel_loop3A_647, %parallel_loop3A_648, %parallel_loop3A_649] {strides = array<i32>} : memref<4x96x32xf32, #tpu.memory_space<vmem>>, vector<1x1x16xf32>,
      %parallel_loop3A_651 = vector.shape_cast %parallel_loop3A_650 : vector<1x1x16xf32> to vector<16xf32>
      %parallel_loop3A_652 = arith.index_cast %parallel_loop3A_465 : i32 to index
      %parallel_loop3A_653 = arith.constant 96 : index
      %parallel_loop3A_654 = tpu.vector_load %arg9[%parallel_loop3A_652, %parallel_loop3A_653] {strides = array<i32>} : memref<96x128xf32, #tpu.memory_space<vmem>>, vector<1x16xf32>,
      %parallel_loop3A_655 = vector.shape_cast %parallel_loop3A_654 : vector<1x16xf32> to vector<16xf32>
      %parallel_loop3A_656 = arith.mulf %parallel_loop3A_651, %parallel_loop3A_655 : vector<16xf32>
      %parallel_loop3A_657 = arith.mulf %get3A_116, %parallel_loop3A_656 : vector<16xf32>
      %parallel_loop3A_658 = arith.addf %parallel_loop3A_657, %get3A_156 : vector<16xf32>
      %parallel_loop3A_659 = arith.constant 0.000000e+00 : f32
      %parallel_loop3A_660 = vector.broadcast %parallel_loop3A_659 : f32 to vector<16xf32>
      %parallel_loop3A_661 = arith.maximumf %parallel_loop3A_658, %parallel_loop3A_660 : vector<16xf32>
      %parallel_loop3A_662 = arith.constant 3 : i32
      %parallel_loop3A_663 = arith.index_cast %parallel_loop3A_662 : i32 to index
      %parallel_loop3A_664 = arith.index_cast %parallel_loop3A_465 : i32 to index
      %parallel_loop3A_665 = arith.constant 0 : index
      %parallel_loop3A_666 = tpu.vector_load %arg11[%parallel_loop3A_663, %parallel_loop3A_664, %parallel_loop3A_665] {strides = array<i32>} : memref<4x96x32xf32, #tpu.memory_space<vmem>>, vector<1x1x16xf32>,
      %parallel_loop3A_667 = vector.shape_cast %parallel_loop3A_666 : vector<1x1x16xf32> to vector<16xf32>
      %parallel_loop3A_668 = arith.mulf %get3A_36, %parallel_loop3A_667 : vector<16xf32>
      %parallel_loop3A_669 = arith.addf %parallel_loop3A_661, %parallel_loop3A_668 : vector<16xf32>
      %parallel_loop3A_670 = arith.addf %parallel_loop3A_669, %get3A_76 : vector<16xf32>
      %parallel_loop3A_671 = arith.index_cast %parallel_loop3A_465 : i32 to index
      %parallel_loop3A_672 = arith.constant 96 : index
      %parallel_loop3A_673 = tpu.vector_load %arg12[%parallel_loop3A_671, %parallel_loop3A_672] {strides = array<i32>} : memref<96x128xf32, #tpu.memory_space<vmem>>, vector<1x16xf32>,
      %parallel_loop3A_674 = vector.shape_cast %parallel_loop3A_673 : vector<1x16xf32> to vector<16xf32>
      %parallel_loop3A_675 = vector.shape_cast %parallel_loop3A_670 : vector<16xf32> to vector<1x16xf32>
      tpu.vector_store %arg12[%parallel_loop3A_671, %parallel_loop3A_672], %parallel_loop3A_675 {strides = array<i32>} : memref<96x128xf32, #tpu.memory_space<vmem>>, vector<1x16xf32>,
      %parallel_loop3A_676 = arith.constant 3 : i32
      %parallel_loop3A_677 = arith.index_cast %parallel_loop3A_676 : i32 to index
      %parallel_loop3A_678 = arith.index_cast %parallel_loop3A_465 : i32 to index
      %parallel_loop3A_679 = arith.constant 16 : index
      %parallel_loop3A_680 = tpu.vector_load %arg10[%parallel_loop3A_677, %parallel_loop3A_678, %parallel_loop3A_679] {strides = array<i32>} : memref<4x96x32xf32, #tpu.memory_space<vmem>>, vector<1x1x16xf32>,
      %parallel_loop3A_681 = vector.shape_cast %parallel_loop3A_680 : vector<1x1x16xf32> to vector<16xf32>
      %parallel_loop3A_682 = arith.index_cast %parallel_loop3A_465 : i32 to index
      %parallel_loop3A_683 = arith.constant 112 : index
      %parallel_loop3A_684 = tpu.vector_load %arg9[%parallel_loop3A_682, %parallel_loop3A_683] {strides = array<i32>} : memref<96x128xf32, #tpu.memory_space<vmem>>, vector<1x16xf32>,
      %parallel_loop3A_685 = vector.shape_cast %parallel_loop3A_684 : vector<1x16xf32> to vector<16xf32>
      %parallel_loop3A_686 = arith.mulf %parallel_loop3A_681, %parallel_loop3A_685 : vector<16xf32>
      %parallel_loop3A_687 = arith.mulf %get3A_121, %parallel_loop3A_686 : vector<16xf32>
      %parallel_loop3A_688 = arith.addf %parallel_loop3A_687, %get3A_161 : vector<16xf32>
      %parallel_loop3A_689 = arith.constant 0.000000e+00 : f32
      %parallel_loop3A_690 = vector.broadcast %parallel_loop3A_689 : f32 to vector<16xf32>
      %parallel_loop3A_691 = arith.maximumf %parallel_loop3A_688, %parallel_loop3A_690 : vector<16xf32>
      %parallel_loop3A_692 = arith.constant 3 : i32
      %parallel_loop3A_693 = arith.index_cast %parallel_loop3A_692 : i32 to index
      %parallel_loop3A_694 = arith.index_cast %parallel_loop3A_465 : i32 to index
      %parallel_loop3A_695 = arith.constant 16 : index
      %parallel_loop3A_696 = tpu.vector_load %arg11[%parallel_loop3A_693, %parallel_loop3A_694, %parallel_loop3A_695] {strides = array<i32>} : memref<4x96x32xf32, #tpu.memory_space<vmem>>, vector<1x1x16xf32>,
      %parallel_loop3A_697 = vector.shape_cast %parallel_loop3A_696 : vector<1x1x16xf32> to vector<16xf32>
      %parallel_loop3A_698 = arith.mulf %get3A_41, %parallel_loop3A_697 : vector<16xf32>
      %parallel_loop3A_699 = arith.addf %parallel_loop3A_691, %parallel_loop3A_698 : vector<16xf32>
      %parallel_loop3A_700 = arith.addf %parallel_loop3A_699, %get3A_81 : vector<16xf32>
      %parallel_loop3A_701 = arith.index_cast %parallel_loop3A_465 : i32 to index
      %parallel_loop3A_702 = arith.constant 112 : index
      %parallel_loop3A_703 = tpu.vector_load %arg12[%parallel_loop3A_701, %parallel_loop3A_702] {strides = array<i32>} : memref<96x128xf32, #tpu.memory_space<vmem>>, vector<1x16xf32>,
      %parallel_loop3A_704 = vector.shape_cast %parallel_loop3A_703 : vector<1x16xf32> to vector<16xf32>
      %parallel_loop3A_705 = vector.shape_cast %parallel_loop3A_700 : vector<16xf32> to vector<1x16xf32>
      tpu.vector_store %arg12[%parallel_loop3A_701, %parallel_loop3A_702], %parallel_loop3A_705 {strides = array<i32>} : memref<96x128xf32, #tpu.memory_space<vmem>>, vector<1x16xf32>,
    } {sc.loop_unroll_factor = 2 : i64, sc.parallel_access}
    "tpu.region"() ({
      %run_scoped3A_465 = tpu.sem_alloc : memref<!tpu.dma_semaphore, #tpu.memory_space<semaphore_mem>>
      %dma_start3A_466 = arith.constant 0 : i32
      %dma_start3A_467 = arith.constant 0 : i32
      %dma_start3A_468 = tpu.memref_slice %arg12[%dma_start3A_466, %dma_start3A_467] : memref<96x128xf32, #tpu.memory_space<vmem>> -> memref<16x128xf32, #tpu.memory_space<vmem>>
      %dma_start3A_469 = arith.constant 0 : i32
      %dma_start3A_470 = tpu.memref_slice %arg7[%add3A_186, %dma_start3A_469] : memref<320000x128xf32, #tpu.memory_space<hbm>> -> memref<16x128xf32, #tpu.memory_space<hbm>>
      %dma_start3A_471 = arith.constant 0 : i32
      %dma_start3A_472 = tpu.memref_slice %arg7[%add3A_186, %dma_start3A_471] : memref<320000x128xf32, #tpu.memory_space<hbm>> -> memref<16x128xf32, #tpu.memory_space<hbm>>
      %dma_start3A_473 = arith.constant 0 : i32
      %dma_start3A_474 = arith.constant 0 : i32
      %dma_start3A_475 = tpu.memref_slice %arg12[%dma_start3A_473, %dma_start3A_474] : memref<96x128xf32, #tpu.memory_space<vmem>> -> memref<16x128xf32, #tpu.memory_space<vmem>>
      tpu.enqueue_dma source(%dma_start3A_475 : memref<16x128xf32, #tpu.memory_space<vmem>>) target(%dma_start3A_472 : memref<16x128xf32, #tpu.memory_space<hbm>>) target_semaphore(%run_scoped3A_465 : memref<!tpu.dma_semaphore, #tpu.memory_space<semaphore_mem>>)
      %dma_wait3A_476 = arith.constant 0 : i32
      %dma_wait3A_477 = arith.constant 0 : i32
      %dma_wait3A_478 = tpu.memref_slice %arg12[%dma_wait3A_476, %dma_wait3A_477] : memref<96x128xf32, #tpu.memory_space<vmem>> -> memref<16x128xf32, #tpu.memory_space<vmem>>
      %dma_wait3A_479 = arith.constant 0 : i32
      %dma_wait3A_480 = tpu.memref_slice %arg7[%add3A_186, %dma_wait3A_479] : memref<320000x128xf32, #tpu.memory_space<hbm>> -> memref<16x128xf32, #tpu.memory_space<hbm>>
      %dma_wait3A_481 = arith.constant 0 : i32
      %dma_wait3A_482 = tpu.memref_slice %arg7[%add3A_186, %dma_wait3A_481] : memref<320000x128xf32, #tpu.memory_space<hbm>> -> memref<16x128xf32, #tpu.memory_space<hbm>>
      %dma_wait3A_483 = arith.constant 0 : i32
      %dma_wait3A_484 = arith.constant 0 : i32
      %dma_wait3A_485 = tpu.memref_slice %arg12[%dma_wait3A_483, %dma_wait3A_484] : memref<96x128xf32, #tpu.memory_space<vmem>> -> memref<16x128xf32, #tpu.memory_space<vmem>>
      tpu.wait_dma2 semaphore(%run_scoped3A_465 : memref<!tpu.dma_semaphore, #tpu.memory_space<semaphore_mem>>) src(%dma_wait3A_485 : memref<16x128xf32, #tpu.memory_space<vmem>>) dst(%dma_wait3A_482 : memref<16x128xf32, #tpu.memory_space<hbm>>)
      tpu.yield
    }) : () -> ()
    return
  }
}

#map = affine_map<(d0, d1) -> (0, 0, 0)>
#map1 = affine_map<(d0, d1) -> (0)>
#map2 = affine_map<(d0, d1) -> (0, 0)>
module attributes {stable_mosaic.version = 14 : i64} {
  func.func @_k2_body(%arg0: i32, %arg1: i32, %arg2: memref<4x320000x32xf32, #tpu.memory_space<hbm>>, %arg3: memref<4x320000x32xf32, #tpu.memory_space<hbm>>, %arg4: memref<320000xi32, #tpu.memory_space<hbm>>, %arg5: memref<632x96xf32, #tpu.memory_space<hbm>>, %arg6: memref<4x10112x96xf32, #tpu.memory_space<hbm>>, %arg7: memref<1x80xi32, #tpu.memory_space<vmem>>, %arg8: memref<1x80x32xf32, #tpu.memory_space<vmem>>, %arg9: memref<1x80x32xf32, #tpu.memory_space<vmem>>, %arg10: memref<80x96xf32, #tpu.memory_space<vmem>>, %arg11: memref<10112x96xf32, #tpu.memory_space<vmem_shared>>, %arg12: memref<!tpu.dma_semaphore, #tpu.memory_space<semaphore_mem>>) attributes {dimension_semantics = [#tpu.dimension_semantics<core_parallel>, #tpu.dimension_semantics<subcore_parallel>], iteration_bounds = array<i64: 2, 16>, scalar_prefetch = 0 : i64, scratch_operands = 6 : i64, tpu.core_type = #tpu.core_type<sc_vector_subcore>, window_params = [{transform_indices = #map}, {transform_indices = #map}, {transform_indices = #map1}, {transform_indices = #map2}, {transform_indices = #map}]} {
    %mul3A = arith.constant 632 : i32
    %mul3A_0 = arith.muli %arg1, %mul3A : i32
    %mul3A_1 = arith.constant 20000 : i32
    %mul3A_2 = arith.muli %arg1, %mul3A_1 : i32
    %mul3A_3 = arith.constant 2 : i32
    %mul3A_4 = arith.muli %arg0, %mul3A_3 : i32
    %add3A = arith.constant 0 : i32
    %add3A_5 = arith.addi %mul3A_4, %add3A : i32
    "tpu.region"() ({
      %run_scoped3A = tpu.sem_alloc : memref<!tpu.dma_semaphore, #tpu.memory_space<semaphore_mem>>
      %dma_start3A = arith.constant 0 : i32
      %dma_start3A_26 = tpu.memref_slice %arg11[%mul3A_0, %dma_start3A] : memref<10112x96xf32, #tpu.memory_space<vmem_shared>> -> memref<632x96xf32, #tpu.memory_space<vmem_shared>>
      tpu.enqueue_dma source(%arg5 : memref<632x96xf32, #tpu.memory_space<hbm>>) target(%dma_start3A_26 : memref<632x96xf32, #tpu.memory_space<vmem_shared>>) target_semaphore(%run_scoped3A : memref<!tpu.dma_semaphore, #tpu.memory_space<semaphore_mem>>)
      %dma_wait3A = arith.constant 0 : i32
      %dma_wait3A_27 = tpu.memref_slice %arg11[%mul3A_0, %dma_wait3A] : memref<10112x96xf32, #tpu.memory_space<vmem_shared>> -> memref<632x96xf32, #tpu.memory_space<vmem_shared>>
      tpu.wait_dma2 semaphore(%run_scoped3A : memref<!tpu.dma_semaphore, #tpu.memory_space<semaphore_mem>>) src(%arg5 : memref<632x96xf32, #tpu.memory_space<hbm>>) dst(%dma_wait3A_27 : memref<632x96xf32, #tpu.memory_space<vmem_shared>>)
      tpu.yield
    }) : () -> ()
    %barrier3A = arith.constant 0 : index
    tpu.barrier barrier_id(%barrier3A)
    %scan3A = arith.constant 0 : i32
    %scan3A_6 = arith.constant 0 : i32
    %scan3A_7 = arith.constant 250 : i32
    %scan3A_8 = arith.addi %scan3A_6, %scan3A_7 : i32
    %scan3A_9 = arith.constant 1 : i32
    scf.for %scan3A_26 = %scan3A_6 to %scan3A_8 step %scan3A_9  : i32 {
      %mul3A_27 = arith.constant 80 : i32
      %mul3A_28 = arith.muli %scan3A_26, %mul3A_27 : i32
      %add3A_29 = arith.addi %mul3A_2, %mul3A_28 : i32
      %dma_start3A = arith.constant 0 : i32
      %dma_start3A_30 = arith.constant 0 : i32
      %dma_start3A_31 = tpu.memref_slice %arg7[%dma_start3A, %dma_start3A_30] : memref<1x80xi32, #tpu.memory_space<vmem>> -> memref<1x80xi32, #tpu.memory_space<vmem>>
      %dma_start3A_32 = tpu.memref_squeeze %dma_start3A_31 : memref<1x80xi32, #tpu.memory_space<vmem>> -> memref<80xi32, #tpu.memory_space<vmem>>
      %dma_start3A_33 = tpu.memref_slice %arg4[%add3A_29] : memref<320000xi32, #tpu.memory_space<hbm>> -> memref<80xi32, #tpu.memory_space<hbm>>
      %dma_start3A_34 = arith.constant 0 : i32
      %dma_start3A_35 = tpu.memref_slice %arg7[%dma_start3A, %dma_start3A_34] : memref<1x80xi32, #tpu.memory_space<vmem>> -> memref<1x80xi32, #tpu.memory_space<vmem>>
      %dma_start3A_36 = tpu.memref_squeeze %dma_start3A_35 : memref<1x80xi32, #tpu.memory_space<vmem>> -> memref<80xi32, #tpu.memory_space<vmem>>
      %dma_start3A_37 = tpu.memref_slice %arg4[%add3A_29] : memref<320000xi32, #tpu.memory_space<hbm>> -> memref<80xi32, #tpu.memory_space<hbm>>
      tpu.enqueue_dma source(%dma_start3A_37 : memref<80xi32, #tpu.memory_space<hbm>>) target(%dma_start3A_36 : memref<80xi32, #tpu.memory_space<vmem>>) target_semaphore(%arg12 : memref<!tpu.dma_semaphore, #tpu.memory_space<semaphore_mem>>)
      %dma_start3A_38 = arith.constant 0 : i32
      %dma_start3A_39 = arith.constant 0 : i32
      %dma_start3A_40 = arith.constant 0 : i32
      %dma_start3A_41 = tpu.memref_slice %arg8[%dma_start3A_38, %dma_start3A_39, %dma_start3A_40] : memref<1x80x32xf32, #tpu.memory_space<vmem>> -> memref<1x80x32xf32, #tpu.memory_space<vmem>>
      %dma_start3A_42 = tpu.memref_squeeze %dma_start3A_41 : memref<1x80x32xf32, #tpu.memory_space<vmem>> -> memref<80x32xf32, #tpu.memory_space<vmem>>
      %dma_start3A_43 = arith.constant 0 : i32
      %dma_start3A_44 = tpu.memref_slice %arg2[%add3A_5, %add3A_29, %dma_start3A_43] : memref<4x320000x32xf32, #tpu.memory_space<hbm>> -> memref<1x80x32xf32, #tpu.memory_space<hbm>>
      %dma_start3A_45 = tpu.memref_squeeze %dma_start3A_44 : memref<1x80x32xf32, #tpu.memory_space<hbm>> -> memref<80x32xf32, #tpu.memory_space<hbm>>
      %dma_start3A_46 = arith.constant 0 : i32
      %dma_start3A_47 = arith.constant 0 : i32
      %dma_start3A_48 = tpu.memref_slice %arg8[%dma_start3A_38, %dma_start3A_46, %dma_start3A_47] : memref<1x80x32xf32, #tpu.memory_space<vmem>> -> memref<1x80x32xf32, #tpu.memory_space<vmem>>
      %dma_start3A_49 = tpu.memref_squeeze %dma_start3A_48 : memref<1x80x32xf32, #tpu.memory_space<vmem>> -> memref<80x32xf32, #tpu.memory_space<vmem>>
      %dma_start3A_50 = arith.constant 0 : i32
      %dma_start3A_51 = tpu.memref_slice %arg2[%add3A_5, %add3A_29, %dma_start3A_50] : memref<4x320000x32xf32, #tpu.memory_space<hbm>> -> memref<1x80x32xf32, #tpu.memory_space<hbm>>
      %dma_start3A_52 = tpu.memref_squeeze %dma_start3A_51 : memref<1x80x32xf32, #tpu.memory_space<hbm>> -> memref<80x32xf32, #tpu.memory_space<hbm>>
      tpu.enqueue_dma source(%dma_start3A_52 : memref<80x32xf32, #tpu.memory_space<hbm>>) target(%dma_start3A_49 : memref<80x32xf32, #tpu.memory_space<vmem>>) target_semaphore(%arg12 : memref<!tpu.dma_semaphore, #tpu.memory_space<semaphore_mem>>)
      %dma_start3A_53 = arith.constant 0 : i32
      %dma_start3A_54 = arith.constant 0 : i32
      %dma_start3A_55 = arith.constant 0 : i32
      %dma_start3A_56 = tpu.memref_slice %arg9[%dma_start3A_53, %dma_start3A_54, %dma_start3A_55] : memref<1x80x32xf32, #tpu.memory_space<vmem>> -> memref<1x80x32xf32, #tpu.memory_space<vmem>>
      %dma_start3A_57 = tpu.memref_squeeze %dma_start3A_56 : memref<1x80x32xf32, #tpu.memory_space<vmem>> -> memref<80x32xf32, #tpu.memory_space<vmem>>
      %dma_start3A_58 = arith.constant 0 : i32
      %dma_start3A_59 = tpu.memref_slice %arg3[%add3A_5, %add3A_29, %dma_start3A_58] : memref<4x320000x32xf32, #tpu.memory_space<hbm>> -> memref<1x80x32xf32, #tpu.memory_space<hbm>>
      %dma_start3A_60 = tpu.memref_squeeze %dma_start3A_59 : memref<1x80x32xf32, #tpu.memory_space<hbm>> -> memref<80x32xf32, #tpu.memory_space<hbm>>
      %dma_start3A_61 = arith.constant 0 : i32
      %dma_start3A_62 = arith.constant 0 : i32
      %dma_start3A_63 = tpu.memref_slice %arg9[%dma_start3A_53, %dma_start3A_61, %dma_start3A_62] : memref<1x80x32xf32, #tpu.memory_space<vmem>> -> memref<1x80x32xf32, #tpu.memory_space<vmem>>
      %dma_start3A_64 = tpu.memref_squeeze %dma_start3A_63 : memref<1x80x32xf32, #tpu.memory_space<vmem>> -> memref<80x32xf32, #tpu.memory_space<vmem>>
      %dma_start3A_65 = arith.constant 0 : i32
      %dma_start3A_66 = tpu.memref_slice %arg3[%add3A_5, %add3A_29, %dma_start3A_65] : memref<4x320000x32xf32, #tpu.memory_space<hbm>> -> memref<1x80x32xf32, #tpu.memory_space<hbm>>
      %dma_start3A_67 = tpu.memref_squeeze %dma_start3A_66 : memref<1x80x32xf32, #tpu.memory_space<hbm>> -> memref<80x32xf32, #tpu.memory_space<hbm>>
      tpu.enqueue_dma source(%dma_start3A_67 : memref<80x32xf32, #tpu.memory_space<hbm>>) target(%dma_start3A_64 : memref<80x32xf32, #tpu.memory_space<vmem>>) target_semaphore(%arg12 : memref<!tpu.dma_semaphore, #tpu.memory_space<semaphore_mem>>)
      %dma_wait3A = arith.constant 0 : i32
      %dma_wait3A_68 = arith.constant 0 : i32
      %dma_wait3A_69 = tpu.memref_slice %arg7[%dma_wait3A, %dma_wait3A_68] : memref<1x80xi32, #tpu.memory_space<vmem>> -> memref<1x80xi32, #tpu.memory_space<vmem>>
      %dma_wait3A_70 = tpu.memref_squeeze %dma_wait3A_69 : memref<1x80xi32, #tpu.memory_space<vmem>> -> memref<80xi32, #tpu.memory_space<vmem>>
      %dma_wait3A_71 = tpu.memref_slice %arg4[%add3A_29] : memref<320000xi32, #tpu.memory_space<hbm>> -> memref<80xi32, #tpu.memory_space<hbm>>
      %dma_wait3A_72 = arith.constant 0 : i32
      %dma_wait3A_73 = tpu.memref_slice %arg7[%dma_wait3A, %dma_wait3A_72] : memref<1x80xi32, #tpu.memory_space<vmem>> -> memref<1x80xi32, #tpu.memory_space<vmem>>
      %dma_wait3A_74 = tpu.memref_squeeze %dma_wait3A_73 : memref<1x80xi32, #tpu.memory_space<vmem>> -> memref<80xi32, #tpu.memory_space<vmem>>
      %dma_wait3A_75 = tpu.memref_slice %arg4[%add3A_29] : memref<320000xi32, #tpu.memory_space<hbm>> -> memref<80xi32, #tpu.memory_space<hbm>>
      tpu.wait_dma2 semaphore(%arg12 : memref<!tpu.dma_semaphore, #tpu.memory_space<semaphore_mem>>) src(%dma_wait3A_75 : memref<80xi32, #tpu.memory_space<hbm>>) dst(%dma_wait3A_74 : memref<80xi32, #tpu.memory_space<vmem>>)
      %dma_wait3A_76 = arith.constant 0 : i32
      %dma_wait3A_77 = arith.constant 0 : i32
      %dma_wait3A_78 = arith.constant 0 : i32
      %dma_wait3A_79 = tpu.memref_slice %arg8[%dma_wait3A_76, %dma_wait3A_77, %dma_wait3A_78] : memref<1x80x32xf32, #tpu.memory_space<vmem>> -> memref<1x80x32xf32, #tpu.memory_space<vmem>>
      %dma_wait3A_80 = tpu.memref_squeeze %dma_wait3A_79 : memref<1x80x32xf32, #tpu.memory_space<vmem>> -> memref<80x32xf32, #tpu.memory_space<vmem>>
      %dma_wait3A_81 = arith.constant 0 : i32
      %dma_wait3A_82 = tpu.memref_slice %arg2[%add3A_5, %add3A_29, %dma_wait3A_81] : memref<4x320000x32xf32, #tpu.memory_space<hbm>> -> memref<1x80x32xf32, #tpu.memory_space<hbm>>
      %dma_wait3A_83 = tpu.memref_squeeze %dma_wait3A_82 : memref<1x80x32xf32, #tpu.memory_space<hbm>> -> memref<80x32xf32, #tpu.memory_space<hbm>>
      %dma_wait3A_84 = arith.constant 0 : i32
      %dma_wait3A_85 = arith.constant 0 : i32
      %dma_wait3A_86 = tpu.memref_slice %arg8[%dma_wait3A_76, %dma_wait3A_84, %dma_wait3A_85] : memref<1x80x32xf32, #tpu.memory_space<vmem>> -> memref<1x80x32xf32, #tpu.memory_space<vmem>>
      %dma_wait3A_87 = tpu.memref_squeeze %dma_wait3A_86 : memref<1x80x32xf32, #tpu.memory_space<vmem>> -> memref<80x32xf32, #tpu.memory_space<vmem>>
      %dma_wait3A_88 = arith.constant 0 : i32
      %dma_wait3A_89 = tpu.memref_slice %arg2[%add3A_5, %add3A_29, %dma_wait3A_88] : memref<4x320000x32xf32, #tpu.memory_space<hbm>> -> memref<1x80x32xf32, #tpu.memory_space<hbm>>
      %dma_wait3A_90 = tpu.memref_squeeze %dma_wait3A_89 : memref<1x80x32xf32, #tpu.memory_space<hbm>> -> memref<80x32xf32, #tpu.memory_space<hbm>>
      tpu.wait_dma2 semaphore(%arg12 : memref<!tpu.dma_semaphore, #tpu.memory_space<semaphore_mem>>) src(%dma_wait3A_90 : memref<80x32xf32, #tpu.memory_space<hbm>>) dst(%dma_wait3A_87 : memref<80x32xf32, #tpu.memory_space<vmem>>)
      %dma_wait3A_91 = arith.constant 0 : i32
      %dma_wait3A_92 = arith.constant 0 : i32
      %dma_wait3A_93 = arith.constant 0 : i32
      %dma_wait3A_94 = tpu.memref_slice %arg9[%dma_wait3A_91, %dma_wait3A_92, %dma_wait3A_93] : memref<1x80x32xf32, #tpu.memory_space<vmem>> -> memref<1x80x32xf32, #tpu.memory_space<vmem>>
      %dma_wait3A_95 = tpu.memref_squeeze %dma_wait3A_94 : memref<1x80x32xf32, #tpu.memory_space<vmem>> -> memref<80x32xf32, #tpu.memory_space<vmem>>
      %dma_wait3A_96 = arith.constant 0 : i32
      %dma_wait3A_97 = tpu.memref_slice %arg3[%add3A_5, %add3A_29, %dma_wait3A_96] : memref<4x320000x32xf32, #tpu.memory_space<hbm>> -> memref<1x80x32xf32, #tpu.memory_space<hbm>>
      %dma_wait3A_98 = tpu.memref_squeeze %dma_wait3A_97 : memref<1x80x32xf32, #tpu.memory_space<hbm>> -> memref<80x32xf32, #tpu.memory_space<hbm>>
      %dma_wait3A_99 = arith.constant 0 : i32
      %dma_wait3A_100 = arith.constant 0 : i32
      %dma_wait3A_101 = tpu.memref_slice %arg9[%dma_wait3A_91, %dma_wait3A_99, %dma_wait3A_100] : memref<1x80x32xf32, #tpu.memory_space<vmem>> -> memref<1x80x32xf32, #tpu.memory_space<vmem>>
      %dma_wait3A_102 = tpu.memref_squeeze %dma_wait3A_101 : memref<1x80x32xf32, #tpu.memory_space<vmem>> -> memref<80x32xf32, #tpu.memory_space<vmem>>
      %dma_wait3A_103 = arith.constant 0 : i32
      %dma_wait3A_104 = tpu.memref_slice %arg3[%add3A_5, %add3A_29, %dma_wait3A_103] : memref<4x320000x32xf32, #tpu.memory_space<hbm>> -> memref<1x80x32xf32, #tpu.memory_space<hbm>>
      %dma_wait3A_105 = tpu.memref_squeeze %dma_wait3A_104 : memref<1x80x32xf32, #tpu.memory_space<hbm>> -> memref<80x32xf32, #tpu.memory_space<hbm>>
      tpu.wait_dma2 semaphore(%arg12 : memref<!tpu.dma_semaphore, #tpu.memory_space<semaphore_mem>>) src(%dma_wait3A_105 : memref<80x32xf32, #tpu.memory_space<hbm>>) dst(%dma_wait3A_102 : memref<80x32xf32, #tpu.memory_space<vmem>>)
      %scan3A_106 = arith.constant 0 : i32
      %scan3A_107 = arith.constant 0 : i32
      %scan3A_108 = arith.constant 80 : i32
      %scan3A_109 = arith.addi %scan3A_107, %scan3A_108 : i32
      %scan3A_110 = arith.constant 1 : i32
      scf.for %scan3A_112 = %scan3A_107 to %scan3A_109 step %scan3A_110  : i32 {
        %get3A = arith.constant 0 : i32
        %get3A_113 = arith.index_cast %get3A : i32 to index
        %get3A_114 = arith.index_cast %scan3A_112 : i32 to index
        %get3A_115 = arith.constant 0 : index
        %get3A_116 = tpu.vector_load %arg8[%get3A_113, %get3A_114, %get3A_115] {strides = array<i32>} : memref<1x80x32xf32, #tpu.memory_space<vmem>>, vector<1x1x16xf32>,
        %get3A_117 = vector.shape_cast %get3A_116 : vector<1x1x16xf32> to vector<16xf32>
        %get3A_118 = arith.constant 0 : i32
        %get3A_119 = arith.index_cast %get3A_118 : i32 to index
        %get3A_120 = arith.index_cast %scan3A_112 : i32 to index
        %get3A_121 = arith.constant 0 : index
        %get3A_122 = tpu.vector_load %arg9[%get3A_119, %get3A_120, %get3A_121] {strides = array<i32>} : memref<1x80x32xf32, #tpu.memory_space<vmem>>, vector<1x1x16xf32>,
        %get3A_123 = vector.shape_cast %get3A_122 : vector<1x1x16xf32> to vector<16xf32>
        %swap3A = arith.index_cast %scan3A_112 : i32 to index
        %swap3A_124 = arith.constant 0 : index
        %swap3A_125 = tpu.vector_load %arg10[%swap3A, %swap3A_124] {strides = array<i32>} : memref<80x96xf32, #tpu.memory_space<vmem>>, vector<1x16xf32>,
        %swap3A_126 = vector.shape_cast %swap3A_125 : vector<1x16xf32> to vector<16xf32>
        %swap3A_127 = vector.shape_cast %get3A_117 : vector<16xf32> to vector<1x16xf32>
        tpu.vector_store %arg10[%swap3A, %swap3A_124], %swap3A_127 {strides = array<i32>} : memref<80x96xf32, #tpu.memory_space<vmem>>, vector<1x16xf32>,
        %mul3A_128 = arith.mulf %get3A_117, %get3A_123 : vector<16xf32>
        %swap3A_129 = arith.index_cast %scan3A_112 : i32 to index
        %swap3A_130 = arith.constant 32 : index
        %swap3A_131 = tpu.vector_load %arg10[%swap3A_129, %swap3A_130] {strides = array<i32>} : memref<80x96xf32, #tpu.memory_space<vmem>>, vector<1x16xf32>,
        %swap3A_132 = vector.shape_cast %swap3A_131 : vector<1x16xf32> to vector<16xf32>
        %swap3A_133 = vector.shape_cast %mul3A_128 : vector<16xf32> to vector<1x16xf32>
        tpu.vector_store %arg10[%swap3A_129, %swap3A_130], %swap3A_133 {strides = array<i32>} : memref<80x96xf32, #tpu.memory_space<vmem>>, vector<1x16xf32>,
        %mul3A_134 = arith.mulf %get3A_117, %get3A_117 : vector<16xf32>
        %swap3A_135 = arith.index_cast %scan3A_112 : i32 to index
        %swap3A_136 = arith.constant 64 : index
        %swap3A_137 = tpu.vector_load %arg10[%swap3A_135, %swap3A_136] {strides = array<i32>} : memref<80x96xf32, #tpu.memory_space<vmem>>, vector<1x16xf32>,
        %swap3A_138 = vector.shape_cast %swap3A_137 : vector<1x16xf32> to vector<16xf32>
        %swap3A_139 = vector.shape_cast %mul3A_134 : vector<16xf32> to vector<1x16xf32>
        tpu.vector_store %arg10[%swap3A_135, %swap3A_136], %swap3A_139 {strides = array<i32>} : memref<80x96xf32, #tpu.memory_space<vmem>>, vector<1x16xf32>,
        %get3A_140 = arith.constant 0 : i32
        %get3A_141 = arith.index_cast %get3A_140 : i32 to index
        %get3A_142 = arith.index_cast %scan3A_112 : i32 to index
        %get3A_143 = arith.constant 16 : index
        %get3A_144 = tpu.vector_load %arg8[%get3A_141, %get3A_142, %get3A_143] {strides = array<i32>} : memref<1x80x32xf32, #tpu.memory_space<vmem>>, vector<1x1x16xf32>,
        %get3A_145 = vector.shape_cast %get3A_144 : vector<1x1x16xf32> to vector<16xf32>
        %get3A_146 = arith.constant 0 : i32
        %get3A_147 = arith.index_cast %get3A_146 : i32 to index
        %get3A_148 = arith.index_cast %scan3A_112 : i32 to index
        %get3A_149 = arith.constant 16 : index
        %get3A_150 = tpu.vector_load %arg9[%get3A_147, %get3A_148, %get3A_149] {strides = array<i32>} : memref<1x80x32xf32, #tpu.memory_space<vmem>>, vector<1x1x16xf32>,
        %get3A_151 = vector.shape_cast %get3A_150 : vector<1x1x16xf32> to vector<16xf32>
        %swap3A_152 = arith.index_cast %scan3A_112 : i32 to index
        %swap3A_153 = arith.constant 16 : index
        %swap3A_154 = tpu.vector_load %arg10[%swap3A_152, %swap3A_153] {strides = array<i32>} : memref<80x96xf32, #tpu.memory_space<vmem>>, vector<1x16xf32>,
        %swap3A_155 = vector.shape_cast %swap3A_154 : vector<1x16xf32> to vector<16xf32>
        %swap3A_156 = vector.shape_cast %get3A_145 : vector<16xf32> to vector<1x16xf32>
        tpu.vector_store %arg10[%swap3A_152, %swap3A_153], %swap3A_156 {strides = array<i32>} : memref<80x96xf32, #tpu.memory_space<vmem>>, vector<1x16xf32>,
        %mul3A_157 = arith.mulf %get3A_145, %get3A_151 : vector<16xf32>
        %swap3A_158 = arith.index_cast %scan3A_112 : i32 to index
        %swap3A_159 = arith.constant 48 : index
        %swap3A_160 = tpu.vector_load %arg10[%swap3A_158, %swap3A_159] {strides = array<i32>} : memref<80x96xf32, #tpu.memory_space<vmem>>, vector<1x16xf32>,
        %swap3A_161 = vector.shape_cast %swap3A_160 : vector<1x16xf32> to vector<16xf32>
        %swap3A_162 = vector.shape_cast %mul3A_157 : vector<16xf32> to vector<1x16xf32>
        tpu.vector_store %arg10[%swap3A_158, %swap3A_159], %swap3A_162 {strides = array<i32>} : memref<80x96xf32, #tpu.memory_space<vmem>>, vector<1x16xf32>,
        %mul3A_163 = arith.mulf %get3A_145, %get3A_145 : vector<16xf32>
        %swap3A_164 = arith.index_cast %scan3A_112 : i32 to index
        %swap3A_165 = arith.constant 80 : index
        %swap3A_166 = tpu.vector_load %arg10[%swap3A_164, %swap3A_165] {strides = array<i32>} : memref<80x96xf32, #tpu.memory_space<vmem>>, vector<1x16xf32>,
        %swap3A_167 = vector.shape_cast %swap3A_166 : vector<1x16xf32> to vector<16xf32>
        %swap3A_168 = vector.shape_cast %mul3A_163 : vector<16xf32> to vector<1x16xf32>
        tpu.vector_store %arg10[%swap3A_164, %swap3A_165], %swap3A_168 {strides = array<i32>} : memref<80x96xf32, #tpu.memory_space<vmem>>, vector<1x16xf32>,
      }
      %scan3A_111 = arith.constant 80 : i32
      %run_scoped3A = arith.constant 0 : i32
      "tpu.region"() ({
        %run_scoped3A_112 = tpu.sem_alloc : memref<!tpu.dma_semaphore, #tpu.memory_space<semaphore_mem>>
        %dma_start3A_113 = arith.constant 0 : i32
        %dma_start3A_114 = arith.constant 0 : i32
        %dma_start3A_115 = tpu.memref_slice %arg10[%dma_start3A_113, %dma_start3A_114] : memref<80x96xf32, #tpu.memory_space<vmem>> -> memref<80x96xf32, #tpu.memory_space<vmem>>
        %dma_start3A_116 = arith.constant 0 : i32
        %dma_start3A_117 = tpu.memref_slice %arg7[%run_scoped3A, %dma_start3A_116] : memref<1x80xi32, #tpu.memory_space<vmem>> -> memref<1x80xi32, #tpu.memory_space<vmem>>
        %dma_start3A_118 = tpu.memref_squeeze %dma_start3A_117 : memref<1x80xi32, #tpu.memory_space<vmem>> -> memref<80xi32, #tpu.memory_space<vmem>>
        %dma_start3A_119 = arith.constant 0 : i32
        %dma_start3A_120 = arith.constant 0 : i32
        %dma_start3A_121 = tpu.memref_slice %arg11[%dma_start3A_119, %dma_start3A_120] : memref<10112x96xf32, #tpu.memory_space<vmem_shared>> -> memref<10112x96xf32, #tpu.memory_space<vmem_shared>>
        tpu.enqueue_indirect_dma source(%dma_start3A_115 : memref<80x96xf32, #tpu.memory_space<vmem>>) target(%dma_start3A_121 : memref<10112x96xf32, #tpu.memory_space<vmem_shared>>) offsets(%dma_start3A_118 : memref<80xi32, #tpu.memory_space<vmem>>) semaphore(%run_scoped3A_112 : memref<!tpu.dma_semaphore, #tpu.memory_space<semaphore_mem>>) {add = true}
        %dma_wait3A_122 = arith.constant 0 : i32
        %dma_wait3A_123 = arith.constant 0 : i32
        %dma_wait3A_124 = tpu.memref_slice %arg10[%dma_wait3A_122, %dma_wait3A_123] : memref<80x96xf32, #tpu.memory_space<vmem>> -> memref<80x96xf32, #tpu.memory_space<vmem>>
        %dma_wait3A_125 = arith.constant 0 : i32
        %dma_wait3A_126 = tpu.memref_slice %arg7[%run_scoped3A, %dma_wait3A_125] : memref<1x80xi32, #tpu.memory_space<vmem>> -> memref<1x80xi32, #tpu.memory_space<vmem>>
        %dma_wait3A_127 = tpu.memref_squeeze %dma_wait3A_126 : memref<1x80xi32, #tpu.memory_space<vmem>> -> memref<80xi32, #tpu.memory_space<vmem>>
        %dma_wait3A_128 = arith.constant 0 : i32
        %dma_wait3A_129 = arith.constant 0 : i32
        %dma_wait3A_130 = tpu.memref_slice %arg11[%dma_wait3A_128, %dma_wait3A_129] : memref<10112x96xf32, #tpu.memory_space<vmem_shared>> -> memref<10112x96xf32, #tpu.memory_space<vmem_shared>>
        tpu.wait_indirect_dma semaphore(%run_scoped3A_112 : memref<!tpu.dma_semaphore, #tpu.memory_space<semaphore_mem>>) src(%dma_wait3A_124 : memref<80x96xf32, #tpu.memory_space<vmem>>) dst(%dma_wait3A_130 : memref<10112x96xf32, #tpu.memory_space<vmem_shared>>)
        tpu.yield
      }) : () -> ()
    }
    %scan3A_10 = arith.constant 250 : i32
    %barrier3A_11 = arith.constant 0 : index
    tpu.barrier barrier_id(%barrier3A_11)
    "tpu.region"() ({
      %run_scoped3A = tpu.sem_alloc : memref<!tpu.dma_semaphore, #tpu.memory_space<semaphore_mem>>
      %dma_start3A = arith.constant 0 : i32
      %dma_start3A_26 = tpu.memref_slice %arg6[%add3A_5, %mul3A_0, %dma_start3A] : memref<4x10112x96xf32, #tpu.memory_space<hbm>> -> memref<1x632x96xf32, #tpu.memory_space<hbm>>
      %dma_start3A_27 = tpu.memref_squeeze %dma_start3A_26 : memref<1x632x96xf32, #tpu.memory_space<hbm>> -> memref<632x96xf32, #tpu.memory_space<hbm>>
      %dma_start3A_28 = arith.constant 0 : i32
      %dma_start3A_29 = tpu.memref_slice %arg11[%mul3A_0, %dma_start3A_28] : memref<10112x96xf32, #tpu.memory_space<vmem_shared>> -> memref<632x96xf32, #tpu.memory_space<vmem_shared>>
      tpu.enqueue_dma source(%dma_start3A_29 : memref<632x96xf32, #tpu.memory_space<vmem_shared>>) target(%dma_start3A_27 : memref<632x96xf32, #tpu.memory_space<hbm>>) target_semaphore(%run_scoped3A : memref<!tpu.dma_semaphore, #tpu.memory_space<semaphore_mem>>)
      %dma_wait3A = arith.constant 0 : i32
      %dma_wait3A_30 = tpu.memref_slice %arg6[%add3A_5, %mul3A_0, %dma_wait3A] : memref<4x10112x96xf32, #tpu.memory_space<hbm>> -> memref<1x632x96xf32, #tpu.memory_space<hbm>>
      %dma_wait3A_31 = tpu.memref_squeeze %dma_wait3A_30 : memref<1x632x96xf32, #tpu.memory_space<hbm>> -> memref<632x96xf32, #tpu.memory_space<hbm>>
      %dma_wait3A_32 = arith.constant 0 : i32
      %dma_wait3A_33 = tpu.memref_slice %arg11[%mul3A_0, %dma_wait3A_32] : memref<10112x96xf32, #tpu.memory_space<vmem_shared>> -> memref<632x96xf32, #tpu.memory_space<vmem_shared>>
      tpu.wait_dma2 semaphore(%run_scoped3A : memref<!tpu.dma_semaphore, #tpu.memory_space<semaphore_mem>>) src(%dma_wait3A_33 : memref<632x96xf32, #tpu.memory_space<vmem_shared>>) dst(%dma_wait3A_31 : memref<632x96xf32, #tpu.memory_space<hbm>>)
      tpu.yield
    }) : () -> ()
    %barrier3A_12 = arith.constant 0 : index
    tpu.barrier barrier_id(%barrier3A_12)
    %mul3A_13 = arith.constant 2 : i32
    %mul3A_14 = arith.muli %arg0, %mul3A_13 : i32
    %add3A_15 = arith.constant 1 : i32
    %add3A_16 = arith.addi %mul3A_14, %add3A_15 : i32
    "tpu.region"() ({
      %run_scoped3A = tpu.sem_alloc : memref<!tpu.dma_semaphore, #tpu.memory_space<semaphore_mem>>
      %dma_start3A = arith.constant 0 : i32
      %dma_start3A_26 = tpu.memref_slice %arg11[%mul3A_0, %dma_start3A] : memref<10112x96xf32, #tpu.memory_space<vmem_shared>> -> memref<632x96xf32, #tpu.memory_space<vmem_shared>>
      tpu.enqueue_dma source(%arg5 : memref<632x96xf32, #tpu.memory_space<hbm>>) target(%dma_start3A_26 : memref<632x96xf32, #tpu.memory_space<vmem_shared>>) target_semaphore(%run_scoped3A : memref<!tpu.dma_semaphore, #tpu.memory_space<semaphore_mem>>)
      %dma_wait3A = arith.constant 0 : i32
      %dma_wait3A_27 = tpu.memref_slice %arg11[%mul3A_0, %dma_wait3A] : memref<10112x96xf32, #tpu.memory_space<vmem_shared>> -> memref<632x96xf32, #tpu.memory_space<vmem_shared>>
      tpu.wait_dma2 semaphore(%run_scoped3A : memref<!tpu.dma_semaphore, #tpu.memory_space<semaphore_mem>>) src(%arg5 : memref<632x96xf32, #tpu.memory_space<hbm>>) dst(%dma_wait3A_27 : memref<632x96xf32, #tpu.memory_space<vmem_shared>>)
      tpu.yield
    }) : () -> ()
    %barrier3A_17 = arith.constant 0 : index
    tpu.barrier barrier_id(%barrier3A_17)
    %scan3A_18 = arith.constant 0 : i32
    %scan3A_19 = arith.constant 0 : i32
    %scan3A_20 = arith.constant 250 : i32
    %scan3A_21 = arith.addi %scan3A_19, %scan3A_20 : i32
    %scan3A_22 = arith.constant 1 : i32
    scf.for %scan3A_26 = %scan3A_19 to %scan3A_21 step %scan3A_22  : i32 {
      %mul3A_27 = arith.constant 80 : i32
      %mul3A_28 = arith.muli %scan3A_26, %mul3A_27 : i32
      %add3A_29 = arith.addi %mul3A_2, %mul3A_28 : i32
      %dma_start3A = arith.constant 0 : i32
      %dma_start3A_30 = arith.constant 0 : i32
      %dma_start3A_31 = tpu.memref_slice %arg7[%dma_start3A, %dma_start3A_30] : memref<1x80xi32, #tpu.memory_space<vmem>> -> memref<1x80xi32, #tpu.memory_space<vmem>>
      %dma_start3A_32 = tpu.memref_squeeze %dma_start3A_31 : memref<1x80xi32, #tpu.memory_space<vmem>> -> memref<80xi32, #tpu.memory_space<vmem>>
      %dma_start3A_33 = tpu.memref_slice %arg4[%add3A_29] : memref<320000xi32, #tpu.memory_space<hbm>> -> memref<80xi32, #tpu.memory_space<hbm>>
      %dma_start3A_34 = arith.constant 0 : i32
      %dma_start3A_35 = tpu.memref_slice %arg7[%dma_start3A, %dma_start3A_34] : memref<1x80xi32, #tpu.memory_space<vmem>> -> memref<1x80xi32, #tpu.memory_space<vmem>>
      %dma_start3A_36 = tpu.memref_squeeze %dma_start3A_35 : memref<1x80xi32, #tpu.memory_space<vmem>> -> memref<80xi32, #tpu.memory_space<vmem>>
      %dma_start3A_37 = tpu.memref_slice %arg4[%add3A_29] : memref<320000xi32, #tpu.memory_space<hbm>> -> memref<80xi32, #tpu.memory_space<hbm>>
      tpu.enqueue_dma source(%dma_start3A_37 : memref<80xi32, #tpu.memory_space<hbm>>) target(%dma_start3A_36 : memref<80xi32, #tpu.memory_space<vmem>>) target_semaphore(%arg12 : memref<!tpu.dma_semaphore, #tpu.memory_space<semaphore_mem>>)
      %dma_start3A_38 = arith.constant 0 : i32
      %dma_start3A_39 = arith.constant 0 : i32
      %dma_start3A_40 = arith.constant 0 : i32
      %dma_start3A_41 = tpu.memref_slice %arg8[%dma_start3A_38, %dma_start3A_39, %dma_start3A_40] : memref<1x80x32xf32, #tpu.memory_space<vmem>> -> memref<1x80x32xf32, #tpu.memory_space<vmem>>
      %dma_start3A_42 = tpu.memref_squeeze %dma_start3A_41 : memref<1x80x32xf32, #tpu.memory_space<vmem>> -> memref<80x32xf32, #tpu.memory_space<vmem>>
      %dma_start3A_43 = arith.constant 0 : i32
      %dma_start3A_44 = tpu.memref_slice %arg2[%add3A_16, %add3A_29, %dma_start3A_43] : memref<4x320000x32xf32, #tpu.memory_space<hbm>> -> memref<1x80x32xf32, #tpu.memory_space<hbm>>
      %dma_start3A_45 = tpu.memref_squeeze %dma_start3A_44 : memref<1x80x32xf32, #tpu.memory_space<hbm>> -> memref<80x32xf32, #tpu.memory_space<hbm>>
      %dma_start3A_46 = arith.constant 0 : i32
      %dma_start3A_47 = arith.constant 0 : i32
      %dma_start3A_48 = tpu.memref_slice %arg8[%dma_start3A_38, %dma_start3A_46, %dma_start3A_47] : memref<1x80x32xf32, #tpu.memory_space<vmem>> -> memref<1x80x32xf32, #tpu.memory_space<vmem>>
      %dma_start3A_49 = tpu.memref_squeeze %dma_start3A_48 : memref<1x80x32xf32, #tpu.memory_space<vmem>> -> memref<80x32xf32, #tpu.memory_space<vmem>>
      %dma_start3A_50 = arith.constant 0 : i32
      %dma_start3A_51 = tpu.memref_slice %arg2[%add3A_16, %add3A_29, %dma_start3A_50] : memref<4x320000x32xf32, #tpu.memory_space<hbm>> -> memref<1x80x32xf32, #tpu.memory_space<hbm>>
      %dma_start3A_52 = tpu.memref_squeeze %dma_start3A_51 : memref<1x80x32xf32, #tpu.memory_space<hbm>> -> memref<80x32xf32, #tpu.memory_space<hbm>>
      tpu.enqueue_dma source(%dma_start3A_52 : memref<80x32xf32, #tpu.memory_space<hbm>>) target(%dma_start3A_49 : memref<80x32xf32, #tpu.memory_space<vmem>>) target_semaphore(%arg12 : memref<!tpu.dma_semaphore, #tpu.memory_space<semaphore_mem>>)
      %dma_start3A_53 = arith.constant 0 : i32
      %dma_start3A_54 = arith.constant 0 : i32
      %dma_start3A_55 = arith.constant 0 : i32
      %dma_start3A_56 = tpu.memref_slice %arg9[%dma_start3A_53, %dma_start3A_54, %dma_start3A_55] : memref<1x80x32xf32, #tpu.memory_space<vmem>> -> memref<1x80x32xf32, #tpu.memory_space<vmem>>
      %dma_start3A_57 = tpu.memref_squeeze %dma_start3A_56 : memref<1x80x32xf32, #tpu.memory_space<vmem>> -> memref<80x32xf32, #tpu.memory_space<vmem>>
      %dma_start3A_58 = arith.constant 0 : i32
      %dma_start3A_59 = tpu.memref_slice %arg3[%add3A_16, %add3A_29, %dma_start3A_58] : memref<4x320000x32xf32, #tpu.memory_space<hbm>> -> memref<1x80x32xf32, #tpu.memory_space<hbm>>
      %dma_start3A_60 = tpu.memref_squeeze %dma_start3A_59 : memref<1x80x32xf32, #tpu.memory_space<hbm>> -> memref<80x32xf32, #tpu.memory_space<hbm>>
      %dma_start3A_61 = arith.constant 0 : i32
      %dma_start3A_62 = arith.constant 0 : i32
      %dma_start3A_63 = tpu.memref_slice %arg9[%dma_start3A_53, %dma_start3A_61, %dma_start3A_62] : memref<1x80x32xf32, #tpu.memory_space<vmem>> -> memref<1x80x32xf32, #tpu.memory_space<vmem>>
      %dma_start3A_64 = tpu.memref_squeeze %dma_start3A_63 : memref<1x80x32xf32, #tpu.memory_space<vmem>> -> memref<80x32xf32, #tpu.memory_space<vmem>>
      %dma_start3A_65 = arith.constant 0 : i32
      %dma_start3A_66 = tpu.memref_slice %arg3[%add3A_16, %add3A_29, %dma_start3A_65] : memref<4x320000x32xf32, #tpu.memory_space<hbm>> -> memref<1x80x32xf32, #tpu.memory_space<hbm>>
      %dma_start3A_67 = tpu.memref_squeeze %dma_start3A_66 : memref<1x80x32xf32, #tpu.memory_space<hbm>> -> memref<80x32xf32, #tpu.memory_space<hbm>>
      tpu.enqueue_dma source(%dma_start3A_67 : memref<80x32xf32, #tpu.memory_space<hbm>>) target(%dma_start3A_64 : memref<80x32xf32, #tpu.memory_space<vmem>>) target_semaphore(%arg12 : memref<!tpu.dma_semaphore, #tpu.memory_space<semaphore_mem>>)
      %dma_wait3A = arith.constant 0 : i32
      %dma_wait3A_68 = arith.constant 0 : i32
      %dma_wait3A_69 = tpu.memref_slice %arg7[%dma_wait3A, %dma_wait3A_68] : memref<1x80xi32, #tpu.memory_space<vmem>> -> memref<1x80xi32, #tpu.memory_space<vmem>>
      %dma_wait3A_70 = tpu.memref_squeeze %dma_wait3A_69 : memref<1x80xi32, #tpu.memory_space<vmem>> -> memref<80xi32, #tpu.memory_space<vmem>>
      %dma_wait3A_71 = tpu.memref_slice %arg4[%add3A_29] : memref<320000xi32, #tpu.memory_space<hbm>> -> memref<80xi32, #tpu.memory_space<hbm>>
      %dma_wait3A_72 = arith.constant 0 : i32
      %dma_wait3A_73 = tpu.memref_slice %arg7[%dma_wait3A, %dma_wait3A_72] : memref<1x80xi32, #tpu.memory_space<vmem>> -> memref<1x80xi32, #tpu.memory_space<vmem>>
      %dma_wait3A_74 = tpu.memref_squeeze %dma_wait3A_73 : memref<1x80xi32, #tpu.memory_space<vmem>> -> memref<80xi32, #tpu.memory_space<vmem>>
      %dma_wait3A_75 = tpu.memref_slice %arg4[%add3A_29] : memref<320000xi32, #tpu.memory_space<hbm>> -> memref<80xi32, #tpu.memory_space<hbm>>
      tpu.wait_dma2 semaphore(%arg12 : memref<!tpu.dma_semaphore, #tpu.memory_space<semaphore_mem>>) src(%dma_wait3A_75 : memref<80xi32, #tpu.memory_space<hbm>>) dst(%dma_wait3A_74 : memref<80xi32, #tpu.memory_space<vmem>>)
      %dma_wait3A_76 = arith.constant 0 : i32
      %dma_wait3A_77 = arith.constant 0 : i32
      %dma_wait3A_78 = arith.constant 0 : i32
      %dma_wait3A_79 = tpu.memref_slice %arg8[%dma_wait3A_76, %dma_wait3A_77, %dma_wait3A_78] : memref<1x80x32xf32, #tpu.memory_space<vmem>> -> memref<1x80x32xf32, #tpu.memory_space<vmem>>
      %dma_wait3A_80 = tpu.memref_squeeze %dma_wait3A_79 : memref<1x80x32xf32, #tpu.memory_space<vmem>> -> memref<80x32xf32, #tpu.memory_space<vmem>>
      %dma_wait3A_81 = arith.constant 0 : i32
      %dma_wait3A_82 = tpu.memref_slice %arg2[%add3A_16, %add3A_29, %dma_wait3A_81] : memref<4x320000x32xf32, #tpu.memory_space<hbm>> -> memref<1x80x32xf32, #tpu.memory_space<hbm>>
      %dma_wait3A_83 = tpu.memref_squeeze %dma_wait3A_82 : memref<1x80x32xf32, #tpu.memory_space<hbm>> -> memref<80x32xf32, #tpu.memory_space<hbm>>
      %dma_wait3A_84 = arith.constant 0 : i32
      %dma_wait3A_85 = arith.constant 0 : i32
      %dma_wait3A_86 = tpu.memref_slice %arg8[%dma_wait3A_76, %dma_wait3A_84, %dma_wait3A_85] : memref<1x80x32xf32, #tpu.memory_space<vmem>> -> memref<1x80x32xf32, #tpu.memory_space<vmem>>
      %dma_wait3A_87 = tpu.memref_squeeze %dma_wait3A_86 : memref<1x80x32xf32, #tpu.memory_space<vmem>> -> memref<80x32xf32, #tpu.memory_space<vmem>>
      %dma_wait3A_88 = arith.constant 0 : i32
      %dma_wait3A_89 = tpu.memref_slice %arg2[%add3A_16, %add3A_29, %dma_wait3A_88] : memref<4x320000x32xf32, #tpu.memory_space<hbm>> -> memref<1x80x32xf32, #tpu.memory_space<hbm>>
      %dma_wait3A_90 = tpu.memref_squeeze %dma_wait3A_89 : memref<1x80x32xf32, #tpu.memory_space<hbm>> -> memref<80x32xf32, #tpu.memory_space<hbm>>
      tpu.wait_dma2 semaphore(%arg12 : memref<!tpu.dma_semaphore, #tpu.memory_space<semaphore_mem>>) src(%dma_wait3A_90 : memref<80x32xf32, #tpu.memory_space<hbm>>) dst(%dma_wait3A_87 : memref<80x32xf32, #tpu.memory_space<vmem>>)
      %dma_wait3A_91 = arith.constant 0 : i32
      %dma_wait3A_92 = arith.constant 0 : i32
      %dma_wait3A_93 = arith.constant 0 : i32
      %dma_wait3A_94 = tpu.memref_slice %arg9[%dma_wait3A_91, %dma_wait3A_92, %dma_wait3A_93] : memref<1x80x32xf32, #tpu.memory_space<vmem>> -> memref<1x80x32xf32, #tpu.memory_space<vmem>>
      %dma_wait3A_95 = tpu.memref_squeeze %dma_wait3A_94 : memref<1x80x32xf32, #tpu.memory_space<vmem>> -> memref<80x32xf32, #tpu.memory_space<vmem>>
      %dma_wait3A_96 = arith.constant 0 : i32
      %dma_wait3A_97 = tpu.memref_slice %arg3[%add3A_16, %add3A_29, %dma_wait3A_96] : memref<4x320000x32xf32, #tpu.memory_space<hbm>> -> memref<1x80x32xf32, #tpu.memory_space<hbm>>
      %dma_wait3A_98 = tpu.memref_squeeze %dma_wait3A_97 : memref<1x80x32xf32, #tpu.memory_space<hbm>> -> memref<80x32xf32, #tpu.memory_space<hbm>>
      %dma_wait3A_99 = arith.constant 0 : i32
      %dma_wait3A_100 = arith.constant 0 : i32
      %dma_wait3A_101 = tpu.memref_slice %arg9[%dma_wait3A_91, %dma_wait3A_99, %dma_wait3A_100] : memref<1x80x32xf32, #tpu.memory_space<vmem>> -> memref<1x80x32xf32, #tpu.memory_space<vmem>>
      %dma_wait3A_102 = tpu.memref_squeeze %dma_wait3A_101 : memref<1x80x32xf32, #tpu.memory_space<vmem>> -> memref<80x32xf32, #tpu.memory_space<vmem>>
      %dma_wait3A_103 = arith.constant 0 : i32
      %dma_wait3A_104 = tpu.memref_slice %arg3[%add3A_16, %add3A_29, %dma_wait3A_103] : memref<4x320000x32xf32, #tpu.memory_space<hbm>> -> memref<1x80x32xf32, #tpu.memory_space<hbm>>
      %dma_wait3A_105 = tpu.memref_squeeze %dma_wait3A_104 : memref<1x80x32xf32, #tpu.memory_space<hbm>> -> memref<80x32xf32, #tpu.memory_space<hbm>>
      tpu.wait_dma2 semaphore(%arg12 : memref<!tpu.dma_semaphore, #tpu.memory_space<semaphore_mem>>) src(%dma_wait3A_105 : memref<80x32xf32, #tpu.memory_space<hbm>>) dst(%dma_wait3A_102 : memref<80x32xf32, #tpu.memory_space<vmem>>)
      %scan3A_106 = arith.constant 0 : i32
      %scan3A_107 = arith.constant 0 : i32
      %scan3A_108 = arith.constant 80 : i32
      %scan3A_109 = arith.addi %scan3A_107, %scan3A_108 : i32
      %scan3A_110 = arith.constant 1 : i32
      scf.for %scan3A_112 = %scan3A_107 to %scan3A_109 step %scan3A_110  : i32 {
        %get3A = arith.constant 0 : i32
        %get3A_113 = arith.index_cast %get3A : i32 to index
        %get3A_114 = arith.index_cast %scan3A_112 : i32 to index
        %get3A_115 = arith.constant 0 : index
        %get3A_116 = tpu.vector_load %arg8[%get3A_113, %get3A_114, %get3A_115] {strides = array<i32>} : memref<1x80x32xf32, #tpu.memory_space<vmem>>, vector<1x1x16xf32>,
        %get3A_117 = vector.shape_cast %get3A_116 : vector<1x1x16xf32> to vector<16xf32>
        %get3A_118 = arith.constant 0 : i32
        %get3A_119 = arith.index_cast %get3A_118 : i32 to index
        %get3A_120 = arith.index_cast %scan3A_112 : i32 to index
        %get3A_121 = arith.constant 0 : index
        %get3A_122 = tpu.vector_load %arg9[%get3A_119, %get3A_120, %get3A_121] {strides = array<i32>} : memref<1x80x32xf32, #tpu.memory_space<vmem>>, vector<1x1x16xf32>,
        %get3A_123 = vector.shape_cast %get3A_122 : vector<1x1x16xf32> to vector<16xf32>
        %swap3A = arith.index_cast %scan3A_112 : i32 to index
        %swap3A_124 = arith.constant 0 : index
        %swap3A_125 = tpu.vector_load %arg10[%swap3A, %swap3A_124] {strides = array<i32>} : memref<80x96xf32, #tpu.memory_space<vmem>>, vector<1x16xf32>,
        %swap3A_126 = vector.shape_cast %swap3A_125 : vector<1x16xf32> to vector<16xf32>
        %swap3A_127 = vector.shape_cast %get3A_117 : vector<16xf32> to vector<1x16xf32>
        tpu.vector_store %arg10[%swap3A, %swap3A_124], %swap3A_127 {strides = array<i32>} : memref<80x96xf32, #tpu.memory_space<vmem>>, vector<1x16xf32>,
        %mul3A_128 = arith.mulf %get3A_117, %get3A_123 : vector<16xf32>
        %swap3A_129 = arith.index_cast %scan3A_112 : i32 to index
        %swap3A_130 = arith.constant 32 : index
        %swap3A_131 = tpu.vector_load %arg10[%swap3A_129, %swap3A_130] {strides = array<i32>} : memref<80x96xf32, #tpu.memory_space<vmem>>, vector<1x16xf32>,
        %swap3A_132 = vector.shape_cast %swap3A_131 : vector<1x16xf32> to vector<16xf32>
        %swap3A_133 = vector.shape_cast %mul3A_128 : vector<16xf32> to vector<1x16xf32>
        tpu.vector_store %arg10[%swap3A_129, %swap3A_130], %swap3A_133 {strides = array<i32>} : memref<80x96xf32, #tpu.memory_space<vmem>>, vector<1x16xf32>,
        %mul3A_134 = arith.mulf %get3A_117, %get3A_117 : vector<16xf32>
        %swap3A_135 = arith.index_cast %scan3A_112 : i32 to index
        %swap3A_136 = arith.constant 64 : index
        %swap3A_137 = tpu.vector_load %arg10[%swap3A_135, %swap3A_136] {strides = array<i32>} : memref<80x96xf32, #tpu.memory_space<vmem>>, vector<1x16xf32>,
        %swap3A_138 = vector.shape_cast %swap3A_137 : vector<1x16xf32> to vector<16xf32>
        %swap3A_139 = vector.shape_cast %mul3A_134 : vector<16xf32> to vector<1x16xf32>
        tpu.vector_store %arg10[%swap3A_135, %swap3A_136], %swap3A_139 {strides = array<i32>} : memref<80x96xf32, #tpu.memory_space<vmem>>, vector<1x16xf32>,
        %get3A_140 = arith.constant 0 : i32
        %get3A_141 = arith.index_cast %get3A_140 : i32 to index
        %get3A_142 = arith.index_cast %scan3A_112 : i32 to index
        %get3A_143 = arith.constant 16 : index
        %get3A_144 = tpu.vector_load %arg8[%get3A_141, %get3A_142, %get3A_143] {strides = array<i32>} : memref<1x80x32xf32, #tpu.memory_space<vmem>>, vector<1x1x16xf32>,
        %get3A_145 = vector.shape_cast %get3A_144 : vector<1x1x16xf32> to vector<16xf32>
        %get3A_146 = arith.constant 0 : i32
        %get3A_147 = arith.index_cast %get3A_146 : i32 to index
        %get3A_148 = arith.index_cast %scan3A_112 : i32 to index
        %get3A_149 = arith.constant 16 : index
        %get3A_150 = tpu.vector_load %arg9[%get3A_147, %get3A_148, %get3A_149] {strides = array<i32>} : memref<1x80x32xf32, #tpu.memory_space<vmem>>, vector<1x1x16xf32>,
        %get3A_151 = vector.shape_cast %get3A_150 : vector<1x1x16xf32> to vector<16xf32>
        %swap3A_152 = arith.index_cast %scan3A_112 : i32 to index
        %swap3A_153 = arith.constant 16 : index
        %swap3A_154 = tpu.vector_load %arg10[%swap3A_152, %swap3A_153] {strides = array<i32>} : memref<80x96xf32, #tpu.memory_space<vmem>>, vector<1x16xf32>,
        %swap3A_155 = vector.shape_cast %swap3A_154 : vector<1x16xf32> to vector<16xf32>
        %swap3A_156 = vector.shape_cast %get3A_145 : vector<16xf32> to vector<1x16xf32>
        tpu.vector_store %arg10[%swap3A_152, %swap3A_153], %swap3A_156 {strides = array<i32>} : memref<80x96xf32, #tpu.memory_space<vmem>>, vector<1x16xf32>,
        %mul3A_157 = arith.mulf %get3A_145, %get3A_151 : vector<16xf32>
        %swap3A_158 = arith.index_cast %scan3A_112 : i32 to index
        %swap3A_159 = arith.constant 48 : index
        %swap3A_160 = tpu.vector_load %arg10[%swap3A_158, %swap3A_159] {strides = array<i32>} : memref<80x96xf32, #tpu.memory_space<vmem>>, vector<1x16xf32>,
        %swap3A_161 = vector.shape_cast %swap3A_160 : vector<1x16xf32> to vector<16xf32>
        %swap3A_162 = vector.shape_cast %mul3A_157 : vector<16xf32> to vector<1x16xf32>
        tpu.vector_store %arg10[%swap3A_158, %swap3A_159], %swap3A_162 {strides = array<i32>} : memref<80x96xf32, #tpu.memory_space<vmem>>, vector<1x16xf32>,
        %mul3A_163 = arith.mulf %get3A_145, %get3A_145 : vector<16xf32>
        %swap3A_164 = arith.index_cast %scan3A_112 : i32 to index
        %swap3A_165 = arith.constant 80 : index
        %swap3A_166 = tpu.vector_load %arg10[%swap3A_164, %swap3A_165] {strides = array<i32>} : memref<80x96xf32, #tpu.memory_space<vmem>>, vector<1x16xf32>,
        %swap3A_167 = vector.shape_cast %swap3A_166 : vector<1x16xf32> to vector<16xf32>
        %swap3A_168 = vector.shape_cast %mul3A_163 : vector<16xf32> to vector<1x16xf32>
        tpu.vector_store %arg10[%swap3A_164, %swap3A_165], %swap3A_168 {strides = array<i32>} : memref<80x96xf32, #tpu.memory_space<vmem>>, vector<1x16xf32>,
      }
      %scan3A_111 = arith.constant 80 : i32
      %run_scoped3A = arith.constant 0 : i32
      "tpu.region"() ({
        %run_scoped3A_112 = tpu.sem_alloc : memref<!tpu.dma_semaphore, #tpu.memory_space<semaphore_mem>>
        %dma_start3A_113 = arith.constant 0 : i32
        %dma_start3A_114 = arith.constant 0 : i32
        %dma_start3A_115 = tpu.memref_slice %arg10[%dma_start3A_113, %dma_start3A_114] : memref<80x96xf32, #tpu.memory_space<vmem>> -> memref<80x96xf32, #tpu.memory_space<vmem>>
        %dma_start3A_116 = arith.constant 0 : i32
        %dma_start3A_117 = tpu.memref_slice %arg7[%run_scoped3A, %dma_start3A_116] : memref<1x80xi32, #tpu.memory_space<vmem>> -> memref<1x80xi32, #tpu.memory_space<vmem>>
        %dma_start3A_118 = tpu.memref_squeeze %dma_start3A_117 : memref<1x80xi32, #tpu.memory_space<vmem>> -> memref<80xi32, #tpu.memory_space<vmem>>
        %dma_start3A_119 = arith.constant 0 : i32
        %dma_start3A_120 = arith.constant 0 : i32
        %dma_start3A_121 = tpu.memref_slice %arg11[%dma_start3A_119, %dma_start3A_120] : memref<10112x96xf32, #tpu.memory_space<vmem_shared>> -> memref<10112x96xf32, #tpu.memory_space<vmem_shared>>
        tpu.enqueue_indirect_dma source(%dma_start3A_115 : memref<80x96xf32, #tpu.memory_space<vmem>>) target(%dma_start3A_121 : memref<10112x96xf32, #tpu.memory_space<vmem_shared>>) offsets(%dma_start3A_118 : memref<80xi32, #tpu.memory_space<vmem>>) semaphore(%run_scoped3A_112 : memref<!tpu.dma_semaphore, #tpu.memory_space<semaphore_mem>>) {add = true}
        %dma_wait3A_122 = arith.constant 0 : i32
        %dma_wait3A_123 = arith.constant 0 : i32
        %dma_wait3A_124 = tpu.memref_slice %arg10[%dma_wait3A_122, %dma_wait3A_123] : memref<80x96xf32, #tpu.memory_space<vmem>> -> memref<80x96xf32, #tpu.memory_space<vmem>>
        %dma_wait3A_125 = arith.constant 0 : i32
        %dma_wait3A_126 = tpu.memref_slice %arg7[%run_scoped3A, %dma_wait3A_125] : memref<1x80xi32, #tpu.memory_space<vmem>> -> memref<1x80xi32, #tpu.memory_space<vmem>>
        %dma_wait3A_127 = tpu.memref_squeeze %dma_wait3A_126 : memref<1x80xi32, #tpu.memory_space<vmem>> -> memref<80xi32, #tpu.memory_space<vmem>>
        %dma_wait3A_128 = arith.constant 0 : i32
        %dma_wait3A_129 = arith.constant 0 : i32
        %dma_wait3A_130 = tpu.memref_slice %arg11[%dma_wait3A_128, %dma_wait3A_129] : memref<10112x96xf32, #tpu.memory_space<vmem_shared>> -> memref<10112x96xf32, #tpu.memory_space<vmem_shared>>
        tpu.wait_indirect_dma semaphore(%run_scoped3A_112 : memref<!tpu.dma_semaphore, #tpu.memory_space<semaphore_mem>>) src(%dma_wait3A_124 : memref<80x96xf32, #tpu.memory_space<vmem>>) dst(%dma_wait3A_130 : memref<10112x96xf32, #tpu.memory_space<vmem_shared>>)
        tpu.yield
      }) : () -> ()
    }
    %scan3A_23 = arith.constant 250 : i32
    %barrier3A_24 = arith.constant 0 : index
    tpu.barrier barrier_id(%barrier3A_24)
    "tpu.region"() ({
      %run_scoped3A = tpu.sem_alloc : memref<!tpu.dma_semaphore, #tpu.memory_space<semaphore_mem>>
      %dma_start3A = arith.constant 0 : i32
      %dma_start3A_26 = tpu.memref_slice %arg6[%add3A_16, %mul3A_0, %dma_start3A] : memref<4x10112x96xf32, #tpu.memory_space<hbm>> -> memref<1x632x96xf32, #tpu.memory_space<hbm>>
      %dma_start3A_27 = tpu.memref_squeeze %dma_start3A_26 : memref<1x632x96xf32, #tpu.memory_space<hbm>> -> memref<632x96xf32, #tpu.memory_space<hbm>>
      %dma_start3A_28 = arith.constant 0 : i32
      %dma_start3A_29 = tpu.memref_slice %arg11[%mul3A_0, %dma_start3A_28] : memref<10112x96xf32, #tpu.memory_space<vmem_shared>> -> memref<632x96xf32, #tpu.memory_space<vmem_shared>>
      tpu.enqueue_dma source(%dma_start3A_29 : memref<632x96xf32, #tpu.memory_space<vmem_shared>>) target(%dma_start3A_27 : memref<632x96xf32, #tpu.memory_space<hbm>>) target_semaphore(%run_scoped3A : memref<!tpu.dma_semaphore, #tpu.memory_space<semaphore_mem>>)
      %dma_wait3A = arith.constant 0 : i32
      %dma_wait3A_30 = tpu.memref_slice %arg6[%add3A_16, %mul3A_0, %dma_wait3A] : memref<4x10112x96xf32, #tpu.memory_space<hbm>> -> memref<1x632x96xf32, #tpu.memory_space<hbm>>
      %dma_wait3A_31 = tpu.memref_squeeze %dma_wait3A_30 : memref<1x632x96xf32, #tpu.memory_space<hbm>> -> memref<632x96xf32, #tpu.memory_space<hbm>>
      %dma_wait3A_32 = arith.constant 0 : i32
      %dma_wait3A_33 = tpu.memref_slice %arg11[%mul3A_0, %dma_wait3A_32] : memref<10112x96xf32, #tpu.memory_space<vmem_shared>> -> memref<632x96xf32, #tpu.memory_space<vmem_shared>>
      tpu.wait_dma2 semaphore(%run_scoped3A : memref<!tpu.dma_semaphore, #tpu.memory_space<semaphore_mem>>) src(%dma_wait3A_33 : memref<632x96xf32, #tpu.memory_space<vmem_shared>>) dst(%dma_wait3A_31 : memref<632x96xf32, #tpu.memory_space<hbm>>)
      tpu.yield
    }) : () -> ()
    %barrier3A_25 = arith.constant 0 : index
    tpu.barrier barrier_id(%barrier3A_25)
    return
  }
}

module attributes {stable_mosaic.version = 14 : i64} {
  func.func @_k1_body(%arg0: i32, %arg1: memref<2000x128xf32, #tpu.memory_space<vmem>>, %arg2: memref<2000x3xf32, #tpu.memory_space<vmem>>, %arg3: memref<128x128xf32, #tpu.memory_space<vmem>>, %arg4: memref<1x128xf32, #tpu.memory_space<vmem>>, %arg5: memref<3x128xf32, #tpu.memory_space<vmem>>, %arg6: memref<1x128xf32, #tpu.memory_space<vmem>>, %arg7: memref<4x2000x32xf32, #tpu.memory_space<vmem>>, %arg8: memref<4x2000x32xf32, #tpu.memory_space<vmem>>, %arg9: memref<2x128xf32, #tpu.memory_space<vmem>>, %arg10: memref<2x128xf32, #tpu.memory_space<vmem>>) attributes {dimension_semantics = [#tpu.dimension_semantics<arbitrary>], iteration_bounds = array<i64: 160>, scalar_prefetch = 0 : i64, scratch_operands = 1 : i64, tpu.core_type = #tpu.core_type<tc>, window_params = [{transform_indices = @transform_0, window_bounds = array<i64: 2000, 128>}, {transform_indices = @transform_1, window_bounds = array<i64: 2000, 3>}, {pipeline_mode = #tpu.pipeline_mode<synchronous>, transform_indices = @transform_2, window_bounds = array<i64: 128, 128>}, {pipeline_mode = #tpu.pipeline_mode<synchronous>, transform_indices = @transform_3, window_bounds = array<i64: 1, 128>}, {pipeline_mode = #tpu.pipeline_mode<synchronous>, transform_indices = @transform_4, window_bounds = array<i64: 3, 128>}, {pipeline_mode = #tpu.pipeline_mode<synchronous>, transform_indices = @transform_5, window_bounds = array<i64: 1, 128>}, {transform_indices = @transform_6, window_bounds = array<i64: 4, 2000, 32>}, {transform_indices = @transform_7, window_bounds = array<i64: 4, 2000, 32>}, {pipeline_mode = #tpu.pipeline_mode<synchronous>, transform_indices = @transform_8, window_bounds = array<i64: 2, 128>}]} {
    %get3A = arith.constant 0 : index
    %get3A_0 = arith.constant 0 : index
    %get3A_1 = vector.load %arg1[%get3A, %get3A_0] : memref<2000x128xf32, #tpu.memory_space<vmem>>, vector<2000x128xf32>
    %get3A_2 = arith.constant 0 : index
    %get3A_3 = arith.constant 0 : index
    %get3A_4 = vector.load %arg3[%get3A_2, %get3A_3] : memref<128x128xf32, #tpu.memory_space<vmem>>, vector<128x128xf32>
    %dot_general3A = arith.constant dense<0.000000e+00> : vector<2000x128xf32>
    %dot_general3A_5 = tpu.matmul %get3A_1, %get3A_4, %dot_general3A {dimension_numbers = #tpu.dot_dimension_numbers<[1], [0], [0], [1], [0, 0, 1, 1], [], []>, transpose_lhs_hint = false} : vector<2000x128xf32>, vector<128x128xf32>, vector<2000x128xf32> -> vector<2000x128xf32>
    %get3A_6 = arith.constant 0 : index
    %get3A_7 = arith.constant 0 : index
    %get3A_8 = vector.load %arg4[%get3A_6, %get3A_7] : memref<1x128xf32, #tpu.memory_space<vmem>>, vector<1x128xf32>
    %add3A = vector.broadcast %get3A_8 : vector<1x128xf32> to vector<2000x128xf32>
    %add3A_9 = arith.addf %dot_general3A_5, %add3A : vector<2000x128xf32>
    %get3A_10 = arith.constant 0 : index
    %get3A_11 = arith.constant 0 : index
    %get3A_12 = vector.load %arg2[%get3A_10, %get3A_11] : memref<2000x3xf32, #tpu.memory_space<vmem>>, vector<2000x3xf32>
    %floor3A = math.floor %get3A_12 : vector<2000x3xf32>
    %get3A_13 = arith.constant 0 : index
    %get3A_14 = arith.constant 0 : index
    %get3A_15 = vector.load %arg5[%get3A_13, %get3A_14] : memref<3x128xf32, #tpu.memory_space<vmem>>, vector<3x128xf32>
    %slice3A = vector.extract_strided_slice %floor3A {offsets = [0, 0], sizes = [2000, 1], strides = [1, 1]} : vector<2000x3xf32> to vector<2000x1xf32>
    %slice3A_16 = vector.extract_strided_slice %get3A_15 {offsets = [0, 0], sizes = [1, 128], strides = [1, 1]} : vector<3x128xf32> to vector<1x128xf32>
    %mul3A = vector.broadcast %slice3A : vector<2000x1xf32> to vector<2000x128xf32>
    %mul3A_17 = vector.broadcast %slice3A_16 : vector<1x128xf32> to vector<2000x128xf32>
    %mul3A_18 = arith.mulf %mul3A, %mul3A_17 : vector<2000x128xf32>
    %slice3A_19 = vector.extract_strided_slice %floor3A {offsets = [0, 1], sizes = [2000, 1], strides = [1, 1]} : vector<2000x3xf32> to vector<2000x1xf32>
    %slice3A_20 = vector.extract_strided_slice %get3A_15 {offsets = [1, 0], sizes = [1, 128], strides = [1, 1]} : vector<3x128xf32> to vector<1x128xf32>
    %mul3A_21 = vector.broadcast %slice3A_19 : vector<2000x1xf32> to vector<2000x128xf32>
    %mul3A_22 = vector.broadcast %slice3A_20 : vector<1x128xf32> to vector<2000x128xf32>
    %mul3A_23 = arith.mulf %mul3A_21, %mul3A_22 : vector<2000x128xf32>
    %add3A_24 = arith.addf %mul3A_18, %mul3A_23 : vector<2000x128xf32>
    %slice3A_25 = vector.extract_strided_slice %floor3A {offsets = [0, 2], sizes = [2000, 1], strides = [1, 1]} : vector<2000x3xf32> to vector<2000x1xf32>
    %slice3A_26 = vector.extract_strided_slice %get3A_15 {offsets = [2, 0], sizes = [1, 128], strides = [1, 1]} : vector<3x128xf32> to vector<1x128xf32>
    %mul3A_27 = vector.broadcast %slice3A_25 : vector<2000x1xf32> to vector<2000x128xf32>
    %mul3A_28 = vector.broadcast %slice3A_26 : vector<1x128xf32> to vector<2000x128xf32>
    %mul3A_29 = arith.mulf %mul3A_27, %mul3A_28 : vector<2000x128xf32>
    %add3A_30 = arith.addf %add3A_24, %mul3A_29 : vector<2000x128xf32>
    %get3A_31 = arith.constant 0 : index
    %get3A_32 = arith.constant 0 : index
    %get3A_33 = vector.load %arg6[%get3A_31, %get3A_32] : memref<1x128xf32, #tpu.memory_space<vmem>>, vector<1x128xf32>
    %add3A_34 = vector.broadcast %get3A_33 : vector<1x128xf32> to vector<2000x128xf32>
    %add3A_35 = arith.addf %add3A_30, %add3A_34 : vector<2000x128xf32>
    %slice3A_36 = vector.extract_strided_slice %add3A_9 {offsets = [0, 0], sizes = [2000, 32], strides = [1, 1]} : vector<2000x128xf32> to vector<2000x32xf32>
    %swap3A = arith.constant 0 : index
    %swap3A_37 = arith.constant 0 : index
    %swap3A_38 = arith.constant 0 : index
    %swap3A_39 = vector.load %arg7[%swap3A, %swap3A_37, %swap3A_38] : memref<4x2000x32xf32, #tpu.memory_space<vmem>>, vector<1x2000x32xf32>
    %swap3A_40 = vector.shape_cast %swap3A_39 : vector<1x2000x32xf32> to vector<2000x32xf32>
    %swap3A_41 = vector.shape_cast %slice3A_36 : vector<2000x32xf32> to vector<1x2000x32xf32>
    tpu.vector_store %arg7[%swap3A, %swap3A_37, %swap3A_38], %swap3A_41 {strides = array<i32>} : memref<4x2000x32xf32, #tpu.memory_space<vmem>>, vector<1x2000x32xf32>,
    %slice3A_42 = vector.extract_strided_slice %add3A_35 {offsets = [0, 0], sizes = [2000, 32], strides = [1, 1]} : vector<2000x128xf32> to vector<2000x32xf32>
    %swap3A_43 = arith.constant 0 : index
    %swap3A_44 = arith.constant 0 : index
    %swap3A_45 = arith.constant 0 : index
    %swap3A_46 = vector.load %arg8[%swap3A_43, %swap3A_44, %swap3A_45] : memref<4x2000x32xf32, #tpu.memory_space<vmem>>, vector<1x2000x32xf32>
    %swap3A_47 = vector.shape_cast %swap3A_46 : vector<1x2000x32xf32> to vector<2000x32xf32>
    %swap3A_48 = vector.shape_cast %slice3A_42 : vector<2000x32xf32> to vector<1x2000x32xf32>
    tpu.vector_store %arg8[%swap3A_43, %swap3A_44, %swap3A_45], %swap3A_48 {strides = array<i32>} : memref<4x2000x32xf32, #tpu.memory_space<vmem>>, vector<1x2000x32xf32>,
    %slice3A_49 = vector.extract_strided_slice %add3A_9 {offsets = [0, 32], sizes = [2000, 32], strides = [1, 1]} : vector<2000x128xf32> to vector<2000x32xf32>
    %swap3A_50 = arith.constant 1 : index
    %swap3A_51 = arith.constant 0 : index
    %swap3A_52 = arith.constant 0 : index
    %swap3A_53 = vector.load %arg7[%swap3A_50, %swap3A_51, %swap3A_52] : memref<4x2000x32xf32, #tpu.memory_space<vmem>>, vector<1x2000x32xf32>
    %swap3A_54 = vector.shape_cast %swap3A_53 : vector<1x2000x32xf32> to vector<2000x32xf32>
    %swap3A_55 = vector.shape_cast %slice3A_49 : vector<2000x32xf32> to vector<1x2000x32xf32>
    tpu.vector_store %arg7[%swap3A_50, %swap3A_51, %swap3A_52], %swap3A_55 {strides = array<i32>} : memref<4x2000x32xf32, #tpu.memory_space<vmem>>, vector<1x2000x32xf32>,
    %slice3A_56 = vector.extract_strided_slice %add3A_35 {offsets = [0, 32], sizes = [2000, 32], strides = [1, 1]} : vector<2000x128xf32> to vector<2000x32xf32>
    %swap3A_57 = arith.constant 1 : index
    %swap3A_58 = arith.constant 0 : index
    %swap3A_59 = arith.constant 0 : index
    %swap3A_60 = vector.load %arg8[%swap3A_57, %swap3A_58, %swap3A_59] : memref<4x2000x32xf32, #tpu.memory_space<vmem>>, vector<1x2000x32xf32>
    %swap3A_61 = vector.shape_cast %swap3A_60 : vector<1x2000x32xf32> to vector<2000x32xf32>
    %swap3A_62 = vector.shape_cast %slice3A_56 : vector<2000x32xf32> to vector<1x2000x32xf32>
    tpu.vector_store %arg8[%swap3A_57, %swap3A_58, %swap3A_59], %swap3A_62 {strides = array<i32>} : memref<4x2000x32xf32, #tpu.memory_space<vmem>>, vector<1x2000x32xf32>,
    %slice3A_63 = vector.extract_strided_slice %add3A_9 {offsets = [0, 64], sizes = [2000, 32], strides = [1, 1]} : vector<2000x128xf32> to vector<2000x32xf32>
    %swap3A_64 = arith.constant 2 : index
    %swap3A_65 = arith.constant 0 : index
    %swap3A_66 = arith.constant 0 : index
    %swap3A_67 = vector.load %arg7[%swap3A_64, %swap3A_65, %swap3A_66] : memref<4x2000x32xf32, #tpu.memory_space<vmem>>, vector<1x2000x32xf32>
    %swap3A_68 = vector.shape_cast %swap3A_67 : vector<1x2000x32xf32> to vector<2000x32xf32>
    %swap3A_69 = vector.shape_cast %slice3A_63 : vector<2000x32xf32> to vector<1x2000x32xf32>
    tpu.vector_store %arg7[%swap3A_64, %swap3A_65, %swap3A_66], %swap3A_69 {strides = array<i32>} : memref<4x2000x32xf32, #tpu.memory_space<vmem>>, vector<1x2000x32xf32>,
    %slice3A_70 = vector.extract_strided_slice %add3A_35 {offsets = [0, 64], sizes = [2000, 32], strides = [1, 1]} : vector<2000x128xf32> to vector<2000x32xf32>
    %swap3A_71 = arith.constant 2 : index
    %swap3A_72 = arith.constant 0 : index
    %swap3A_73 = arith.constant 0 : index
    %swap3A_74 = vector.load %arg8[%swap3A_71, %swap3A_72, %swap3A_73] : memref<4x2000x32xf32, #tpu.memory_space<vmem>>, vector<1x2000x32xf32>
    %swap3A_75 = vector.shape_cast %swap3A_74 : vector<1x2000x32xf32> to vector<2000x32xf32>
    %swap3A_76 = vector.shape_cast %slice3A_70 : vector<2000x32xf32> to vector<1x2000x32xf32>
    tpu.vector_store %arg8[%swap3A_71, %swap3A_72, %swap3A_73], %swap3A_76 {strides = array<i32>} : memref<4x2000x32xf32, #tpu.memory_space<vmem>>, vector<1x2000x32xf32>,
    %slice3A_77 = vector.extract_strided_slice %add3A_9 {offsets = [0, 96], sizes = [2000, 32], strides = [1, 1]} : vector<2000x128xf32> to vector<2000x32xf32>
    %swap3A_78 = arith.constant 3 : index
    %swap3A_79 = arith.constant 0 : index
    %swap3A_80 = arith.constant 0 : index
    %swap3A_81 = vector.load %arg7[%swap3A_78, %swap3A_79, %swap3A_80] : memref<4x2000x32xf32, #tpu.memory_space<vmem>>, vector<1x2000x32xf32>
    %swap3A_82 = vector.shape_cast %swap3A_81 : vector<1x2000x32xf32> to vector<2000x32xf32>
    %swap3A_83 = vector.shape_cast %slice3A_77 : vector<2000x32xf32> to vector<1x2000x32xf32>
    tpu.vector_store %arg7[%swap3A_78, %swap3A_79, %swap3A_80], %swap3A_83 {strides = array<i32>} : memref<4x2000x32xf32, #tpu.memory_space<vmem>>, vector<1x2000x32xf32>,
    %slice3A_84 = vector.extract_strided_slice %add3A_35 {offsets = [0, 96], sizes = [2000, 32], strides = [1, 1]} : vector<2000x128xf32> to vector<2000x32xf32>
    %swap3A_85 = arith.constant 3 : index
    %swap3A_86 = arith.constant 0 : index
    %swap3A_87 = arith.constant 0 : index
    %swap3A_88 = vector.load %arg8[%swap3A_85, %swap3A_86, %swap3A_87] : memref<4x2000x32xf32, #tpu.memory_space<vmem>>, vector<1x2000x32xf32>
    %swap3A_89 = vector.shape_cast %swap3A_88 : vector<1x2000x32xf32> to vector<2000x32xf32>
    %swap3A_90 = vector.shape_cast %slice3A_84 : vector<2000x32xf32> to vector<1x2000x32xf32>
    tpu.vector_store %arg8[%swap3A_85, %swap3A_86, %swap3A_87], %swap3A_90 {strides = array<i32>} : memref<4x2000x32xf32, #tpu.memory_space<vmem>>, vector<1x2000x32xf32>,
    %eq3A = arith.constant 0 : i32
    %eq3A_91 = arith.cmpi eq, %arg0, %eq3A : i32
    %convert_element_type3A = arith.extui %eq3A_91 : i1 to i32
    %cond3A = arith.constant 0 : i32
    %cond3A_92 = arith.cmpi ne, %convert_element_type3A, %cond3A : i32
    scf.if %cond3A_92 {
      %broadcast_in_dim3A_117 = arith.constant 0.000000e+00 : f32
      %broadcast_in_dim3A_118 = vector.broadcast %broadcast_in_dim3A_117 : f32 to vector<2x128xf32>
      %swap3A_119 = arith.constant 0 : index
      %swap3A_120 = arith.constant 0 : index
      %swap3A_121 = vector.load %arg10[%swap3A_119, %swap3A_120] : memref<2x128xf32, #tpu.memory_space<vmem>>, vector<2x128xf32>
      tpu.vector_store %arg10[%swap3A_119, %swap3A_120], %broadcast_in_dim3A_118 {strides = array<i32>} : memref<2x128xf32, #tpu.memory_space<vmem>>, vector<2x128xf32>,
    } else {
    }
    %get3A_93 = arith.constant 0 : index
    %get3A_94 = arith.constant 0 : index
    %get3A_95 = vector.load %arg10[%get3A_93, %get3A_94] : memref<2x128xf32, #tpu.memory_space<vmem>>, vector<1x128xf32>
    %reduce_sum3A = arith.constant dense<0.000000e+00> : vector<128xf32>
    %reduce_sum3A_96 = vector.multi_reduction <add>, %add3A_9, %reduce_sum3A [0] : vector<2000x128xf32> to vector<128xf32>
    %broadcast_in_dim3A = vector.shape_cast %reduce_sum3A_96 : vector<128xf32> to vector<1x128xf32>
    %add3A_97 = arith.addf %get3A_95, %broadcast_in_dim3A : vector<1x128xf32>
    %swap3A_98 = arith.constant 0 : index
    %swap3A_99 = arith.constant 0 : index
    %swap3A_100 = vector.load %arg10[%swap3A_98, %swap3A_99] : memref<2x128xf32, #tpu.memory_space<vmem>>, vector<1x128xf32>
    tpu.vector_store %arg10[%swap3A_98, %swap3A_99], %add3A_97 {strides = array<i32>} : memref<2x128xf32, #tpu.memory_space<vmem>>, vector<1x128xf32>,
    %get3A_101 = arith.constant 1 : index
    %get3A_102 = arith.constant 0 : index
    %get3A_103 = vector.load %arg10[%get3A_101, %get3A_102] : memref<2x128xf32, #tpu.memory_space<vmem>>, vector<1x128xf32>
    %mul3A_104 = arith.mulf %add3A_9, %add3A_9 : vector<2000x128xf32>
    %reduce_sum3A_105 = arith.constant dense<0.000000e+00> : vector<128xf32>
    %reduce_sum3A_106 = vector.multi_reduction <add>, %mul3A_104, %reduce_sum3A_105 [0] : vector<2000x128xf32> to vector<128xf32>
    %broadcast_in_dim3A_107 = vector.shape_cast %reduce_sum3A_106 : vector<128xf32> to vector<1x128xf32>
    %add3A_108 = arith.addf %get3A_103, %broadcast_in_dim3A_107 : vector<1x128xf32>
    %swap3A_109 = arith.constant 1 : index
    %swap3A_110 = arith.constant 0 : index
    %swap3A_111 = vector.load %arg10[%swap3A_109, %swap3A_110] : memref<2x128xf32, #tpu.memory_space<vmem>>, vector<1x128xf32>
    tpu.vector_store %arg10[%swap3A_109, %swap3A_110], %add3A_108 {strides = array<i32>} : memref<2x128xf32, #tpu.memory_space<vmem>>, vector<1x128xf32>,
    %eq3A_112 = arith.constant 159 : i32
    %eq3A_113 = arith.cmpi eq, %arg0, %eq3A_112 : i32
    %convert_element_type3A_114 = arith.extui %eq3A_113 : i1 to i32
    %cond3A_115 = arith.constant 0 : i32
    %cond3A_116 = arith.cmpi ne, %convert_element_type3A_114, %cond3A_115 : i32
    scf.if %cond3A_116 {
      %get3A_117 = arith.constant 0 : index
      %get3A_118 = arith.constant 0 : index
      %get3A_119 = vector.load %arg10[%get3A_117, %get3A_118] : memref<2x128xf32, #tpu.memory_space<vmem>>, vector<2x128xf32>
      %swap3A_120 = arith.constant 0 : index
      %swap3A_121 = arith.constant 0 : index
      %swap3A_122 = vector.load %arg9[%swap3A_120, %swap3A_121] : memref<2x128xf32, #tpu.memory_space<vmem>>, vector<2x128xf32>
      tpu.vector_store %arg9[%swap3A_120, %swap3A_121], %get3A_119 {strides = array<i32>} : memref<2x128xf32, #tpu.memory_space<vmem>>, vector<2x128xf32>,
    } else {
    }
    return
  }
  func.func @transform_0(%arg0: i32) -> (i32, i32) {
    %c0_i32 = arith.constant 0 : i32
    %c0_i32_0 = arith.constant 0 : i32
    return %arg0, %c0_i32 : i32, i32
  }
  func.func @transform_1(%arg0: i32) -> (i32, i32) {
    %c0_i32 = arith.constant 0 : i32
    %c0_i32_0 = arith.constant 0 : i32
    return %arg0, %c0_i32 : i32, i32
  }
  func.func @transform_2(%arg0: i32) -> (i32, i32) {
    %c0_i32 = arith.constant 0 : i32
    %c0_i32_0 = arith.constant 0 : i32
    %c0_i32_1 = arith.constant 0 : i32
    return %c0_i32, %c0_i32_0 : i32, i32
  }
  func.func @transform_3(%arg0: i32) -> (i32, i32) {
    %c0_i32 = arith.constant 0 : i32
    %c0_i32_0 = arith.constant 0 : i32
    %c0_i32_1 = arith.constant 0 : i32
    return %c0_i32, %c0_i32_0 : i32, i32
  }
  func.func @transform_4(%arg0: i32) -> (i32, i32) {
    %c0_i32 = arith.constant 0 : i32
    %c0_i32_0 = arith.constant 0 : i32
    %c0_i32_1 = arith.constant 0 : i32
    return %c0_i32, %c0_i32_0 : i32, i32
  }
  func.func @transform_5(%arg0: i32) -> (i32, i32) {
    %c0_i32 = arith.constant 0 : i32
    %c0_i32_0 = arith.constant 0 : i32
    %c0_i32_1 = arith.constant 0 : i32
    return %c0_i32, %c0_i32_0 : i32, i32
  }
  func.func @transform_6(%arg0: i32) -> (i32, i32, i32) {
    %c0_i32 = arith.constant 0 : i32
    %c0_i32_0 = arith.constant 0 : i32
    %c0_i32_1 = arith.constant 0 : i32
    return %c0_i32, %arg0, %c0_i32_0 : i32, i32, i32
  }
  func.func @transform_7(%arg0: i32) -> (i32, i32, i32) {
    %c0_i32 = arith.constant 0 : i32
    %c0_i32_0 = arith.constant 0 : i32
    %c0_i32_1 = arith.constant 0 : i32
    return %c0_i32, %arg0, %c0_i32_0 : i32, i32, i32
  }
  func.func @transform_8(%arg0: i32) -> (i32, i32) {
    %c0_i32 = arith.constant 0 : i32
    %c0_i32_0 = arith.constant 0 : i32
    %c0_i32_1 = arith.constant 0 : i32
    return %c0_i32, %c0_i32_0 : i32, i32
  }
}

module attributes {stable_mosaic.version = 14 : i64} {
  func.func @_k3_body(%arg0: i32, %arg1: memref<4x1264x96xf32, #tpu.memory_space<vmem>>, %arg2: memref<2x128xf32, #tpu.memory_space<vmem>>, %arg3: memref<4x128xf32, #tpu.memory_space<vmem>>, %arg4: memref<1264x128xf32, #tpu.memory_space<vmem>>, %arg5: memref<4x128xf32, #tpu.memory_space<vmem>>, %arg6: memref<2x128xf32, #tpu.memory_space<vmem>>) attributes {dimension_semantics = [#tpu.dimension_semantics<arbitrary>], iteration_bounds = array<i64: 8>, scalar_prefetch = 0 : i64, scratch_operands = 1 : i64, tpu.core_type = #tpu.core_type<tc>, window_params = [{transform_indices = @transform_0, window_bounds = array<i64: 4, 1264, 96>}, {pipeline_mode = #tpu.pipeline_mode<synchronous>, transform_indices = @transform_1, window_bounds = array<i64: 2, 128>}, {pipeline_mode = #tpu.pipeline_mode<synchronous>, transform_indices = @transform_2, window_bounds = array<i64: 4, 128>}, {transform_indices = @transform_3, window_bounds = array<i64: 1264, 128>}, {pipeline_mode = #tpu.pipeline_mode<synchronous>, transform_indices = @transform_4, window_bounds = array<i64: 4, 128>}]} {
    %get3A = arith.constant 0 : index
    %get3A_0 = arith.constant 0 : index
    %get3A_1 = vector.load %arg2[%get3A, %get3A_0] : memref<2x128xf32, #tpu.memory_space<vmem>>, vector<1x128xf32>
    %mul3A = arith.constant 3.125000e-06 : f32
    %mul3A_2 = vector.broadcast %mul3A : f32 to vector<1x128xf32>
    %mul3A_3 = arith.mulf %get3A_1, %mul3A_2 : vector<1x128xf32>
    %get3A_4 = arith.constant 1 : index
    %get3A_5 = arith.constant 0 : index
    %get3A_6 = vector.load %arg2[%get3A_4, %get3A_5] : memref<2x128xf32, #tpu.memory_space<vmem>>, vector<1x128xf32>
    %mul3A_7 = arith.constant 3.125000e-06 : f32
    %mul3A_8 = vector.broadcast %mul3A_7 : f32 to vector<1x128xf32>
    %mul3A_9 = arith.mulf %get3A_6, %mul3A_8 : vector<1x128xf32>
    %mul3A_10 = arith.mulf %mul3A_3, %mul3A_3 : vector<1x128xf32>
    %sub3A = arith.subf %mul3A_9, %mul3A_10 : vector<1x128xf32>
    %get3A_11 = arith.constant 0 : index
    %get3A_12 = arith.constant 0 : index
    %get3A_13 = vector.load %arg3[%get3A_11, %get3A_12] : memref<4x128xf32, #tpu.memory_space<vmem>>, vector<1x128xf32>
    %add3A = arith.constant 1.000000e-03 : f32
    %add3A_14 = vector.broadcast %add3A : f32 to vector<1x128xf32>
    %add3A_15 = arith.addf %sub3A, %add3A_14 : vector<1x128xf32>
    %rsqrt3A = math.rsqrt %add3A_15 : vector<1x128xf32>
    %mul3A_16 = arith.mulf %get3A_13, %rsqrt3A : vector<1x128xf32>
    %get3A_17 = arith.constant 1 : index
    %get3A_18 = arith.constant 0 : index
    %get3A_19 = vector.load %arg3[%get3A_17, %get3A_18] : memref<4x128xf32, #tpu.memory_space<vmem>>, vector<1x128xf32>
    %mul3A_20 = arith.mulf %mul3A_16, %mul3A_3 : vector<1x128xf32>
    %sub3A_21 = arith.subf %get3A_19, %mul3A_20 : vector<1x128xf32>
    %get3A_22 = arith.constant 0 : index
    %get3A_23 = arith.constant 0 : index
    %get3A_24 = arith.constant 0 : index
    %get3A_25 = vector.load %arg1[%get3A_22, %get3A_23, %get3A_24] : memref<4x1264x96xf32, #tpu.memory_space<vmem>>, vector<1x1264x96xf32>
    %get3A_26 = vector.shape_cast %get3A_25 : vector<1x1264x96xf32> to vector<1264x96xf32>
    %slice3A = vector.extract_strided_slice %get3A_26 {offsets = [0, 0], sizes = [1264, 32], strides = [1, 1]} : vector<1264x96xf32> to vector<1264x32xf32>
    %get3A_27 = arith.constant 1 : index
    %get3A_28 = arith.constant 0 : index
    %get3A_29 = arith.constant 0 : index
    %get3A_30 = vector.load %arg1[%get3A_27, %get3A_28, %get3A_29] : memref<4x1264x96xf32, #tpu.memory_space<vmem>>, vector<1x1264x96xf32>
    %get3A_31 = vector.shape_cast %get3A_30 : vector<1x1264x96xf32> to vector<1264x96xf32>
    %slice3A_32 = vector.extract_strided_slice %get3A_31 {offsets = [0, 0], sizes = [1264, 32], strides = [1, 1]} : vector<1264x96xf32> to vector<1264x32xf32>
    %get3A_33 = arith.constant 2 : index
    %get3A_34 = arith.constant 0 : index
    %get3A_35 = arith.constant 0 : index
    %get3A_36 = vector.load %arg1[%get3A_33, %get3A_34, %get3A_35] : memref<4x1264x96xf32, #tpu.memory_space<vmem>>, vector<1x1264x96xf32>
    %get3A_37 = vector.shape_cast %get3A_36 : vector<1x1264x96xf32> to vector<1264x96xf32>
    %slice3A_38 = vector.extract_strided_slice %get3A_37 {offsets = [0, 0], sizes = [1264, 32], strides = [1, 1]} : vector<1264x96xf32> to vector<1264x32xf32>
    %get3A_39 = arith.constant 3 : index
    %get3A_40 = arith.constant 0 : index
    %get3A_41 = arith.constant 0 : index
    %get3A_42 = vector.load %arg1[%get3A_39, %get3A_40, %get3A_41] : memref<4x1264x96xf32, #tpu.memory_space<vmem>>, vector<1x1264x96xf32>
    %get3A_43 = vector.shape_cast %get3A_42 : vector<1x1264x96xf32> to vector<1264x96xf32>
    %slice3A_44 = vector.extract_strided_slice %get3A_43 {offsets = [0, 0], sizes = [1264, 32], strides = [1, 1]} : vector<1264x96xf32> to vector<1264x32xf32>
    %concatenate3A = tpu.concatenate %slice3A, %slice3A_32, %slice3A_38, %slice3A_44 in 1 : vector<1264x32xf32>, vector<1264x32xf32>, vector<1264x32xf32>, vector<1264x32xf32> -> vector<1264x128xf32>
    %get3A_45 = arith.constant 0 : index
    %get3A_46 = arith.constant 0 : index
    %get3A_47 = arith.constant 0 : index
    %get3A_48 = vector.load %arg1[%get3A_45, %get3A_46, %get3A_47] : memref<4x1264x96xf32, #tpu.memory_space<vmem>>, vector<1x1264x96xf32>
    %get3A_49 = vector.shape_cast %get3A_48 : vector<1x1264x96xf32> to vector<1264x96xf32>
    %slice3A_50 = vector.extract_strided_slice %get3A_49 {offsets = [0, 32], sizes = [1264, 32], strides = [1, 1]} : vector<1264x96xf32> to vector<1264x32xf32>
    %get3A_51 = arith.constant 1 : index
    %get3A_52 = arith.constant 0 : index
    %get3A_53 = arith.constant 0 : index
    %get3A_54 = vector.load %arg1[%get3A_51, %get3A_52, %get3A_53] : memref<4x1264x96xf32, #tpu.memory_space<vmem>>, vector<1x1264x96xf32>
    %get3A_55 = vector.shape_cast %get3A_54 : vector<1x1264x96xf32> to vector<1264x96xf32>
    %slice3A_56 = vector.extract_strided_slice %get3A_55 {offsets = [0, 32], sizes = [1264, 32], strides = [1, 1]} : vector<1264x96xf32> to vector<1264x32xf32>
    %get3A_57 = arith.constant 2 : index
    %get3A_58 = arith.constant 0 : index
    %get3A_59 = arith.constant 0 : index
    %get3A_60 = vector.load %arg1[%get3A_57, %get3A_58, %get3A_59] : memref<4x1264x96xf32, #tpu.memory_space<vmem>>, vector<1x1264x96xf32>
    %get3A_61 = vector.shape_cast %get3A_60 : vector<1x1264x96xf32> to vector<1264x96xf32>
    %slice3A_62 = vector.extract_strided_slice %get3A_61 {offsets = [0, 32], sizes = [1264, 32], strides = [1, 1]} : vector<1264x96xf32> to vector<1264x32xf32>
    %get3A_63 = arith.constant 3 : index
    %get3A_64 = arith.constant 0 : index
    %get3A_65 = arith.constant 0 : index
    %get3A_66 = vector.load %arg1[%get3A_63, %get3A_64, %get3A_65] : memref<4x1264x96xf32, #tpu.memory_space<vmem>>, vector<1x1264x96xf32>
    %get3A_67 = vector.shape_cast %get3A_66 : vector<1x1264x96xf32> to vector<1264x96xf32>
    %slice3A_68 = vector.extract_strided_slice %get3A_67 {offsets = [0, 32], sizes = [1264, 32], strides = [1, 1]} : vector<1264x96xf32> to vector<1264x32xf32>
    %concatenate3A_69 = tpu.concatenate %slice3A_50, %slice3A_56, %slice3A_62, %slice3A_68 in 1 : vector<1264x32xf32>, vector<1264x32xf32>, vector<1264x32xf32>, vector<1264x32xf32> -> vector<1264x128xf32>
    %get3A_70 = arith.constant 0 : index
    %get3A_71 = arith.constant 0 : index
    %get3A_72 = arith.constant 0 : index
    %get3A_73 = vector.load %arg1[%get3A_70, %get3A_71, %get3A_72] : memref<4x1264x96xf32, #tpu.memory_space<vmem>>, vector<1x1264x96xf32>
    %get3A_74 = vector.shape_cast %get3A_73 : vector<1x1264x96xf32> to vector<1264x96xf32>
    %slice3A_75 = vector.extract_strided_slice %get3A_74 {offsets = [0, 64], sizes = [1264, 32], strides = [1, 1]} : vector<1264x96xf32> to vector<1264x32xf32>
    %get3A_76 = arith.constant 1 : index
    %get3A_77 = arith.constant 0 : index
    %get3A_78 = arith.constant 0 : index
    %get3A_79 = vector.load %arg1[%get3A_76, %get3A_77, %get3A_78] : memref<4x1264x96xf32, #tpu.memory_space<vmem>>, vector<1x1264x96xf32>
    %get3A_80 = vector.shape_cast %get3A_79 : vector<1x1264x96xf32> to vector<1264x96xf32>
    %slice3A_81 = vector.extract_strided_slice %get3A_80 {offsets = [0, 64], sizes = [1264, 32], strides = [1, 1]} : vector<1264x96xf32> to vector<1264x32xf32>
    %get3A_82 = arith.constant 2 : index
    %get3A_83 = arith.constant 0 : index
    %get3A_84 = arith.constant 0 : index
    %get3A_85 = vector.load %arg1[%get3A_82, %get3A_83, %get3A_84] : memref<4x1264x96xf32, #tpu.memory_space<vmem>>, vector<1x1264x96xf32>
    %get3A_86 = vector.shape_cast %get3A_85 : vector<1x1264x96xf32> to vector<1264x96xf32>
    %slice3A_87 = vector.extract_strided_slice %get3A_86 {offsets = [0, 64], sizes = [1264, 32], strides = [1, 1]} : vector<1264x96xf32> to vector<1264x32xf32>
    %get3A_88 = arith.constant 3 : index
    %get3A_89 = arith.constant 0 : index
    %get3A_90 = arith.constant 0 : index
    %get3A_91 = vector.load %arg1[%get3A_88, %get3A_89, %get3A_90] : memref<4x1264x96xf32, #tpu.memory_space<vmem>>, vector<1x1264x96xf32>
    %get3A_92 = vector.shape_cast %get3A_91 : vector<1x1264x96xf32> to vector<1264x96xf32>
    %slice3A_93 = vector.extract_strided_slice %get3A_92 {offsets = [0, 64], sizes = [1264, 32], strides = [1, 1]} : vector<1264x96xf32> to vector<1264x32xf32>
    %concatenate3A_94 = tpu.concatenate %slice3A_75, %slice3A_81, %slice3A_87, %slice3A_93 in 1 : vector<1264x32xf32>, vector<1264x32xf32>, vector<1264x32xf32>, vector<1264x32xf32> -> vector<1264x128xf32>
    %mul3A_95 = vector.broadcast %mul3A_16 : vector<1x128xf32> to vector<1264x128xf32>
    %mul3A_96 = arith.mulf %mul3A_95, %concatenate3A_69 : vector<1264x128xf32>
    %mul3A_97 = vector.broadcast %sub3A_21 : vector<1x128xf32> to vector<1264x128xf32>
    %mul3A_98 = arith.mulf %mul3A_97, %concatenate3A : vector<1264x128xf32>
    %add3A_99 = arith.addf %mul3A_96, %mul3A_98 : vector<1264x128xf32>
    %neg3A = arith.constant 0.000000e+00 : f32
    %neg3A_100 = vector.broadcast %neg3A : f32 to vector<1264x128xf32>
    %neg3A_101 = arith.subf %neg3A_100, %add3A_99 : vector<1264x128xf32>
    %add3A_102 = arith.constant 9.99999974E-5 : f32
    %add3A_103 = vector.broadcast %add3A_102 : f32 to vector<1264x128xf32>
    %add3A_104 = arith.addf %concatenate3A, %add3A_103 : vector<1264x128xf32>
    %div3A = arith.divf %neg3A_101, %add3A_104 : vector<1264x128xf32>
    %swap3A = arith.constant 0 : index
    %swap3A_105 = arith.constant 0 : index
    %swap3A_106 = vector.load %arg4[%swap3A, %swap3A_105] : memref<1264x128xf32, #tpu.memory_space<vmem>>, vector<1264x128xf32>
    tpu.vector_store %arg4[%swap3A, %swap3A_105], %div3A {strides = array<i32>} : memref<1264x128xf32, #tpu.memory_space<vmem>>, vector<1264x128xf32>,
    %eq3A = arith.constant 0 : i32
    %eq3A_107 = arith.cmpi eq, %arg0, %eq3A : i32
    %convert_element_type3A = arith.extui %eq3A_107 : i1 to i32
    %cond3A = arith.constant 0 : i32
    %cond3A_108 = arith.cmpi ne, %convert_element_type3A, %cond3A : i32
    scf.if %cond3A_108 {
      %broadcast_in_dim3A_135 = arith.constant 0.000000e+00 : f32
      %broadcast_in_dim3A_136 = vector.broadcast %broadcast_in_dim3A_135 : f32 to vector<2x128xf32>
      %swap3A_137 = arith.constant 0 : index
      %swap3A_138 = arith.constant 0 : index
      %swap3A_139 = vector.load %arg6[%swap3A_137, %swap3A_138] : memref<2x128xf32, #tpu.memory_space<vmem>>, vector<2x128xf32>
      tpu.vector_store %arg6[%swap3A_137, %swap3A_138], %broadcast_in_dim3A_136 {strides = array<i32>} : memref<2x128xf32, #tpu.memory_space<vmem>>, vector<2x128xf32>,
    } else {
    }
    %get3A_109 = arith.constant 0 : index
    %get3A_110 = arith.constant 0 : index
    %get3A_111 = vector.load %arg6[%get3A_109, %get3A_110] : memref<2x128xf32, #tpu.memory_space<vmem>>, vector<1x128xf32>
    %mul3A_112 = arith.mulf %div3A, %concatenate3A : vector<1264x128xf32>
    %reduce_sum3A = arith.constant dense<0.000000e+00> : vector<128xf32>
    %reduce_sum3A_113 = vector.multi_reduction <add>, %mul3A_112, %reduce_sum3A [0] : vector<1264x128xf32> to vector<128xf32>
    %broadcast_in_dim3A = vector.shape_cast %reduce_sum3A_113 : vector<128xf32> to vector<1x128xf32>
    %add3A_114 = arith.addf %get3A_111, %broadcast_in_dim3A : vector<1x128xf32>
    %swap3A_115 = arith.constant 0 : index
    %swap3A_116 = arith.constant 0 : index
    %swap3A_117 = vector.load %arg6[%swap3A_115, %swap3A_116] : memref<2x128xf32, #tpu.memory_space<vmem>>, vector<1x128xf32>
    tpu.vector_store %arg6[%swap3A_115, %swap3A_116], %add3A_114 {strides = array<i32>} : memref<2x128xf32, #tpu.memory_space<vmem>>, vector<1x128xf32>,
    %get3A_118 = arith.constant 1 : index
    %get3A_119 = arith.constant 0 : index
    %get3A_120 = vector.load %arg6[%get3A_118, %get3A_119] : memref<2x128xf32, #tpu.memory_space<vmem>>, vector<1x128xf32>
    %mul3A_121 = arith.mulf %div3A, %div3A : vector<1264x128xf32>
    %mul3A_122 = arith.mulf %mul3A_121, %concatenate3A_94 : vector<1264x128xf32>
    %reduce_sum3A_123 = arith.constant dense<0.000000e+00> : vector<128xf32>
    %reduce_sum3A_124 = vector.multi_reduction <add>, %mul3A_122, %reduce_sum3A_123 [0] : vector<1264x128xf32> to vector<128xf32>
    %broadcast_in_dim3A_125 = vector.shape_cast %reduce_sum3A_124 : vector<128xf32> to vector<1x128xf32>
    %add3A_126 = arith.addf %get3A_120, %broadcast_in_dim3A_125 : vector<1x128xf32>
    %swap3A_127 = arith.constant 1 : index
    %swap3A_128 = arith.constant 0 : index
    %swap3A_129 = vector.load %arg6[%swap3A_127, %swap3A_128] : memref<2x128xf32, #tpu.memory_space<vmem>>, vector<1x128xf32>
    tpu.vector_store %arg6[%swap3A_127, %swap3A_128], %add3A_126 {strides = array<i32>} : memref<2x128xf32, #tpu.memory_space<vmem>>, vector<1x128xf32>,
    %eq3A_130 = arith.constant 7 : i32
    %eq3A_131 = arith.cmpi eq, %arg0, %eq3A_130 : i32
    %convert_element_type3A_132 = arith.extui %eq3A_131 : i1 to i32
    %cond3A_133 = arith.constant 0 : i32
    %cond3A_134 = arith.cmpi ne, %convert_element_type3A_132, %cond3A_133 : i32
    scf.if %cond3A_134 {
      %get3A_135 = arith.constant 0 : index
      %get3A_136 = arith.constant 0 : index
      %get3A_137 = vector.load %arg6[%get3A_135, %get3A_136] : memref<2x128xf32, #tpu.memory_space<vmem>>, vector<1x128xf32>
      %mul3A_138 = arith.constant 3.125000e-06 : f32
      %mul3A_139 = vector.broadcast %mul3A_138 : f32 to vector<1x128xf32>
      %mul3A_140 = arith.mulf %get3A_137, %mul3A_139 : vector<1x128xf32>
      %get3A_141 = arith.constant 1 : index
      %get3A_142 = arith.constant 0 : index
      %get3A_143 = vector.load %arg6[%get3A_141, %get3A_142] : memref<2x128xf32, #tpu.memory_space<vmem>>, vector<1x128xf32>
      %mul3A_144 = arith.constant 3.125000e-06 : f32
      %mul3A_145 = vector.broadcast %mul3A_144 : f32 to vector<1x128xf32>
      %mul3A_146 = arith.mulf %get3A_143, %mul3A_145 : vector<1x128xf32>
      %mul3A_147 = arith.mulf %mul3A_140, %mul3A_140 : vector<1x128xf32>
      %sub3A_148 = arith.subf %mul3A_146, %mul3A_147 : vector<1x128xf32>
      %get3A_149 = arith.constant 2 : index
      %get3A_150 = arith.constant 0 : index
      %get3A_151 = vector.load %arg3[%get3A_149, %get3A_150] : memref<4x128xf32, #tpu.memory_space<vmem>>, vector<1x128xf32>
      %add3A_152 = arith.constant 1.000000e-03 : f32
      %add3A_153 = vector.broadcast %add3A_152 : f32 to vector<1x128xf32>
      %add3A_154 = arith.addf %sub3A_148, %add3A_153 : vector<1x128xf32>
      %rsqrt3A_155 = math.rsqrt %add3A_154 : vector<1x128xf32>
      %mul3A_156 = arith.mulf %get3A_151, %rsqrt3A_155 : vector<1x128xf32>
      %get3A_157 = arith.constant 3 : index
      %get3A_158 = arith.constant 0 : index
      %get3A_159 = vector.load %arg3[%get3A_157, %get3A_158] : memref<4x128xf32, #tpu.memory_space<vmem>>, vector<1x128xf32>
      %mul3A_160 = arith.mulf %mul3A_156, %mul3A_140 : vector<1x128xf32>
      %sub3A_161 = arith.subf %get3A_159, %mul3A_160 : vector<1x128xf32>
      %concatenate3A_162 = tpu.concatenate %mul3A_16, %sub3A_21, %mul3A_156, %sub3A_161 in 0 : vector<1x128xf32>, vector<1x128xf32>, vector<1x128xf32>, vector<1x128xf32> -> vector<4x128xf32>
      %swap3A_163 = arith.constant 0 : index
      %swap3A_164 = arith.constant 0 : index
      %swap3A_165 = vector.load %arg5[%swap3A_163, %swap3A_164] : memref<4x128xf32, #tpu.memory_space<vmem>>, vector<4x128xf32>
      tpu.vector_store %arg5[%swap3A_163, %swap3A_164], %concatenate3A_162 {strides = array<i32>} : memref<4x128xf32, #tpu.memory_space<vmem>>, vector<4x128xf32>,
    } else {
    }
    return
  }
  func.func @transform_0(%arg0: i32) -> (i32, i32, i32) {
    %c0_i32 = arith.constant 0 : i32
    %c0_i32_0 = arith.constant 0 : i32
    %c0_i32_1 = arith.constant 0 : i32
    return %c0_i32, %arg0, %c0_i32_0 : i32, i32, i32
  }
  func.func @transform_1(%arg0: i32) -> (i32, i32) {
    %c0_i32 = arith.constant 0 : i32
    %c0_i32_0 = arith.constant 0 : i32
    %c0_i32_1 = arith.constant 0 : i32
    return %c0_i32, %c0_i32_0 : i32, i32
  }
  func.func @transform_2(%arg0: i32) -> (i32, i32) {
    %c0_i32 = arith.constant 0 : i32
    %c0_i32_0 = arith.constant 0 : i32
    %c0_i32_1 = arith.constant 0 : i32
    return %c0_i32, %c0_i32_0 : i32, i32
  }
  func.func @transform_3(%arg0: i32) -> (i32, i32) {
    %c0_i32 = arith.constant 0 : i32
    %c0_i32_0 = arith.constant 0 : i32
    return %arg0, %c0_i32 : i32, i32
  }
  func.func @transform_4(%arg0: i32) -> (i32, i32) {
    %c0_i32 = arith.constant 0 : i32
    %c0_i32_0 = arith.constant 0 : i32
    %c0_i32_1 = arith.constant 0 : i32
    return %c0_i32, %c0_i32_0 : i32, i32
  }
}

</mosaic_0001>

<sc_bundles>
// kernel: kernel.6.cloned.1.call-start
scs
__scs_entry_jumppad:
0x0: {  	(pc) =	sbr.rel $0x88, $3  }
0x1: {  	(tag) =	ssettag $0x0;
	lr =	simm.s32 $0x1  }
0x2: {  	[smem:$0x3F96] =	sst lr;
	_ =	strace $0xD0000000  }
0x3: {  	_ = 	snop  }
0x4: {  	_ = 	snop  }
0x5: {  	_ = 	snop  }
0x6: {  	_ = 	snop  }
0x7: {  	_ = 	snop  }
__scs_overlays_trampoline_lowered:
0x8: {  	[smem:$0x3FA5] =	sst s0  }
0x9: {  	[smem:$0x3FA6] =	sst s1  }
0xa: {  	[smem:$0x3FA7] =	sst s2  }
0xb: {  	[smem:$0x3FA8] =	sst s3  }
0xc: {  	[smem:$0x3FA9] =	sst s4  }
0xd: {  	[smem:$0x3FAA] =	sst s5  }
0xe: {  	[smem:$0x3FAB] =	sst s6  }
0xf: {  	[smem:$0x3FAC] =	sst s7  }
0x10: {  	[smem:$0x3FAD] =	sst s8  }
0x11: {  	[smem:$0x3FAE] =	sst s9;
	s0 =	simm.s32 @!p0 $0x0  }
0x12: {  	s1 =	sld [smem:$0x3F94];
	s0 =	simm.s32 @p0 $0x1  }
0x13: {  	[smem:$0x3FAF] =	sst s0;
	s0 =	simm.s32 @!p1 $0x0  }
0x14: {  	s2 =	sld [smem:$0x3F93];
	s0 =	simm.s32 @p1 $0x1  }
0x15: {  	[smem:$0x3FB0] =	sst s0;
	s0 =	simm.s32 @!p2 $0x0  }
0x16: {  	s3 =	sld [smem:$0x3FDB];
	s0 =	simm.s32 @p2 $0x1  }
0x17: {  	s4 =	simm.s32 $0x1BF5;
	[smem:$0x3FB2] =	sst s0  }
0x18: {  	s0 =	sld [smem:$0x3F95];
	_ =	swait.ge [sflag:s4], $0x0  }
0x19: {  	s7 =	sld [smem:$0x3F96]  }
0x1a: {  	s8 =	sadd.s32 $0xFFFFE003, lr  }
0x1b: {  	s9 =	sadd.s32 $0xFFFFFEF7, lr;
	s5 =	simm.s32 $0xFFFFFFFF;
	p2 =	slt.u32 s8, $0xFFFFF086  }
0x1c: {  	p1 =	slt.u32 s9, $0xF7A;
	s5 =	simm.s32 @!p2 $0x0  }
0x1d: {  	s5 =	simm.s32 @p1 $0x1;
	p0 =	seq.s32 s7, s2  }
0x1e: {  	s7 =	smul.u32 @!p0 $0xF7A, s2;
	p2 =	seq.s32 @!p0 s5, $0x0  }
0x1f: {  	s9 =	smul.u32 $0xF7A, s1;
	s8 =	simm.s32 @!p0 $0x1BF5;
	p2 =	por !p2, p0  }
0x20: {  	[sflag:s8] =	ssyncset.s32 @!p0 $0xFFFFF086;
	s6 =	sadd.s32 @!p0 s3, s7;
	s7 =	simm.s32 @!p0 $0x108  }
0x21: {  	s3 =	sadd.s32 s3, s9;
	s6 =	sadd.s32 @!p0 $0x88, s6;
	s7 =	simm.s32 @p2 $0x1082  }
0x22: {  	[simem:s7], [sflag:s8] =	dma.local @!p0 [hbm:s6], $0xF7A  }
0x23: {  	s9 =	sor.u32 $0xD0000000, s2;
	s6 =	simm.s32 $0x108;
	_ =	swait.ge @!p0 [sflag:s8], $0x0  }
0x24: {  	s3 =	sadd.s32 $0x88, s3;
	s6 =	simm.s32 @!p1 $0x1082;
	[sflag:s4] =	ssyncset.s32 $0xFFFFF086  }
0x25: {  	[simem:s6], [sflag:s4] =	dma.local [hbm:s3], $0xF7A  }
0x26: {  	[smem:$0x3F96] =	sst s1;
	(tag) =	ssettag s2;
	_ =	strace s9  }
0x27: {  	s1 =	sld [smem:$0x3FA6]  }
0x28: {  	s2 =	sld [smem:$0x3FA7]  }
0x29: {  	s4 =	sld [smem:$0x3FA9]  }
0x2a: {  	p0 =	seq.s32 s5, $0x0;
	s5 =	sld [smem:$0x3FAA]  }
0x2b: {  	s6 =	sld [smem:$0x3FAB]  }
0x2c: {  	s7 =	sld [smem:$0x3FAC]  }
0x2d: {  	s3 =	simm.s32 $0x108;
	s8 =	sld [smem:$0x3FAD]  }
0x2e: {  	s3 =	simm.s32 @!p0 $0x1082;
	s9 =	sld [smem:$0x3FAE]  }
0x2f: {  	lr =	sadd.s32 s0, s3;
	s0 =	sld [smem:$0x3FA5]  }
0x30: {  	s3 =	sld [smem:$0x3FA8]  }
0x31: {  	[smem:$0x3FB1] =	sst s10  }
0x32: {  	s10 =	sld [smem:$0x3FAF];
	_ =	sdelay $0x3  }
0x33: {  	p0 =	seq.s32 s10, $0x1;
	s10 =	sld [smem:$0x3FB1];
	_ =	sdelay $0x3  }
0x34: {  	[smem:$0x3FB1] =	sst s10  }
0x35: {  	s10 =	sld [smem:$0x3FB0];
	_ =	sdelay $0x3  }
0x36: {  	p1 =	seq.s32 s10, $0x1;
	s10 =	sld [smem:$0x3FB1];
	_ =	sdelay $0x3  }
0x37: {  	[smem:$0x3FB1] =	sst s10  }
0x38: {  	s10 =	sld [smem:$0x3FB2]  }
0x39: {  	_ = 	snop;
	(pc) =	sbr.ind lr, $3  }
0x3a: {  	_ = 	snop  }
0x3b: {  	_ = 	snop  }
0x3c: {  	p2 =	seq.s32 s10, $0x1;
	s10 =	sld [smem:$0x3FB1]  }
0x3d: {  	_ =	shalt  }
0x3e: {  	_ =	shalt  }
0x3f: {  	_ =	shalt  }
0x40: {  	_ =	shalt  }
0x41: {  	_ =	shalt  }
0x42: {  	_ =	shalt  }
0x43: {  	_ =	shalt  }
0x44: {  	_ =	shalt  }
0x45: {  	_ =	shalt  }
0x46: {  	_ =	shalt  }
0x47: {  	_ =	shalt  }
0x48: {  	_ =	shalt  }
0x49: {  	_ =	shalt  }
0x4a: {  	_ =	shalt  }
0x4b: {  	_ =	shalt  }
0x4c: {  	_ =	shalt  }
0x4d: {  	_ =	shalt  }
0x4e: {  	_ =	shalt  }
0x4f: {  	_ =	shalt  }
0x50: {  	_ =	shalt  }
0x51: {  	_ =	shalt  }
0x52: {  	_ =	shalt  }
0x53: {  	_ =	shalt  }
0x54: {  	_ =	shalt  }
0x55: {  	_ =	shalt  }
0x56: {  	_ =	shalt  }
0x57: {  	_ =	shalt  }
0x58: {  	_ =	shalt  }
0x59: {  	_ =	shalt  }
0x5a: {  	_ =	shalt  }
0x5b: {  	_ =	shalt  }
0x5c: {  	_ =	shalt  }
0x5d: {  	_ =	shalt  }
0x5e: {  	_ =	shalt  }
0x5f: {  	_ =	shalt  }
0x60: {  	_ =	shalt  }
0x61: {  	_ =	shalt  }
0x62: {  	_ =	shalt  }
0x63: {  	_ =	shalt  }
0x64: {  	_ =	shalt  }
0x65: {  	_ =	shalt  }
0x66: {  	_ =	shalt  }
0x67: {  	_ =	shalt  }
0x68: {  	_ =	shalt  }
0x69: {  	_ =	shalt  }
0x6a: {  	_ =	shalt  }
0x6b: {  	_ =	shalt  }
0x6c: {  	_ =	shalt  }
0x6d: {  	_ =	shalt  }
0x6e: {  	_ =	shalt  }
0x6f: {  	_ =	shalt  }
0x70: {  	_ =	shalt  }
0x71: {  	_ =	shalt  }
0x72: {  	_ =	shalt  }
0x73: {  	_ =	shalt  }
0x74: {  	_ =	shalt  }
0x75: {  	_ =	shalt  }
0x76: {  	_ =	shalt  }
0x77: {  	_ =	shalt  }
0x78: {  	_ =	shalt  }
0x79: {  	_ =	shalt  }
0x7a: {  	_ =	shalt  }
0x7b: {  	_ =	shalt  }
0x7c: {  	_ =	shalt  }
0x7d: {  	_ =	shalt  }
0x7e: {  	_ =	shalt  }
0x7f: {  	_ =	shalt  }
0x80: {  	_ =	shalt  }
0x81: {  	_ =	shalt  }
0x82: {  	_ =	shalt  }
0x83: {  	_ =	shalt  }
0x84: {  	_ =	shalt  }
0x85: {  	_ =	shalt  }
0x86: {  	_ =	shalt  }
0x87: {  	_ =	shalt  }
.Lfunc_end0:
.L_simem_size_0:
called_computation_lowered:
.L_overlay_start_0:
0x88: {  	s2 =	sld [smem:$0x3FD9]  }
0x89: {  	s3 =	sld [smem:$0x3FFE];
	_ =	sdelay $0x1  }
0x8a: {  	s1 =	srdreg.scid  }
0x8b: {  	s0 =	sand.u32 $0x1, s1  }
0x8c: {  	s17 =	sshll.u32 s0, $0xA;
	s2 =	sadd.s32 s3, s2  }
0x8d: {  	s2 =	sadd.s32 s2, s17  }
0x8e: {  	[smem:$0x3FBD] =	sst s2  }
0x8f: {  	_ = 	snop  }
0x90: {  	s2 =	sld [smem:$0x3FC7]  }
0x91: {  	s18 =	sld [smem:$0x3FD0];
	(tm) =	ssettm $0x1  }
0x92: {  	s4 =	sld [smem:$0x3FFB];
	_ =	sdelay $0x3  }
0x93: {  	_ =	strace s4  }
0x94: {  	s4 =	sld [smem:$0x3FFC];
	_ =	sdelay $0x3  }
0x95: {  	_ =	strace s4  }
0x96: {  	s4 =	sld [smem:$0x3FFD];
	_ =	sdelay $0x3  }
0x97: {  	_ =	strace s4  }
0x98: {  	_ =	strace $0x8FFFFFFF  }
0x99: {  	s19 =	sld [smem:$0x3FDB];
	_ =	sdelay $0x1  }
0x9a: {  	s5 =	simm.s32 $_scs_section_size  }
0x9b: {  	s6 =	simm.s32 $_size__tile_overlayer_lowered;
	s7 =	simm.s32 $_tile_overlayer_lowered  }
0x9c: {  	s22 =	simm.s32 $0x1BFF;
	s21 =	sshll.u32 s7, $0x1;
	s4 =	sadd.s32 s5, s19  }
0x9d: {  	s8 =	simm.s32 $0x0;
	s20 =	sshll.u32 s6, $0x1;
	s6 =	sadd.s32 s21, s4  }
0x9e: {  	[timem:s8], [sflag:s22] =	dma.local [hbm:s6], s20  }
0x9f: {  	_ =	swait.ge [sflag:s22], s20  }
0xa0: {  	s5 =	ssub.s32 $0x0, s20;
	[sflag:s22] =	ssyncset.done $0x0  }
0xa1: {  	[sflag:s22] =	ssyncadd.s32 s5;
	_ =	sdelay $0x1  }
0xa2: {  	s23 =	simm.s32 $0x1B8B  }
0xa3: {  	_ =	swait.ge [sflag:s23], $0x1  }
0xa4: {  	[sflag:s23] =	ssyncset.done $0x0  }
0xa5: {  	s25 =	simm.s32 $0x1B8E;
	s24 =	sld [smem:$0x3FFE];
	[sflag:s23] =	ssyncadd.s32 $0xFFFFFFFF  }
0xa6: {  	s26 =	simm.s32 $execute0_lowered;
	[smem:$0x3FD2] =	sst s25  }
0xa7: {  	s6 =	sshll.u32 s26, $0x1;
	_ =	strace $0x80000046;
	[dreg:$0x1] =	wrdreg $0xFFFFFFFF  }
0xa8: {  	s28 =	simm.s32 $_size_execute0_lowered;
	s4 =	sadd.s32 s4, s6;
	[dreg:$0x0] =	wrdreg $0x0  }
0xa9: {  	s6 =	sshll.u32 s28, $0x1;
	[dreg:$0x2] =	wrdreg s4  }
0xaa: {  	[dreg:$0x3] =	wrdreg s6  }
0xab: {  	[dreg:$0x4] =	wrdreg $0xC0  }
0xac: {  	_ =	task [dreg:s8], $0x5FFFF  }
0xad: {  	[dreg:$0x1] =	wrdreg $0xFFFFFFFF  }
0xae: {  	[dreg:$0x0] =	wrdreg $0x60  }
0xaf: {  	[dreg:$0x2] =	wrdreg s24  }
0xb0: {  	[dreg:$0x3] =	wrdreg s2  }
0xb1: {  	[dreg:$0x4] =	wrdreg s18  }
0xb2: {  	[dreg:$0x5] =	wrdreg $0x78800  }
0xb3: {  	[dreg:$0x6] =	wrdreg $0x9  }
0xb4: {  	_ =	task.clear_ibuf [dreg:s8], $0x7FFFF;
	_ =	strace $0x90000046  }
0xb5: {  	s29 =	simm.s32 $0x9;
	_ =	strace $0x80000048  }
0xb6: {  	_ =	swait.ge [sflag:s29], $0x1  }
0xb7: {  	[sflag:s29] =	ssyncadd.s32 $0xFFFFFFFF  }
0xb8: {  	_ =	strace $0x90000048  }
0xb9: {  	_ =	sfence  }
0xba: {  	s30 =	sld [smem:$0x0];
	_ =	sdelay $0x2  }
0xbb: {  	s31 =	sshll.u32 s1, $0xD;
	s1 =	sshrl.u32 s1, $0x2  }
0xbc: {  	s3 =	sand.u32 $0x4000, s31;
	s1 =	sadd.s32 s1, s30  }
0xbd: {  	s0 =	sor.u32 s3, s0;
	s1 =	sshll.u32 s1, $0x11  }
0xbe: {  	s0 =	sor.u32 s1, s0  }
0xbf: {  	s0 =	sadd.s32 $0x8F2B, s0  }
0xc0: {  	[sflag:s0] =	ssyncadd.remote.s32 $0x1  }
0xc1: {  	_ =	sfence.sel $0xFFFF  }
0xc2: {  	[dreg:$0x0] =	wrdreg $0xFFFFFFFF;
	(pc) =	sbr.abs _section_cstart, $3  }
0xc3: {  	[dreg:$0x1] =	wrdreg $0xFFFFFFFF  }
0xc4: {  	_ =	task.clear_ibuf [dreg:s8], $0x2FFFF;
	_ =	strace $0x9FFFFFFF  }
0xc5: {  	(tm) =	ssettm $0x7FFFFFFF  }
tec
execute0_lowered:
.L_overlay_start_1:
0x0: {  	(tag) =	ssettag $0x1  }
0x1: {  	s7 =	rddreg [dreg:$0x0]  }
0x2: {  	s1 =	rddreg [dreg:$0x1]  }
0x3: {  	s13 =	rddreg [dreg:$0x2]  }
0x4: {  	s2 =	rddreg [dreg:$0x3]  }
0x5: {  	s0 =	rddreg [dreg:$0x4]  }
0x6: {  	s3 =	simm.s32 $0x0;
	s8 =	srdreg.scid;
	s4 =	stileid.u32  }
0x7: {  	s18 =	simm.s32 $0x2880;
	s19 =	simm.s32 $0x1;
	s20 =	simm.s32 $0x50  }
0x8: {  	s21 =	simm.s32 $0x5080;
	s22 =	simm.s32 $0x0;
	[smem:$0x7FF] =	sst s3  }
0x9: {  	s5 =	sadd.s32 $0x138A200, s7;
	s6 =	sadd.s32 $0x2200, s7;
	s25 =	smul.u32 $0x4F000, s4  }
0xa: {  	s10 =	sand.u32 $0x1, s8;
	s7 =	sadd.s32 $0x2712400, s7;
	s11 =	smul.u32 $0x13C00, s4  }
0xb: {  	s8 =	smul.u32 $0x4E20, s4;
	s29 =	sshll.u32 s4, $0x6;
	_ =	strace $0x80000047  }
0xc: {  	s9 =	ssub.s32 $0x2, s10;
	s14 =	smul.u32 $0x278000, s10;
	s15 =	sshllo.u32 s10, $0x1  }
0xd: {  	s10 =	smul.u32 $0x4E20000, s10;
	s12 =	sshrl.u32 s9, $0x1;
	s26 =	sshrl.u32 s25, $0x2  }
0xe: {  	s28 =	smul.u32 $0x13C000, s15;
	s16 =	ssub.s32 s9, s12;
	s17 =	sadd.s32 s26, s2  }
0xf: {  	s9 =	sor.u32 $0x1C02, s29;
	s14 =	sadd.s32 s11, s14;
	s12 =	smul.u32 $0x2710000, s15  }
0x10: {  	s11 =	sadd.s32 s11, s28;
	s30 =	sshrl.u32 s14, $0x3;
	s14 =	smax.u32 s16, $0x1  }
0x11: {  	s15 =	sshrl.u32 s17, $0x3;
	s16 =	simm.s32 $0x2;
	s31 =	sshrl.u32 s11, $0x3  }
0x12: {  	s17 =	simm.s32 $0x80;
	s11 =	sadd.s32 s13, s30;
	s13 =	sadd.s32 s13, s31  }
.LBB2_1:
0x13: {  	[spmem:s15], [sflag:s9] =	dma.local [hbm:s7], $0x2780  }
0x14: {  	_ =	swait.ge [sflag:s16], $0x2780  }
0x15: {  	[sflag:s16] =	ssyncset.done $0x0  }
0x16: {  	[sflag:s16] =	ssyncadd.s32 $0xFFFFD880  }
0x17: {  	s23 =	simm.s32 $0x0;
	[bflag:$0x0] =	sbarrier.arrive $0xFFFF  }
.LBB2_2:
0x18: {  	s24 =	smul.u32 $0x50, s23;
	_ =	sdelay $0x1  }
0x19: {  	s24 =	sadd.s32 s8, s24  }
0x1a: {  	s25 =	sshrl.u32 s24, $0x3;
	s24 =	sshll.u32 s24, $0x7  }
0x1b: {  	s26 =	simm.s32 $0x0;
	s25 =	sadd.s32 s1, s25;
	s24 =	sadd.s32 s10, s24  }
0x1c: {  	[tilespmem:s26], [sflag:$0x1] =	stream.linear.gather [hbm4b:s25+s26], $0x50, $0x38;
	[tilespmem:$0x16580] =	vst v63  }
0x1d: {  	s24 =	sshrl.u32 s24, $0x3  }
0x1e: {  	s31 =	sadd.s32 s5, s24  }
0x1f: {  	[tilespmem:s17], [sflag:$0x1] =	stream.linear.gather [hbm4b:s31+s26], $0x2800, $0x38;
	[tilespmem:$0x16580] =	vst v63  }
0x20: {  	s24 =	sadd.s32 s6, s24  }
0x21: {  	[tilespmem:s18], [sflag:$0x1] =	stream.linear.gather [hbm4b:s24+s26], $0x2800, $0x38;
	[tilespmem:$0x16580] =	vst v63  }
0x22: {  	_ =	swait.ge [sflag:s19], $0x50  }
0x23: {  	[sflag:s19] =	ssyncset.done $0x0  }
0x24: {  	[sflag:s19] =	ssyncadd.s32 $0xFFFFFFB0  }
0x25: {  	_ =	swait.ge [sflag:s19], $0x2800  }
0x26: {  	[sflag:s19] =	ssyncset.done $0x0  }
0x27: {  	[sflag:s19] =	ssyncadd.s32 $0xFFFFD800  }
0x28: {  	_ =	swait.ge [sflag:s19], $0x2800  }
0x29: {  	[sflag:s19] =	ssyncset.done $0x0  }
0x2a: {  	s24 =	simm.s32 $0x0;
	[sflag:s19] =	ssyncadd.s32 $0xFFFFD800  }
0x2b: {  	v0 =	vld [tilespmem:s24+$0x90]  }
0x2c: {  	v1 =	vld [tilespmem:s24+$0x80]  }
0x2d: {  	v3 =	vld [tilespmem:s24+$0x2880]  }
0x2e: {  	v2 =	vld [tilespmem:s24+$0x2890]  }
0x2f: {  	s25 =	simm.s32 $0x200  }
.LBB2_3:
0x30: {  	s26 =	sshra.s32 s25, $0x2;
	p0 =	sne.s32 s25, $0x9E00;
	s25 =	sadd.s32 $0x200, s25;
	[tilespmem:s24+$0x5090] =	vst v0;
	v4 =	vmul.f32 v0, v0;
	v5 =	vmov v0  }
.Ltmp0:
0x31: {  	v0 =	vld [tilespmem:s26+$0x90];
	[tilespmem:s24+$0x5080] =	vst v1;
	v6 =	vmul.f32 v1, v1;
	(pc) =	sbr.rel @p0 .LBB2_3-.Ltmp0, $4  }
0x32: {  	v7 =	vmul.f32 v3, v1;
	v1 =	vld [tilespmem:s26+$0x80];
	[tilespmem:s24+$0x50D0] =	vst v4  }
0x33: {  	v3 =	vld [tilespmem:s26+$0x2880];
	[tilespmem:s24+$0x50C0] =	vst v6;
	v4 =	vmul.f32 v2, v5  }
0x34: {  	v2 =	vld [tilespmem:s26+$0x2890];
	[tilespmem:s24+$0x50A0] =	vst v7  }
0x35: {  	[tilespmem:s24+$0x50B0] =	vst v4;
	s24 =	smov.u32 s26  }
0x36: {  	[tilespmem:s24+$0x5090] =	vst v0;
	v4 =	vmul.f32 v0, v0  }
0x37: {  	[tilespmem:s24+$0x5080] =	vst v1;
	v5 =	vmul.f32 v1, v1  }
0x38: {  	v62 =	vmul.f32 v3, v1;
	[tilespmem:s24+$0x50D0] =	vst v4  }
0x39: {  	s23 =	sadd.s32 $0x1, s23;
	[tilespmem:s24+$0x50C0] =	vst v5;
	v63 =	vmul.f32 v2, v0  }
0x3a: {  	p0 =	sne.s32 s23, $0xFA;
	[tilespmem:s24+$0x50A0] =	vst v62  }
.Ltmp1:
0x3b: {  	[tilespmem:s24+$0x50B0] =	vst v63;
	(pc) =	sbr.rel @p0 .LBB2_2-.Ltmp1, $4  }
0x3c: {  	[spmem:s2] =	stream.indirect.scatter.add.f32 [tilespmem:s21], [sflag:$0x2], $0x60, s3, s20, $0xb8;
	[tilespmem:$0x16580] =	vst v63  }
0x3d: {  	_ =	swait.ge [sflag:s16], $0x1E00  }
0x3e: {  	[sflag:s16] =	ssyncset.done $0x0  }
0x3f: {  	[sflag:s16] =	ssyncadd.s32 $0xFFFFE200  }
0x40: {  	[bflag:$0x0] =	sbarrier.arrive $0xFFFF  }
0x41: {  	[hbm:s11], [sflag:s9] =	dma.local [spmem:s15], $0x2780  }
0x42: {  	_ =	swait.ge [sflag:s16], $0x2780  }
0x43: {  	[sflag:s16] =	ssyncset.done $0x0  }
0x44: {  	[sflag:s16] =	ssyncadd.s32 $0xFFFFD880  }
0x45: {  	[bflag:$0x0] =	sbarrier.arrive $0xFFFF  }
0x46: {  	[spmem:s15], [sflag:s9] =	dma.local [hbm:s7], $0x2780  }
0x47: {  	_ =	swait.ge [sflag:s16], $0x2780  }
0x48: {  	[sflag:s16] =	ssyncset.done $0x0  }
0x49: {  	[sflag:s16] =	ssyncadd.s32 $0xFFFFD880  }
0x4a: {  	s23 =	simm.s32 $0x0;
	s24 =	simm.s32 $0x0;
	[bflag:$0x0] =	sbarrier.arrive $0xFFFF  }
.LBB2_6:
0x4b: {  	s25 =	smul.u32 $0x50, s24;
	_ =	sdelay $0x1  }
0x4c: {  	s25 =	sadd.s32 s8, s25  }
0x4d: {  	s26 =	sshrl.u32 s25, $0x3;
	s25 =	sshll.u32 s25, $0x7  }
0x4e: {  	s26 =	sadd.s32 s1, s26;
	s25 =	sadd.s32 s12, s25  }
0x4f: {  	[tilespmem:s23], [sflag:$0x1] =	stream.linear.gather [hbm4b:s26+s23], $0x50, $0x38;
	[tilespmem:$0x16580] =	vst v63  }
0x50: {  	s25 =	sshrl.u32 s25, $0x3  }
0x51: {  	s31 =	sadd.s32 s5, s25  }
0x52: {  	[tilespmem:s17], [sflag:$0x1] =	stream.linear.gather [hbm4b:s31+s23], $0x2800, $0x38;
	[tilespmem:$0x16580] =	vst v63  }
0x53: {  	s25 =	sadd.s32 s6, s25  }
0x54: {  	[tilespmem:s18], [sflag:$0x1] =	stream.linear.gather [hbm4b:s25+s23], $0x2800, $0x38;
	[tilespmem:$0x16580] =	vst v63  }
0x55: {  	_ =	swait.ge [sflag:s19], $0x50  }
0x56: {  	[sflag:s19] =	ssyncset.done $0x0  }
0x57: {  	[sflag:s19] =	ssyncadd.s32 $0xFFFFFFB0  }
0x58: {  	_ =	swait.ge [sflag:s19], $0x2800  }
0x59: {  	[sflag:s19] =	ssyncset.done $0x0  }
0x5a: {  	[sflag:s19] =	ssyncadd.s32 $0xFFFFD800  }
0x5b: {  	_ =	swait.ge [sflag:s19], $0x2800  }
0x5c: {  	[sflag:s19] =	ssyncset.done $0x0  }
0x5d: {  	s25 =	simm.s32 $0x0;
	[sflag:s19] =	ssyncadd.s32 $0xFFFFD800  }
0x5e: {  	v0 =	vld [tilespmem:s25+$0x90]  }
0x5f: {  	v1 =	vld [tilespmem:s25+$0x80]  }
0x60: {  	v3 =	vld [tilespmem:s25+$0x2880]  }
0x61: {  	v2 =	vld [tilespmem:s25+$0x2890]  }
0x62: {  	s26 =	simm.s32 $0x200  }
.LBB2_7:
0x63: {  	s28 =	sshra.s32 s26, $0x2;
	p0 =	sne.s32 s26, $0x9E00;
	s26 =	sadd.s32 $0x200, s26;
	[tilespmem:s25+$0x5090] =	vst v0;
	v4 =	vmul.f32 v0, v0;
	v5 =	vmov v0  }
.Ltmp2:
0x64: {  	v0 =	vld [tilespmem:s28+$0x90];
	[tilespmem:s25+$0x5080] =	vst v1;
	v6 =	vmul.f32 v1, v1;
	(pc) =	sbr.rel @p0 .LBB2_7-.Ltmp2, $4  }
0x65: {  	v7 =	vmul.f32 v3, v1;
	v1 =	vld [tilespmem:s28+$0x80];
	[tilespmem:s25+$0x50D0] =	vst v4  }
0x66: {  	v3 =	vld [tilespmem:s28+$0x2880];
	[tilespmem:s25+$0x50C0] =	vst v6;
	v4 =	vmul.f32 v2, v5  }
0x67: {  	v2 =	vld [tilespmem:s28+$0x2890];
	[tilespmem:s25+$0x50A0] =	vst v7  }
0x68: {  	[tilespmem:s25+$0x50B0] =	vst v4;
	s25 =	smov.u32 s28  }
0x69: {  	[tilespmem:s25+$0x5090] =	vst v0;
	v4 =	vmul.f32 v0, v0  }
0x6a: {  	[tilespmem:s25+$0x5080] =	vst v1;
	v5 =	vmul.f32 v1, v1  }
0x6b: {  	v62 =	vmul.f32 v3, v1;
	[tilespmem:s25+$0x50D0] =	vst v4  }
0x6c: {  	s24 =	sadd.s32 $0x1, s24;
	[tilespmem:s25+$0x50C0] =	vst v5;
	v63 =	vmul.f32 v2, v0  }
0x6d: {  	p0 =	sne.s32 s24, $0xFA;
	[tilespmem:s25+$0x50A0] =	vst v62  }
.Ltmp3:
0x6e: {  	[tilespmem:s25+$0x50B0] =	vst v63;
	(pc) =	sbr.rel @p0 .LBB2_6-.Ltmp3, $4  }
0x6f: {  	[spmem:s2] =	stream.indirect.scatter.add.f32 [tilespmem:s21], [sflag:$0x2], $0x60, s3, s20, $0xb8;
	[tilespmem:$0x16580] =	vst v63  }
0x70: {  	_ =	swait.ge [sflag:s16], $0x1E00  }
0x71: {  	[sflag:s16] =	ssyncset.done $0x0  }
0x72: {  	[sflag:s16] =	ssyncadd.s32 $0xFFFFE200  }
0x73: {  	[bflag:$0x0] =	sbarrier.arrive $0xFFFF;
	s22 =	sadd.s32 $0x1, s22  }
0x74: {  	[hbm:s13], [sflag:s9] =	dma.local [spmem:s15], $0x2780  }
0x75: {  	p0 =	sne.s32 s22, s14  }
.Ltmp4:
0x76: {  	_ =	swait.ge [sflag:s16], $0x2780;
	(pc) =	sbr.rel @p0 .LBB2_1-.Ltmp4, $3  }
0x77: {  	[sflag:s16] =	ssyncset.done $0x0  }
0x78: {  	[sflag:s16] =	ssyncadd.s32 $0xFFFFD880  }
0x79: {  	[bflag:$0x0] =	sbarrier.arrive $0xFFFF;
	_ =	sdelay $0x1  }
0x7a: {  	_ =	sfence.sel $0x180000  }
0x7b: {  	[bflag:$0x0] =	sbarrier.arrive $0xFFFF  }
0x7c: {  	p0 =	sne.s32 s4, $0x0;
	_ =	strace $0x90000047  }
0x7d: {  	s0 =	sadd.s32 @!p0 $0x100000, s0;
	[bflag:$0x2] =	sbarrier.arrive $0xFFFF  }
0x7e: {  	[sflag:s0] =	ssyncadd.tile.s32 @!p0 $0x1;
	_ =	shalt  }
.Lfunc_end2:
_tile_overlayer_lowered:
.L_overlay_start_2:
0x7f: {  	(tag) =	ssettag $0x2  }
0x80: {  	s0 =	rddreg [dreg:$0x0];
	s2 =	stileid.u32  }
0x81: {  	s1 =	rddreg [dreg:$0x1];
	p0 =	sne.s32 s2, $0x0  }
0x82: {  	s3 =	rddreg [dreg:$0x2];
	[bflag:$0x3] =	sbarrier.arrive $0xFFFF;
	s2 =	simm.s32 @!p0 $0x1C02  }
0x83: {  	[timem:s3], [sflag:s2] =	dma.local @!p0 [hbm:s0], s1  }
0x84: {  	s0 =	simm.s32 @!p0 $0x2  }
0x85: {  	_ =	swait.ge @!p0 [sflag:s0], s1  }
0x86: {  	s1 =	ssub.s32 @!p0 $0x0, s1;
	[sflag:s0] =	ssyncset.done @!p0 $0x0  }
0x87: {  	[sflag:s0] =	ssyncadd.s32 @!p0 s1  }
0x88: {  	[bflag:$0x3] =	sbarrier.arrive $0xFFFF  }
0x89: {  	_ =	shalt  }

// kernel: kernel.9.cloned.1.call-start
scs
__scs_entry_jumppad:
0x0: {  	(pc) =	sbr.rel $0x88, $3  }
0x1: {  	(tag) =	ssettag $0x0;
	lr =	simm.s32 $0x1  }
0x2: {  	[smem:$0x3F96] =	sst lr;
	_ =	strace $0xD0000000  }
0x3: {  	_ = 	snop  }
0x4: {  	_ = 	snop  }
0x5: {  	_ = 	snop  }
0x6: {  	_ = 	snop  }
0x7: {  	_ = 	snop  }
__scs_overlays_trampoline_lowered:
0x8: {  	[smem:$0x3FA5] =	sst s0  }
0x9: {  	[smem:$0x3FA6] =	sst s1  }
0xa: {  	[smem:$0x3FA7] =	sst s2  }
0xb: {  	[smem:$0x3FA8] =	sst s3  }
0xc: {  	[smem:$0x3FA9] =	sst s4  }
0xd: {  	[smem:$0x3FAA] =	sst s5  }
0xe: {  	[smem:$0x3FAB] =	sst s6  }
0xf: {  	[smem:$0x3FAC] =	sst s7  }
0x10: {  	[smem:$0x3FAD] =	sst s8  }
0x11: {  	[smem:$0x3FAE] =	sst s9;
	s0 =	simm.s32 @!p0 $0x0  }
0x12: {  	s1 =	sld [smem:$0x3F94];
	s0 =	simm.s32 @p0 $0x1  }
0x13: {  	[smem:$0x3FAF] =	sst s0;
	s0 =	simm.s32 @!p1 $0x0  }
0x14: {  	s2 =	sld [smem:$0x3F93];
	s0 =	simm.s32 @p1 $0x1  }
0x15: {  	[smem:$0x3FB0] =	sst s0;
	s0 =	simm.s32 @!p2 $0x0  }
0x16: {  	s3 =	sld [smem:$0x3FDB];
	s0 =	simm.s32 @p2 $0x1  }
0x17: {  	s4 =	simm.s32 $0x1BF5;
	[smem:$0x3FB2] =	sst s0  }
0x18: {  	s0 =	sld [smem:$0x3F95];
	_ =	swait.ge [sflag:s4], $0x0  }
0x19: {  	s7 =	sld [smem:$0x3F96]  }
0x1a: {  	s8 =	sadd.s32 $0xFFFFE003, lr  }
0x1b: {  	s9 =	sadd.s32 $0xFFFFFEF7, lr;
	s5 =	simm.s32 $0xFFFFFFFF;
	p2 =	slt.u32 s8, $0xFFFFF086  }
0x1c: {  	p1 =	slt.u32 s9, $0xF7A;
	s5 =	simm.s32 @!p2 $0x0  }
0x1d: {  	s5 =	simm.s32 @p1 $0x1;
	p0 =	seq.s32 s7, s2  }
0x1e: {  	s7 =	smul.u32 @!p0 $0xF7A, s2;
	p2 =	seq.s32 @!p0 s5, $0x0  }
0x1f: {  	s9 =	smul.u32 $0xF7A, s1;
	s8 =	simm.s32 @!p0 $0x1BF5;
	p2 =	por !p2, p0  }
0x20: {  	[sflag:s8] =	ssyncset.s32 @!p0 $0xFFFFF086;
	s6 =	sadd.s32 @!p0 s3, s7;
	s7 =	simm.s32 @!p0 $0x108  }
0x21: {  	s3 =	sadd.s32 s3, s9;
	s6 =	sadd.s32 @!p0 $0x88, s6;
	s7 =	simm.s32 @p2 $0x1082  }
0x22: {  	[simem:s7], [sflag:s8] =	dma.local @!p0 [hbm:s6], $0xF7A  }
0x23: {  	s9 =	sor.u32 $0xD0000000, s2;
	s6 =	simm.s32 $0x108;
	_ =	swait.ge @!p0 [sflag:s8], $0x0  }
0x24: {  	s3 =	sadd.s32 $0x88, s3;
	s6 =	simm.s32 @!p1 $0x1082;
	[sflag:s4] =	ssyncset.s32 $0xFFFFF086  }
0x25: {  	[simem:s6], [sflag:s4] =	dma.local [hbm:s3], $0xF7A  }
0x26: {  	[smem:$0x3F96] =	sst s1;
	(tag) =	ssettag s2;
	_ =	strace s9  }
0x27: {  	s1 =	sld [smem:$0x3FA6]  }
0x28: {  	s2 =	sld [smem:$0x3FA7]  }
0x29: {  	s4 =	sld [smem:$0x3FA9]  }
0x2a: {  	p0 =	seq.s32 s5, $0x0;
	s5 =	sld [smem:$0x3FAA]  }
0x2b: {  	s6 =	sld [smem:$0x3FAB]  }
0x2c: {  	s7 =	sld [smem:$0x3FAC]  }
0x2d: {  	s3 =	simm.s32 $0x108;
	s8 =	sld [smem:$0x3FAD]  }
0x2e: {  	s3 =	simm.s32 @!p0 $0x1082;
	s9 =	sld [smem:$0x3FAE]  }
0x2f: {  	lr =	sadd.s32 s0, s3;
	s0 =	sld [smem:$0x3FA5]  }
0x30: {  	s3 =	sld [smem:$0x3FA8]  }
0x31: {  	[smem:$0x3FB1] =	sst s10  }
0x32: {  	s10 =	sld [smem:$0x3FAF];
	_ =	sdelay $0x3  }
0x33: {  	p0 =	seq.s32 s10, $0x1;
	s10 =	sld [smem:$0x3FB1];
	_ =	sdelay $0x3  }
0x34: {  	[smem:$0x3FB1] =	sst s10  }
0x35: {  	s10 =	sld [smem:$0x3FB0];
	_ =	sdelay $0x3  }
0x36: {  	p1 =	seq.s32 s10, $0x1;
	s10 =	sld [smem:$0x3FB1];
	_ =	sdelay $0x3  }
0x37: {  	[smem:$0x3FB1] =	sst s10  }
0x38: {  	s10 =	sld [smem:$0x3FB2]  }
0x39: {  	_ = 	snop;
	(pc) =	sbr.ind lr, $3  }
0x3a: {  	_ = 	snop  }
0x3b: {  	_ = 	snop  }
0x3c: {  	p2 =	seq.s32 s10, $0x1;
	s10 =	sld [smem:$0x3FB1]  }
0x3d: {  	_ =	shalt  }
0x3e: {  	_ =	shalt  }
0x3f: {  	_ =	shalt  }
0x40: {  	_ =	shalt  }
0x41: {  	_ =	shalt  }
0x42: {  	_ =	shalt  }
0x43: {  	_ =	shalt  }
0x44: {  	_ =	shalt  }
0x45: {  	_ =	shalt  }
0x46: {  	_ =	shalt  }
0x47: {  	_ =	shalt  }
0x48: {  	_ =	shalt  }
0x49: {  	_ =	shalt  }
0x4a: {  	_ =	shalt  }
0x4b: {  	_ =	shalt  }
0x4c: {  	_ =	shalt  }
0x4d: {  	_ =	shalt  }
0x4e: {  	_ =	shalt  }
0x4f: {  	_ =	shalt  }
0x50: {  	_ =	shalt  }
0x51: {  	_ =	shalt  }
0x52: {  	_ =	shalt  }
0x53: {  	_ =	shalt  }
0x54: {  	_ =	shalt  }
0x55: {  	_ =	shalt  }
0x56: {  	_ =	shalt  }
0x57: {  	_ =	shalt  }
0x58: {  	_ =	shalt  }
0x59: {  	_ =	shalt  }
0x5a: {  	_ =	shalt  }
0x5b: {  	_ =	shalt  }
0x5c: {  	_ =	shalt  }
0x5d: {  	_ =	shalt  }
0x5e: {  	_ =	shalt  }
0x5f: {  	_ =	shalt  }
0x60: {  	_ =	shalt  }
0x61: {  	_ =	shalt  }
0x62: {  	_ =	shalt  }
0x63: {  	_ =	shalt  }
0x64: {  	_ =	shalt  }
0x65: {  	_ =	shalt  }
0x66: {  	_ =	shalt  }
0x67: {  	_ =	shalt  }
0x68: {  	_ =	shalt  }
0x69: {  	_ =	shalt  }
0x6a: {  	_ =	shalt  }
0x6b: {  	_ =	shalt  }
0x6c: {  	_ =	shalt  }
0x6d: {  	_ =	shalt  }
0x6e: {  	_ =	shalt  }
0x6f: {  	_ =	shalt  }
0x70: {  	_ =	shalt  }
0x71: {  	_ =	shalt  }
0x72: {  	_ =	shalt  }
0x73: {  	_ =	shalt  }
0x74: {  	_ =	shalt  }
0x75: {  	_ =	shalt  }
0x76: {  	_ =	shalt  }
0x77: {  	_ =	shalt  }
0x78: {  	_ =	shalt  }
0x79: {  	_ =	shalt  }
0x7a: {  	_ =	shalt  }
0x7b: {  	_ =	shalt  }
0x7c: {  	_ =	shalt  }
0x7d: {  	_ =	shalt  }
0x7e: {  	_ =	shalt  }
0x7f: {  	_ =	shalt  }
0x80: {  	_ =	shalt  }
0x81: {  	_ =	shalt  }
0x82: {  	_ =	shalt  }
0x83: {  	_ =	shalt  }
0x84: {  	_ =	shalt  }
0x85: {  	_ =	shalt  }
0x86: {  	_ =	shalt  }
0x87: {  	_ =	shalt  }
.Lfunc_end0:
.L_simem_size_0:
called_computation.1_lowered:
.L_overlay_start_0:
0x88: {  	s2 =	sld [smem:$0x3FD9]  }
0x89: {  	s3 =	sld [smem:$0x3FFE];
	_ =	sdelay $0x1  }
0x8a: {  	s1 =	srdreg.scid  }
0x8b: {  	s0 =	sand.u32 $0x1, s1  }
0x8c: {  	s17 =	sshll.u32 s0, $0xA;
	s2 =	sadd.s32 s3, s2  }
0x8d: {  	s2 =	sadd.s32 s2, s17  }
0x8e: {  	[smem:$0x3FBD] =	sst s2  }
0x8f: {  	_ = 	snop  }
0x90: {  	s2 =	sld [smem:$0x3FC7]  }
0x91: {  	s18 =	sld [smem:$0x3FD0];
	(tm) =	ssettm $0x1  }
0x92: {  	s4 =	sld [smem:$0x3FFB];
	_ =	sdelay $0x3  }
0x93: {  	_ =	strace s4  }
0x94: {  	s4 =	sld [smem:$0x3FFC];
	_ =	sdelay $0x3  }
0x95: {  	_ =	strace s4  }
0x96: {  	s4 =	sld [smem:$0x3FFD];
	_ =	sdelay $0x3  }
0x97: {  	_ =	strace s4  }
0x98: {  	_ =	strace $0x8FFFFFFF  }
0x99: {  	s19 =	sld [smem:$0x3FDB];
	_ =	sdelay $0x1  }
0x9a: {  	s5 =	simm.s32 $_scs_section_size  }
0x9b: {  	s6 =	simm.s32 $_size__tile_overlayer_lowered;
	s7 =	simm.s32 $_tile_overlayer_lowered  }
0x9c: {  	s22 =	simm.s32 $0x1BFF;
	s21 =	sshll.u32 s7, $0x1;
	s4 =	sadd.s32 s5, s19  }
0x9d: {  	s8 =	simm.s32 $0x0;
	s20 =	sshll.u32 s6, $0x1;
	s6 =	sadd.s32 s21, s4  }
0x9e: {  	[timem:s8], [sflag:s22] =	dma.local [hbm:s6], s20  }
0x9f: {  	_ =	swait.ge [sflag:s22], s20  }
0xa0: {  	s5 =	ssub.s32 $0x0, s20;
	[sflag:s22] =	ssyncset.done $0x0  }
0xa1: {  	[sflag:s22] =	ssyncadd.s32 s5;
	_ =	sdelay $0x1  }
0xa2: {  	s23 =	simm.s32 $0x1B8B  }
0xa3: {  	_ =	swait.ge [sflag:s23], $0x1  }
0xa4: {  	[sflag:s23] =	ssyncset.done $0x0  }
0xa5: {  	s25 =	simm.s32 $0x1B8E;
	s24 =	sld [smem:$0x3FFE];
	[sflag:s23] =	ssyncadd.s32 $0xFFFFFFFF  }
0xa6: {  	s26 =	simm.s32 $execute0_lowered;
	[smem:$0x3FD2] =	sst s25  }
0xa7: {  	s6 =	sshll.u32 s26, $0x1;
	_ =	strace $0x80000049;
	[dreg:$0x1] =	wrdreg $0xFFFFFFFF  }
0xa8: {  	s28 =	simm.s32 $_size_execute0_lowered;
	s4 =	sadd.s32 s4, s6;
	[dreg:$0x0] =	wrdreg $0x0  }
0xa9: {  	s6 =	sshll.u32 s28, $0x1;
	[dreg:$0x2] =	wrdreg s4  }
0xaa: {  	[dreg:$0x3] =	wrdreg s6  }
0xab: {  	[dreg:$0x4] =	wrdreg $0xC0  }
0xac: {  	_ =	task [dreg:s8], $0x5FFFF  }
0xad: {  	[dreg:$0x1] =	wrdreg $0xFFFFFFFF  }
0xae: {  	[dreg:$0x0] =	wrdreg $0x60  }
0xaf: {  	[dreg:$0x2] =	wrdreg s24  }
0xb0: {  	[dreg:$0x3] =	wrdreg s2  }
0xb1: {  	[dreg:$0x4] =	wrdreg s18  }
0xb2: {  	[dreg:$0x5] =	wrdreg $0x9  }
0xb3: {  	_ =	task.clear_ibuf [dreg:s8], $0x6FFFF;
	_ =	strace $0x90000049  }
0xb4: {  	s29 =	simm.s32 $0x9;
	_ =	strace $0x8000004B  }
0xb5: {  	_ =	swait.ge [sflag:s29], $0x1  }
0xb6: {  	[sflag:s29] =	ssyncadd.s32 $0xFFFFFFFF  }
0xb7: {  	_ =	strace $0x9000004B  }
0xb8: {  	_ =	sfence  }
0xb9: {  	s30 =	sld [smem:$0x0];
	_ =	sdelay $0x2  }
0xba: {  	s31 =	sshll.u32 s1, $0xD;
	s1 =	sshrl.u32 s1, $0x2  }
0xbb: {  	s3 =	sand.u32 $0x4000, s31;
	s1 =	sadd.s32 s1, s30  }
0xbc: {  	s0 =	sor.u32 s3, s0;
	s1 =	sshll.u32 s1, $0x11  }
0xbd: {  	s0 =	sor.u32 s1, s0  }
0xbe: {  	s0 =	sadd.s32 $0x8F2B, s0  }
0xbf: {  	[sflag:s0] =	ssyncadd.remote.s32 $0x1  }
0xc0: {  	_ =	sfence.sel $0xFFFF  }
0xc1: {  	[dreg:$0x0] =	wrdreg $0xFFFFFFFF;
	(pc) =	sbr.abs _section_cstart, $3  }
0xc2: {  	[dreg:$0x1] =	wrdreg $0xFFFFFFFF  }
0xc3: {  	_ =	task.clear_ibuf [dreg:s8], $0x2FFFF;
	_ =	strace $0x9FFFFFFF  }
0xc4: {  	(tm) =	ssettm $0x7FFFFFFF  }
0xc5: {  	_ =	shalt  }
tec
execute0_lowered:
.L_overlay_start_1:
0x0: {  	(tag) =	ssettag $0x1  }
0x1: {  	s0 =	rddreg [dreg:$0x0]  }
0x2: {  	s21 =	rddreg [dreg:$0x1]  }
0x3: {  	s3 =	rddreg [dreg:$0x2];
	s19 =	simm.s32 $0x0  }
0x4: {  	s1 =	srdreg.scid;
	s2 =	stileid.u32;
	s28 =	simm.s32 $0x80  }
0x5: {  	s29 =	simm.s32 $0x60;
	s30 =	simm.s32 $0x100;
	s31 =	simm.s32 $0x3100  }
0x6: {  	s10 =	simm.s32 $0x15100;
	[smem:$0x7FF] =	sst s19;
	s1 =	sand.u32 $0x1, s1  }
0x7: {  	s2 =	sshll.u32 s2, $0x1;
	s5 =	sadd.s32 $0x138A200, s0;
	s6 =	sadd.s32 $0x2200, s0  }
0x8: {  	s8 =	sadd.s32 $0x2712200, s0;
	s0 =	sadd.s32 $0x2739A00, s0;
	s2 =	sor.u32 s1, s2  }
0x9: {  	s7 =	smov.u32 s3;
	s12 =	ssub.s32 $0x2, s1;
	s9 =	smul.u32 $0x2710, s2  }
0xa: {  	_ =	strace $0x8000004A;
	[dreg:$0x4] =	wrdreg s0;
	s1 =	sshrl.u32 s12, $0x1  }
0xb: {  	s0 =	ssub.s32 s12, s1;
	s12 =	simm.s32 $0xC100;
	s2 =	sshrl.u32 s9, $0x3  }
0xc: {  	s4 =	sadd.s32 $0x2700, s9;
	s15 =	sadd.s32 $0xC0, s9;
	s0 =	smax.u32 s0, $0x1  }
0xd: {  	s11 =	smov.u32 s9;
	s13 =	sadd.s32 s21, s2;
	[dreg:$0x6] =	wrdreg s15  }
0xe: {  	s14 =	sshrl.u32 s4, $0x3;
	s16 =	sshll.u32 s4, $0x4;
	[dreg:$0x11] =	wrdreg s0  }
0xf: {  	s0 =	simm.s32 $0xF100;
	[dreg:$0x5] =	wrdreg s13;
	s1 =	sadd.s32 s21, s14  }
0x10: {  	s15 =	simm.s32 $0x1;
	s17 =	sadd.s32 s5, s16;
	[dreg:$0x7] =	wrdreg s1  }
0x11: {  	s18 =	sadd.s32 s6, s16;
	s20 =	sadd.s32 $0x4E2000, s16;
	[dreg:$0x8] =	wrdreg s17  }
0x12: {  	s23 =	sadd.s32 $0x9C4000, s16;
	[dreg:$0x9] =	wrdreg s18;
	s22 =	sadd.s32 s5, s20  }
0x13: {  	s25 =	sadd.s32 $0xEA6000, s16;
	s2 =	sadd.s32 s6, s20;
	[dreg:$0xa] =	wrdreg s22  }
0x14: {  	s13 =	simm.s32 $0x18100;
	s24 =	sadd.s32 s5, s23;
	[dreg:$0xb] =	wrdreg s2  }
0x15: {  	s14 =	simm.s32 $0x2;
	s26 =	sadd.s32 s5, s25;
	[dreg:$0xc] =	wrdreg s24  }
0x16: {  	s1 =	sadd.s32 s3, s16;
	s16 =	simm.s32 $0x1B100;
	[dreg:$0xe] =	wrdreg s26  }
0x17: {  	s3 =	simm.s32 $0x0;
	s2 =	sadd.s32 s6, s23;
	[dreg:$0x10] =	wrdreg s1  }
0x18: {  	s23 =	sadd.s32 $0x60, s9;
	s26 =	simm.s32 $0x3;
	s24 =	simm.s32 $0x12100  }
0x19: {  	s9 =	simm.s32 $0x9100;
	[dreg:$0xd] =	wrdreg s2;
	s2 =	sadd.s32 s6, s25  }
0x1a: {  	s25 =	simm.s32 $0x4;
	[dreg:$0xf] =	wrdreg s2;
	s2 =	simm.s32 $0x6100  }
.LBB2_1:
0x1b: {  	[dreg:$0x12] =	wrdreg s3  }
0x1c: {  	s1 =	rddreg [dreg:$0x4];
	s20 =	simm.s32 $0x1E100  }
0x1d: {  	[tilespmem:s20], [sflag:$0x4] =	stream.linear.gather [hbm4b:s1+s19], $0x200, $0x38;
	[tilespmem:$0x1E300] =	vst v63  }
0x1e: {  	_ =	swait.ge [sflag:s25], $0x200  }
0x1f: {  	[sflag:s25] =	ssyncset.done $0x0  }
0x20: {  	[sflag:s25] =	ssyncadd.s32 $0xFFFFFE00  }
0x21: {  	v14 =	vld [tilespmem:$0x1E100]  }
0x22: {  	v12 =	vld [tilespmem:$0x1E110]  }
0x23: {  	v11 =	vld [tilespmem:$0x1E120]  }
0x24: {  	v10 =	vld [tilespmem:$0x1E130]  }
0x25: {  	v8 =	vld [tilespmem:$0x1E140]  }
0x26: {  	v6 =	vld [tilespmem:$0x1E150]  }
0x27: {  	v3 =	vld [tilespmem:$0x1E160]  }
0x28: {  	v15 =	vld [tilespmem:$0x1E170]  }
0x29: {  	v9 =	vld [tilespmem:$0x1E180]  }
0x2a: {  	v7 =	vld [tilespmem:$0x1E190]  }
0x2b: {  	v5 =	vld [tilespmem:$0x1E1A0]  }
0x2c: {  	v4 =	vld [tilespmem:$0x1E1B0]  }
0x2d: {  	v2 =	vld [tilespmem:$0x1E1C0]  }
0x2e: {  	v1 =	vld [tilespmem:$0x1E1D0]  }
0x2f: {  	v0 =	vld [tilespmem:$0x1E1E0]  }
0x30: {  	v13 =	vld [tilespmem:$0x1E1F0]  }
0x31: {  	v16 =	vld [tilespmem:$0x1E200]  }
0x32: {  	v17 =	vld [tilespmem:$0x1E210]  }
0x33: {  	v18 =	vld [tilespmem:$0x1E220]  }
0x34: {  	v19 =	vld [tilespmem:$0x1E230]  }
0x35: {  	v20 =	vld [tilespmem:$0x1E240]  }
0x36: {  	v21 =	vld [tilespmem:$0x1E250]  }
0x37: {  	v22 =	vld [tilespmem:$0x1E260]  }
0x38: {  	v23 =	vld [tilespmem:$0x1E270]  }
0x39: {  	v24 =	vld [tilespmem:$0x1E280]  }
0x3a: {  	v25 =	vld [tilespmem:$0x1E290]  }
0x3b: {  	v26 =	vld [tilespmem:$0x1E2A0]  }
0x3c: {  	v27 =	vld [tilespmem:$0x1E2B0]  }
0x3d: {  	v28 =	vld [tilespmem:$0x1E2C0]  }
0x3e: {  	v29 =	vld [tilespmem:$0x1E2D0]  }
0x3f: {  	s18 =	simm.s32 $0x0;
	s22 =	rddreg [dreg:$0x5];
	v30 =	vld [tilespmem:$0x1E2E0]  }
0x40: {  	v31 =	vld [tilespmem:$0x1E2F0];
	[tilespmem:s19], [sflag:$0x3] =	stream.linear.gather [hbm4b:s22+s19], $0x60, $0x38  }
.LBB2_2:
0x41: {  	s1 =	smul.u32 $0xC0, s18;
	_ =	sdelay $0x1  }
0x42: {  	_ =	swait.ge [sflag:s26], $0x60;
	s19 =	sadd.s32 s23, s1  }
0x43: {  	s17 =	simm.s32 $0x0;
	[sflag:s26] =	ssyncset.done $0x0;
	s4 =	sshrl.u32 s19, $0x3  }
0x44: {  	[sflag:s26] =	ssyncadd.s32 $0xFFFFFFA0;
	s1 =	sadd.s32 s11, s1;
	s4 =	sadd.s32 s21, s4  }
0x45: {  	[tilespmem:s28], [sflag:$0x3] =	stream.linear.gather [hbm4b:s4+s17], $0x60, $0x38;
	[tilespmem:$0x1E300] =	vst v63  }
0x46: {  	s20 =	sshll.u32 s1, $0x4  }
0x47: {  	[tilespmem:s30], [sflag:$0x2] =	stream.indirect.gather [hbm4b:s8+s29], $0x80, s17, s29, $0xb8;
	[tilespmem:$0x1E300] =	vst v63  }
0x48: {  	s1 =	sadd.s32 s5, s20  }
0x49: {  	[tilespmem:s31], [sflag:$0x1] =	stream.linear.gather [hbm4b:s1+s17], $0x3000, $0x38;
	[tilespmem:$0x1E300] =	vst v63  }
0x4a: {  	s1 =	sand.u32 $0x1FFFFFF0, s20  }
0x4b: {  	s3 =	smov.u32 s21;
	s21 =	sadd.s32 s6, s20;
	s4 =	sadd.s32 $0x4E2000, s1  }
0x4c: {  	[tilespmem:s0], [sflag:$0x1] =	stream.linear.gather [hbm4b:s21+s17], $0x3000, $0x38;
	[tilespmem:$0x1E300] =	vst v63  }
0x4d: {  	s22 =	sadd.s32 s5, s4  }
0x4e: {  	[tilespmem:s2], [sflag:$0x1] =	stream.linear.gather [hbm4b:s22+s17], $0x3000, $0x38;
	[tilespmem:$0x1E300] =	vst v63  }
0x4f: {  	s4 =	sadd.s32 s6, s4  }
0x50: {  	[tilespmem:s24], [sflag:$0x1] =	stream.linear.gather [hbm4b:s4+s17], $0x3000, $0x38;
	[tilespmem:$0x1E300] =	vst v63  }
0x51: {  	s4 =	sadd.s32 $0x9C4000, s1  }
0x52: {  	s22 =	sadd.s32 s5, s4  }
0x53: {  	[tilespmem:s9], [sflag:$0x1] =	stream.linear.gather [hbm4b:s22+s17], $0x3000, $0x38;
	[tilespmem:$0x1E300] =	vst v63  }
0x54: {  	s1 =	sadd.s32 $0xEA6000, s1;
	s4 =	sadd.s32 s6, s4  }
0x55: {  	[tilespmem:s10], [sflag:$0x1] =	stream.linear.gather [hbm4b:s4+s17], $0x3000, $0x38;
	[tilespmem:$0x1E300] =	vst v63  }
0x56: {  	s22 =	sadd.s32 s5, s1  }
0x57: {  	[tilespmem:s12], [sflag:$0x1] =	stream.linear.gather [hbm4b:s22+s17], $0x3000, $0x38;
	[tilespmem:$0x1E300] =	vst v63  }
0x58: {  	s1 =	sadd.s32 s6, s1  }
0x59: {  	[tilespmem:s13], [sflag:$0x1] =	stream.linear.gather [hbm4b:s1+s17], $0x3000, $0x38;
	[tilespmem:$0x1E300] =	vst v63  }
0x5a: {  	_ =	swait.ge [sflag:s14], $0x3000  }
0x5b: {  	[sflag:s14] =	ssyncset.done $0x0  }
0x5c: {  	[sflag:s14] =	ssyncadd.s32 $0xFFFFD000  }
0x5d: {  	_ =	swait.ge [sflag:s15], $0x3000  }
0x5e: {  	[sflag:s15] =	ssyncset.done $0x0  }
0x5f: {  	[sflag:s15] =	ssyncadd.s32 $0xFFFFD000  }
0x60: {  	_ =	swait.ge [sflag:s15], $0x3000  }
0x61: {  	[sflag:s15] =	ssyncset.done $0x0  }
0x62: {  	[sflag:s15] =	ssyncadd.s32 $0xFFFFD000  }
0x63: {  	_ =	swait.ge [sflag:s15], $0x3000  }
0x64: {  	[sflag:s15] =	ssyncset.done $0x0  }
0x65: {  	[sflag:s15] =	ssyncadd.s32 $0xFFFFD000  }
0x66: {  	_ =	swait.ge [sflag:s15], $0x3000  }
0x67: {  	[sflag:s15] =	ssyncset.done $0x0  }
0x68: {  	[sflag:s15] =	ssyncadd.s32 $0xFFFFD000  }
0x69: {  	_ =	swait.ge [sflag:s15], $0x3000  }
0x6a: {  	[sflag:s15] =	ssyncset.done $0x0  }
0x6b: {  	[sflag:s15] =	ssyncadd.s32 $0xFFFFD000  }
0x6c: {  	_ =	swait.ge [sflag:s15], $0x3000  }
0x6d: {  	[sflag:s15] =	ssyncset.done $0x0  }
0x6e: {  	[sflag:s15] =	ssyncadd.s32 $0xFFFFD000  }
0x6f: {  	_ =	swait.ge [sflag:s15], $0x3000  }
0x70: {  	[sflag:s15] =	ssyncset.done $0x0  }
0x71: {  	[sflag:s15] =	ssyncadd.s32 $0xFFFFD000  }
0x72: {  	_ =	swait.ge [sflag:s15], $0x3000  }
0x73: {  	[sflag:s15] =	ssyncset.done $0x0  }
0x74: {  	s21 =	simm.s32 $0x0;
	[sflag:s15] =	ssyncadd.s32 $0xFFFFD000  }
0x75: {  	v32 =	vld [tilespmem:s21+$0xC190]  }
0x76: {  	v33 =	vld [tilespmem:s21+$0x1F0]  }
0x77: {  	v34 =	vld [tilespmem:s21+$0x3100]  }
0x78: {  	v35 =	vld [tilespmem:s21+$0x100]  }
0x79: {  	v36 =	vld [tilespmem:s21+$0x3110]  }
0x7a: {  	v37 =	vld [tilespmem:s21+$0x110]  }
0x7b: {  	v38 =	vld [tilespmem:s21+$0x18190]  }
0x7c: {  	v54 =	vld [tilespmem:s21+$0x6100]  }
0x7d: {  	v39 =	vld [tilespmem:s21+$0x120]  }
0x7e: {  	v40 =	vld [tilespmem:s21+$0x6110]  }
0x7f: {  	v41 =	vld [tilespmem:s21+$0x130]  }
0x80: {  	v42 =	vld [tilespmem:s21+$0x9100]  }
0x81: {  	v43 =	vld [tilespmem:s21+$0x140]  }
0x82: {  	v45 =	vld [tilespmem:s21+$0xC100]  }
0x83: {  	v46 =	vld [tilespmem:s21+$0x160]  }
0x84: {  	v58 =	vld [tilespmem:s21+$0x3180]  }
0x85: {  	v59 =	vld [tilespmem:s21+$0x180]  }
0x86: {  	v60 =	vld [tilespmem:s21+$0x3190]  }
0x87: {  	v61 =	vld [tilespmem:s21+$0x190]  }
0x88: {  	v44 =	vld [tilespmem:s21+$0x9110];
	v32 =	vmul.f32 v33, v32;
	v38 =	vmul.f32 v38, v15  }
0x89: {  	v55 =	vld [tilespmem:s21+$0x150];
	v34 =	vmul.f32 v35, v34;
	v57 =	vmul.f32 v37, v36  }
0x8a: {  	v47 =	vld [tilespmem:s21+$0xC110];
	v33 =	vmul.f32 v39, v54;
	v40 =	vmul.f32 v41, v40  }
0x8b: {  	v42 =	vmul.f32 v43, v42;
	v45 =	vmul.f32 v46, v45;
	v36 =	vld [tilespmem:s21+$0x9190]  }
0x8c: {  	v58 =	vmul.f32 v59, v58;
	v60 =	vmul.f32 v61, v60;
	v61 =	vld [tilespmem:s21+$0x1D0]  }
0x8d: {  	v63 =	vld [tilespmem:s21+$0x1A0];
	v32 =	vmul.f32 v32, v23;
	v34 =	vmul.f32 v34, v16  }
0x8e: {  	v43 =	vld [tilespmem:s21+$0x6180];
	v35 =	vmul.f32 v57, v17;
	v33 =	vmul.f32 v33, v18  }
0x8f: {  	v56 =	vld [tilespmem:s21+$0x170];
	v62 =	vmul.f32 v40, v19;
	v57 =	vmul.f32 v45, v22;
	v32 =	vadd.f32 v32, v31  }
0x90: {  	v46 =	vld [tilespmem:s21+$0x1B0];
	v54 =	vmul.f32 v42, v20;
	v34 =	vadd.f32 v34, v24;
	v35 =	vadd.f32 v35, v25  }
0x91: {  	v45 =	vld [tilespmem:s21+$0x1C0];
	v33 =	vadd.f32 v33, v26;
	v59 =	vadd.f32 v57, v30;
	v36 =	vmul.f32 v61, v36  }
0x92: {  	v57 =	vld [tilespmem:s21+$0x1E0];
	v32 =	vmax.f32 v32, $0.0e+00;
	v48 =	vmax.f32 v34, $0.0e+00;
	v34 =	vadd.f32 v62, v27  }
0x93: {  	v49 =	vmax.f32 v33, $0.0e+00;
	v33 =	vmul.f32 v58, v16;
	v62 =	vmul.f32 v63, v43;
	v63 =	vld [tilespmem:s21+$0xC180]  }
0x94: {  	v43 =	vmax.f32 v59, $0.0e+00;
	v58 =	vld [tilespmem:s21+$0xF100];
	v32 =	vadd.f32 v32, v38;
	v38 =	vmul.f32 v55, v44  }
0x95: {  	v44 =	vmax.f32 v35, $0.0e+00;
	v55 =	vadd.f32 v54, v28;
	v35 =	vld [tilespmem:s21+$0x9180];
	v33 =	vadd.f32 v33, v24  }
0x96: {  	v59 =	vld [tilespmem:s21+$0xF110];
	v53 =	vmul.f32 v36, v21;
	v39 =	vmul.f32 v62, v18;
	v32 =	vadd.f32 v32, v13  }
0x97: {  	v42 =	vld [tilespmem:s21+$0x6190];
	v38 =	vmul.f32 v38, v21;
	v50 =	vmax.f32 v55, $0.0e+00;
	v33 =	vmax.f32 v33, $0.0e+00  }
0x98: {  	v39 =	vadd.f32 v39, v26;
	[tilespmem:s21+$0x1B1F0] =	vst v32;
	v32 =	vmul.f32 v56, v47;
	v47 =	vmax.f32 v34, $0.0e+00  }
0x99: {  	v51 =	vld [tilespmem:s21+$0x12110];
	v56 =	vadd.f32 v38, v29;
	v34 =	vmul.f32 v60, v17;
	v40 =	vmul.f32 v57, v63  }
0x9a: {  	v54 =	vld [tilespmem:s21+$0x18100];
	v62 =	vmul.f32 v58, v14;
	v58 =	vadd.f32 v53, v29;
	v35 =	vmul.f32 v45, v35  }
0x9b: {  	v60 =	vld [tilespmem:s21+$0x12100];
	v45 =	vmul.f32 v59, v12;
	v32 =	vmul.f32 v32, v23;
	v52 =	vmax.f32 v56, $0.0e+00  }
0x9c: {  	v63 =	vld [tilespmem:s21+$0x15110];
	v56 =	vmul.f32 v46, v42;
	v34 =	vadd.f32 v34, v25;
	v40 =	vmul.f32 v40, v22  }
0x9d: {  	v48 =	vadd.f32 v48, v62;
	v61 =	vmul.f32 v35, v20;
	v35 =	vmax.f32 v39, $0.0e+00  }
0x9e: {  	v45 =	vadd.f32 v44, v45;
	v32 =	vadd.f32 v32, v31;
	v37 =	vmul.f32 v56, v19  }
0x9f: {  	v39 =	vld [tilespmem:s21+$0x15100];
	v34 =	vmax.f32 v34, $0.0e+00;
	v40 =	vadd.f32 v40, v30;
	v48 =	vadd.f32 v48, v9  }
0xa0: {  	v38 =	vadd.f32 v61, v28;
	v59 =	vmul.f32 v60, v11;
	v60 =	vld [tilespmem:s21+$0x18110];
	v61 =	vmul.f32 v51, v10  }
0xa1: {  	v55 =	vld [tilespmem:s21+$0xF180];
	v57 =	vmul.f32 v63, v6;
	v63 =	vmul.f32 v54, v3;
	v51 =	vadd.f32 v45, v7  }
0xa2: {  	v44 =	vld [tilespmem:s21+$0xF190];
	v32 =	vmax.f32 v32, $0.0e+00;
	v37 =	vadd.f32 v37, v27;
	v56 =	vadd.f32 v49, v59  }
0xa3: {  	v41 =	vld [tilespmem:s21+$0x12180];
	v38 =	vmax.f32 v38, $0.0e+00;
	v46 =	vadd.f32 v47, v61;
	v45 =	vadd.f32 v52, v57  }
0xa4: {  	v42 =	vld [tilespmem:s21+$0x12190];
	[tilespmem:s21+$0x1B100] =	vst v48;
	v48 =	vadd.f32 v43, v63;
	v36 =	vmax.f32 v37, $0.0e+00;
	v62 =	vmul.f32 v39, v8  }
0xa5: {  	v37 =	vmax.f32 v58, $0.0e+00;
	v39 =	vmax.f32 v40, $0.0e+00;
	v40 =	vld [tilespmem:s21+$0x15180];
	v49 =	vmul.f32 v60, v15  }
0xa6: {  	s4 =	simm.s32 $0x400;
	s22 =	sshll.u32 s18, $0x1;
	s17 =	simm.s32 $0x0;
	v43 =	vld [tilespmem:s21+$0x15190];
	v52 =	vadd.f32 v56, v5;
	v47 =	vadd.f32 v50, v62;
	v50 =	vmul.f32 v55, v14  }
.LBB2_3:
0xa7: {  	s1 =	sshra.s32 s4, $0x2;
	[tilespmem:s21+$0x1B110] =	vst v51;
	v46 =	vadd.f32 v46, v4;
	v32 =	vadd.f32 v32, v49;
	v44 =	vmul.f32 v44, v12;
	v49 =	vld [tilespmem:s21+$0x18180]  }
0xa8: {  	s17 =	sadd.s32 $0x2, s17;
	v47 =	vadd.f32 v47, v2;
	v51 =	vld [tilespmem:s1+$0xC190];
	[tilespmem:s21+$0x1B120] =	vst v52;
	v33 =	vadd.f32 v33, v50;
	v41 =	vmul.f32 v41, v11  }
0xa9: {  	v45 =	vadd.f32 v45, v1;
	p0 =	slt.u32 s17, $0x5E;
	v50 =	vld [tilespmem:s1+$0x1F0];
	[tilespmem:s21+$0x1B130] =	vst v46;
	v34 =	vadd.f32 v34, v44;
	v42 =	vmul.f32 v42, v10  }
0xaa: {  	v46 =	vadd.f32 v48, v0;
	v44 =	vld [tilespmem:s1+$0x3100];
	[tilespmem:s21+$0x1B140] =	vst v47;
	v35 =	vadd.f32 v35, v41;
	v40 =	vmul.f32 v40, v8  }
0xab: {  	v32 =	vadd.f32 v32, v13;
	v41 =	vld [tilespmem:s1+$0x100];
	[tilespmem:s21+$0x1B150] =	vst v45;
	v36 =	vadd.f32 v36, v42;
	v42 =	vmul.f32 v43, v6  }
0xac: {  	v33 =	vadd.f32 v33, v9;
	v43 =	vld [tilespmem:s1+$0x3110];
	[tilespmem:s21+$0x1B160] =	vst v46;
	v38 =	vadd.f32 v38, v40;
	v40 =	vmul.f32 v49, v3  }
0xad: {  	v45 =	vld [tilespmem:s1+$0x110];
	[tilespmem:s21+$0x1B170] =	vst v32;
	v32 =	vadd.f32 v34, v7;
	v34 =	vadd.f32 v37, v42  }
0xae: {  	v37 =	vmul.f32 v50, v51;
	v42 =	vld [tilespmem:s1+$0x18190];
	[tilespmem:s21+$0x1B180] =	vst v33;
	v33 =	vadd.f32 v35, v5;
	v35 =	vadd.f32 v39, v40  }
0xaf: {  	v39 =	vld [tilespmem:s1+$0x6100];
	[tilespmem:s21+$0x1B190] =	vst v32;
	v32 =	vadd.f32 v36, v4;
	v36 =	vadd.f32 v38, v2  }
0xb0: {  	v38 =	vmul.f32 v41, v44;
	v40 =	vld [tilespmem:s1+$0x120];
	v37 =	vmul.f32 v37, v23;
	[tilespmem:s21+$0x1B1A0] =	vst v33;
	v33 =	vadd.f32 v34, v1  }
0xb1: {  	v34 =	vld [tilespmem:s1+$0x6110];
	[tilespmem:s21+$0x1B1B0] =	vst v32;
	v32 =	vadd.f32 v35, v0  }
0xb2: {  	v35 =	vmul.f32 v38, v16;
	v38 =	vmul.f32 v45, v43;
	v41 =	vld [tilespmem:s1+$0x130];
	v37 =	vadd.f32 v37, v31;
	[tilespmem:s21+$0x1B1C0] =	vst v36  }
0xb3: {  	v36 =	vld [tilespmem:s1+$0x9100];
	v42 =	vmul.f32 v42, v15;
	[tilespmem:s21+$0x1B1D0] =	vst v33  }
0xb4: {  	v33 =	vadd.f32 v35, v24;
	v35 =	vmul.f32 v38, v17;
	v38 =	vld [tilespmem:s1+$0x140];
	v37 =	vmax.f32 v37, $0.0e+00;
	[tilespmem:s21+$0x1B1E0] =	vst v32;
	s21 =	smov.u32 s1  }
0xb5: {  	v32 =	vmul.f32 v40, v39;
	v39 =	vld [tilespmem:s21+$0x9110];
	v37 =	vadd.f32 v37, v42  }
0xb6: {  	v40 =	vmax.f32 v33, $0.0e+00;
	v33 =	vadd.f32 v35, v25;
	v35 =	vld [tilespmem:s21+$0x150]  }
0xb7: {  	v32 =	vmul.f32 v32, v18;
	v34 =	vmul.f32 v41, v34;
	v41 =	vld [tilespmem:s21+$0xC100];
	v37 =	vadd.f32 v37, v13  }
0xb8: {  	v42 =	vmax.f32 v33, $0.0e+00;
	v33 =	vld [tilespmem:s21+$0x160]  }
0xb9: {  	v32 =	vadd.f32 v32, v26;
	v34 =	vmul.f32 v34, v19;
	v36 =	vmul.f32 v38, v36;
	v38 =	vld [tilespmem:s21+$0xC110];
	[tilespmem:s21+$0x1B1F0] =	vst v37  }
0xba: {  	v37 =	vld [tilespmem:s21+$0x170]  }
0xbb: {  	v34 =	vadd.f32 v34, v27;
	v36 =	vmul.f32 v36, v20;
	v35 =	vmul.f32 v35, v39;
	v39 =	vld [tilespmem:s21+$0x3180]  }
0xbc: {  	v43 =	vmax.f32 v32, $0.0e+00;
	v32 =	vld [tilespmem:s21+$0x180]  }
0xbd: {  	v36 =	vadd.f32 v36, v28;
	v35 =	vmul.f32 v35, v21;
	v33 =	vmul.f32 v33, v41;
	v41 =	vld [tilespmem:s21+$0x3190]  }
0xbe: {  	v45 =	vmax.f32 v34, $0.0e+00;
	v34 =	vld [tilespmem:s21+$0x190]  }
0xbf: {  	v35 =	vadd.f32 v35, v29;
	v33 =	vmul.f32 v33, v22;
	v37 =	vmul.f32 v37, v38;
	v38 =	vld [tilespmem:s21+$0x6180]  }
0xc0: {  	v47 =	vmax.f32 v36, $0.0e+00;
	v36 =	vld [tilespmem:s21+$0x1A0]  }
0xc1: {  	v33 =	vadd.f32 v33, v30;
	v37 =	vmul.f32 v37, v23;
	v32 =	vmul.f32 v32, v39;
	v39 =	vld [tilespmem:s21+$0x6190]  }
0xc2: {  	v48 =	vmax.f32 v35, $0.0e+00;
	v35 =	vld [tilespmem:s21+$0x1B0]  }
0xc3: {  	v37 =	vadd.f32 v37, v31;
	v32 =	vmul.f32 v32, v16;
	v34 =	vmul.f32 v34, v41;
	v41 =	vld [tilespmem:s21+$0x9180]  }
0xc4: {  	v50 =	vmax.f32 v33, $0.0e+00;
	v44 =	vld [tilespmem:s21+$0x1C0]  }
0xc5: {  	v33 =	vadd.f32 v32, v24;
	v34 =	vmul.f32 v34, v17;
	v36 =	vmul.f32 v36, v38;
	v38 =	vld [tilespmem:s21+$0x9190]  }
0xc6: {  	v32 =	vmax.f32 v37, $0.0e+00;
	v37 =	vld [tilespmem:s21+$0x1D0]  }
0xc7: {  	v34 =	vadd.f32 v34, v25;
	v36 =	vmul.f32 v36, v18;
	v35 =	vmul.f32 v35, v39;
	v39 =	vld [tilespmem:s21+$0xC180]  }
0xc8: {  	v33 =	vmax.f32 v33, $0.0e+00;
	v46 =	vld [tilespmem:s21+$0x1E0]  }
0xc9: {  	v49 =	vld [tilespmem:s21+$0xF100];
	v36 =	vadd.f32 v36, v26;
	v35 =	vmul.f32 v35, v19;
	v41 =	vmul.f32 v44, v41  }
0xca: {  	v34 =	vmax.f32 v34, $0.0e+00;
	v44 =	vld [tilespmem:s21+$0xF110]  }
0xcb: {  	v51 =	vld [tilespmem:s21+$0x12100];
	v52 =	vadd.f32 v35, v27;
	v41 =	vmul.f32 v41, v20;
	v37 =	vmul.f32 v37, v38  }
0xcc: {  	v35 =	vmax.f32 v36, $0.0e+00;
	v53 =	vld [tilespmem:s21+$0x12110]  }
0xcd: {  	v54 =	vld [tilespmem:s21+$0x15100];
	v38 =	vadd.f32 v41, v28;
	v37 =	vmul.f32 v37, v21;
	v39 =	vmul.f32 v46, v39  }
0xce: {  	v36 =	vmax.f32 v52, $0.0e+00;
	v41 =	vmul.f32 v49, v14;
	v49 =	vld [tilespmem:s21+$0x15110]  }
0xcf: {  	v44 =	vmul.f32 v44, v12;
	v52 =	vld [tilespmem:s21+$0x18100];
	v37 =	vadd.f32 v37, v29;
	v39 =	vmul.f32 v39, v22  }
0xd0: {  	v38 =	vmax.f32 v38, $0.0e+00;
	v40 =	vadd.f32 v40, v41;
	v41 =	vmul.f32 v51, v11;
	v55 =	vld [tilespmem:s21+$0x18110]  }
0xd1: {  	v46 =	vmul.f32 v53, v10;
	v53 =	vld [tilespmem:s21+$0xF180];
	v37 =	vmax.f32 v37, $0.0e+00;
	v39 =	vadd.f32 v39, v30  }
.Ltmp0:
0xd2: {  	v51 =	vadd.f32 v42, v44;
	v43 =	vadd.f32 v43, v41;
	v42 =	vmul.f32 v54, v8;
	v44 =	vld [tilespmem:s21+$0xF190];
	(pc) =	sbr.rel @p0 .LBB2_3-.Ltmp0, $4  }
0xd3: {  	v46 =	vadd.f32 v45, v46;
	v45 =	vmul.f32 v49, v6;
	v41 =	vld [tilespmem:s21+$0x12180];
	v39 =	vmax.f32 v39, $0.0e+00  }
0xd4: {  	v54 =	vadd.f32 v40, v9;
	v47 =	vadd.f32 v47, v42;
	v56 =	vmul.f32 v52, v3;
	v42 =	vld [tilespmem:s21+$0x12190]  }
0xd5: {  	v51 =	vadd.f32 v51, v7;
	v45 =	vadd.f32 v48, v45;
	v49 =	vmul.f32 v55, v15;
	v40 =	vld [tilespmem:s21+$0x15180]  }
0xd6: {  	s4 =	sadd.s32 $0x400, s4;
	v52 =	vadd.f32 v43, v5;
	[tilespmem:s21+$0x1B100] =	vst v54;
	v48 =	vadd.f32 v50, v56;
	v50 =	vmul.f32 v53, v14;
	v43 =	vld [tilespmem:s21+$0x15190]  }
0xd7: {  	[tilespmem:s21+$0x1B110] =	vst v51;
	v46 =	vadd.f32 v46, v4  }
0xd8: {  	v47 =	vadd.f32 v47, v2;
	[tilespmem:s21+$0x1B120] =	vst v52  }
0xd9: {  	v32 =	vadd.f32 v32, v49;
	v44 =	vmul.f32 v44, v12;
	v62 =	vld [tilespmem:s21+$0x18180];
	v45 =	vadd.f32 v45, v1;
	[tilespmem:s21+$0x1B130] =	vst v46  }
0xda: {  	v33 =	vadd.f32 v33, v50;
	v41 =	vmul.f32 v41, v11;
	v63 =	vadd.f32 v48, v0;
	[tilespmem:s21+$0x1B140] =	vst v47  }
0xdb: {  	v34 =	vadd.f32 v34, v44;
	v42 =	vmul.f32 v42, v10;
	[tilespmem:s21+$0x1B150] =	vst v45;
	v32 =	vadd.f32 v32, v13  }
0xdc: {  	v35 =	vadd.f32 v35, v41;
	v40 =	vmul.f32 v40, v8;
	[tilespmem:s21+$0x1B160] =	vst v63;
	v33 =	vadd.f32 v33, v9  }
0xdd: {  	v36 =	vadd.f32 v36, v42;
	v44 =	vmul.f32 v43, v6;
	[tilespmem:s21+$0x1B170] =	vst v32;
	v45 =	vadd.f32 v34, v7  }
0xde: {  	v46 =	vadd.f32 v38, v40;
	v47 =	vmul.f32 v62, v3;
	[tilespmem:s21+$0x1B180] =	vst v33;
	v48 =	vadd.f32 v35, v5  }
0xdf: {  	v49 =	vadd.f32 v37, v44;
	[tilespmem:s21+$0x1B190] =	vst v45;
	v50 =	vadd.f32 v36, v4  }
0xe0: {  	v51 =	vadd.f32 v39, v47;
	v34 =	vadd.f32 v46, v2;
	[tilespmem:s21+$0x1B1A0] =	vst v48  }
0xe1: {  	v52 =	vadd.f32 v49, v1;
	[tilespmem:s21+$0x1B1B0] =	vst v50  }
0xe2: {  	v53 =	vadd.f32 v51, v0;
	[tilespmem:s21+$0x1B1C0] =	vst v34  }
0xe3: {  	[tilespmem:s21+$0x1B1D0] =	vst v52  }
0xe4: {  	s1 =	sadd.s32 s7, s20;
	s4 =	simm.s32 $0x0;
	[tilespmem:s21+$0x1B1E0] =	vst v53  }
0xe5: {  	[hbm4b:s1+s4] =	stream.linear.scatter [tilespmem:s16], [sflag:$0x4], $0x3000, $0x38;
	[tilespmem:$0x1E300] =	vst v63  }
0xe6: {  	_ =	swait.ge [sflag:s25], $0x3000  }
0xe7: {  	[sflag:s25] =	ssyncset.done $0x0  }
0xe8: {  	s22 =	smin.u32 s22, $0x65;
	[sflag:s25] =	ssyncadd.s32 $0xFFFFD000  }
0xe9: {  	s1 =	smul.u32 $0x60, s22;
	_ =	swait.ge [sflag:s26], $0x60  }
0xea: {  	s17 =	rddreg [dreg:$0x6]  }
0xeb: {  	s1 =	sadd.s32 s1, s17  }
0xec: {  	[sflag:s26] =	ssyncset.done $0x0;
	s1 =	sshrl.u32 s1, $0x3  }
0xed: {  	[sflag:s26] =	ssyncadd.s32 $0xFFFFFFA0;
	s1 =	sadd.s32 s3, s1  }
0xee: {  	[tilespmem:s4], [sflag:$0x3] =	stream.linear.gather [hbm4b:s1+s4], $0x60, $0x38;
	[tilespmem:$0x1E300] =	vst v63  }
0xef: {  	s19 =	sshll.u32 s19, $0x4  }
0xf0: {  	[tilespmem:s30], [sflag:$0x2] =	stream.indirect.gather [hbm4b:s8+s29], $0x80, s28, s29, $0xb8;
	[tilespmem:$0x1E300] =	vst v63  }
0xf1: {  	s17 =	sadd.s32 s5, s19;
	s1 =	sand.u32 $0x1FFFFFF0, s19  }
0xf2: {  	[tilespmem:s31], [sflag:$0x1] =	stream.linear.gather [hbm4b:s17+s4], $0x3000, $0x38;
	[tilespmem:$0x1E300] =	vst v63  }
0xf3: {  	s20 =	sadd.s32 s6, s19;
	s22 =	sadd.s32 $0x4E2000, s1  }
0xf4: {  	[tilespmem:s0], [sflag:$0x1] =	stream.linear.gather [hbm4b:s20+s4], $0x3000, $0x38;
	[tilespmem:$0x1E300] =	vst v63  }
0xf5: {  	s21 =	smov.u32 s3;
	s3 =	sadd.s32 s5, s22  }
0xf6: {  	[tilespmem:s2], [sflag:$0x1] =	stream.linear.gather [hbm4b:s3+s4], $0x3000, $0x38;
	[tilespmem:$0x1E300] =	vst v63  }
0xf7: {  	s17 =	sadd.s32 s6, s22;
	s22 =	sadd.s32 $0x9C4000, s1  }
0xf8: {  	[tilespmem:s24], [sflag:$0x1] =	stream.linear.gather [hbm4b:s17+s4], $0x3000, $0x38;
	[tilespmem:$0x1E300] =	vst v63  }
0xf9: {  	s3 =	sadd.s32 s5, s22  }
0xfa: {  	[tilespmem:s9], [sflag:$0x1] =	stream.linear.gather [hbm4b:s3+s4], $0x3000, $0x38;
	[tilespmem:$0x1E300] =	vst v63  }
0xfb: {  	s1 =	sadd.s32 $0xEA6000, s1;
	s17 =	sadd.s32 s6, s22  }
0xfc: {  	[tilespmem:s10], [sflag:$0x1] =	stream.linear.gather [hbm4b:s17+s4], $0x3000, $0x38;
	[tilespmem:$0x1E300] =	vst v63  }
0xfd: {  	s22 =	sadd.s32 s5, s1  }
0xfe: {  	[tilespmem:s12], [sflag:$0x1] =	stream.linear.gather [hbm4b:s22+s4], $0x3000, $0x38;
	[tilespmem:$0x1E300] =	vst v63  }
0xff: {  	s1 =	sadd.s32 s6, s1  }
0x100: {  	[tilespmem:s13], [sflag:$0x1] =	stream.linear.gather [hbm4b:s1+s4], $0x3000, $0x38;
	[tilespmem:$0x1E300] =	vst v63  }
0x101: {  	_ =	swait.ge [sflag:s14], $0x3000  }
0x102: {  	[sflag:s14] =	ssyncset.done $0x0  }
0x103: {  	[sflag:s14] =	ssyncadd.s32 $0xFFFFD000  }
0x104: {  	_ =	swait.ge [sflag:s15], $0x3000  }
0x105: {  	[sflag:s15] =	ssyncset.done $0x0  }
0x106: {  	[sflag:s15] =	ssyncadd.s32 $0xFFFFD000  }
0x107: {  	_ =	swait.ge [sflag:s15], $0x3000  }
0x108: {  	[sflag:s15] =	ssyncset.done $0x0  }
0x109: {  	[sflag:s15] =	ssyncadd.s32 $0xFFFFD000  }
0x10a: {  	_ =	swait.ge [sflag:s15], $0x3000  }
0x10b: {  	[sflag:s15] =	ssyncset.done $0x0  }
0x10c: {  	[sflag:s15] =	ssyncadd.s32 $0xFFFFD000  }
0x10d: {  	_ =	swait.ge [sflag:s15], $0x3000  }
0x10e: {  	[sflag:s15] =	ssyncset.done $0x0  }
0x10f: {  	[sflag:s15] =	ssyncadd.s32 $0xFFFFD000  }
0x110: {  	_ =	swait.ge [sflag:s15], $0x3000  }
0x111: {  	[sflag:s15] =	ssyncset.done $0x0  }
0x112: {  	[sflag:s15] =	ssyncadd.s32 $0xFFFFD000  }
0x113: {  	_ =	swait.ge [sflag:s15], $0x3000  }
0x114: {  	[sflag:s15] =	ssyncset.done $0x0  }
0x115: {  	[sflag:s15] =	ssyncadd.s32 $0xFFFFD000  }
0x116: {  	_ =	swait.ge [sflag:s15], $0x3000  }
0x117: {  	[sflag:s15] =	ssyncset.done $0x0  }
0x118: {  	[sflag:s15] =	ssyncadd.s32 $0xFFFFD000  }
0x119: {  	_ =	swait.ge [sflag:s15], $0x3000  }
0x11a: {  	[sflag:s15] =	ssyncset.done $0x0  }
0x11b: {  	s20 =	simm.s32 $0x0;
	[sflag:s15] =	ssyncadd.s32 $0xFFFFD000  }
0x11c: {  	v54 =	vld [tilespmem:s20+$0xC190]  }
0x11d: {  	v55 =	vld [tilespmem:s20+$0x1F0]  }
0x11e: {  	v56 =	vld [tilespmem:s20+$0x3100]  }
0x11f: {  	v57 =	vld [tilespmem:s20+$0x100]  }
0x120: {  	v58 =	vld [tilespmem:s20+$0x3110]  }
0x121: {  	v59 =	vld [tilespmem:s20+$0x110]  }
0x122: {  	v60 =	vld [tilespmem:s20+$0x18190]  }
0x123: {  	v61 =	vld [tilespmem:s20+$0x6100]  }
0x124: {  	v48 =	vld [tilespmem:s20+$0x120]  }
0x125: {  	v49 =	vld [tilespmem:s20+$0x6110]  }
0x126: {  	v50 =	vld [tilespmem:s20+$0x130]  }
0x127: {  	v51 =	vld [tilespmem:s20+$0x9100]  }
0x128: {  	v62 =	vld [tilespmem:s20+$0x140]  }
0x129: {  	v63 =	vld [tilespmem:s20+$0x9110]  }
0x12a: {  	v52 =	vld [tilespmem:s20+$0x160]  }
0x12b: {  	v53 =	vld [tilespmem:s20+$0xC110]  }
0x12c: {  	v43 =	vld [tilespmem:s20+$0x6180]  }
0x12d: {  	v32 =	vmul.f32 v55, v54;
	v55 =	vld [tilespmem:s20+$0xC100]  }
0x12e: {  	v34 =	vmul.f32 v57, v56;
	v57 =	vmul.f32 v59, v58;
	v58 =	vld [tilespmem:s20+$0x3180]  }
0x12f: {  	v59 =	vld [tilespmem:s20+$0x180]  }
0x130: {  	v38 =	vmul.f32 v60, v15;
	v33 =	vmul.f32 v48, v61;
	v60 =	vld [tilespmem:s20+$0x3190]  }
0x131: {  	v40 =	vmul.f32 v50, v49;
	v61 =	vld [tilespmem:s20+$0x190];
	v42 =	vmul.f32 v62, v51  }
0x132: {  	v46 =	vld [tilespmem:s20+$0x1B0];
	v32 =	vmul.f32 v32, v23;
	v34 =	vmul.f32 v34, v16  }
0x133: {  	v54 =	vld [tilespmem:s20+$0x150];
	v35 =	vmul.f32 v57, v17;
	v33 =	vmul.f32 v33, v18  }
0x134: {  	v36 =	vld [tilespmem:s20+$0x9190];
	v62 =	vmul.f32 v40, v19;
	v32 =	vadd.f32 v32, v31;
	v34 =	vadd.f32 v34, v24  }
0x135: {  	v56 =	vld [tilespmem:s20+$0x170];
	v35 =	vadd.f32 v35, v25;
	v33 =	vadd.f32 v33, v26;
	v45 =	vmul.f32 v52, v55  }
0x136: {  	v58 =	vmul.f32 v59, v58;
	v60 =	vmul.f32 v61, v60;
	v61 =	vld [tilespmem:s20+$0x1D0];
	v32 =	vmax.f32 v32, $0.0e+00  }
0x137: {  	v48 =	vmax.f32 v34, $0.0e+00;
	v44 =	vmax.f32 v35, $0.0e+00;
	v34 =	vadd.f32 v62, v27;
	v35 =	vld [tilespmem:s20+$0x9180]  }
0x138: {  	v32 =	vadd.f32 v32, v38;
	v38 =	vmul.f32 v54, v63;
	v63 =	vld [tilespmem:s20+$0x1A0];
	v54 =	vmul.f32 v42, v20  }
0x139: {  	v49 =	vmax.f32 v33, $0.0e+00;
	v42 =	vld [tilespmem:s20+$0x6190];
	v57 =	vmul.f32 v45, v22;
	v33 =	vmul.f32 v58, v16  }
0x13a: {  	v45 =	vld [tilespmem:s20+$0x1C0];
	v47 =	vmax.f32 v34, $0.0e+00;
	v34 =	vmul.f32 v60, v17;
	v32 =	vadd.f32 v32, v13  }
0x13b: {  	v58 =	vld [tilespmem:s20+$0xF110];
	v38 =	vmul.f32 v38, v21;
	v55 =	vadd.f32 v54, v28;
	v59 =	vadd.f32 v57, v30  }
0x13c: {  	v33 =	vadd.f32 v33, v24;
	v57 =	vld [tilespmem:s20+$0xF100];
	v34 =	vadd.f32 v34, v25;
	v36 =	vmul.f32 v61, v36  }
0x13d: {  	v54 =	vld [tilespmem:s20+$0x18100];
	[tilespmem:s20+$0x1B1F0] =	vst v32;
	v32 =	vmul.f32 v56, v53;
	v56 =	vadd.f32 v38, v29;
	v50 =	vmax.f32 v55, $0.0e+00  }
0x13e: {  	v61 =	vld [tilespmem:s20+$0x12110];
	v33 =	vmax.f32 v33, $0.0e+00;
	v62 =	vmul.f32 v63, v43;
	v55 =	vmul.f32 v46, v42  }
0x13f: {  	v63 =	vld [tilespmem:s20+$0xC180];
	v43 =	vmax.f32 v59, $0.0e+00;
	v35 =	vmul.f32 v45, v35;
	v53 =	vmul.f32 v36, v21  }
0x140: {  	v45 =	vmul.f32 v58, v12;
	v32 =	vmul.f32 v32, v23;
	v52 =	vmax.f32 v56, $0.0e+00;
	v56 =	vld [tilespmem:s20+$0x1E0]  }
0x141: {  	v59 =	vld [tilespmem:s20+$0x12100];
	v34 =	vmax.f32 v34, $0.0e+00;
	v39 =	vmul.f32 v62, v18;
	v37 =	vmul.f32 v55, v19  }
0x142: {  	v60 =	vmul.f32 v35, v20;
	v58 =	vadd.f32 v53, v29;
	v45 =	vadd.f32 v44, v45  }
0x143: {  	v54 =	vmul.f32 v54, v3;
	v32 =	vadd.f32 v32, v31;
	v39 =	vadd.f32 v39, v26  }
0x144: {  	v62 =	vld [tilespmem:s20+$0x15100];
	v61 =	vmul.f32 v61, v10;
	v37 =	vadd.f32 v37, v27;
	v38 =	vadd.f32 v60, v28  }
0x145: {  	v51 =	vadd.f32 v45, v7;
	v40 =	vmul.f32 v56, v63;
	v63 =	vmul.f32 v57, v14;
	v57 =	vld [tilespmem:s20+$0x15110]  }
0x146: {  	v60 =	vld [tilespmem:s20+$0x18110];
	v32 =	vmax.f32 v32, $0.0e+00;
	v59 =	vmul.f32 v59, v11;
	v46 =	vadd.f32 v47, v61  }
0x147: {  	v55 =	vld [tilespmem:s20+$0xF180];
	v47 =	vadd.f32 v43, v54;
	v35 =	vmax.f32 v39, $0.0e+00;
	v40 =	vmul.f32 v40, v22  }
0x148: {  	v44 =	vld [tilespmem:s20+$0xF190];
	v36 =	vmax.f32 v37, $0.0e+00;
	v38 =	vmax.f32 v38, $0.0e+00;
	v48 =	vadd.f32 v48, v63  }
0x149: {  	v41 =	vld [tilespmem:s20+$0x12180];
	v37 =	vmax.f32 v58, $0.0e+00;
	v62 =	vmul.f32 v62, v8;
	v40 =	vadd.f32 v40, v30  }
0x14a: {  	v42 =	vld [tilespmem:s20+$0x12190];
	v49 =	vadd.f32 v49, v59;
	v56 =	vadd.f32 v48, v9;
	v63 =	vmul.f32 v57, v6  }
0x14b: {  	v48 =	vadd.f32 v50, v62;
	v50 =	vmul.f32 v60, v15;
	v39 =	vmax.f32 v40, $0.0e+00;
	v40 =	vld [tilespmem:s20+$0x15180]  }
0x14c: {  	s17 =	simm.s32 $0x0;
	s4 =	simm.s32 $0x400;
	v43 =	vld [tilespmem:s20+$0x15190];
	[tilespmem:s20+$0x1B100] =	vst v56;
	v45 =	vadd.f32 v52, v63;
	v52 =	vadd.f32 v49, v5;
	v49 =	vmul.f32 v55, v14  }
.LBB2_5:
0x14d: {  	s1 =	sshra.s32 s4, $0x2;
	[tilespmem:s20+$0x1B110] =	vst v51;
	v46 =	vadd.f32 v46, v4;
	v32 =	vadd.f32 v32, v50;
	v44 =	vmul.f32 v44, v12;
	v50 =	vld [tilespmem:s20+$0x18180]  }
0x14e: {  	s17 =	sadd.s32 $0x2, s17;
	v48 =	vadd.f32 v48, v2;
	v51 =	vld [tilespmem:s1+$0xC190];
	[tilespmem:s20+$0x1B120] =	vst v52;
	v33 =	vadd.f32 v33, v49;
	v41 =	vmul.f32 v41, v11  }
0x14f: {  	v45 =	vadd.f32 v45, v1;
	p0 =	slt.u32 s17, $0x5E;
	v49 =	vld [tilespmem:s1+$0x1F0];
	[tilespmem:s20+$0x1B130] =	vst v46;
	v34 =	vadd.f32 v34, v44;
	v42 =	vmul.f32 v42, v10  }
0x150: {  	v46 =	vadd.f32 v47, v0;
	v44 =	vld [tilespmem:s1+$0x3100];
	[tilespmem:s20+$0x1B140] =	vst v48;
	v35 =	vadd.f32 v35, v41;
	v40 =	vmul.f32 v40, v8  }
0x151: {  	v32 =	vadd.f32 v32, v13;
	v41 =	vld [tilespmem:s1+$0x100];
	[tilespmem:s20+$0x1B150] =	vst v45;
	v36 =	vadd.f32 v36, v42;
	v42 =	vmul.f32 v43, v6  }
0x152: {  	v33 =	vadd.f32 v33, v9;
	v43 =	vld [tilespmem:s1+$0x3110];
	[tilespmem:s20+$0x1B160] =	vst v46;
	v38 =	vadd.f32 v38, v40;
	v40 =	vmul.f32 v50, v3  }
0x153: {  	v45 =	vld [tilespmem:s1+$0x110];
	[tilespmem:s20+$0x1B170] =	vst v32;
	v32 =	vadd.f32 v34, v7;
	v34 =	vadd.f32 v37, v42  }
0x154: {  	v37 =	vmul.f32 v49, v51;
	v42 =	vld [tilespmem:s1+$0x18190];
	[tilespmem:s20+$0x1B180] =	vst v33;
	v33 =	vadd.f32 v35, v5;
	v35 =	vadd.f32 v39, v40  }
0x155: {  	v39 =	vld [tilespmem:s1+$0x6100];
	[tilespmem:s20+$0x1B190] =	vst v32;
	v32 =	vadd.f32 v36, v4;
	v36 =	vadd.f32 v38, v2  }
0x156: {  	v38 =	vmul.f32 v41, v44;
	v40 =	vld [tilespmem:s1+$0x120];
	v37 =	vmul.f32 v37, v23;
	[tilespmem:s20+$0x1B1A0] =	vst v33;
	v33 =	vadd.f32 v34, v1  }
0x157: {  	v34 =	vld [tilespmem:s1+$0x6110];
	[tilespmem:s20+$0x1B1B0] =	vst v32;
	v32 =	vadd.f32 v35, v0  }
0x158: {  	v35 =	vmul.f32 v38, v16;
	v38 =	vmul.f32 v45, v43;
	v41 =	vld [tilespmem:s1+$0x130];
	v37 =	vadd.f32 v37, v31;
	[tilespmem:s20+$0x1B1C0] =	vst v36  }
0x159: {  	v36 =	vld [tilespmem:s1+$0x9100];
	v42 =	vmul.f32 v42, v15;
	[tilespmem:s20+$0x1B1D0] =	vst v33  }
0x15a: {  	v33 =	vadd.f32 v35, v24;
	v35 =	vmul.f32 v38, v17;
	v38 =	vld [tilespmem:s1+$0x140];
	v37 =	vmax.f32 v37, $0.0e+00;
	[tilespmem:s20+$0x1B1E0] =	vst v32;
	s20 =	smov.u32 s1  }
0x15b: {  	v32 =	vmul.f32 v40, v39;
	v39 =	vld [tilespmem:s20+$0x9110];
	v37 =	vadd.f32 v37, v42  }
0x15c: {  	v40 =	vmax.f32 v33, $0.0e+00;
	v33 =	vadd.f32 v35, v25;
	v35 =	vld [tilespmem:s20+$0x150]  }
0x15d: {  	v32 =	vmul.f32 v32, v18;
	v34 =	vmul.f32 v41, v34;
	v41 =	vld [tilespmem:s20+$0xC100];
	v37 =	vadd.f32 v37, v13  }
0x15e: {  	v42 =	vmax.f32 v33, $0.0e+00;
	v33 =	vld [tilespmem:s20+$0x160]  }
0x15f: {  	v32 =	vadd.f32 v32, v26;
	v34 =	vmul.f32 v34, v19;
	v36 =	vmul.f32 v38, v36;
	v38 =	vld [tilespmem:s20+$0xC110];
	[tilespmem:s20+$0x1B1F0] =	vst v37  }
0x160: {  	v37 =	vld [tilespmem:s20+$0x170]  }
0x161: {  	v34 =	vadd.f32 v34, v27;
	v36 =	vmul.f32 v36, v20;
	v35 =	vmul.f32 v35, v39;
	v39 =	vld [tilespmem:s20+$0x3180]  }
0x162: {  	v43 =	vmax.f32 v32, $0.0e+00;
	v32 =	vld [tilespmem:s20+$0x180]  }
0x163: {  	v36 =	vadd.f32 v36, v28;
	v35 =	vmul.f32 v35, v21;
	v33 =	vmul.f32 v33, v41;
	v41 =	vld [tilespmem:s20+$0x3190]  }
0x164: {  	v45 =	vmax.f32 v34, $0.0e+00;
	v34 =	vld [tilespmem:s20+$0x190]  }
0x165: {  	v35 =	vadd.f32 v35, v29;
	v33 =	vmul.f32 v33, v22;
	v37 =	vmul.f32 v37, v38;
	v38 =	vld [tilespmem:s20+$0x6180]  }
0x166: {  	v47 =	vmax.f32 v36, $0.0e+00;
	v36 =	vld [tilespmem:s20+$0x1A0]  }
0x167: {  	v33 =	vadd.f32 v33, v30;
	v37 =	vmul.f32 v37, v23;
	v32 =	vmul.f32 v32, v39;
	v39 =	vld [tilespmem:s20+$0x6190]  }
0x168: {  	v49 =	vmax.f32 v35, $0.0e+00;
	v35 =	vld [tilespmem:s20+$0x1B0]  }
0x169: {  	v37 =	vadd.f32 v37, v31;
	v32 =	vmul.f32 v32, v16;
	v34 =	vmul.f32 v34, v41;
	v41 =	vld [tilespmem:s20+$0x9180]  }
0x16a: {  	v53 =	vmax.f32 v33, $0.0e+00;
	v44 =	vld [tilespmem:s20+$0x1C0]  }
0x16b: {  	v33 =	vadd.f32 v32, v24;
	v34 =	vmul.f32 v34, v17;
	v36 =	vmul.f32 v36, v38;
	v38 =	vld [tilespmem:s20+$0x9190]  }
0x16c: {  	v32 =	vmax.f32 v37, $0.0e+00;
	v37 =	vld [tilespmem:s20+$0x1D0]  }
0x16d: {  	v34 =	vadd.f32 v34, v25;
	v36 =	vmul.f32 v36, v18;
	v35 =	vmul.f32 v35, v39;
	v39 =	vld [tilespmem:s20+$0xC180]  }
0x16e: {  	v33 =	vmax.f32 v33, $0.0e+00;
	v46 =	vld [tilespmem:s20+$0x1E0]  }
0x16f: {  	v48 =	vld [tilespmem:s20+$0xF100];
	v36 =	vadd.f32 v36, v26;
	v35 =	vmul.f32 v35, v19;
	v41 =	vmul.f32 v44, v41  }
0x170: {  	v34 =	vmax.f32 v34, $0.0e+00;
	v44 =	vld [tilespmem:s20+$0xF110]  }
0x171: {  	v50 =	vld [tilespmem:s20+$0x12100];
	v51 =	vadd.f32 v35, v27;
	v41 =	vmul.f32 v41, v20;
	v37 =	vmul.f32 v37, v38  }
0x172: {  	v35 =	vmax.f32 v36, $0.0e+00;
	v52 =	vld [tilespmem:s20+$0x12110]  }
0x173: {  	v54 =	vld [tilespmem:s20+$0x15100];
	v38 =	vadd.f32 v41, v28;
	v37 =	vmul.f32 v37, v21;
	v39 =	vmul.f32 v46, v39  }
0x174: {  	v36 =	vmax.f32 v51, $0.0e+00;
	v41 =	vmul.f32 v48, v14;
	v48 =	vld [tilespmem:s20+$0x15110]  }
0x175: {  	v44 =	vmul.f32 v44, v12;
	v51 =	vld [tilespmem:s20+$0x18100];
	v37 =	vadd.f32 v37, v29;
	v39 =	vmul.f32 v39, v22  }
0x176: {  	v38 =	vmax.f32 v38, $0.0e+00;
	v40 =	vadd.f32 v40, v41;
	v41 =	vmul.f32 v50, v11;
	v50 =	vld [tilespmem:s20+$0x18110]  }
0x177: {  	v46 =	vmul.f32 v52, v10;
	v55 =	vld [tilespmem:s20+$0xF180];
	v37 =	vmax.f32 v37, $0.0e+00;
	v39 =	vadd.f32 v39, v30  }
.Ltmp1:
0x178: {  	v52 =	vadd.f32 v42, v44;
	v43 =	vadd.f32 v43, v41;
	v42 =	vmul.f32 v54, v8;
	v44 =	vld [tilespmem:s20+$0xF190];
	(pc) =	sbr.rel @p0 .LBB2_5-.Ltmp1, $4  }
0x179: {  	v46 =	vadd.f32 v45, v46;
	v45 =	vmul.f32 v48, v6;
	v41 =	vld [tilespmem:s20+$0x12180];
	v39 =	vmax.f32 v39, $0.0e+00  }
0x17a: {  	v54 =	vadd.f32 v40, v9;
	v48 =	vadd.f32 v47, v42;
	v47 =	vmul.f32 v51, v3;
	v42 =	vld [tilespmem:s20+$0x12190]  }
0x17b: {  	v51 =	vadd.f32 v52, v7;
	v45 =	vadd.f32 v49, v45;
	v50 =	vmul.f32 v50, v15;
	v40 =	vld [tilespmem:s20+$0x15180]  }
0x17c: {  	s4 =	sadd.s32 $0x400, s4;
	v52 =	vadd.f32 v43, v5;
	[tilespmem:s20+$0x1B100] =	vst v54;
	v47 =	vadd.f32 v53, v47;
	v49 =	vmul.f32 v55, v14;
	v43 =	vld [tilespmem:s20+$0x15190]  }
0x17d: {  	[tilespmem:s20+$0x1B110] =	vst v51;
	v46 =	vadd.f32 v46, v4  }
0x17e: {  	v48 =	vadd.f32 v48, v2;
	[tilespmem:s20+$0x1B120] =	vst v52  }
0x17f: {  	v32 =	vadd.f32 v32, v50;
	v44 =	vmul.f32 v44, v12;
	v45 =	vadd.f32 v45, v1;
	v52 =	vld [tilespmem:s20+$0x18180];
	[tilespmem:s20+$0x1B130] =	vst v46  }
0x180: {  	v33 =	vadd.f32 v33, v49;
	v41 =	vmul.f32 v41, v11;
	v53 =	vadd.f32 v47, v0;
	[tilespmem:s20+$0x1B140] =	vst v48  }
0x181: {  	v34 =	vadd.f32 v34, v44;
	v42 =	vmul.f32 v42, v10;
	[tilespmem:s20+$0x1B150] =	vst v45;
	v32 =	vadd.f32 v32, v13  }
0x182: {  	v35 =	vadd.f32 v35, v41;
	v40 =	vmul.f32 v40, v8;
	[tilespmem:s20+$0x1B160] =	vst v53;
	v33 =	vadd.f32 v33, v9  }
0x183: {  	v36 =	vadd.f32 v36, v42;
	v54 =	vmul.f32 v43, v6;
	[tilespmem:s20+$0x1B170] =	vst v32;
	v55 =	vadd.f32 v34, v7  }
0x184: {  	v56 =	vadd.f32 v38, v40;
	[tilespmem:s20+$0x1B180] =	vst v33;
	v58 =	vadd.f32 v35, v5;
	v57 =	vmul.f32 v52, v3  }
0x185: {  	v59 =	vadd.f32 v37, v54;
	[tilespmem:s20+$0x1B190] =	vst v55;
	v60 =	vadd.f32 v36, v4  }
0x186: {  	v34 =	vadd.f32 v56, v2;
	[tilespmem:s20+$0x1B1A0] =	vst v58;
	v61 =	vadd.f32 v39, v57  }
0x187: {  	v62 =	vadd.f32 v59, v1;
	[tilespmem:s20+$0x1B1B0] =	vst v60  }
0x188: {  	s18 =	sadd.s32 $0x1, s18;
	[tilespmem:s20+$0x1B1C0] =	vst v34;
	v63 =	vadd.f32 v61, v0  }
0x189: {  	p0 =	sne.s32 s18, $0x34;
	[tilespmem:s20+$0x1B1D0] =	vst v62  }
.Ltmp2:
0x18a: {  	s1 =	sadd.s32 s7, s19;
	s19 =	simm.s32 $0x0;
	[tilespmem:s20+$0x1B1E0] =	vst v63;
	(pc) =	sbr.rel @p0 .LBB2_2-.Ltmp2, $4  }
0x18b: {  	[hbm4b:s1+s19] =	stream.linear.scatter [tilespmem:s16], [sflag:$0x4], $0x3000, $0x38;
	[tilespmem:$0x1E300] =	vst v63  }
0x18c: {  	_ =	swait.ge [sflag:s25], $0x3000  }
0x18d: {  	[sflag:s25] =	ssyncset.done $0x0  }
0x18e: {  	[sflag:s25] =	ssyncadd.s32 $0xFFFFD000  }
0x18f: {  	_ =	swait.ge [sflag:s26], $0x60  }
0x190: {  	[sflag:s26] =	ssyncset.done $0x0  }
0x191: {  	s1 =	simm.s32 $0x0;
	s3 =	rddreg [dreg:$0x7];
	[sflag:s26] =	ssyncadd.s32 $0xFFFFFFA0  }
0x192: {  	[tilespmem:s1], [sflag:$0x4] =	stream.linear.gather [hbm4b:s3+s1], $0x10, $0x38;
	[tilespmem:$0x1E300] =	vst v63  }
0x193: {  	_ =	swait.ge [sflag:s25], $0x10  }
0x194: {  	[sflag:s25] =	ssyncset.done $0x0  }
0x195: {  	s17 =	simm.s32 $0x10;
	[sflag:s25] =	ssyncadd.s32 $0xFFFFFFF0  }
0x196: {  	[tilespmem:s30], [sflag:$0x2] =	stream.indirect.gather [hbm4b:s8+s17], $0x80, s1, s17, $0xb8;
	[tilespmem:$0x1E300] =	vst v63  }
0x197: {  	s18 =	rddreg [dreg:$0x8]  }
0x198: {  	[tilespmem:s31], [sflag:$0x1] =	stream.linear.gather [hbm4b:s18+s1], $0x800, $0x38;
	[tilespmem:$0x1E300] =	vst v63  }
0x199: {  	s20 =	rddreg [dreg:$0x9]  }
0x19a: {  	[tilespmem:s0], [sflag:$0x1] =	stream.linear.gather [hbm4b:s20+s1], $0x800, $0x38;
	[tilespmem:$0x1E300] =	vst v63  }
0x19b: {  	s22 =	rddreg [dreg:$0xa]  }
0x19c: {  	[tilespmem:s2], [sflag:$0x1] =	stream.linear.gather [hbm4b:s22+s1], $0x800, $0x38;
	[tilespmem:$0x1E300] =	vst v63  }
0x19d: {  	s4 =	rddreg [dreg:$0xb]  }
0x19e: {  	[tilespmem:s24], [sflag:$0x1] =	stream.linear.gather [hbm4b:s4+s1], $0x800, $0x38;
	[tilespmem:$0x1E300] =	vst v63  }
0x19f: {  	s17 =	rddreg [dreg:$0xc]  }
0x1a0: {  	[tilespmem:s9], [sflag:$0x1] =	stream.linear.gather [hbm4b:s17+s1], $0x800, $0x38;
	[tilespmem:$0x1E300] =	vst v63  }
0x1a1: {  	s18 =	rddreg [dreg:$0xd]  }
0x1a2: {  	[tilespmem:s10], [sflag:$0x1] =	stream.linear.gather [hbm4b:s18+s1], $0x800, $0x38;
	[tilespmem:$0x1E300] =	vst v63  }
0x1a3: {  	s20 =	rddreg [dreg:$0xe]  }
0x1a4: {  	[tilespmem:s12], [sflag:$0x1] =	stream.linear.gather [hbm4b:s20+s1], $0x800, $0x38;
	[tilespmem:$0x1E300] =	vst v63  }
0x1a5: {  	s22 =	rddreg [dreg:$0xf]  }
0x1a6: {  	[tilespmem:s13], [sflag:$0x1] =	stream.linear.gather [hbm4b:s22+s1], $0x800, $0x38;
	[tilespmem:$0x1E300] =	vst v63  }
0x1a7: {  	_ =	swait.ge [sflag:s14], $0x800  }
0x1a8: {  	[sflag:s14] =	ssyncset.done $0x0  }
0x1a9: {  	[sflag:s14] =	ssyncadd.s32 $0xFFFFF800  }
0x1aa: {  	_ =	swait.ge [sflag:s15], $0x800  }
0x1ab: {  	[sflag:s15] =	ssyncset.done $0x0  }
0x1ac: {  	[sflag:s15] =	ssyncadd.s32 $0xFFFFF800  }
0x1ad: {  	_ =	swait.ge [sflag:s15], $0x800  }
0x1ae: {  	[sflag:s15] =	ssyncset.done $0x0  }
0x1af: {  	[sflag:s15] =	ssyncadd.s32 $0xFFFFF800  }
0x1b0: {  	_ =	swait.ge [sflag:s15], $0x800  }
0x1b1: {  	[sflag:s15] =	ssyncset.done $0x0  }
0x1b2: {  	[sflag:s15] =	ssyncadd.s32 $0xFFFFF800  }
0x1b3: {  	_ =	swait.ge [sflag:s15], $0x800  }
0x1b4: {  	[sflag:s15] =	ssyncset.done $0x0  }
0x1b5: {  	[sflag:s15] =	ssyncadd.s32 $0xFFFFF800  }
0x1b6: {  	_ =	swait.ge [sflag:s15], $0x800  }
0x1b7: {  	[sflag:s15] =	ssyncset.done $0x0  }
0x1b8: {  	[sflag:s15] =	ssyncadd.s32 $0xFFFFF800  }
0x1b9: {  	_ =	swait.ge [sflag:s15], $0x800  }
0x1ba: {  	[sflag:s15] =	ssyncset.done $0x0  }
0x1bb: {  	[sflag:s15] =	ssyncadd.s32 $0xFFFFF800  }
0x1bc: {  	_ =	swait.ge [sflag:s15], $0x800  }
0x1bd: {  	[sflag:s15] =	ssyncset.done $0x0  }
0x1be: {  	[sflag:s15] =	ssyncadd.s32 $0xFFFFF800  }
0x1bf: {  	_ =	swait.ge [sflag:s15], $0x800  }
0x1c0: {  	[sflag:s15] =	ssyncset.done $0x0  }
0x1c1: {  	s18 =	simm.s32 $0x0;
	[sflag:s15] =	ssyncadd.s32 $0xFFFFF800  }
0x1c2: {  	v32 =	vld [tilespmem:s18+$0xC190]  }
0x1c3: {  	v33 =	vld [tilespmem:s18+$0x1F0]  }
0x1c4: {  	v34 =	vld [tilespmem:s18+$0x3100]  }
0x1c5: {  	v35 =	vld [tilespmem:s18+$0x100]  }
0x1c6: {  	v36 =	vld [tilespmem:s18+$0x3110]  }
0x1c7: {  	v37 =	vld [tilespmem:s18+$0x110]  }
0x1c8: {  	v38 =	vld [tilespmem:s18+$0x18190]  }
0x1c9: {  	v54 =	vld [tilespmem:s18+$0x6100]  }
0x1ca: {  	v39 =	vld [tilespmem:s18+$0x120]  }
0x1cb: {  	v40 =	vld [tilespmem:s18+$0x6110]  }
0x1cc: {  	v41 =	vld [tilespmem:s18+$0x130]  }
0x1cd: {  	v42 =	vld [tilespmem:s18+$0x9100]  }
0x1ce: {  	v43 =	vld [tilespmem:s18+$0x140]  }
0x1cf: {  	v44 =	vld [tilespmem:s18+$0x9110]  }
0x1d0: {  	v45 =	vld [tilespmem:s18+$0xC100]  }
0x1d1: {  	v46 =	vld [tilespmem:s18+$0x160]  }
0x1d2: {  	v58 =	vld [tilespmem:s18+$0x3180]  }
0x1d3: {  	v59 =	vld [tilespmem:s18+$0x180]  }
0x1d4: {  	v60 =	vld [tilespmem:s18+$0x3190]  }
0x1d5: {  	v61 =	vld [tilespmem:s18+$0x190]  }
0x1d6: {  	v55 =	vld [tilespmem:s18+$0x150];
	v32 =	vmul.f32 v33, v32;
	v38 =	vmul.f32 v38, v15  }
0x1d7: {  	v47 =	vld [tilespmem:s18+$0xC110];
	v34 =	vmul.f32 v35, v34;
	v57 =	vmul.f32 v37, v36  }
0x1d8: {  	v63 =	vld [tilespmem:s18+$0x1A0];
	v33 =	vmul.f32 v39, v54;
	v40 =	vmul.f32 v41, v40  }
0x1d9: {  	v42 =	vmul.f32 v43, v42;
	v45 =	vmul.f32 v46, v45;
	v36 =	vld [tilespmem:s18+$0x9190]  }
0x1da: {  	v58 =	vmul.f32 v59, v58;
	v60 =	vmul.f32 v61, v60;
	v61 =	vld [tilespmem:s18+$0x1D0]  }
0x1db: {  	v43 =	vld [tilespmem:s18+$0x6180];
	v32 =	vmul.f32 v32, v23;
	v34 =	vmul.f32 v34, v16  }
0x1dc: {  	v56 =	vld [tilespmem:s18+$0x170];
	v35 =	vmul.f32 v57, v17;
	v33 =	vmul.f32 v33, v18  }
0x1dd: {  	v46 =	vld [tilespmem:s18+$0x1B0];
	v62 =	vmul.f32 v40, v19;
	v57 =	vmul.f32 v45, v22;
	v32 =	vadd.f32 v32, v31  }
0x1de: {  	v54 =	vmul.f32 v42, v20;
	v45 =	vld [tilespmem:s18+$0x1C0];
	v34 =	vadd.f32 v34, v24;
	v35 =	vadd.f32 v35, v25  }
0x1df: {  	v33 =	vadd.f32 v33, v26;
	v59 =	vadd.f32 v57, v30;
	v57 =	vld [tilespmem:s18+$0x1E0];
	v36 =	vmul.f32 v61, v36  }
0x1e0: {  	v48 =	vmax.f32 v34, $0.0e+00;
	v34 =	vadd.f32 v62, v27;
	v62 =	vmul.f32 v63, v43;
	v63 =	vld [tilespmem:s18+$0xC180]  }
0x1e1: {  	v32 =	vmax.f32 v32, $0.0e+00;
	v49 =	vmax.f32 v33, $0.0e+00;
	v33 =	vmul.f32 v58, v16;
	v58 =	vld [tilespmem:s18+$0xF100]  }
0x1e2: {  	v43 =	vmax.f32 v59, $0.0e+00;
	v59 =	vld [tilespmem:s18+$0xF110];
	v32 =	vadd.f32 v32, v38;
	v38 =	vmul.f32 v55, v44  }
0x1e3: {  	v44 =	vmax.f32 v35, $0.0e+00;
	v55 =	vadd.f32 v54, v28;
	v35 =	vld [tilespmem:s18+$0x9180];
	v33 =	vadd.f32 v33, v24  }
0x1e4: {  	v53 =	vmul.f32 v36, v21;
	v54 =	vld [tilespmem:s18+$0x18100];
	v39 =	vmul.f32 v62, v18;
	v32 =	vadd.f32 v32, v13  }
0x1e5: {  	v42 =	vld [tilespmem:s18+$0x6190];
	v38 =	vmul.f32 v38, v21;
	v50 =	vmax.f32 v55, $0.0e+00;
	v33 =	vmax.f32 v33, $0.0e+00  }
0x1e6: {  	v62 =	vld [tilespmem:s18+$0x15100];
	[tilespmem:s18+$0x1B1F0] =	vst v32;
	v32 =	vmul.f32 v56, v47;
	v47 =	vmax.f32 v34, $0.0e+00;
	v34 =	vmul.f32 v60, v17  }
0x1e7: {  	v39 =	vadd.f32 v39, v26;
	v40 =	vmul.f32 v57, v63;
	v63 =	vmul.f32 v58, v14  }
0x1e8: {  	v56 =	vadd.f32 v38, v29;
	v35 =	vmul.f32 v45, v35;
	v45 =	vmul.f32 v59, v12  }
0x1e9: {  	v60 =	vld [tilespmem:s18+$0x12100];
	v58 =	vadd.f32 v53, v29;
	v54 =	vmul.f32 v54, v3;
	v32 =	vmul.f32 v32, v23  }
0x1ea: {  	v51 =	vld [tilespmem:s18+$0x12110];
	v52 =	vmax.f32 v56, $0.0e+00;
	v56 =	vmul.f32 v46, v42;
	v34 =	vadd.f32 v34, v25  }
0x1eb: {  	v57 =	vld [tilespmem:s18+$0x15110];
	v40 =	vmul.f32 v40, v22;
	v48 =	vadd.f32 v48, v63;
	v62 =	vmul.f32 v62, v8  }
0x1ec: {  	v61 =	vmul.f32 v35, v20;
	v35 =	vmax.f32 v39, $0.0e+00;
	v45 =	vadd.f32 v44, v45  }
0x1ed: {  	v32 =	vadd.f32 v32, v31;
	v37 =	vmul.f32 v56, v19;
	v34 =	vmax.f32 v34, $0.0e+00  }
0x1ee: {  	v40 =	vadd.f32 v40, v30;
	v56 =	vadd.f32 v48, v9;
	v59 =	vmul.f32 v60, v11;
	v60 =	vld [tilespmem:s18+$0x18110]  }
0x1ef: {  	v55 =	vld [tilespmem:s18+$0xF180];
	v48 =	vadd.f32 v50, v62;
	v38 =	vadd.f32 v61, v28;
	v61 =	vmul.f32 v51, v10  }
0x1f0: {  	v44 =	vld [tilespmem:s18+$0xF190];
	v63 =	vmul.f32 v57, v6;
	v51 =	vadd.f32 v45, v7;
	v32 =	vmax.f32 v32, $0.0e+00  }
0x1f1: {  	v41 =	vld [tilespmem:s18+$0x12180];
	v37 =	vadd.f32 v37, v27;
	v39 =	vmax.f32 v40, $0.0e+00;
	v49 =	vadd.f32 v49, v59  }
0x1f2: {  	v42 =	vld [tilespmem:s18+$0x12190];
	v38 =	vmax.f32 v38, $0.0e+00;
	v46 =	vadd.f32 v47, v61;
	v45 =	vadd.f32 v52, v63  }
0x1f3: {  	v40 =	vld [tilespmem:s18+$0x15180];
	v47 =	vadd.f32 v43, v54;
	v36 =	vmax.f32 v37, $0.0e+00;
	v50 =	vmul.f32 v60, v15  }
0x1f4: {  	s4 =	simm.s32 $0x400;
	s17 =	simm.s32 $0x0;
	[tilespmem:s18+$0x1B100] =	vst v56;
	v43 =	vld [tilespmem:s18+$0x15190];
	v37 =	vmax.f32 v58, $0.0e+00;
	v52 =	vadd.f32 v49, v5;
	v49 =	vmul.f32 v55, v14  }
.LBB2_8:
0x1f5: {  	s1 =	sshra.s32 s4, $0x2;
	[tilespmem:s18+$0x1B110] =	vst v51;
	v46 =	vadd.f32 v46, v4;
	v32 =	vadd.f32 v32, v50;
	v44 =	vmul.f32 v44, v12;
	v50 =	vld [tilespmem:s18+$0x18180]  }
0x1f6: {  	s17 =	sadd.s32 $0x2, s17;
	v48 =	vadd.f32 v48, v2;
	v51 =	vld [tilespmem:s1+$0xC190];
	[tilespmem:s18+$0x1B120] =	vst v52;
	v33 =	vadd.f32 v33, v49;
	v41 =	vmul.f32 v41, v11  }
0x1f7: {  	v45 =	vadd.f32 v45, v1;
	p0 =	slt.u32 s17, $0xE;
	v49 =	vld [tilespmem:s1+$0x1F0];
	[tilespmem:s18+$0x1B130] =	vst v46;
	v34 =	vadd.f32 v34, v44;
	v42 =	vmul.f32 v42, v10  }
0x1f8: {  	v46 =	vadd.f32 v47, v0;
	v44 =	vld [tilespmem:s1+$0x3100];
	[tilespmem:s18+$0x1B140] =	vst v48;
	v35 =	vadd.f32 v35, v41;
	v40 =	vmul.f32 v40, v8  }
0x1f9: {  	v32 =	vadd.f32 v32, v13;
	v41 =	vld [tilespmem:s1+$0x100];
	[tilespmem:s18+$0x1B150] =	vst v45;
	v36 =	vadd.f32 v36, v42;
	v42 =	vmul.f32 v43, v6  }
0x1fa: {  	v33 =	vadd.f32 v33, v9;
	v43 =	vld [tilespmem:s1+$0x3110];
	[tilespmem:s18+$0x1B160] =	vst v46;
	v38 =	vadd.f32 v38, v40;
	v40 =	vmul.f32 v50, v3  }
0x1fb: {  	v45 =	vld [tilespmem:s1+$0x110];
	[tilespmem:s18+$0x1B170] =	vst v32;
	v32 =	vadd.f32 v34, v7;
	v34 =	vadd.f32 v37, v42  }
0x1fc: {  	v37 =	vmul.f32 v49, v51;
	v42 =	vld [tilespmem:s1+$0x18190];
	[tilespmem:s18+$0x1B180] =	vst v33;
	v33 =	vadd.f32 v35, v5;
	v35 =	vadd.f32 v39, v40  }
0x1fd: {  	v39 =	vld [tilespmem:s1+$0x6100];
	[tilespmem:s18+$0x1B190] =	vst v32;
	v32 =	vadd.f32 v36, v4;
	v36 =	vadd.f32 v38, v2  }
0x1fe: {  	v38 =	vmul.f32 v41, v44;
	v40 =	vld [tilespmem:s1+$0x120];
	v37 =	vmul.f32 v37, v23;
	[tilespmem:s18+$0x1B1A0] =	vst v33;
	v33 =	vadd.f32 v34, v1  }
0x1ff: {  	v34 =	vld [tilespmem:s1+$0x6110];
	[tilespmem:s18+$0x1B1B0] =	vst v32;
	v32 =	vadd.f32 v35, v0  }
0x200: {  	v35 =	vmul.f32 v38, v16;
	v38 =	vmul.f32 v45, v43;
	v41 =	vld [tilespmem:s1+$0x130];
	v37 =	vadd.f32 v37, v31;
	[tilespmem:s18+$0x1B1C0] =	vst v36  }
0x201: {  	v36 =	vld [tilespmem:s1+$0x9100];
	v42 =	vmul.f32 v42, v15;
	[tilespmem:s18+$0x1B1D0] =	vst v33  }
0x202: {  	v33 =	vadd.f32 v35, v24;
	v35 =	vmul.f32 v38, v17;
	v38 =	vld [tilespmem:s1+$0x140];
	v37 =	vmax.f32 v37, $0.0e+00;
	[tilespmem:s18+$0x1B1E0] =	vst v32;
	s18 =	smov.u32 s1  }
0x203: {  	v32 =	vmul.f32 v40, v39;
	v39 =	vld [tilespmem:s18+$0x9110];
	v37 =	vadd.f32 v37, v42  }
0x204: {  	v40 =	vmax.f32 v33, $0.0e+00;
	v33 =	vadd.f32 v35, v25;
	v35 =	vld [tilespmem:s18+$0x150]  }
0x205: {  	v32 =	vmul.f32 v32, v18;
	v34 =	vmul.f32 v41, v34;
	v41 =	vld [tilespmem:s18+$0xC100];
	v37 =	vadd.f32 v37, v13  }
0x206: {  	v42 =	vmax.f32 v33, $0.0e+00;
	v33 =	vld [tilespmem:s18+$0x160]  }
0x207: {  	v32 =	vadd.f32 v32, v26;
	v34 =	vmul.f32 v34, v19;
	v36 =	vmul.f32 v38, v36;
	v38 =	vld [tilespmem:s18+$0xC110];
	[tilespmem:s18+$0x1B1F0] =	vst v37  }
0x208: {  	v37 =	vld [tilespmem:s18+$0x170]  }
0x209: {  	v34 =	vadd.f32 v34, v27;
	v36 =	vmul.f32 v36, v20;
	v35 =	vmul.f32 v35, v39;
	v39 =	vld [tilespmem:s18+$0x3180]  }
0x20a: {  	v43 =	vmax.f32 v32, $0.0e+00;
	v32 =	vld [tilespmem:s18+$0x180]  }
0x20b: {  	v36 =	vadd.f32 v36, v28;
	v35 =	vmul.f32 v35, v21;
	v33 =	vmul.f32 v33, v41;
	v41 =	vld [tilespmem:s18+$0x3190]  }
0x20c: {  	v45 =	vmax.f32 v34, $0.0e+00;
	v34 =	vld [tilespmem:s18+$0x190]  }
0x20d: {  	v35 =	vadd.f32 v35, v29;
	v33 =	vmul.f32 v33, v22;
	v37 =	vmul.f32 v37, v38;
	v38 =	vld [tilespmem:s18+$0x6180]  }
0x20e: {  	v47 =	vmax.f32 v36, $0.0e+00;
	v36 =	vld [tilespmem:s18+$0x1A0]  }
0x20f: {  	v33 =	vadd.f32 v33, v30;
	v37 =	vmul.f32 v37, v23;
	v32 =	vmul.f32 v32, v39;
	v39 =	vld [tilespmem:s18+$0x6190]  }
0x210: {  	v49 =	vmax.f32 v35, $0.0e+00;
	v35 =	vld [tilespmem:s18+$0x1B0]  }
0x211: {  	v37 =	vadd.f32 v37, v31;
	v32 =	vmul.f32 v32, v16;
	v34 =	vmul.f32 v34, v41;
	v41 =	vld [tilespmem:s18+$0x9180]  }
0x212: {  	v53 =	vmax.f32 v33, $0.0e+00;
	v44 =	vld [tilespmem:s18+$0x1C0]  }
0x213: {  	v33 =	vadd.f32 v32, v24;
	v34 =	vmul.f32 v34, v17;
	v36 =	vmul.f32 v36, v38;
	v38 =	vld [tilespmem:s18+$0x9190]  }
0x214: {  	v32 =	vmax.f32 v37, $0.0e+00;
	v37 =	vld [tilespmem:s18+$0x1D0]  }
0x215: {  	v34 =	vadd.f32 v34, v25;
	v36 =	vmul.f32 v36, v18;
	v35 =	vmul.f32 v35, v39;
	v39 =	vld [tilespmem:s18+$0xC180]  }
0x216: {  	v33 =	vmax.f32 v33, $0.0e+00;
	v46 =	vld [tilespmem:s18+$0x1E0]  }
0x217: {  	v48 =	vld [tilespmem:s18+$0xF100];
	v36 =	vadd.f32 v36, v26;
	v35 =	vmul.f32 v35, v19;
	v41 =	vmul.f32 v44, v41  }
0x218: {  	v34 =	vmax.f32 v34, $0.0e+00;
	v44 =	vld [tilespmem:s18+$0xF110]  }
0x219: {  	v50 =	vld [tilespmem:s18+$0x12100];
	v51 =	vadd.f32 v35, v27;
	v41 =	vmul.f32 v41, v20;
	v37 =	vmul.f32 v37, v38  }
0x21a: {  	v35 =	vmax.f32 v36, $0.0e+00;
	v52 =	vld [tilespmem:s18+$0x12110]  }
0x21b: {  	v54 =	vld [tilespmem:s18+$0x15100];
	v38 =	vadd.f32 v41, v28;
	v37 =	vmul.f32 v37, v21;
	v39 =	vmul.f32 v46, v39  }
0x21c: {  	v36 =	vmax.f32 v51, $0.0e+00;
	v41 =	vmul.f32 v48, v14;
	v48 =	vld [tilespmem:s18+$0x15110]  }
0x21d: {  	v44 =	vmul.f32 v44, v12;
	v51 =	vld [tilespmem:s18+$0x18100];
	v37 =	vadd.f32 v37, v29;
	v39 =	vmul.f32 v39, v22  }
0x21e: {  	v38 =	vmax.f32 v38, $0.0e+00;
	v40 =	vadd.f32 v40, v41;
	v41 =	vmul.f32 v50, v11;
	v50 =	vld [tilespmem:s18+$0x18110]  }
0x21f: {  	v46 =	vmul.f32 v52, v10;
	v55 =	vld [tilespmem:s18+$0xF180];
	v37 =	vmax.f32 v37, $0.0e+00;
	v39 =	vadd.f32 v39, v30  }
.Ltmp3:
0x220: {  	v52 =	vadd.f32 v42, v44;
	v43 =	vadd.f32 v43, v41;
	v42 =	vmul.f32 v54, v8;
	v44 =	vld [tilespmem:s18+$0xF190];
	(pc) =	sbr.rel @p0 .LBB2_8-.Ltmp3, $4  }
0x221: {  	v46 =	vadd.f32 v45, v46;
	v45 =	vmul.f32 v48, v6;
	v41 =	vld [tilespmem:s18+$0x12180];
	v39 =	vmax.f32 v39, $0.0e+00  }
0x222: {  	v54 =	vadd.f32 v40, v9;
	v48 =	vadd.f32 v47, v42;
	v47 =	vmul.f32 v51, v3;
	v42 =	vld [tilespmem:s18+$0x12190]  }
0x223: {  	v51 =	vadd.f32 v52, v7;
	v45 =	vadd.f32 v49, v45;
	v50 =	vmul.f32 v50, v15;
	v40 =	vld [tilespmem:s18+$0x15180]  }
0x224: {  	s4 =	sadd.s32 $0x400, s4;
	v52 =	vadd.f32 v43, v5;
	[tilespmem:s18+$0x1B100] =	vst v54;
	v47 =	vadd.f32 v53, v47;
	v49 =	vmul.f32 v55, v14;
	v43 =	vld [tilespmem:s18+$0x15190]  }
0x225: {  	[tilespmem:s18+$0x1B110] =	vst v51;
	v14 =	vadd.f32 v46, v4  }
0x226: {  	v15 =	vadd.f32 v48, v2;
	[tilespmem:s18+$0x1B120] =	vst v52  }
0x227: {  	v16 =	vadd.f32 v32, v50;
	v12 =	vmul.f32 v44, v12;
	v17 =	vld [tilespmem:s18+$0x18180];
	v58 =	vadd.f32 v45, v1;
	[tilespmem:s18+$0x1B130] =	vst v14  }
0x228: {  	v18 =	vadd.f32 v33, v49;
	v11 =	vmul.f32 v41, v11;
	v59 =	vadd.f32 v47, v0;
	[tilespmem:s18+$0x1B140] =	vst v15  }
0x229: {  	v12 =	vadd.f32 v34, v12;
	v10 =	vmul.f32 v42, v10;
	[tilespmem:s18+$0x1B150] =	vst v58;
	v13 =	vadd.f32 v16, v13  }
0x22a: {  	v11 =	vadd.f32 v35, v11;
	v8 =	vmul.f32 v40, v8;
	[tilespmem:s18+$0x1B160] =	vst v59;
	v9 =	vadd.f32 v18, v9  }
0x22b: {  	v10 =	vadd.f32 v36, v10;
	v6 =	vmul.f32 v43, v6;
	[tilespmem:s18+$0x1B170] =	vst v13;
	v7 =	vadd.f32 v12, v7  }
0x22c: {  	v8 =	vadd.f32 v38, v8;
	v3 =	vmul.f32 v17, v3;
	[tilespmem:s18+$0x1B180] =	vst v9;
	v5 =	vadd.f32 v11, v5  }
0x22d: {  	v6 =	vadd.f32 v37, v6;
	[tilespmem:s18+$0x1B190] =	vst v7;
	v60 =	vadd.f32 v10, v4  }
0x22e: {  	v3 =	vadd.f32 v39, v3;
	v61 =	vadd.f32 v8, v2;
	[tilespmem:s18+$0x1B1A0] =	vst v5  }
0x22f: {  	v62 =	vadd.f32 v6, v1;
	[tilespmem:s18+$0x1B1B0] =	vst v60  }
0x230: {  	v63 =	vadd.f32 v3, v0;
	[tilespmem:s18+$0x1B1C0] =	vst v61  }
0x231: {  	[tilespmem:s18+$0x1B1D0] =	vst v62  }
0x232: {  	[tilespmem:s18+$0x1B1E0] =	vst v63  }
0x233: {  	s1 =	rddreg [dreg:$0x10]  }
0x234: {  	[hbm4b:s1+s19] =	stream.linear.scatter [tilespmem:s16], [sflag:$0x4], $0x800, $0x38;
	[tilespmem:$0x1E300] =	vst v63  }
0x235: {  	_ =	swait.ge [sflag:s25], $0x800  }
0x236: {  	s3 =	rddreg [dreg:$0x12]  }
0x237: {  	s22 =	rddreg [dreg:$0x11];
	s3 =	sadd.s32 $0x1, s3  }
0x238: {  	p0 =	sne.s32 s3, s22  }
.Ltmp4:
0x239: {  	_ = 	snop;
	(pc) =	sbr.rel @p0 .LBB2_1-.Ltmp4, $3  }
0x23a: {  	_ =	sdelay $0x1  }
0x23b: {  	[sflag:s25] =	ssyncset.done $0x0  }
0x23c: {  	[sflag:s25] =	ssyncadd.s32 $0xFFFFF800  }
0x23d: {  	_ =	sfence.sel $0x180000  }
0x23e: {  	[bflag:$0x0] =	sbarrier.arrive $0xFFFF  }
0x23f: {  	_ =	strace $0x9000004A  }
0x240: {  	s0 =	stileid.u32;
	[bflag:$0x2] =	sbarrier.arrive $0xFFFF  }
0x241: {  	p0 =	sne.s32 s0, $0x0;
	s0 =	rddreg [dreg:$0x3]  }
0x242: {  	s0 =	sadd.s32 @!p0 $0x100000, s0  }
0x243: {  	[sflag:s0] =	ssyncadd.tile.s32 @!p0 $0x1;
	_ =	shalt  }
.Lfunc_end2:
_tile_overlayer_lowered:
.L_overlay_start_2:
0x244: {  	(tag) =	ssettag $0x2  }
0x245: {  	s0 =	rddreg [dreg:$0x0];
	s2 =	stileid.u32  }
0x246: {  	s1 =	rddreg [dreg:$0x1];
	p0 =	sne.s32 s2, $0x0  }
0x247: {  	s3 =	rddreg [dreg:$0x2];
	[bflag:$0x3] =	sbarrier.arrive $0xFFFF;
	s2 =	simm.s32 @!p0 $0x1C04  }
0x248: {  	[timem:s3], [sflag:s2] =	dma.local @!p0 [hbm:s0], s1  }
0x249: {  	s0 =	simm.s32 @!p0 $0x4  }
0x24a: {  	_ =	swait.ge @!p0 [sflag:s0], s1  }
0x24b: {  	s1 =	ssub.s32 @!p0 $0x0, s1;
	[sflag:s0] =	ssyncset.done @!p0 $0x0  }
0x24c: {  	[sflag:s0] =	ssyncadd.s32 @!p0 s1  }
0x24d: {  	[bflag:$0x3] =	sbarrier.arrive $0xFFFF  }
0x24e: {  	_ =	shalt  }

</sc_bundles>
